<compile_context>
chip_gen: v7x
topology: tpu7x:2x2x1
jax: 0.10.2.dev20260603
libtpu: 0.0.44.dev20260713+nightly
codegen_flags: <defaults>
</compile_context>

<pallas_src>
import jax
import jax.numpy as jnp
from jax import lax
from jax.experimental import pallas as pl
from jax.experimental.pallas import tpu as pltpu
from jax.experimental.pallas import tpu_sc as plsc

_ALPHA_LN = 2.302585092994046

_V, _S, _P, _K = 16, 512, 64, 8
_VB = 2
_SC_B = 8
_NC, _NS = 2, 16
_NW = _NC * _NS


_SORT8_NET = (
    (0, 1), (2, 3), (4, 5), (6, 7),
    (0, 2), (1, 3), (4, 6), (5, 7),
    (1, 2), (5, 6),
    (0, 4), (1, 5), (2, 6), (3, 7),
    (2, 4), (3, 5),
    (1, 2), (3, 4), (5, 6),
)


def _ce(lst, i, j):
    a, b = lst[i], lst[j]
    lst[i] = jnp.minimum(a, b)
    lst[j] = jnp.maximum(a, b)


def _sort8(vals):
    lst = list(vals)
    for i, j in _SORT8_NET:
        _ce(lst, i, j)
    return lst


def _merge_bottom8(A, B):
    C = [jnp.minimum(A[i], B[7 - i]) for i in range(8)]
    for d in (4, 2, 1):
        for i in range(8):
            if (i & d) == 0 and (i | d) < 8:
                _ce(C, i, i + d)
    return C


def _tc_body(c_ref, inv_ref, x_ref, o_ref):
    for vv in range(_VB):
        xb = x_ref[vv]
        R = None
        for g in range(_P // 8):
            grp = []
            for t in range(8):
                p = g * 8 + t
                d = xb - c_ref[vv, 0, p].astype(jnp.bfloat16)
                grp.append((d * d) * inv_ref[vv, 0, p].astype(jnp.bfloat16))
            grp = _sort8(grp)
            R = grp if R is None else _merge_bottom8(R, grp)
        for j in range(_K):
            u = R[j].astype(jnp.float32)
            o_ref[:, vv, j, :] = jnp.where(u <= _ALPHA_LN, jnp.exp(-u), 0.0)


def _tc_part(x, c, inv, cb):
    grid = (1, _V // _VB, 1)
    out = pl.pallas_call(
        _tc_body,
        grid=grid,
        in_specs=[
            pl.BlockSpec((_VB, 1, _P), lambda i, j, s: (j, 0, 0),
                         memory_space=pltpu.SMEM),
            pl.BlockSpec((_VB, 1, _P), lambda i, j, s: (j, 0, 0),
                         memory_space=pltpu.SMEM),
            pl.BlockSpec((_VB, cb, _S), lambda i, j, s: (j, i, s)),
        ],
        out_specs=pl.BlockSpec((cb, _VB, _K, _S), lambda i, j, s: (i, j, 0, s)),
        out_shape=jax.ShapeDtypeStruct((cb, _V, _K, _S), jnp.float32),
        compiler_params=pltpu.CompilerParams(
            dimension_semantics=("parallel", "parallel", "parallel")),
    )(c.reshape(_V, 1, _P), inv.reshape(_V, 1, _P), x.astype(jnp.bfloat16))
    return jnp.transpose(out, (0, 1, 3, 2))



_SC_ROWS = _SC_B * _V
_SC_RPW = _SC_ROWS // _NW
_OPAD = _S * _K + 8


def _sc_body(x_hbm, c_hbm, i_hbm, o_hbm, xrow, orow, cbuf, ibuf):
    wid = lax.axis_index("s") * _NC + lax.axis_index("c")
    pltpu.sync_copy(c_hbm, cbuf)
    pltpu.sync_copy(i_hbm, ibuf)
    iota = lax.iota(jnp.int32, 16)
    lo8 = iota < 8

    def row_body(r, carry):
        row = wid * _SC_RPW + r
        v = lax.rem(row, _V)
        pltpu.sync_copy(x_hbm.at[row], xrow)
        cvecs = [cbuf[pl.ds(v * _P + 16 * q, 16)] for q in range(4)]
        ivecs = [ibuf[pl.ds(v * _P + 16 * q, 16)] for q in range(4)]

        def scal_body(j, carry2):
            xc = xrow[pl.ds(j * 16, 16)]
            for l in range(16):
                xv = lax.gather(
                    xc, jnp.full((16, 1), l, jnp.int32),
                    lax.GatherDimensionNumbers(
                        offset_dims=(), collapsed_slice_dims=(0,),
                        start_index_map=(0,)),
                    slice_sizes=(1,),
                    mode=lax.GatherScatterMode.PROMISE_IN_BOUNDS)

                def _srt(a):
                    ks, _vs = plsc.sort_key_val(a, a)
                    return ks

                ss = []
                for q in range(4):
                    d = xv - cvecs[q]
                    ss.append(_srt((d * d) * ivecs[q]))
                m1 = _srt(jnp.where(lo8, ss[0], lax.rev(ss[1], (0,))))
                m2 = _srt(jnp.where(lo8, ss[2], lax.rev(ss[3], (0,))))
                m3 = _srt(jnp.where(lo8, m1, lax.rev(m2, (0,))))
                mv = jnp.where(m3 <= _ALPHA_LN, jnp.exp(-m3),
                               jnp.zeros((16,), jnp.float32))
                plsc.store_compressed(orow.at[pl.ds(j * 128 + 8 * l, 16)], mv,
                                      mask=lo8)
            return carry2

        lax.fori_loop(0, _S // 16, scal_body, 0)
        pltpu.sync_copy(orow.at[pl.ds(0, _S * _K)], o_hbm.at[row])
        return carry

    lax.fori_loop(0, _SC_RPW, row_body, 0)


def _sc_part(xrows, c, inv):
    fn = pl.kernel(
        _sc_body,
        out_type=jax.ShapeDtypeStruct((_SC_ROWS, _S * _K), jnp.float32),
        mesh=plsc.VectorSubcoreMesh(core_axis_name="c", subcore_axis_name="s"),
        compiler_params=pltpu.CompilerParams(
            use_tc_tiling_on_sc=False, needs_layout_passes=False),
        scratch_types=[
            pltpu.VMEM((_S,), jnp.float32),
            pltpu.VMEM((_OPAD,), jnp.float32),
            pltpu.VMEM((_V * _P,), jnp.float32),
            pltpu.VMEM((_V * _P,), jnp.float32),
        ],
    )
    return fn(xrows, c, inv)




def kernel(x, fuzzy_sets, k):
    B, V, S = x.shape
    c = fuzzy_sets[:, :, 0].reshape(-1)
    sig = fuzzy_sets[:, :, 1]
    inv = (1.0 / (2.0 * sig * sig)).reshape(-1)

    tc_b = B - _SC_B
    x_tc = jnp.transpose(x[:tc_b], (1, 0, 2))
    x_sc = x[tc_b:].reshape(_SC_ROWS, S)

    out_sc = _sc_part(x_sc, c, inv)
    out_tc = _tc_part(x_tc, c, inv, tc_b)
    out_sc = out_sc.reshape(_SC_B, V, S, _K)
    return jnp.concatenate([out_tc, out_sc], axis=0)

# --- scband reference (transcript-rebuilt; emitter-appended) ---
"""Pipeline reference for scband-fuzzyfier-68719476858 (READ-ONLY COPY).

The authoritative reference and input builder live on the scoring server;
editing this copy changes nothing except your own understanding.
"""

import jax, jax.numpy as jnp
import numpy as np

ALPHA_CUT = 0.1
B, V, S, P, NPARAM = 64, 16, 512, 64, 2
K = 8


def setup_inputs(seed: int = 0) -> dict:
    key = jax.random.key(seed)
    k1, k2, k3 = jax.random.split(key, 3)
    x = jax.random.normal(k1, (B, V, S), dtype=jnp.float32)
    # fuzzy_sets[v, p, :] = (center, sigma) of a Gaussian membership function
    centers = jax.random.uniform(k2, (V, P), dtype=jnp.float32, minval=-3.0, maxval=3.0)
    sigmas = 0.5 + jax.random.uniform(k3, (V, P), dtype=jnp.float32)  # in [0.5, 1.5]
    fuzzy_sets = jnp.stack([centers, sigmas], axis=-1)  # [V, P, 2]
    return {"x": x, "fuzzy_sets": fuzzy_sets, "k": K}


def reference(x, fuzzy_sets, k):
    # Faithful translation of Fuzzyfier.forward with mode='top-k'.
    # Original: for each batch/var/sample scalar, evaluate the membership
    # function against every partition's fuzzy-set params, alpha-cut the
    # membership values, then take top-k over the partition axis.
    c = fuzzy_sets[:, :, 0]      # [V, P]
    sigma = fuzzy_sets[:, :, 1]  # [V, P]
    # mv[b, v, s, p] = gaussian_mf(x[b,v,s]; c[v,p], sigma[v,p])
    diff = x[:, :, :, None] - c[None, :, None, :]          # [B, V, S, P]
    mv = jnp.exp(-(diff * diff) / (2.0 * (sigma[None, :, None, :] ** 2)))
    # alpha-cut: mf() wrapper -> where(mv >= alpha_cut, mv, 0)
    mv = jnp.where(mv >= ALPHA_CUT, mv, jnp.zeros_like(mv))
    # mode == 'top-k': torch.topk(..., k, dim=2) over the partition axis
    k_arr = jnp.asarray(k)
    vals, _ = jax.lax.top_k(mv, K)                         # [B, V, S, k]
    vals = vals + (k_arr - k_arr).astype(vals.dtype)
    return vals

if __name__ == "__main__":
    import jax
    _d = setup_inputs()
    print(jax.jit(kernel)(*tuple(_d.values())))

</pallas_src>

<mosaic_0001>
#map = affine_map<(d0, d1) -> (0, 0)>
#map1 = affine_map<(d0, d1) -> (0)>
module attributes {stable_mosaic.version = 14 : i64} {
  func.func @_sc_body(%arg0: i32, %arg1: i32, %arg2: memref<128x512xf32, #tpu.memory_space<hbm>>, %arg3: memref<1024xf32, #tpu.memory_space<hbm>>, %arg4: memref<1024xf32, #tpu.memory_space<hbm>>, %arg5: memref<128x4096xf32, #tpu.memory_space<hbm>>, %arg6: memref<512xf32, #tpu.memory_space<vmem>>, %arg7: memref<4104xf32, #tpu.memory_space<vmem>>, %arg8: memref<1024xf32, #tpu.memory_space<vmem>>, %arg9: memref<1024xf32, #tpu.memory_space<vmem>>) attributes {dimension_semantics = [#tpu.dimension_semantics<core_parallel>, #tpu.dimension_semantics<subcore_parallel>], iteration_bounds = array<i64: 2, 16>, scalar_prefetch = 0 : i64, scratch_operands = 4 : i64, tpu.core_type = #tpu.core_type<sc_vector_subcore>, window_params = [{transform_indices = #map}, {transform_indices = #map1}, {transform_indices = #map1}, {transform_indices = #map}]} {
    %mul3A = arith.constant 2 : i32
    %mul3A_0 = arith.muli %arg1, %mul3A : i32
    %add3A = arith.addi %mul3A_0, %arg0 : i32
    "tpu.region"() ({
      %run_scoped3A = tpu.sem_alloc : memref<!tpu.dma_semaphore, #tpu.memory_space<semaphore_mem>>
      tpu.enqueue_dma source(%arg3 : memref<1024xf32, #tpu.memory_space<hbm>>) target(%arg8 : memref<1024xf32, #tpu.memory_space<vmem>>) target_semaphore(%run_scoped3A : memref<!tpu.dma_semaphore, #tpu.memory_space<semaphore_mem>>)
      tpu.wait_dma2 semaphore(%run_scoped3A : memref<!tpu.dma_semaphore, #tpu.memory_space<semaphore_mem>>) src(%arg3 : memref<1024xf32, #tpu.memory_space<hbm>>) dst(%arg8 : memref<1024xf32, #tpu.memory_space<vmem>>)
      tpu.yield
    }) : () -> ()
    "tpu.region"() ({
      %run_scoped3A = tpu.sem_alloc : memref<!tpu.dma_semaphore, #tpu.memory_space<semaphore_mem>>
      tpu.enqueue_dma source(%arg4 : memref<1024xf32, #tpu.memory_space<hbm>>) target(%arg9 : memref<1024xf32, #tpu.memory_space<vmem>>) target_semaphore(%run_scoped3A : memref<!tpu.dma_semaphore, #tpu.memory_space<semaphore_mem>>)
      tpu.wait_dma2 semaphore(%run_scoped3A : memref<!tpu.dma_semaphore, #tpu.memory_space<semaphore_mem>>) src(%arg4 : memref<1024xf32, #tpu.memory_space<hbm>>) dst(%arg9 : memref<1024xf32, #tpu.memory_space<vmem>>)
      tpu.yield
    }) : () -> ()
    %iota3A = tpu.iota {dimensions = array<i32: 0>} : vector<16xi32>
    %lt3A = arith.constant 8 : i32
    %lt3A_1 = vector.broadcast %lt3A : i32 to vector<16xi32>
    %lt3A_2 = arith.cmpi slt, %iota3A, %lt3A_1 : vector<16xi32>
    %scan3A = arith.constant 0 : i32
    %scan3A_3 = arith.constant 0 : i32
    %scan3A_4 = arith.constant 4 : i32
    %scan3A_5 = arith.addi %scan3A_3, %scan3A_4 : i32
    %scan3A_6 = arith.constant 1 : i32
    scf.for %scan3A_8 = %scan3A_3 to %scan3A_5 step %scan3A_6  : i32 {
      %mul3A_9 = arith.constant 4 : i32
      %mul3A_10 = arith.muli %add3A, %mul3A_9 : i32
      %add3A_11 = arith.addi %mul3A_10, %scan3A_8 : i32
      %rem3A = arith.constant 16 : i32
      %rem3A_12 = arith.remsi %add3A_11, %rem3A : i32
      "tpu.region"() ({
        %run_scoped3A = tpu.sem_alloc : memref<!tpu.dma_semaphore, #tpu.memory_space<semaphore_mem>>
        %dma_start3A = arith.constant 0 : i32
        %dma_start3A_66 = tpu.memref_slice %arg2[%add3A_11, %dma_start3A] : memref<128x512xf32, #tpu.memory_space<hbm>> -> memref<1x512xf32, #tpu.memory_space<hbm>>
        %dma_start3A_67 = tpu.memref_squeeze %dma_start3A_66 : memref<1x512xf32, #tpu.memory_space<hbm>> -> memref<512xf32, #tpu.memory_space<hbm>>
        %dma_start3A_68 = arith.constant 0 : i32
        %dma_start3A_69 = tpu.memref_slice %arg2[%add3A_11, %dma_start3A_68] : memref<128x512xf32, #tpu.memory_space<hbm>> -> memref<1x512xf32, #tpu.memory_space<hbm>>
        %dma_start3A_70 = tpu.memref_squeeze %dma_start3A_69 : memref<1x512xf32, #tpu.memory_space<hbm>> -> memref<512xf32, #tpu.memory_space<hbm>>
        tpu.enqueue_dma source(%dma_start3A_70 : memref<512xf32, #tpu.memory_space<hbm>>) target(%arg6 : memref<512xf32, #tpu.memory_space<vmem>>) target_semaphore(%run_scoped3A : memref<!tpu.dma_semaphore, #tpu.memory_space<semaphore_mem>>)
        %dma_wait3A = arith.constant 0 : i32
        %dma_wait3A_71 = tpu.memref_slice %arg2[%add3A_11, %dma_wait3A] : memref<128x512xf32, #tpu.memory_space<hbm>> -> memref<1x512xf32, #tpu.memory_space<hbm>>
        %dma_wait3A_72 = tpu.memref_squeeze %dma_wait3A_71 : memref<1x512xf32, #tpu.memory_space<hbm>> -> memref<512xf32, #tpu.memory_space<hbm>>
        %dma_wait3A_73 = arith.constant 0 : i32
        %dma_wait3A_74 = tpu.memref_slice %arg2[%add3A_11, %dma_wait3A_73] : memref<128x512xf32, #tpu.memory_space<hbm>> -> memref<1x512xf32, #tpu.memory_space<hbm>>
        %dma_wait3A_75 = tpu.memref_squeeze %dma_wait3A_74 : memref<1x512xf32, #tpu.memory_space<hbm>> -> memref<512xf32, #tpu.memory_space<hbm>>
        tpu.wait_dma2 semaphore(%run_scoped3A : memref<!tpu.dma_semaphore, #tpu.memory_space<semaphore_mem>>) src(%dma_wait3A_75 : memref<512xf32, #tpu.memory_space<hbm>>) dst(%arg6 : memref<512xf32, #tpu.memory_space<vmem>>)
        tpu.yield
      }) : () -> ()
      %mul3A_13 = arith.constant 64 : i32
      %mul3A_14 = arith.muli %rem3A_12, %mul3A_13 : i32
      %add3A_15 = arith.constant 0 : i32
      %add3A_16 = arith.addi %mul3A_14, %add3A_15 : i32
      %get3A = arith.index_cast %add3A_16 : i32 to index
      %get3A_17 = tpu.vector_load %arg8[%get3A] {strides = array<i32>} : memref<1024xf32, #tpu.memory_space<vmem>>, vector<16xf32>,
      %mul3A_18 = arith.constant 64 : i32
      %mul3A_19 = arith.muli %rem3A_12, %mul3A_18 : i32
      %add3A_20 = arith.constant 16 : i32
      %add3A_21 = arith.addi %mul3A_19, %add3A_20 : i32
      %get3A_22 = arith.index_cast %add3A_21 : i32 to index
      %get3A_23 = tpu.vector_load %arg8[%get3A_22] {strides = array<i32>} : memref<1024xf32, #tpu.memory_space<vmem>>, vector<16xf32>,
      %mul3A_24 = arith.constant 64 : i32
      %mul3A_25 = arith.muli %rem3A_12, %mul3A_24 : i32
      %add3A_26 = arith.constant 32 : i32
      %add3A_27 = arith.addi %mul3A_25, %add3A_26 : i32
      %get3A_28 = arith.index_cast %add3A_27 : i32 to index
      %get3A_29 = tpu.vector_load %arg8[%get3A_28] {strides = array<i32>} : memref<1024xf32, #tpu.memory_space<vmem>>, vector<16xf32>,
      %mul3A_30 = arith.constant 64 : i32
      %mul3A_31 = arith.muli %rem3A_12, %mul3A_30 : i32
      %add3A_32 = arith.constant 48 : i32
      %add3A_33 = arith.addi %mul3A_31, %add3A_32 : i32
      %get3A_34 = arith.index_cast %add3A_33 : i32 to index
      %get3A_35 = tpu.vector_load %arg8[%get3A_34] {strides = array<i32>} : memref<1024xf32, #tpu.memory_space<vmem>>, vector<16xf32>,
      %mul3A_36 = arith.constant 64 : i32
      %mul3A_37 = arith.muli %rem3A_12, %mul3A_36 : i32
      %add3A_38 = arith.constant 0 : i32
      %add3A_39 = arith.addi %mul3A_37, %add3A_38 : i32
      %get3A_40 = arith.index_cast %add3A_39 : i32 to index
      %get3A_41 = tpu.vector_load %arg9[%get3A_40] {strides = array<i32>} : memref<1024xf32, #tpu.memory_space<vmem>>, vector<16xf32>,
      %mul3A_42 = arith.constant 64 : i32
      %mul3A_43 = arith.muli %rem3A_12, %mul3A_42 : i32
      %add3A_44 = arith.constant 16 : i32
      %add3A_45 = arith.addi %mul3A_43, %add3A_44 : i32
      %get3A_46 = arith.index_cast %add3A_45 : i32 to index
      %get3A_47 = tpu.vector_load %arg9[%get3A_46] {strides = array<i32>} : memref<1024xf32, #tpu.memory_space<vmem>>, vector<16xf32>,
      %mul3A_48 = arith.constant 64 : i32
      %mul3A_49 = arith.muli %rem3A_12, %mul3A_48 : i32
      %add3A_50 = arith.constant 32 : i32
      %add3A_51 = arith.addi %mul3A_49, %add3A_50 : i32
      %get3A_52 = arith.index_cast %add3A_51 : i32 to index
      %get3A_53 = tpu.vector_load %arg9[%get3A_52] {strides = array<i32>} : memref<1024xf32, #tpu.memory_space<vmem>>, vector<16xf32>,
      %mul3A_54 = arith.constant 64 : i32
      %mul3A_55 = arith.muli %rem3A_12, %mul3A_54 : i32
      %add3A_56 = arith.constant 48 : i32
      %add3A_57 = arith.addi %mul3A_55, %add3A_56 : i32
      %get3A_58 = arith.index_cast %add3A_57 : i32 to index
      %get3A_59 = tpu.vector_load %arg9[%get3A_58] {strides = array<i32>} : memref<1024xf32, #tpu.memory_space<vmem>>, vector<16xf32>,
      %scan3A_60 = arith.constant 0 : i32
      %scan3A_61 = arith.constant 0 : i32
      %scan3A_62 = arith.constant 32 : i32
      %scan3A_63 = arith.addi %scan3A_61, %scan3A_62 : i32
      %scan3A_64 = arith.constant 1 : i32
      scf.for %scan3A_66 = %scan3A_61 to %scan3A_63 step %scan3A_64  : i32 {
        %mul3A_67 = arith.constant 16 : i32
        %mul3A_68 = arith.muli %scan3A_66, %mul3A_67 : i32
        %get3A_69 = arith.index_cast %mul3A_68 : i32 to index
        %get3A_70 = tpu.vector_load %arg6[%get3A_69] {strides = array<i32>} : memref<512xf32, #tpu.memory_space<vmem>>, vector<16xf32>,
        %broadcast_in_dim3A = arith.constant 0 : i32
        %broadcast_in_dim3A_71 = vector.broadcast %broadcast_in_dim3A : i32 to vector<16x1xi32>
        %gather3A = vector.shape_cast %broadcast_in_dim3A_71 : vector<16x1xi32> to vector<16xi32>
        %gather3A_72 = tpu.dynamic_gather %get3A_70[%gather3A] in [0] : vector<16xf32>, vector<16xi32> -> vector<16xf32>
        %sub3A = arith.subf %gather3A_72, %get3A_17 : vector<16xf32>
        %mul3A_73 = arith.mulf %sub3A, %sub3A : vector<16xf32>
        %mul3A_74 = arith.mulf %mul3A_73, %get3A_41 : vector<16xf32>
        %masked_sort3A = arith.constant dense<true> : vector<16xi1>
        %masked_sort3A_75, %masked_sort3A_76, %masked_sort3A_77 = tpu.sort %mul3A_74, %mul3A_74 masked %masked_sort3A : (vector<16xf32>, vector<16xf32>, vector<16xi1>) -> (vector<16xi1>, vector<16xf32>, vector<16xf32>)
        %sub3A_78 = arith.subf %gather3A_72, %get3A_23 : vector<16xf32>
        %mul3A_79 = arith.mulf %sub3A_78, %sub3A_78 : vector<16xf32>
        %mul3A_80 = arith.mulf %mul3A_79, %get3A_47 : vector<16xf32>
        %masked_sort3A_81 = arith.constant dense<true> : vector<16xi1>
        %masked_sort3A_82, %masked_sort3A_83, %masked_sort3A_84 = tpu.sort %mul3A_80, %mul3A_80 masked %masked_sort3A_81 : (vector<16xf32>, vector<16xf32>, vector<16xi1>) -> (vector<16xi1>, vector<16xf32>, vector<16xf32>)
        %sub3A_85 = arith.subf %gather3A_72, %get3A_29 : vector<16xf32>
        %mul3A_86 = arith.mulf %sub3A_85, %sub3A_85 : vector<16xf32>
        %mul3A_87 = arith.mulf %mul3A_86, %get3A_53 : vector<16xf32>
        %masked_sort3A_88 = arith.constant dense<true> : vector<16xi1>
        %masked_sort3A_89, %masked_sort3A_90, %masked_sort3A_91 = tpu.sort %mul3A_87, %mul3A_87 masked %masked_sort3A_88 : (vector<16xf32>, vector<16xf32>, vector<16xi1>) -> (vector<16xi1>, vector<16xf32>, vector<16xf32>)
        %sub3A_92 = arith.subf %gather3A_72, %get3A_35 : vector<16xf32>
        %mul3A_93 = arith.mulf %sub3A_92, %sub3A_92 : vector<16xf32>
        %mul3A_94 = arith.mulf %mul3A_93, %get3A_59 : vector<16xf32>
        %masked_sort3A_95 = arith.constant dense<true> : vector<16xi1>
        %masked_sort3A_96, %masked_sort3A_97, %masked_sort3A_98 = tpu.sort %mul3A_94, %mul3A_94 masked %masked_sort3A_95 : (vector<16xf32>, vector<16xf32>, vector<16xi1>) -> (vector<16xi1>, vector<16xf32>, vector<16xf32>)
        %rev3A = arith.constant 15 : i32
        %rev3A_99 = vector.broadcast %rev3A : i32 to vector<16xi32>
        %rev3A_100 = tpu.iota {dimensions = array<i32: 0>} : vector<16xi32>
        %rev3A_101 = arith.subi %rev3A_99, %rev3A_100 : vector<16xi32>
        %rev3A_102 = tpu.dynamic_gather %masked_sort3A_83[%rev3A_101] in [0] : vector<16xf32>, vector<16xi32> -> vector<16xf32>
        %select_n3A = arith.select %lt3A_2, %masked_sort3A_76, %rev3A_102 : vector<16xi1>, vector<16xf32>
        %masked_sort3A_103 = arith.constant dense<true> : vector<16xi1>
        %masked_sort3A_104, %masked_sort3A_105, %masked_sort3A_106 = tpu.sort %select_n3A, %select_n3A masked %masked_sort3A_103 : (vector<16xf32>, vector<16xf32>, vector<16xi1>) -> (vector<16xi1>, vector<16xf32>, vector<16xf32>)
        %rev3A_107 = arith.constant 15 : i32
        %rev3A_108 = vector.broadcast %rev3A_107 : i32 to vector<16xi32>
        %rev3A_109 = tpu.iota {dimensions = array<i32: 0>} : vector<16xi32>
        %rev3A_110 = arith.subi %rev3A_108, %rev3A_109 : vector<16xi32>
        %rev3A_111 = tpu.dynamic_gather %masked_sort3A_97[%rev3A_110] in [0] : vector<16xf32>, vector<16xi32> -> vector<16xf32>
        %select_n3A_112 = arith.select %lt3A_2, %masked_sort3A_90, %rev3A_111 : vector<16xi1>, vector<16xf32>
        %masked_sort3A_113 = arith.constant dense<true> : vector<16xi1>
        %masked_sort3A_114, %masked_sort3A_115, %masked_sort3A_116 = tpu.sort %select_n3A_112, %select_n3A_112 masked %masked_sort3A_113 : (vector<16xf32>, vector<16xf32>, vector<16xi1>) -> (vector<16xi1>, vector<16xf32>, vector<16xf32>)
        %rev3A_117 = arith.constant 15 : i32
        %rev3A_118 = vector.broadcast %rev3A_117 : i32 to vector<16xi32>
        %rev3A_119 = tpu.iota {dimensions = array<i32: 0>} : vector<16xi32>
        %rev3A_120 = arith.subi %rev3A_118, %rev3A_119 : vector<16xi32>
        %rev3A_121 = tpu.dynamic_gather %masked_sort3A_115[%rev3A_120] in [0] : vector<16xf32>, vector<16xi32> -> vector<16xf32>
        %select_n3A_122 = arith.select %lt3A_2, %masked_sort3A_105, %rev3A_121 : vector<16xi1>, vector<16xf32>
        %masked_sort3A_123 = arith.constant dense<true> : vector<16xi1>
        %masked_sort3A_124, %masked_sort3A_125, %masked_sort3A_126 = tpu.sort %select_n3A_122, %select_n3A_122 masked %masked_sort3A_123 : (vector<16xf32>, vector<16xf32>, vector<16xi1>) -> (vector<16xi1>, vector<16xf32>, vector<16xf32>)
        %le3A = arith.constant 2.30258512 : f32
        %le3A_127 = vector.broadcast %le3A : f32 to vector<16xf32>
        %le3A_128 = arith.cmpf ole, %masked_sort3A_125, %le3A_127 : vector<16xf32>
        %neg3A = arith.constant 0.000000e+00 : f32
        %neg3A_129 = vector.broadcast %neg3A : f32 to vector<16xf32>
        %neg3A_130 = arith.subf %neg3A_129, %masked_sort3A_125 : vector<16xf32>
        %exp3A = math.exp %neg3A_130 : vector<16xf32>
        %broadcast_in_dim3A_131 = arith.constant 0.000000e+00 : f32
        %broadcast_in_dim3A_132 = vector.broadcast %broadcast_in_dim3A_131 : f32 to vector<16xf32>
        %select_n3A_133 = arith.select %le3A_128, %exp3A, %broadcast_in_dim3A_132 : vector<16xi1>, vector<16xf32>
        %mul3A_134 = arith.constant 128 : i32
        %mul3A_135 = arith.muli %scan3A_66, %mul3A_134 : i32
        %add3A_136 = arith.constant 0 : i32
        %add3A_137 = arith.addi %mul3A_135, %add3A_136 : i32
        %swap3A = arith.index_cast %add3A_137 : i32 to index
        %swap3A_138 = tpu.vector_load %arg7[%swap3A] masked %lt3A_2 {strides = array<i32>} : memref<4104xf32, #tpu.memory_space<vmem>>, vector<16xf32>, vector<16xi1>
        tpu.vector_store %arg7[%swap3A], %select_n3A_133 masked %lt3A_2 {strides = array<i32>} : memref<4104xf32, #tpu.memory_space<vmem>>, vector<16xf32>, vector<16xi1>
        %broadcast_in_dim3A_139 = arith.constant 1 : i32
        %broadcast_in_dim3A_140 = vector.broadcast %broadcast_in_dim3A_139 : i32 to vector<16x1xi32>
        %gather3A_141 = vector.shape_cast %broadcast_in_dim3A_140 : vector<16x1xi32> to vector<16xi32>
        %gather3A_142 = tpu.dynamic_gather %get3A_70[%gather3A_141] in [0] : vector<16xf32>, vector<16xi32> -> vector<16xf32>
        %sub3A_143 = arith.subf %gather3A_142, %get3A_17 : vector<16xf32>
        %mul3A_144 = arith.mulf %sub3A_143, %sub3A_143 : vector<16xf32>
        %mul3A_145 = arith.mulf %mul3A_144, %get3A_41 : vector<16xf32>
        %masked_sort3A_146 = arith.constant dense<true> : vector<16xi1>
        %masked_sort3A_147, %masked_sort3A_148, %masked_sort3A_149 = tpu.sort %mul3A_145, %mul3A_145 masked %masked_sort3A_146 : (vector<16xf32>, vector<16xf32>, vector<16xi1>) -> (vector<16xi1>, vector<16xf32>, vector<16xf32>)
        %sub3A_150 = arith.subf %gather3A_142, %get3A_23 : vector<16xf32>
        %mul3A_151 = arith.mulf %sub3A_150, %sub3A_150 : vector<16xf32>
        %mul3A_152 = arith.mulf %mul3A_151, %get3A_47 : vector<16xf32>
        %masked_sort3A_153 = arith.constant dense<true> : vector<16xi1>
        %masked_sort3A_154, %masked_sort3A_155, %masked_sort3A_156 = tpu.sort %mul3A_152, %mul3A_152 masked %masked_sort3A_153 : (vector<16xf32>, vector<16xf32>, vector<16xi1>) -> (vector<16xi1>, vector<16xf32>, vector<16xf32>)
        %sub3A_157 = arith.subf %gather3A_142, %get3A_29 : vector<16xf32>
        %mul3A_158 = arith.mulf %sub3A_157, %sub3A_157 : vector<16xf32>
        %mul3A_159 = arith.mulf %mul3A_158, %get3A_53 : vector<16xf32>
        %masked_sort3A_160 = arith.constant dense<true> : vector<16xi1>
        %masked_sort3A_161, %masked_sort3A_162, %masked_sort3A_163 = tpu.sort %mul3A_159, %mul3A_159 masked %masked_sort3A_160 : (vector<16xf32>, vector<16xf32>, vector<16xi1>) -> (vector<16xi1>, vector<16xf32>, vector<16xf32>)
        %sub3A_164 = arith.subf %gather3A_142, %get3A_35 : vector<16xf32>
        %mul3A_165 = arith.mulf %sub3A_164, %sub3A_164 : vector<16xf32>
        %mul3A_166 = arith.mulf %mul3A_165, %get3A_59 : vector<16xf32>
        %masked_sort3A_167 = arith.constant dense<true> : vector<16xi1>
        %masked_sort3A_168, %masked_sort3A_169, %masked_sort3A_170 = tpu.sort %mul3A_166, %mul3A_166 masked %masked_sort3A_167 : (vector<16xf32>, vector<16xf32>, vector<16xi1>) -> (vector<16xi1>, vector<16xf32>, vector<16xf32>)
        %rev3A_171 = arith.constant 15 : i32
        %rev3A_172 = vector.broadcast %rev3A_171 : i32 to vector<16xi32>
        %rev3A_173 = tpu.iota {dimensions = array<i32: 0>} : vector<16xi32>
        %rev3A_174 = arith.subi %rev3A_172, %rev3A_173 : vector<16xi32>
        %rev3A_175 = tpu.dynamic_gather %masked_sort3A_155[%rev3A_174] in [0] : vector<16xf32>, vector<16xi32> -> vector<16xf32>
        %select_n3A_176 = arith.select %lt3A_2, %masked_sort3A_148, %rev3A_175 : vector<16xi1>, vector<16xf32>
        %masked_sort3A_177 = arith.constant dense<true> : vector<16xi1>
        %masked_sort3A_178, %masked_sort3A_179, %masked_sort3A_180 = tpu.sort %select_n3A_176, %select_n3A_176 masked %masked_sort3A_177 : (vector<16xf32>, vector<16xf32>, vector<16xi1>) -> (vector<16xi1>, vector<16xf32>, vector<16xf32>)
        %rev3A_181 = arith.constant 15 : i32
        %rev3A_182 = vector.broadcast %rev3A_181 : i32 to vector<16xi32>
        %rev3A_183 = tpu.iota {dimensions = array<i32: 0>} : vector<16xi32>
        %rev3A_184 = arith.subi %rev3A_182, %rev3A_183 : vector<16xi32>
        %rev3A_185 = tpu.dynamic_gather %masked_sort3A_169[%rev3A_184] in [0] : vector<16xf32>, vector<16xi32> -> vector<16xf32>
        %select_n3A_186 = arith.select %lt3A_2, %masked_sort3A_162, %rev3A_185 : vector<16xi1>, vector<16xf32>
        %masked_sort3A_187 = arith.constant dense<true> : vector<16xi1>
        %masked_sort3A_188, %masked_sort3A_189, %masked_sort3A_190 = tpu.sort %select_n3A_186, %select_n3A_186 masked %masked_sort3A_187 : (vector<16xf32>, vector<16xf32>, vector<16xi1>) -> (vector<16xi1>, vector<16xf32>, vector<16xf32>)
        %rev3A_191 = arith.constant 15 : i32
        %rev3A_192 = vector.broadcast %rev3A_191 : i32 to vector<16xi32>
        %rev3A_193 = tpu.iota {dimensions = array<i32: 0>} : vector<16xi32>
        %rev3A_194 = arith.subi %rev3A_192, %rev3A_193 : vector<16xi32>
        %rev3A_195 = tpu.dynamic_gather %masked_sort3A_189[%rev3A_194] in [0] : vector<16xf32>, vector<16xi32> -> vector<16xf32>
        %select_n3A_196 = arith.select %lt3A_2, %masked_sort3A_179, %rev3A_195 : vector<16xi1>, vector<16xf32>
        %masked_sort3A_197 = arith.constant dense<true> : vector<16xi1>
        %masked_sort3A_198, %masked_sort3A_199, %masked_sort3A_200 = tpu.sort %select_n3A_196, %select_n3A_196 masked %masked_sort3A_197 : (vector<16xf32>, vector<16xf32>, vector<16xi1>) -> (vector<16xi1>, vector<16xf32>, vector<16xf32>)
        %le3A_201 = arith.constant 2.30258512 : f32
        %le3A_202 = vector.broadcast %le3A_201 : f32 to vector<16xf32>
        %le3A_203 = arith.cmpf ole, %masked_sort3A_199, %le3A_202 : vector<16xf32>
        %neg3A_204 = arith.constant 0.000000e+00 : f32
        %neg3A_205 = vector.broadcast %neg3A_204 : f32 to vector<16xf32>
        %neg3A_206 = arith.subf %neg3A_205, %masked_sort3A_199 : vector<16xf32>
        %exp3A_207 = math.exp %neg3A_206 : vector<16xf32>
        %broadcast_in_dim3A_208 = arith.constant 0.000000e+00 : f32
        %broadcast_in_dim3A_209 = vector.broadcast %broadcast_in_dim3A_208 : f32 to vector<16xf32>
        %select_n3A_210 = arith.select %le3A_203, %exp3A_207, %broadcast_in_dim3A_209 : vector<16xi1>, vector<16xf32>
        %mul3A_211 = arith.constant 128 : i32
        %mul3A_212 = arith.muli %scan3A_66, %mul3A_211 : i32
        %add3A_213 = arith.constant 8 : i32
        %add3A_214 = arith.addi %mul3A_212, %add3A_213 : i32
        %swap3A_215 = arith.index_cast %add3A_214 : i32 to index
        %swap3A_216 = tpu.vector_load %arg7[%swap3A_215] masked %lt3A_2 {strides = array<i32>} : memref<4104xf32, #tpu.memory_space<vmem>>, vector<16xf32>, vector<16xi1>
        tpu.vector_store %arg7[%swap3A_215], %select_n3A_210 masked %lt3A_2 {strides = array<i32>} : memref<4104xf32, #tpu.memory_space<vmem>>, vector<16xf32>, vector<16xi1>
        %broadcast_in_dim3A_217 = arith.constant 2 : i32
        %broadcast_in_dim3A_218 = vector.broadcast %broadcast_in_dim3A_217 : i32 to vector<16x1xi32>
        %gather3A_219 = vector.shape_cast %broadcast_in_dim3A_218 : vector<16x1xi32> to vector<16xi32>
        %gather3A_220 = tpu.dynamic_gather %get3A_70[%gather3A_219] in [0] : vector<16xf32>, vector<16xi32> -> vector<16xf32>
        %sub3A_221 = arith.subf %gather3A_220, %get3A_17 : vector<16xf32>
        %mul3A_222 = arith.mulf %sub3A_221, %sub3A_221 : vector<16xf32>
        %mul3A_223 = arith.mulf %mul3A_222, %get3A_41 : vector<16xf32>
        %masked_sort3A_224 = arith.constant dense<true> : vector<16xi1>
        %masked_sort3A_225, %masked_sort3A_226, %masked_sort3A_227 = tpu.sort %mul3A_223, %mul3A_223 masked %masked_sort3A_224 : (vector<16xf32>, vector<16xf32>, vector<16xi1>) -> (vector<16xi1>, vector<16xf32>, vector<16xf32>)
        %sub3A_228 = arith.subf %gather3A_220, %get3A_23 : vector<16xf32>
        %mul3A_229 = arith.mulf %sub3A_228, %sub3A_228 : vector<16xf32>
        %mul3A_230 = arith.mulf %mul3A_229, %get3A_47 : vector<16xf32>
        %masked_sort3A_231 = arith.constant dense<true> : vector<16xi1>
        %masked_sort3A_232, %masked_sort3A_233, %masked_sort3A_234 = tpu.sort %mul3A_230, %mul3A_230 masked %masked_sort3A_231 : (vector<16xf32>, vector<16xf32>, vector<16xi1>) -> (vector<16xi1>, vector<16xf32>, vector<16xf32>)
        %sub3A_235 = arith.subf %gather3A_220, %get3A_29 : vector<16xf32>
        %mul3A_236 = arith.mulf %sub3A_235, %sub3A_235 : vector<16xf32>
        %mul3A_237 = arith.mulf %mul3A_236, %get3A_53 : vector<16xf32>
        %masked_sort3A_238 = arith.constant dense<true> : vector<16xi1>
        %masked_sort3A_239, %masked_sort3A_240, %masked_sort3A_241 = tpu.sort %mul3A_237, %mul3A_237 masked %masked_sort3A_238 : (vector<16xf32>, vector<16xf32>, vector<16xi1>) -> (vector<16xi1>, vector<16xf32>, vector<16xf32>)
        %sub3A_242 = arith.subf %gather3A_220, %get3A_35 : vector<16xf32>
        %mul3A_243 = arith.mulf %sub3A_242, %sub3A_242 : vector<16xf32>
        %mul3A_244 = arith.mulf %mul3A_243, %get3A_59 : vector<16xf32>
        %masked_sort3A_245 = arith.constant dense<true> : vector<16xi1>
        %masked_sort3A_246, %masked_sort3A_247, %masked_sort3A_248 = tpu.sort %mul3A_244, %mul3A_244 masked %masked_sort3A_245 : (vector<16xf32>, vector<16xf32>, vector<16xi1>) -> (vector<16xi1>, vector<16xf32>, vector<16xf32>)
        %rev3A_249 = arith.constant 15 : i32
        %rev3A_250 = vector.broadcast %rev3A_249 : i32 to vector<16xi32>
        %rev3A_251 = tpu.iota {dimensions = array<i32: 0>} : vector<16xi32>
        %rev3A_252 = arith.subi %rev3A_250, %rev3A_251 : vector<16xi32>
        %rev3A_253 = tpu.dynamic_gather %masked_sort3A_233[%rev3A_252] in [0] : vector<16xf32>, vector<16xi32> -> vector<16xf32>
        %select_n3A_254 = arith.select %lt3A_2, %masked_sort3A_226, %rev3A_253 : vector<16xi1>, vector<16xf32>
        %masked_sort3A_255 = arith.constant dense<true> : vector<16xi1>
        %masked_sort3A_256, %masked_sort3A_257, %masked_sort3A_258 = tpu.sort %select_n3A_254, %select_n3A_254 masked %masked_sort3A_255 : (vector<16xf32>, vector<16xf32>, vector<16xi1>) -> (vector<16xi1>, vector<16xf32>, vector<16xf32>)
        %rev3A_259 = arith.constant 15 : i32
        %rev3A_260 = vector.broadcast %rev3A_259 : i32 to vector<16xi32>
        %rev3A_261 = tpu.iota {dimensions = array<i32: 0>} : vector<16xi32>
        %rev3A_262 = arith.subi %rev3A_260, %rev3A_261 : vector<16xi32>
        %rev3A_263 = tpu.dynamic_gather %masked_sort3A_247[%rev3A_262] in [0] : vector<16xf32>, vector<16xi32> -> vector<16xf32>
        %select_n3A_264 = arith.select %lt3A_2, %masked_sort3A_240, %rev3A_263 : vector<16xi1>, vector<16xf32>
        %masked_sort3A_265 = arith.constant dense<true> : vector<16xi1>
        %masked_sort3A_266, %masked_sort3A_267, %masked_sort3A_268 = tpu.sort %select_n3A_264, %select_n3A_264 masked %masked_sort3A_265 : (vector<16xf32>, vector<16xf32>, vector<16xi1>) -> (vector<16xi1>, vector<16xf32>, vector<16xf32>)
        %rev3A_269 = arith.constant 15 : i32
        %rev3A_270 = vector.broadcast %rev3A_269 : i32 to vector<16xi32>
        %rev3A_271 = tpu.iota {dimensions = array<i32: 0>} : vector<16xi32>
        %rev3A_272 = arith.subi %rev3A_270, %rev3A_271 : vector<16xi32>
        %rev3A_273 = tpu.dynamic_gather %masked_sort3A_267[%rev3A_272] in [0] : vector<16xf32>, vector<16xi32> -> vector<16xf32>
        %select_n3A_274 = arith.select %lt3A_2, %masked_sort3A_257, %rev3A_273 : vector<16xi1>, vector<16xf32>
        %masked_sort3A_275 = arith.constant dense<true> : vector<16xi1>
        %masked_sort3A_276, %masked_sort3A_277, %masked_sort3A_278 = tpu.sort %select_n3A_274, %select_n3A_274 masked %masked_sort3A_275 : (vector<16xf32>, vector<16xf32>, vector<16xi1>) -> (vector<16xi1>, vector<16xf32>, vector<16xf32>)
        %le3A_279 = arith.constant 2.30258512 : f32
        %le3A_280 = vector.broadcast %le3A_279 : f32 to vector<16xf32>
        %le3A_281 = arith.cmpf ole, %masked_sort3A_277, %le3A_280 : vector<16xf32>
        %neg3A_282 = arith.constant 0.000000e+00 : f32
        %neg3A_283 = vector.broadcast %neg3A_282 : f32 to vector<16xf32>
        %neg3A_284 = arith.subf %neg3A_283, %masked_sort3A_277 : vector<16xf32>
        %exp3A_285 = math.exp %neg3A_284 : vector<16xf32>
        %broadcast_in_dim3A_286 = arith.constant 0.000000e+00 : f32
        %broadcast_in_dim3A_287 = vector.broadcast %broadcast_in_dim3A_286 : f32 to vector<16xf32>
        %select_n3A_288 = arith.select %le3A_281, %exp3A_285, %broadcast_in_dim3A_287 : vector<16xi1>, vector<16xf32>
        %mul3A_289 = arith.constant 128 : i32
        %mul3A_290 = arith.muli %scan3A_66, %mul3A_289 : i32
        %add3A_291 = arith.constant 16 : i32
        %add3A_292 = arith.addi %mul3A_290, %add3A_291 : i32
        %swap3A_293 = arith.index_cast %add3A_292 : i32 to index
        %swap3A_294 = tpu.vector_load %arg7[%swap3A_293] masked %lt3A_2 {strides = array<i32>} : memref<4104xf32, #tpu.memory_space<vmem>>, vector<16xf32>, vector<16xi1>
        tpu.vector_store %arg7[%swap3A_293], %select_n3A_288 masked %lt3A_2 {strides = array<i32>} : memref<4104xf32, #tpu.memory_space<vmem>>, vector<16xf32>, vector<16xi1>
        %broadcast_in_dim3A_295 = arith.constant 3 : i32
        %broadcast_in_dim3A_296 = vector.broadcast %broadcast_in_dim3A_295 : i32 to vector<16x1xi32>
        %gather3A_297 = vector.shape_cast %broadcast_in_dim3A_296 : vector<16x1xi32> to vector<16xi32>
        %gather3A_298 = tpu.dynamic_gather %get3A_70[%gather3A_297] in [0] : vector<16xf32>, vector<16xi32> -> vector<16xf32>
        %sub3A_299 = arith.subf %gather3A_298, %get3A_17 : vector<16xf32>
        %mul3A_300 = arith.mulf %sub3A_299, %sub3A_299 : vector<16xf32>
        %mul3A_301 = arith.mulf %mul3A_300, %get3A_41 : vector<16xf32>
        %masked_sort3A_302 = arith.constant dense<true> : vector<16xi1>
        %masked_sort3A_303, %masked_sort3A_304, %masked_sort3A_305 = tpu.sort %mul3A_301, %mul3A_301 masked %masked_sort3A_302 : (vector<16xf32>, vector<16xf32>, vector<16xi1>) -> (vector<16xi1>, vector<16xf32>, vector<16xf32>)
        %sub3A_306 = arith.subf %gather3A_298, %get3A_23 : vector<16xf32>
        %mul3A_307 = arith.mulf %sub3A_306, %sub3A_306 : vector<16xf32>
        %mul3A_308 = arith.mulf %mul3A_307, %get3A_47 : vector<16xf32>
        %masked_sort3A_309 = arith.constant dense<true> : vector<16xi1>
        %masked_sort3A_310, %masked_sort3A_311, %masked_sort3A_312 = tpu.sort %mul3A_308, %mul3A_308 masked %masked_sort3A_309 : (vector<16xf32>, vector<16xf32>, vector<16xi1>) -> (vector<16xi1>, vector<16xf32>, vector<16xf32>)
        %sub3A_313 = arith.subf %gather3A_298, %get3A_29 : vector<16xf32>
        %mul3A_314 = arith.mulf %sub3A_313, %sub3A_313 : vector<16xf32>
        %mul3A_315 = arith.mulf %mul3A_314, %get3A_53 : vector<16xf32>
        %masked_sort3A_316 = arith.constant dense<true> : vector<16xi1>
        %masked_sort3A_317, %masked_sort3A_318, %masked_sort3A_319 = tpu.sort %mul3A_315, %mul3A_315 masked %masked_sort3A_316 : (vector<16xf32>, vector<16xf32>, vector<16xi1>) -> (vector<16xi1>, vector<16xf32>, vector<16xf32>)
        %sub3A_320 = arith.subf %gather3A_298, %get3A_35 : vector<16xf32>
        %mul3A_321 = arith.mulf %sub3A_320, %sub3A_320 : vector<16xf32>
        %mul3A_322 = arith.mulf %mul3A_321, %get3A_59 : vector<16xf32>
        %masked_sort3A_323 = arith.constant dense<true> : vector<16xi1>
        %masked_sort3A_324, %masked_sort3A_325, %masked_sort3A_326 = tpu.sort %mul3A_322, %mul3A_322 masked %masked_sort3A_323 : (vector<16xf32>, vector<16xf32>, vector<16xi1>) -> (vector<16xi1>, vector<16xf32>, vector<16xf32>)
        %rev3A_327 = arith.constant 15 : i32
        %rev3A_328 = vector.broadcast %rev3A_327 : i32 to vector<16xi32>
        %rev3A_329 = tpu.iota {dimensions = array<i32: 0>} : vector<16xi32>
        %rev3A_330 = arith.subi %rev3A_328, %rev3A_329 : vector<16xi32>
        %rev3A_331 = tpu.dynamic_gather %masked_sort3A_311[%rev3A_330] in [0] : vector<16xf32>, vector<16xi32> -> vector<16xf32>
        %select_n3A_332 = arith.select %lt3A_2, %masked_sort3A_304, %rev3A_331 : vector<16xi1>, vector<16xf32>
        %masked_sort3A_333 = arith.constant dense<true> : vector<16xi1>
        %masked_sort3A_334, %masked_sort3A_335, %masked_sort3A_336 = tpu.sort %select_n3A_332, %select_n3A_332 masked %masked_sort3A_333 : (vector<16xf32>, vector<16xf32>, vector<16xi1>) -> (vector<16xi1>, vector<16xf32>, vector<16xf32>)
        %rev3A_337 = arith.constant 15 : i32
        %rev3A_338 = vector.broadcast %rev3A_337 : i32 to vector<16xi32>
        %rev3A_339 = tpu.iota {dimensions = array<i32: 0>} : vector<16xi32>
        %rev3A_340 = arith.subi %rev3A_338, %rev3A_339 : vector<16xi32>
        %rev3A_341 = tpu.dynamic_gather %masked_sort3A_325[%rev3A_340] in [0] : vector<16xf32>, vector<16xi32> -> vector<16xf32>
        %select_n3A_342 = arith.select %lt3A_2, %masked_sort3A_318, %rev3A_341 : vector<16xi1>, vector<16xf32>
        %masked_sort3A_343 = arith.constant dense<true> : vector<16xi1>
        %masked_sort3A_344, %masked_sort3A_345, %masked_sort3A_346 = tpu.sort %select_n3A_342, %select_n3A_342 masked %masked_sort3A_343 : (vector<16xf32>, vector<16xf32>, vector<16xi1>) -> (vector<16xi1>, vector<16xf32>, vector<16xf32>)
        %rev3A_347 = arith.constant 15 : i32
        %rev3A_348 = vector.broadcast %rev3A_347 : i32 to vector<16xi32>
        %rev3A_349 = tpu.iota {dimensions = array<i32: 0>} : vector<16xi32>
        %rev3A_350 = arith.subi %rev3A_348, %rev3A_349 : vector<16xi32>
        %rev3A_351 = tpu.dynamic_gather %masked_sort3A_345[%rev3A_350] in [0] : vector<16xf32>, vector<16xi32> -> vector<16xf32>
        %select_n3A_352 = arith.select %lt3A_2, %masked_sort3A_335, %rev3A_351 : vector<16xi1>, vector<16xf32>
        %masked_sort3A_353 = arith.constant dense<true> : vector<16xi1>
        %masked_sort3A_354, %masked_sort3A_355, %masked_sort3A_356 = tpu.sort %select_n3A_352, %select_n3A_352 masked %masked_sort3A_353 : (vector<16xf32>, vector<16xf32>, vector<16xi1>) -> (vector<16xi1>, vector<16xf32>, vector<16xf32>)
        %le3A_357 = arith.constant 2.30258512 : f32
        %le3A_358 = vector.broadcast %le3A_357 : f32 to vector<16xf32>
        %le3A_359 = arith.cmpf ole, %masked_sort3A_355, %le3A_358 : vector<16xf32>
        %neg3A_360 = arith.constant 0.000000e+00 : f32
        %neg3A_361 = vector.broadcast %neg3A_360 : f32 to vector<16xf32>
        %neg3A_362 = arith.subf %neg3A_361, %masked_sort3A_355 : vector<16xf32>
        %exp3A_363 = math.exp %neg3A_362 : vector<16xf32>
        %broadcast_in_dim3A_364 = arith.constant 0.000000e+00 : f32
        %broadcast_in_dim3A_365 = vector.broadcast %broadcast_in_dim3A_364 : f32 to vector<16xf32>
        %select_n3A_366 = arith.select %le3A_359, %exp3A_363, %broadcast_in_dim3A_365 : vector<16xi1>, vector<16xf32>
        %mul3A_367 = arith.constant 128 : i32
        %mul3A_368 = arith.muli %scan3A_66, %mul3A_367 : i32
        %add3A_369 = arith.constant 24 : i32
        %add3A_370 = arith.addi %mul3A_368, %add3A_369 : i32
        %swap3A_371 = arith.index_cast %add3A_370 : i32 to index
        %swap3A_372 = tpu.vector_load %arg7[%swap3A_371] masked %lt3A_2 {strides = array<i32>} : memref<4104xf32, #tpu.memory_space<vmem>>, vector<16xf32>, vector<16xi1>
        tpu.vector_store %arg7[%swap3A_371], %select_n3A_366 masked %lt3A_2 {strides = array<i32>} : memref<4104xf32, #tpu.memory_space<vmem>>, vector<16xf32>, vector<16xi1>
        %broadcast_in_dim3A_373 = arith.constant 4 : i32
        %broadcast_in_dim3A_374 = vector.broadcast %broadcast_in_dim3A_373 : i32 to vector<16x1xi32>
        %gather3A_375 = vector.shape_cast %broadcast_in_dim3A_374 : vector<16x1xi32> to vector<16xi32>
        %gather3A_376 = tpu.dynamic_gather %get3A_70[%gather3A_375] in [0] : vector<16xf32>, vector<16xi32> -> vector<16xf32>
        %sub3A_377 = arith.subf %gather3A_376, %get3A_17 : vector<16xf32>
        %mul3A_378 = arith.mulf %sub3A_377, %sub3A_377 : vector<16xf32>
        %mul3A_379 = arith.mulf %mul3A_378, %get3A_41 : vector<16xf32>
        %masked_sort3A_380 = arith.constant dense<true> : vector<16xi1>
        %masked_sort3A_381, %masked_sort3A_382, %masked_sort3A_383 = tpu.sort %mul3A_379, %mul3A_379 masked %masked_sort3A_380 : (vector<16xf32>, vector<16xf32>, vector<16xi1>) -> (vector<16xi1>, vector<16xf32>, vector<16xf32>)
        %sub3A_384 = arith.subf %gather3A_376, %get3A_23 : vector<16xf32>
        %mul3A_385 = arith.mulf %sub3A_384, %sub3A_384 : vector<16xf32>
        %mul3A_386 = arith.mulf %mul3A_385, %get3A_47 : vector<16xf32>
        %masked_sort3A_387 = arith.constant dense<true> : vector<16xi1>
        %masked_sort3A_388, %masked_sort3A_389, %masked_sort3A_390 = tpu.sort %mul3A_386, %mul3A_386 masked %masked_sort3A_387 : (vector<16xf32>, vector<16xf32>, vector<16xi1>) -> (vector<16xi1>, vector<16xf32>, vector<16xf32>)
        %sub3A_391 = arith.subf %gather3A_376, %get3A_29 : vector<16xf32>
        %mul3A_392 = arith.mulf %sub3A_391, %sub3A_391 : vector<16xf32>
        %mul3A_393 = arith.mulf %mul3A_392, %get3A_53 : vector<16xf32>
        %masked_sort3A_394 = arith.constant dense<true> : vector<16xi1>
        %masked_sort3A_395, %masked_sort3A_396, %masked_sort3A_397 = tpu.sort %mul3A_393, %mul3A_393 masked %masked_sort3A_394 : (vector<16xf32>, vector<16xf32>, vector<16xi1>) -> (vector<16xi1>, vector<16xf32>, vector<16xf32>)
        %sub3A_398 = arith.subf %gather3A_376, %get3A_35 : vector<16xf32>
        %mul3A_399 = arith.mulf %sub3A_398, %sub3A_398 : vector<16xf32>
        %mul3A_400 = arith.mulf %mul3A_399, %get3A_59 : vector<16xf32>
        %masked_sort3A_401 = arith.constant dense<true> : vector<16xi1>
        %masked_sort3A_402, %masked_sort3A_403, %masked_sort3A_404 = tpu.sort %mul3A_400, %mul3A_400 masked %masked_sort3A_401 : (vector<16xf32>, vector<16xf32>, vector<16xi1>) -> (vector<16xi1>, vector<16xf32>, vector<16xf32>)
        %rev3A_405 = arith.constant 15 : i32
        %rev3A_406 = vector.broadcast %rev3A_405 : i32 to vector<16xi32>
        %rev3A_407 = tpu.iota {dimensions = array<i32: 0>} : vector<16xi32>
        %rev3A_408 = arith.subi %rev3A_406, %rev3A_407 : vector<16xi32>
        %rev3A_409 = tpu.dynamic_gather %masked_sort3A_389[%rev3A_408] in [0] : vector<16xf32>, vector<16xi32> -> vector<16xf32>
        %select_n3A_410 = arith.select %lt3A_2, %masked_sort3A_382, %rev3A_409 : vector<16xi1>, vector<16xf32>
        %masked_sort3A_411 = arith.constant dense<true> : vector<16xi1>
        %masked_sort3A_412, %masked_sort3A_413, %masked_sort3A_414 = tpu.sort %select_n3A_410, %select_n3A_410 masked %masked_sort3A_411 : (vector<16xf32>, vector<16xf32>, vector<16xi1>) -> (vector<16xi1>, vector<16xf32>, vector<16xf32>)
        %rev3A_415 = arith.constant 15 : i32
        %rev3A_416 = vector.broadcast %rev3A_415 : i32 to vector<16xi32>
        %rev3A_417 = tpu.iota {dimensions = array<i32: 0>} : vector<16xi32>
        %rev3A_418 = arith.subi %rev3A_416, %rev3A_417 : vector<16xi32>
        %rev3A_419 = tpu.dynamic_gather %masked_sort3A_403[%rev3A_418] in [0] : vector<16xf32>, vector<16xi32> -> vector<16xf32>
        %select_n3A_420 = arith.select %lt3A_2, %masked_sort3A_396, %rev3A_419 : vector<16xi1>, vector<16xf32>
        %masked_sort3A_421 = arith.constant dense<true> : vector<16xi1>
        %masked_sort3A_422, %masked_sort3A_423, %masked_sort3A_424 = tpu.sort %select_n3A_420, %select_n3A_420 masked %masked_sort3A_421 : (vector<16xf32>, vector<16xf32>, vector<16xi1>) -> (vector<16xi1>, vector<16xf32>, vector<16xf32>)
        %rev3A_425 = arith.constant 15 : i32
        %rev3A_426 = vector.broadcast %rev3A_425 : i32 to vector<16xi32>
        %rev3A_427 = tpu.iota {dimensions = array<i32: 0>} : vector<16xi32>
        %rev3A_428 = arith.subi %rev3A_426, %rev3A_427 : vector<16xi32>
        %rev3A_429 = tpu.dynamic_gather %masked_sort3A_423[%rev3A_428] in [0] : vector<16xf32>, vector<16xi32> -> vector<16xf32>
        %select_n3A_430 = arith.select %lt3A_2, %masked_sort3A_413, %rev3A_429 : vector<16xi1>, vector<16xf32>
        %masked_sort3A_431 = arith.constant dense<true> : vector<16xi1>
        %masked_sort3A_432, %masked_sort3A_433, %masked_sort3A_434 = tpu.sort %select_n3A_430, %select_n3A_430 masked %masked_sort3A_431 : (vector<16xf32>, vector<16xf32>, vector<16xi1>) -> (vector<16xi1>, vector<16xf32>, vector<16xf32>)
        %le3A_435 = arith.constant 2.30258512 : f32
        %le3A_436 = vector.broadcast %le3A_435 : f32 to vector<16xf32>
        %le3A_437 = arith.cmpf ole, %masked_sort3A_433, %le3A_436 : vector<16xf32>
        %neg3A_438 = arith.constant 0.000000e+00 : f32
        %neg3A_439 = vector.broadcast %neg3A_438 : f32 to vector<16xf32>
        %neg3A_440 = arith.subf %neg3A_439, %masked_sort3A_433 : vector<16xf32>
        %exp3A_441 = math.exp %neg3A_440 : vector<16xf32>
        %broadcast_in_dim3A_442 = arith.constant 0.000000e+00 : f32
        %broadcast_in_dim3A_443 = vector.broadcast %broadcast_in_dim3A_442 : f32 to vector<16xf32>
        %select_n3A_444 = arith.select %le3A_437, %exp3A_441, %broadcast_in_dim3A_443 : vector<16xi1>, vector<16xf32>
        %mul3A_445 = arith.constant 128 : i32
        %mul3A_446 = arith.muli %scan3A_66, %mul3A_445 : i32
        %add3A_447 = arith.constant 32 : i32
        %add3A_448 = arith.addi %mul3A_446, %add3A_447 : i32
        %swap3A_449 = arith.index_cast %add3A_448 : i32 to index
        %swap3A_450 = tpu.vector_load %arg7[%swap3A_449] masked %lt3A_2 {strides = array<i32>} : memref<4104xf32, #tpu.memory_space<vmem>>, vector<16xf32>, vector<16xi1>
        tpu.vector_store %arg7[%swap3A_449], %select_n3A_444 masked %lt3A_2 {strides = array<i32>} : memref<4104xf32, #tpu.memory_space<vmem>>, vector<16xf32>, vector<16xi1>
        %broadcast_in_dim3A_451 = arith.constant 5 : i32
        %broadcast_in_dim3A_452 = vector.broadcast %broadcast_in_dim3A_451 : i32 to vector<16x1xi32>
        %gather3A_453 = vector.shape_cast %broadcast_in_dim3A_452 : vector<16x1xi32> to vector<16xi32>
        %gather3A_454 = tpu.dynamic_gather %get3A_70[%gather3A_453] in [0] : vector<16xf32>, vector<16xi32> -> vector<16xf32>
        %sub3A_455 = arith.subf %gather3A_454, %get3A_17 : vector<16xf32>
        %mul3A_456 = arith.mulf %sub3A_455, %sub3A_455 : vector<16xf32>
        %mul3A_457 = arith.mulf %mul3A_456, %get3A_41 : vector<16xf32>
        %masked_sort3A_458 = arith.constant dense<true> : vector<16xi1>
        %masked_sort3A_459, %masked_sort3A_460, %masked_sort3A_461 = tpu.sort %mul3A_457, %mul3A_457 masked %masked_sort3A_458 : (vector<16xf32>, vector<16xf32>, vector<16xi1>) -> (vector<16xi1>, vector<16xf32>, vector<16xf32>)
        %sub3A_462 = arith.subf %gather3A_454, %get3A_23 : vector<16xf32>
        %mul3A_463 = arith.mulf %sub3A_462, %sub3A_462 : vector<16xf32>
        %mul3A_464 = arith.mulf %mul3A_463, %get3A_47 : vector<16xf32>
        %masked_sort3A_465 = arith.constant dense<true> : vector<16xi1>
        %masked_sort3A_466, %masked_sort3A_467, %masked_sort3A_468 = tpu.sort %mul3A_464, %mul3A_464 masked %masked_sort3A_465 : (vector<16xf32>, vector<16xf32>, vector<16xi1>) -> (vector<16xi1>, vector<16xf32>, vector<16xf32>)
        %sub3A_469 = arith.subf %gather3A_454, %get3A_29 : vector<16xf32>
        %mul3A_470 = arith.mulf %sub3A_469, %sub3A_469 : vector<16xf32>
        %mul3A_471 = arith.mulf %mul3A_470, %get3A_53 : vector<16xf32>
        %masked_sort3A_472 = arith.constant dense<true> : vector<16xi1>
        %masked_sort3A_473, %masked_sort3A_474, %masked_sort3A_475 = tpu.sort %mul3A_471, %mul3A_471 masked %masked_sort3A_472 : (vector<16xf32>, vector<16xf32>, vector<16xi1>) -> (vector<16xi1>, vector<16xf32>, vector<16xf32>)
        %sub3A_476 = arith.subf %gather3A_454, %get3A_35 : vector<16xf32>
        %mul3A_477 = arith.mulf %sub3A_476, %sub3A_476 : vector<16xf32>
        %mul3A_478 = arith.mulf %mul3A_477, %get3A_59 : vector<16xf32>
        %masked_sort3A_479 = arith.constant dense<true> : vector<16xi1>
        %masked_sort3A_480, %masked_sort3A_481, %masked_sort3A_482 = tpu.sort %mul3A_478, %mul3A_478 masked %masked_sort3A_479 : (vector<16xf32>, vector<16xf32>, vector<16xi1>) -> (vector<16xi1>, vector<16xf32>, vector<16xf32>)
        %rev3A_483 = arith.constant 15 : i32
        %rev3A_484 = vector.broadcast %rev3A_483 : i32 to vector<16xi32>
        %rev3A_485 = tpu.iota {dimensions = array<i32: 0>} : vector<16xi32>
        %rev3A_486 = arith.subi %rev3A_484, %rev3A_485 : vector<16xi32>
        %rev3A_487 = tpu.dynamic_gather %masked_sort3A_467[%rev3A_486] in [0] : vector<16xf32>, vector<16xi32> -> vector<16xf32>
        %select_n3A_488 = arith.select %lt3A_2, %masked_sort3A_460, %rev3A_487 : vector<16xi1>, vector<16xf32>
        %masked_sort3A_489 = arith.constant dense<true> : vector<16xi1>
        %masked_sort3A_490, %masked_sort3A_491, %masked_sort3A_492 = tpu.sort %select_n3A_488, %select_n3A_488 masked %masked_sort3A_489 : (vector<16xf32>, vector<16xf32>, vector<16xi1>) -> (vector<16xi1>, vector<16xf32>, vector<16xf32>)
        %rev3A_493 = arith.constant 15 : i32
        %rev3A_494 = vector.broadcast %rev3A_493 : i32 to vector<16xi32>
        %rev3A_495 = tpu.iota {dimensions = array<i32: 0>} : vector<16xi32>
        %rev3A_496 = arith.subi %rev3A_494, %rev3A_495 : vector<16xi32>
        %rev3A_497 = tpu.dynamic_gather %masked_sort3A_481[%rev3A_496] in [0] : vector<16xf32>, vector<16xi32> -> vector<16xf32>
        %select_n3A_498 = arith.select %lt3A_2, %masked_sort3A_474, %rev3A_497 : vector<16xi1>, vector<16xf32>
        %masked_sort3A_499 = arith.constant dense<true> : vector<16xi1>
        %masked_sort3A_500, %masked_sort3A_501, %masked_sort3A_502 = tpu.sort %select_n3A_498, %select_n3A_498 masked %masked_sort3A_499 : (vector<16xf32>, vector<16xf32>, vector<16xi1>) -> (vector<16xi1>, vector<16xf32>, vector<16xf32>)
        %rev3A_503 = arith.constant 15 : i32
        %rev3A_504 = vector.broadcast %rev3A_503 : i32 to vector<16xi32>
        %rev3A_505 = tpu.iota {dimensions = array<i32: 0>} : vector<16xi32>
        %rev3A_506 = arith.subi %rev3A_504, %rev3A_505 : vector<16xi32>
        %rev3A_507 = tpu.dynamic_gather %masked_sort3A_501[%rev3A_506] in [0] : vector<16xf32>, vector<16xi32> -> vector<16xf32>
        %select_n3A_508 = arith.select %lt3A_2, %masked_sort3A_491, %rev3A_507 : vector<16xi1>, vector<16xf32>
        %masked_sort3A_509 = arith.constant dense<true> : vector<16xi1>
        %masked_sort3A_510, %masked_sort3A_511, %masked_sort3A_512 = tpu.sort %select_n3A_508, %select_n3A_508 masked %masked_sort3A_509 : (vector<16xf32>, vector<16xf32>, vector<16xi1>) -> (vector<16xi1>, vector<16xf32>, vector<16xf32>)
        %le3A_513 = arith.constant 2.30258512 : f32
        %le3A_514 = vector.broadcast %le3A_513 : f32 to vector<16xf32>
        %le3A_515 = arith.cmpf ole, %masked_sort3A_511, %le3A_514 : vector<16xf32>
        %neg3A_516 = arith.constant 0.000000e+00 : f32
        %neg3A_517 = vector.broadcast %neg3A_516 : f32 to vector<16xf32>
        %neg3A_518 = arith.subf %neg3A_517, %masked_sort3A_511 : vector<16xf32>
        %exp3A_519 = math.exp %neg3A_518 : vector<16xf32>
        %broadcast_in_dim3A_520 = arith.constant 0.000000e+00 : f32
        %broadcast_in_dim3A_521 = vector.broadcast %broadcast_in_dim3A_520 : f32 to vector<16xf32>
        %select_n3A_522 = arith.select %le3A_515, %exp3A_519, %broadcast_in_dim3A_521 : vector<16xi1>, vector<16xf32>
        %mul3A_523 = arith.constant 128 : i32
        %mul3A_524 = arith.muli %scan3A_66, %mul3A_523 : i32
        %add3A_525 = arith.constant 40 : i32
        %add3A_526 = arith.addi %mul3A_524, %add3A_525 : i32
        %swap3A_527 = arith.index_cast %add3A_526 : i32 to index
        %swap3A_528 = tpu.vector_load %arg7[%swap3A_527] masked %lt3A_2 {strides = array<i32>} : memref<4104xf32, #tpu.memory_space<vmem>>, vector<16xf32>, vector<16xi1>
        tpu.vector_store %arg7[%swap3A_527], %select_n3A_522 masked %lt3A_2 {strides = array<i32>} : memref<4104xf32, #tpu.memory_space<vmem>>, vector<16xf32>, vector<16xi1>
        %broadcast_in_dim3A_529 = arith.constant 6 : i32
        %broadcast_in_dim3A_530 = vector.broadcast %broadcast_in_dim3A_529 : i32 to vector<16x1xi32>
        %gather3A_531 = vector.shape_cast %broadcast_in_dim3A_530 : vector<16x1xi32> to vector<16xi32>
        %gather3A_532 = tpu.dynamic_gather %get3A_70[%gather3A_531] in [0] : vector<16xf32>, vector<16xi32> -> vector<16xf32>
        %sub3A_533 = arith.subf %gather3A_532, %get3A_17 : vector<16xf32>
        %mul3A_534 = arith.mulf %sub3A_533, %sub3A_533 : vector<16xf32>
        %mul3A_535 = arith.mulf %mul3A_534, %get3A_41 : vector<16xf32>
        %masked_sort3A_536 = arith.constant dense<true> : vector<16xi1>
        %masked_sort3A_537, %masked_sort3A_538, %masked_sort3A_539 = tpu.sort %mul3A_535, %mul3A_535 masked %masked_sort3A_536 : (vector<16xf32>, vector<16xf32>, vector<16xi1>) -> (vector<16xi1>, vector<16xf32>, vector<16xf32>)
        %sub3A_540 = arith.subf %gather3A_532, %get3A_23 : vector<16xf32>
        %mul3A_541 = arith.mulf %sub3A_540, %sub3A_540 : vector<16xf32>
        %mul3A_542 = arith.mulf %mul3A_541, %get3A_47 : vector<16xf32>
        %masked_sort3A_543 = arith.constant dense<true> : vector<16xi1>
        %masked_sort3A_544, %masked_sort3A_545, %masked_sort3A_546 = tpu.sort %mul3A_542, %mul3A_542 masked %masked_sort3A_543 : (vector<16xf32>, vector<16xf32>, vector<16xi1>) -> (vector<16xi1>, vector<16xf32>, vector<16xf32>)
        %sub3A_547 = arith.subf %gather3A_532, %get3A_29 : vector<16xf32>
        %mul3A_548 = arith.mulf %sub3A_547, %sub3A_547 : vector<16xf32>
        %mul3A_549 = arith.mulf %mul3A_548, %get3A_53 : vector<16xf32>
        %masked_sort3A_550 = arith.constant dense<true> : vector<16xi1>
        %masked_sort3A_551, %masked_sort3A_552, %masked_sort3A_553 = tpu.sort %mul3A_549, %mul3A_549 masked %masked_sort3A_550 : (vector<16xf32>, vector<16xf32>, vector<16xi1>) -> (vector<16xi1>, vector<16xf32>, vector<16xf32>)
        %sub3A_554 = arith.subf %gather3A_532, %get3A_35 : vector<16xf32>
        %mul3A_555 = arith.mulf %sub3A_554, %sub3A_554 : vector<16xf32>
        %mul3A_556 = arith.mulf %mul3A_555, %get3A_59 : vector<16xf32>
        %masked_sort3A_557 = arith.constant dense<true> : vector<16xi1>
        %masked_sort3A_558, %masked_sort3A_559, %masked_sort3A_560 = tpu.sort %mul3A_556, %mul3A_556 masked %masked_sort3A_557 : (vector<16xf32>, vector<16xf32>, vector<16xi1>) -> (vector<16xi1>, vector<16xf32>, vector<16xf32>)
        %rev3A_561 = arith.constant 15 : i32
        %rev3A_562 = vector.broadcast %rev3A_561 : i32 to vector<16xi32>
        %rev3A_563 = tpu.iota {dimensions = array<i32: 0>} : vector<16xi32>
        %rev3A_564 = arith.subi %rev3A_562, %rev3A_563 : vector<16xi32>
        %rev3A_565 = tpu.dynamic_gather %masked_sort3A_545[%rev3A_564] in [0] : vector<16xf32>, vector<16xi32> -> vector<16xf32>
        %select_n3A_566 = arith.select %lt3A_2, %masked_sort3A_538, %rev3A_565 : vector<16xi1>, vector<16xf32>
        %masked_sort3A_567 = arith.constant dense<true> : vector<16xi1>
        %masked_sort3A_568, %masked_sort3A_569, %masked_sort3A_570 = tpu.sort %select_n3A_566, %select_n3A_566 masked %masked_sort3A_567 : (vector<16xf32>, vector<16xf32>, vector<16xi1>) -> (vector<16xi1>, vector<16xf32>, vector<16xf32>)
        %rev3A_571 = arith.constant 15 : i32
        %rev3A_572 = vector.broadcast %rev3A_571 : i32 to vector<16xi32>
        %rev3A_573 = tpu.iota {dimensions = array<i32: 0>} : vector<16xi32>
        %rev3A_574 = arith.subi %rev3A_572, %rev3A_573 : vector<16xi32>
        %rev3A_575 = tpu.dynamic_gather %masked_sort3A_559[%rev3A_574] in [0] : vector<16xf32>, vector<16xi32> -> vector<16xf32>
        %select_n3A_576 = arith.select %lt3A_2, %masked_sort3A_552, %rev3A_575 : vector<16xi1>, vector<16xf32>
        %masked_sort3A_577 = arith.constant dense<true> : vector<16xi1>
        %masked_sort3A_578, %masked_sort3A_579, %masked_sort3A_580 = tpu.sort %select_n3A_576, %select_n3A_576 masked %masked_sort3A_577 : (vector<16xf32>, vector<16xf32>, vector<16xi1>) -> (vector<16xi1>, vector<16xf32>, vector<16xf32>)
        %rev3A_581 = arith.constant 15 : i32
        %rev3A_582 = vector.broadcast %rev3A_581 : i32 to vector<16xi32>
        %rev3A_583 = tpu.iota {dimensions = array<i32: 0>} : vector<16xi32>
        %rev3A_584 = arith.subi %rev3A_582, %rev3A_583 : vector<16xi32>
        %rev3A_585 = tpu.dynamic_gather %masked_sort3A_579[%rev3A_584] in [0] : vector<16xf32>, vector<16xi32> -> vector<16xf32>
        %select_n3A_586 = arith.select %lt3A_2, %masked_sort3A_569, %rev3A_585 : vector<16xi1>, vector<16xf32>
        %masked_sort3A_587 = arith.constant dense<true> : vector<16xi1>
        %masked_sort3A_588, %masked_sort3A_589, %masked_sort3A_590 = tpu.sort %select_n3A_586, %select_n3A_586 masked %masked_sort3A_587 : (vector<16xf32>, vector<16xf32>, vector<16xi1>) -> (vector<16xi1>, vector<16xf32>, vector<16xf32>)
        %le3A_591 = arith.constant 2.30258512 : f32
        %le3A_592 = vector.broadcast %le3A_591 : f32 to vector<16xf32>
        %le3A_593 = arith.cmpf ole, %masked_sort3A_589, %le3A_592 : vector<16xf32>
        %neg3A_594 = arith.constant 0.000000e+00 : f32
        %neg3A_595 = vector.broadcast %neg3A_594 : f32 to vector<16xf32>
        %neg3A_596 = arith.subf %neg3A_595, %masked_sort3A_589 : vector<16xf32>
        %exp3A_597 = math.exp %neg3A_596 : vector<16xf32>
        %broadcast_in_dim3A_598 = arith.constant 0.000000e+00 : f32
        %broadcast_in_dim3A_599 = vector.broadcast %broadcast_in_dim3A_598 : f32 to vector<16xf32>
        %select_n3A_600 = arith.select %le3A_593, %exp3A_597, %broadcast_in_dim3A_599 : vector<16xi1>, vector<16xf32>
        %mul3A_601 = arith.constant 128 : i32
        %mul3A_602 = arith.muli %scan3A_66, %mul3A_601 : i32
        %add3A_603 = arith.constant 48 : i32
        %add3A_604 = arith.addi %mul3A_602, %add3A_603 : i32
        %swap3A_605 = arith.index_cast %add3A_604 : i32 to index
        %swap3A_606 = tpu.vector_load %arg7[%swap3A_605] masked %lt3A_2 {strides = array<i32>} : memref<4104xf32, #tpu.memory_space<vmem>>, vector<16xf32>, vector<16xi1>
        tpu.vector_store %arg7[%swap3A_605], %select_n3A_600 masked %lt3A_2 {strides = array<i32>} : memref<4104xf32, #tpu.memory_space<vmem>>, vector<16xf32>, vector<16xi1>
        %broadcast_in_dim3A_607 = arith.constant 7 : i32
        %broadcast_in_dim3A_608 = vector.broadcast %broadcast_in_dim3A_607 : i32 to vector<16x1xi32>
        %gather3A_609 = vector.shape_cast %broadcast_in_dim3A_608 : vector<16x1xi32> to vector<16xi32>
        %gather3A_610 = tpu.dynamic_gather %get3A_70[%gather3A_609] in [0] : vector<16xf32>, vector<16xi32> -> vector<16xf32>
        %sub3A_611 = arith.subf %gather3A_610, %get3A_17 : vector<16xf32>
        %mul3A_612 = arith.mulf %sub3A_611, %sub3A_611 : vector<16xf32>
        %mul3A_613 = arith.mulf %mul3A_612, %get3A_41 : vector<16xf32>
        %masked_sort3A_614 = arith.constant dense<true> : vector<16xi1>
        %masked_sort3A_615, %masked_sort3A_616, %masked_sort3A_617 = tpu.sort %mul3A_613, %mul3A_613 masked %masked_sort3A_614 : (vector<16xf32>, vector<16xf32>, vector<16xi1>) -> (vector<16xi1>, vector<16xf32>, vector<16xf32>)
        %sub3A_618 = arith.subf %gather3A_610, %get3A_23 : vector<16xf32>
        %mul3A_619 = arith.mulf %sub3A_618, %sub3A_618 : vector<16xf32>
        %mul3A_620 = arith.mulf %mul3A_619, %get3A_47 : vector<16xf32>
        %masked_sort3A_621 = arith.constant dense<true> : vector<16xi1>
        %masked_sort3A_622, %masked_sort3A_623, %masked_sort3A_624 = tpu.sort %mul3A_620, %mul3A_620 masked %masked_sort3A_621 : (vector<16xf32>, vector<16xf32>, vector<16xi1>) -> (vector<16xi1>, vector<16xf32>, vector<16xf32>)
        %sub3A_625 = arith.subf %gather3A_610, %get3A_29 : vector<16xf32>
        %mul3A_626 = arith.mulf %sub3A_625, %sub3A_625 : vector<16xf32>
        %mul3A_627 = arith.mulf %mul3A_626, %get3A_53 : vector<16xf32>
        %masked_sort3A_628 = arith.constant dense<true> : vector<16xi1>
        %masked_sort3A_629, %masked_sort3A_630, %masked_sort3A_631 = tpu.sort %mul3A_627, %mul3A_627 masked %masked_sort3A_628 : (vector<16xf32>, vector<16xf32>, vector<16xi1>) -> (vector<16xi1>, vector<16xf32>, vector<16xf32>)
        %sub3A_632 = arith.subf %gather3A_610, %get3A_35 : vector<16xf32>
        %mul3A_633 = arith.mulf %sub3A_632, %sub3A_632 : vector<16xf32>
        %mul3A_634 = arith.mulf %mul3A_633, %get3A_59 : vector<16xf32>
        %masked_sort3A_635 = arith.constant dense<true> : vector<16xi1>
        %masked_sort3A_636, %masked_sort3A_637, %masked_sort3A_638 = tpu.sort %mul3A_634, %mul3A_634 masked %masked_sort3A_635 : (vector<16xf32>, vector<16xf32>, vector<16xi1>) -> (vector<16xi1>, vector<16xf32>, vector<16xf32>)
        %rev3A_639 = arith.constant 15 : i32
        %rev3A_640 = vector.broadcast %rev3A_639 : i32 to vector<16xi32>
        %rev3A_641 = tpu.iota {dimensions = array<i32: 0>} : vector<16xi32>
        %rev3A_642 = arith.subi %rev3A_640, %rev3A_641 : vector<16xi32>
        %rev3A_643 = tpu.dynamic_gather %masked_sort3A_623[%rev3A_642] in [0] : vector<16xf32>, vector<16xi32> -> vector<16xf32>
        %select_n3A_644 = arith.select %lt3A_2, %masked_sort3A_616, %rev3A_643 : vector<16xi1>, vector<16xf32>
        %masked_sort3A_645 = arith.constant dense<true> : vector<16xi1>
        %masked_sort3A_646, %masked_sort3A_647, %masked_sort3A_648 = tpu.sort %select_n3A_644, %select_n3A_644 masked %masked_sort3A_645 : (vector<16xf32>, vector<16xf32>, vector<16xi1>) -> (vector<16xi1>, vector<16xf32>, vector<16xf32>)
        %rev3A_649 = arith.constant 15 : i32
        %rev3A_650 = vector.broadcast %rev3A_649 : i32 to vector<16xi32>
        %rev3A_651 = tpu.iota {dimensions = array<i32: 0>} : vector<16xi32>
        %rev3A_652 = arith.subi %rev3A_650, %rev3A_651 : vector<16xi32>
        %rev3A_653 = tpu.dynamic_gather %masked_sort3A_637[%rev3A_652] in [0] : vector<16xf32>, vector<16xi32> -> vector<16xf32>
        %select_n3A_654 = arith.select %lt3A_2, %masked_sort3A_630, %rev3A_653 : vector<16xi1>, vector<16xf32>
        %masked_sort3A_655 = arith.constant dense<true> : vector<16xi1>
        %masked_sort3A_656, %masked_sort3A_657, %masked_sort3A_658 = tpu.sort %select_n3A_654, %select_n3A_654 masked %masked_sort3A_655 : (vector<16xf32>, vector<16xf32>, vector<16xi1>) -> (vector<16xi1>, vector<16xf32>, vector<16xf32>)
        %rev3A_659 = arith.constant 15 : i32
        %rev3A_660 = vector.broadcast %rev3A_659 : i32 to vector<16xi32>
        %rev3A_661 = tpu.iota {dimensions = array<i32: 0>} : vector<16xi32>
        %rev3A_662 = arith.subi %rev3A_660, %rev3A_661 : vector<16xi32>
        %rev3A_663 = tpu.dynamic_gather %masked_sort3A_657[%rev3A_662] in [0] : vector<16xf32>, vector<16xi32> -> vector<16xf32>
        %select_n3A_664 = arith.select %lt3A_2, %masked_sort3A_647, %rev3A_663 : vector<16xi1>, vector<16xf32>
        %masked_sort3A_665 = arith.constant dense<true> : vector<16xi1>
        %masked_sort3A_666, %masked_sort3A_667, %masked_sort3A_668 = tpu.sort %select_n3A_664, %select_n3A_664 masked %masked_sort3A_665 : (vector<16xf32>, vector<16xf32>, vector<16xi1>) -> (vector<16xi1>, vector<16xf32>, vector<16xf32>)
        %le3A_669 = arith.constant 2.30258512 : f32
        %le3A_670 = vector.broadcast %le3A_669 : f32 to vector<16xf32>
        %le3A_671 = arith.cmpf ole, %masked_sort3A_667, %le3A_670 : vector<16xf32>
        %neg3A_672 = arith.constant 0.000000e+00 : f32
        %neg3A_673 = vector.broadcast %neg3A_672 : f32 to vector<16xf32>
        %neg3A_674 = arith.subf %neg3A_673, %masked_sort3A_667 : vector<16xf32>
        %exp3A_675 = math.exp %neg3A_674 : vector<16xf32>
        %broadcast_in_dim3A_676 = arith.constant 0.000000e+00 : f32
        %broadcast_in_dim3A_677 = vector.broadcast %broadcast_in_dim3A_676 : f32 to vector<16xf32>
        %select_n3A_678 = arith.select %le3A_671, %exp3A_675, %broadcast_in_dim3A_677 : vector<16xi1>, vector<16xf32>
        %mul3A_679 = arith.constant 128 : i32
        %mul3A_680 = arith.muli %scan3A_66, %mul3A_679 : i32
        %add3A_681 = arith.constant 56 : i32
        %add3A_682 = arith.addi %mul3A_680, %add3A_681 : i32
        %swap3A_683 = arith.index_cast %add3A_682 : i32 to index
        %swap3A_684 = tpu.vector_load %arg7[%swap3A_683] masked %lt3A_2 {strides = array<i32>} : memref<4104xf32, #tpu.memory_space<vmem>>, vector<16xf32>, vector<16xi1>
        tpu.vector_store %arg7[%swap3A_683], %select_n3A_678 masked %lt3A_2 {strides = array<i32>} : memref<4104xf32, #tpu.memory_space<vmem>>, vector<16xf32>, vector<16xi1>
        %broadcast_in_dim3A_685 = arith.constant 8 : i32
        %broadcast_in_dim3A_686 = vector.broadcast %broadcast_in_dim3A_685 : i32 to vector<16x1xi32>
        %gather3A_687 = vector.shape_cast %broadcast_in_dim3A_686 : vector<16x1xi32> to vector<16xi32>
        %gather3A_688 = tpu.dynamic_gather %get3A_70[%gather3A_687] in [0] : vector<16xf32>, vector<16xi32> -> vector<16xf32>
        %sub3A_689 = arith.subf %gather3A_688, %get3A_17 : vector<16xf32>
        %mul3A_690 = arith.mulf %sub3A_689, %sub3A_689 : vector<16xf32>
        %mul3A_691 = arith.mulf %mul3A_690, %get3A_41 : vector<16xf32>
        %masked_sort3A_692 = arith.constant dense<true> : vector<16xi1>
        %masked_sort3A_693, %masked_sort3A_694, %masked_sort3A_695 = tpu.sort %mul3A_691, %mul3A_691 masked %masked_sort3A_692 : (vector<16xf32>, vector<16xf32>, vector<16xi1>) -> (vector<16xi1>, vector<16xf32>, vector<16xf32>)
        %sub3A_696 = arith.subf %gather3A_688, %get3A_23 : vector<16xf32>
        %mul3A_697 = arith.mulf %sub3A_696, %sub3A_696 : vector<16xf32>
        %mul3A_698 = arith.mulf %mul3A_697, %get3A_47 : vector<16xf32>
        %masked_sort3A_699 = arith.constant dense<true> : vector<16xi1>
        %masked_sort3A_700, %masked_sort3A_701, %masked_sort3A_702 = tpu.sort %mul3A_698, %mul3A_698 masked %masked_sort3A_699 : (vector<16xf32>, vector<16xf32>, vector<16xi1>) -> (vector<16xi1>, vector<16xf32>, vector<16xf32>)
        %sub3A_703 = arith.subf %gather3A_688, %get3A_29 : vector<16xf32>
        %mul3A_704 = arith.mulf %sub3A_703, %sub3A_703 : vector<16xf32>
        %mul3A_705 = arith.mulf %mul3A_704, %get3A_53 : vector<16xf32>
        %masked_sort3A_706 = arith.constant dense<true> : vector<16xi1>
        %masked_sort3A_707, %masked_sort3A_708, %masked_sort3A_709 = tpu.sort %mul3A_705, %mul3A_705 masked %masked_sort3A_706 : (vector<16xf32>, vector<16xf32>, vector<16xi1>) -> (vector<16xi1>, vector<16xf32>, vector<16xf32>)
        %sub3A_710 = arith.subf %gather3A_688, %get3A_35 : vector<16xf32>
        %mul3A_711 = arith.mulf %sub3A_710, %sub3A_710 : vector<16xf32>
        %mul3A_712 = arith.mulf %mul3A_711, %get3A_59 : vector<16xf32>
        %masked_sort3A_713 = arith.constant dense<true> : vector<16xi1>
        %masked_sort3A_714, %masked_sort3A_715, %masked_sort3A_716 = tpu.sort %mul3A_712, %mul3A_712 masked %masked_sort3A_713 : (vector<16xf32>, vector<16xf32>, vector<16xi1>) -> (vector<16xi1>, vector<16xf32>, vector<16xf32>)
        %rev3A_717 = arith.constant 15 : i32
        %rev3A_718 = vector.broadcast %rev3A_717 : i32 to vector<16xi32>
        %rev3A_719 = tpu.iota {dimensions = array<i32: 0>} : vector<16xi32>
        %rev3A_720 = arith.subi %rev3A_718, %rev3A_719 : vector<16xi32>
        %rev3A_721 = tpu.dynamic_gather %masked_sort3A_701[%rev3A_720] in [0] : vector<16xf32>, vector<16xi32> -> vector<16xf32>
        %select_n3A_722 = arith.select %lt3A_2, %masked_sort3A_694, %rev3A_721 : vector<16xi1>, vector<16xf32>
        %masked_sort3A_723 = arith.constant dense<true> : vector<16xi1>
        %masked_sort3A_724, %masked_sort3A_725, %masked_sort3A_726 = tpu.sort %select_n3A_722, %select_n3A_722 masked %masked_sort3A_723 : (vector<16xf32>, vector<16xf32>, vector<16xi1>) -> (vector<16xi1>, vector<16xf32>, vector<16xf32>)
        %rev3A_727 = arith.constant 15 : i32
        %rev3A_728 = vector.broadcast %rev3A_727 : i32 to vector<16xi32>
        %rev3A_729 = tpu.iota {dimensions = array<i32: 0>} : vector<16xi32>
        %rev3A_730 = arith.subi %rev3A_728, %rev3A_729 : vector<16xi32>
        %rev3A_731 = tpu.dynamic_gather %masked_sort3A_715[%rev3A_730] in [0] : vector<16xf32>, vector<16xi32> -> vector<16xf32>
        %select_n3A_732 = arith.select %lt3A_2, %masked_sort3A_708, %rev3A_731 : vector<16xi1>, vector<16xf32>
        %masked_sort3A_733 = arith.constant dense<true> : vector<16xi1>
        %masked_sort3A_734, %masked_sort3A_735, %masked_sort3A_736 = tpu.sort %select_n3A_732, %select_n3A_732 masked %masked_sort3A_733 : (vector<16xf32>, vector<16xf32>, vector<16xi1>) -> (vector<16xi1>, vector<16xf32>, vector<16xf32>)
        %rev3A_737 = arith.constant 15 : i32
        %rev3A_738 = vector.broadcast %rev3A_737 : i32 to vector<16xi32>
        %rev3A_739 = tpu.iota {dimensions = array<i32: 0>} : vector<16xi32>
        %rev3A_740 = arith.subi %rev3A_738, %rev3A_739 : vector<16xi32>
        %rev3A_741 = tpu.dynamic_gather %masked_sort3A_735[%rev3A_740] in [0] : vector<16xf32>, vector<16xi32> -> vector<16xf32>
        %select_n3A_742 = arith.select %lt3A_2, %masked_sort3A_725, %rev3A_741 : vector<16xi1>, vector<16xf32>
        %masked_sort3A_743 = arith.constant dense<true> : vector<16xi1>
        %masked_sort3A_744, %masked_sort3A_745, %masked_sort3A_746 = tpu.sort %select_n3A_742, %select_n3A_742 masked %masked_sort3A_743 : (vector<16xf32>, vector<16xf32>, vector<16xi1>) -> (vector<16xi1>, vector<16xf32>, vector<16xf32>)
        %le3A_747 = arith.constant 2.30258512 : f32
        %le3A_748 = vector.broadcast %le3A_747 : f32 to vector<16xf32>
        %le3A_749 = arith.cmpf ole, %masked_sort3A_745, %le3A_748 : vector<16xf32>
        %neg3A_750 = arith.constant 0.000000e+00 : f32
        %neg3A_751 = vector.broadcast %neg3A_750 : f32 to vector<16xf32>
        %neg3A_752 = arith.subf %neg3A_751, %masked_sort3A_745 : vector<16xf32>
        %exp3A_753 = math.exp %neg3A_752 : vector<16xf32>
        %broadcast_in_dim3A_754 = arith.constant 0.000000e+00 : f32
        %broadcast_in_dim3A_755 = vector.broadcast %broadcast_in_dim3A_754 : f32 to vector<16xf32>
        %select_n3A_756 = arith.select %le3A_749, %exp3A_753, %broadcast_in_dim3A_755 : vector<16xi1>, vector<16xf32>
        %mul3A_757 = arith.constant 128 : i32
        %mul3A_758 = arith.muli %scan3A_66, %mul3A_757 : i32
        %add3A_759 = arith.constant 64 : i32
        %add3A_760 = arith.addi %mul3A_758, %add3A_759 : i32
        %swap3A_761 = arith.index_cast %add3A_760 : i32 to index
        %swap3A_762 = tpu.vector_load %arg7[%swap3A_761] masked %lt3A_2 {strides = array<i32>} : memref<4104xf32, #tpu.memory_space<vmem>>, vector<16xf32>, vector<16xi1>
        tpu.vector_store %arg7[%swap3A_761], %select_n3A_756 masked %lt3A_2 {strides = array<i32>} : memref<4104xf32, #tpu.memory_space<vmem>>, vector<16xf32>, vector<16xi1>
        %broadcast_in_dim3A_763 = arith.constant 9 : i32
        %broadcast_in_dim3A_764 = vector.broadcast %broadcast_in_dim3A_763 : i32 to vector<16x1xi32>
        %gather3A_765 = vector.shape_cast %broadcast_in_dim3A_764 : vector<16x1xi32> to vector<16xi32>
        %gather3A_766 = tpu.dynamic_gather %get3A_70[%gather3A_765] in [0] : vector<16xf32>, vector<16xi32> -> vector<16xf32>
        %sub3A_767 = arith.subf %gather3A_766, %get3A_17 : vector<16xf32>
        %mul3A_768 = arith.mulf %sub3A_767, %sub3A_767 : vector<16xf32>
        %mul3A_769 = arith.mulf %mul3A_768, %get3A_41 : vector<16xf32>
        %masked_sort3A_770 = arith.constant dense<true> : vector<16xi1>
        %masked_sort3A_771, %masked_sort3A_772, %masked_sort3A_773 = tpu.sort %mul3A_769, %mul3A_769 masked %masked_sort3A_770 : (vector<16xf32>, vector<16xf32>, vector<16xi1>) -> (vector<16xi1>, vector<16xf32>, vector<16xf32>)
        %sub3A_774 = arith.subf %gather3A_766, %get3A_23 : vector<16xf32>
        %mul3A_775 = arith.mulf %sub3A_774, %sub3A_774 : vector<16xf32>
        %mul3A_776 = arith.mulf %mul3A_775, %get3A_47 : vector<16xf32>
        %masked_sort3A_777 = arith.constant dense<true> : vector<16xi1>
        %masked_sort3A_778, %masked_sort3A_779, %masked_sort3A_780 = tpu.sort %mul3A_776, %mul3A_776 masked %masked_sort3A_777 : (vector<16xf32>, vector<16xf32>, vector<16xi1>) -> (vector<16xi1>, vector<16xf32>, vector<16xf32>)
        %sub3A_781 = arith.subf %gather3A_766, %get3A_29 : vector<16xf32>
        %mul3A_782 = arith.mulf %sub3A_781, %sub3A_781 : vector<16xf32>
        %mul3A_783 = arith.mulf %mul3A_782, %get3A_53 : vector<16xf32>
        %masked_sort3A_784 = arith.constant dense<true> : vector<16xi1>
        %masked_sort3A_785, %masked_sort3A_786, %masked_sort3A_787 = tpu.sort %mul3A_783, %mul3A_783 masked %masked_sort3A_784 : (vector<16xf32>, vector<16xf32>, vector<16xi1>) -> (vector<16xi1>, vector<16xf32>, vector<16xf32>)
        %sub3A_788 = arith.subf %gather3A_766, %get3A_35 : vector<16xf32>
        %mul3A_789 = arith.mulf %sub3A_788, %sub3A_788 : vector<16xf32>
        %mul3A_790 = arith.mulf %mul3A_789, %get3A_59 : vector<16xf32>
        %masked_sort3A_791 = arith.constant dense<true> : vector<16xi1>
        %masked_sort3A_792, %masked_sort3A_793, %masked_sort3A_794 = tpu.sort %mul3A_790, %mul3A_790 masked %masked_sort3A_791 : (vector<16xf32>, vector<16xf32>, vector<16xi1>) -> (vector<16xi1>, vector<16xf32>, vector<16xf32>)
        %rev3A_795 = arith.constant 15 : i32
        %rev3A_796 = vector.broadcast %rev3A_795 : i32 to vector<16xi32>
        %rev3A_797 = tpu.iota {dimensions = array<i32: 0>} : vector<16xi32>
        %rev3A_798 = arith.subi %rev3A_796, %rev3A_797 : vector<16xi32>
        %rev3A_799 = tpu.dynamic_gather %masked_sort3A_779[%rev3A_798] in [0] : vector<16xf32>, vector<16xi32> -> vector<16xf32>
        %select_n3A_800 = arith.select %lt3A_2, %masked_sort3A_772, %rev3A_799 : vector<16xi1>, vector<16xf32>
        %masked_sort3A_801 = arith.constant dense<true> : vector<16xi1>
        %masked_sort3A_802, %masked_sort3A_803, %masked_sort3A_804 = tpu.sort %select_n3A_800, %select_n3A_800 masked %masked_sort3A_801 : (vector<16xf32>, vector<16xf32>, vector<16xi1>) -> (vector<16xi1>, vector<16xf32>, vector<16xf32>)
        %rev3A_805 = arith.constant 15 : i32
        %rev3A_806 = vector.broadcast %rev3A_805 : i32 to vector<16xi32>
        %rev3A_807 = tpu.iota {dimensions = array<i32: 0>} : vector<16xi32>
        %rev3A_808 = arith.subi %rev3A_806, %rev3A_807 : vector<16xi32>
        %rev3A_809 = tpu.dynamic_gather %masked_sort3A_793[%rev3A_808] in [0] : vector<16xf32>, vector<16xi32> -> vector<16xf32>
        %select_n3A_810 = arith.select %lt3A_2, %masked_sort3A_786, %rev3A_809 : vector<16xi1>, vector<16xf32>
        %masked_sort3A_811 = arith.constant dense<true> : vector<16xi1>
        %masked_sort3A_812, %masked_sort3A_813, %masked_sort3A_814 = tpu.sort %select_n3A_810, %select_n3A_810 masked %masked_sort3A_811 : (vector<16xf32>, vector<16xf32>, vector<16xi1>) -> (vector<16xi1>, vector<16xf32>, vector<16xf32>)
        %rev3A_815 = arith.constant 15 : i32
        %rev3A_816 = vector.broadcast %rev3A_815 : i32 to vector<16xi32>
        %rev3A_817 = tpu.iota {dimensions = array<i32: 0>} : vector<16xi32>
        %rev3A_818 = arith.subi %rev3A_816, %rev3A_817 : vector<16xi32>
        %rev3A_819 = tpu.dynamic_gather %masked_sort3A_813[%rev3A_818] in [0] : vector<16xf32>, vector<16xi32> -> vector<16xf32>
        %select_n3A_820 = arith.select %lt3A_2, %masked_sort3A_803, %rev3A_819 : vector<16xi1>, vector<16xf32>
        %masked_sort3A_821 = arith.constant dense<true> : vector<16xi1>
        %masked_sort3A_822, %masked_sort3A_823, %masked_sort3A_824 = tpu.sort %select_n3A_820, %select_n3A_820 masked %masked_sort3A_821 : (vector<16xf32>, vector<16xf32>, vector<16xi1>) -> (vector<16xi1>, vector<16xf32>, vector<16xf32>)
        %le3A_825 = arith.constant 2.30258512 : f32
        %le3A_826 = vector.broadcast %le3A_825 : f32 to vector<16xf32>
        %le3A_827 = arith.cmpf ole, %masked_sort3A_823, %le3A_826 : vector<16xf32>
        %neg3A_828 = arith.constant 0.000000e+00 : f32
        %neg3A_829 = vector.broadcast %neg3A_828 : f32 to vector<16xf32>
        %neg3A_830 = arith.subf %neg3A_829, %masked_sort3A_823 : vector<16xf32>
        %exp3A_831 = math.exp %neg3A_830 : vector<16xf32>
        %broadcast_in_dim3A_832 = arith.constant 0.000000e+00 : f32
        %broadcast_in_dim3A_833 = vector.broadcast %broadcast_in_dim3A_832 : f32 to vector<16xf32>
        %select_n3A_834 = arith.select %le3A_827, %exp3A_831, %broadcast_in_dim3A_833 : vector<16xi1>, vector<16xf32>
        %mul3A_835 = arith.constant 128 : i32
        %mul3A_836 = arith.muli %scan3A_66, %mul3A_835 : i32
        %add3A_837 = arith.constant 72 : i32
        %add3A_838 = arith.addi %mul3A_836, %add3A_837 : i32
        %swap3A_839 = arith.index_cast %add3A_838 : i32 to index
        %swap3A_840 = tpu.vector_load %arg7[%swap3A_839] masked %lt3A_2 {strides = array<i32>} : memref<4104xf32, #tpu.memory_space<vmem>>, vector<16xf32>, vector<16xi1>
        tpu.vector_store %arg7[%swap3A_839], %select_n3A_834 masked %lt3A_2 {strides = array<i32>} : memref<4104xf32, #tpu.memory_space<vmem>>, vector<16xf32>, vector<16xi1>
        %broadcast_in_dim3A_841 = arith.constant 10 : i32
        %broadcast_in_dim3A_842 = vector.broadcast %broadcast_in_dim3A_841 : i32 to vector<16x1xi32>
        %gather3A_843 = vector.shape_cast %broadcast_in_dim3A_842 : vector<16x1xi32> to vector<16xi32>
        %gather3A_844 = tpu.dynamic_gather %get3A_70[%gather3A_843] in [0] : vector<16xf32>, vector<16xi32> -> vector<16xf32>
        %sub3A_845 = arith.subf %gather3A_844, %get3A_17 : vector<16xf32>
        %mul3A_846 = arith.mulf %sub3A_845, %sub3A_845 : vector<16xf32>
        %mul3A_847 = arith.mulf %mul3A_846, %get3A_41 : vector<16xf32>
        %masked_sort3A_848 = arith.constant dense<true> : vector<16xi1>
        %masked_sort3A_849, %masked_sort3A_850, %masked_sort3A_851 = tpu.sort %mul3A_847, %mul3A_847 masked %masked_sort3A_848 : (vector<16xf32>, vector<16xf32>, vector<16xi1>) -> (vector<16xi1>, vector<16xf32>, vector<16xf32>)
        %sub3A_852 = arith.subf %gather3A_844, %get3A_23 : vector<16xf32>
        %mul3A_853 = arith.mulf %sub3A_852, %sub3A_852 : vector<16xf32>
        %mul3A_854 = arith.mulf %mul3A_853, %get3A_47 : vector<16xf32>
        %masked_sort3A_855 = arith.constant dense<true> : vector<16xi1>
        %masked_sort3A_856, %masked_sort3A_857, %masked_sort3A_858 = tpu.sort %mul3A_854, %mul3A_854 masked %masked_sort3A_855 : (vector<16xf32>, vector<16xf32>, vector<16xi1>) -> (vector<16xi1>, vector<16xf32>, vector<16xf32>)
        %sub3A_859 = arith.subf %gather3A_844, %get3A_29 : vector<16xf32>
        %mul3A_860 = arith.mulf %sub3A_859, %sub3A_859 : vector<16xf32>
        %mul3A_861 = arith.mulf %mul3A_860, %get3A_53 : vector<16xf32>
        %masked_sort3A_862 = arith.constant dense<true> : vector<16xi1>
        %masked_sort3A_863, %masked_sort3A_864, %masked_sort3A_865 = tpu.sort %mul3A_861, %mul3A_861 masked %masked_sort3A_862 : (vector<16xf32>, vector<16xf32>, vector<16xi1>) -> (vector<16xi1>, vector<16xf32>, vector<16xf32>)
        %sub3A_866 = arith.subf %gather3A_844, %get3A_35 : vector<16xf32>
        %mul3A_867 = arith.mulf %sub3A_866, %sub3A_866 : vector<16xf32>
        %mul3A_868 = arith.mulf %mul3A_867, %get3A_59 : vector<16xf32>
        %masked_sort3A_869 = arith.constant dense<true> : vector<16xi1>
        %masked_sort3A_870, %masked_sort3A_871, %masked_sort3A_872 = tpu.sort %mul3A_868, %mul3A_868 masked %masked_sort3A_869 : (vector<16xf32>, vector<16xf32>, vector<16xi1>) -> (vector<16xi1>, vector<16xf32>, vector<16xf32>)
        %rev3A_873 = arith.constant 15 : i32
        %rev3A_874 = vector.broadcast %rev3A_873 : i32 to vector<16xi32>
        %rev3A_875 = tpu.iota {dimensions = array<i32: 0>} : vector<16xi32>
        %rev3A_876 = arith.subi %rev3A_874, %rev3A_875 : vector<16xi32>
        %rev3A_877 = tpu.dynamic_gather %masked_sort3A_857[%rev3A_876] in [0] : vector<16xf32>, vector<16xi32> -> vector<16xf32>
        %select_n3A_878 = arith.select %lt3A_2, %masked_sort3A_850, %rev3A_877 : vector<16xi1>, vector<16xf32>
        %masked_sort3A_879 = arith.constant dense<true> : vector<16xi1>
        %masked_sort3A_880, %masked_sort3A_881, %masked_sort3A_882 = tpu.sort %select_n3A_878, %select_n3A_878 masked %masked_sort3A_879 : (vector<16xf32>, vector<16xf32>, vector<16xi1>) -> (vector<16xi1>, vector<16xf32>, vector<16xf32>)
        %rev3A_883 = arith.constant 15 : i32
        %rev3A_884 = vector.broadcast %rev3A_883 : i32 to vector<16xi32>
        %rev3A_885 = tpu.iota {dimensions = array<i32: 0>} : vector<16xi32>
        %rev3A_886 = arith.subi %rev3A_884, %rev3A_885 : vector<16xi32>
        %rev3A_887 = tpu.dynamic_gather %masked_sort3A_871[%rev3A_886] in [0] : vector<16xf32>, vector<16xi32> -> vector<16xf32>
        %select_n3A_888 = arith.select %lt3A_2, %masked_sort3A_864, %rev3A_887 : vector<16xi1>, vector<16xf32>
        %masked_sort3A_889 = arith.constant dense<true> : vector<16xi1>
        %masked_sort3A_890, %masked_sort3A_891, %masked_sort3A_892 = tpu.sort %select_n3A_888, %select_n3A_888 masked %masked_sort3A_889 : (vector<16xf32>, vector<16xf32>, vector<16xi1>) -> (vector<16xi1>, vector<16xf32>, vector<16xf32>)
        %rev3A_893 = arith.constant 15 : i32
        %rev3A_894 = vector.broadcast %rev3A_893 : i32 to vector<16xi32>
        %rev3A_895 = tpu.iota {dimensions = array<i32: 0>} : vector<16xi32>
        %rev3A_896 = arith.subi %rev3A_894, %rev3A_895 : vector<16xi32>
        %rev3A_897 = tpu.dynamic_gather %masked_sort3A_891[%rev3A_896] in [0] : vector<16xf32>, vector<16xi32> -> vector<16xf32>
        %select_n3A_898 = arith.select %lt3A_2, %masked_sort3A_881, %rev3A_897 : vector<16xi1>, vector<16xf32>
        %masked_sort3A_899 = arith.constant dense<true> : vector<16xi1>
        %masked_sort3A_900, %masked_sort3A_901, %masked_sort3A_902 = tpu.sort %select_n3A_898, %select_n3A_898 masked %masked_sort3A_899 : (vector<16xf32>, vector<16xf32>, vector<16xi1>) -> (vector<16xi1>, vector<16xf32>, vector<16xf32>)
        %le3A_903 = arith.constant 2.30258512 : f32
        %le3A_904 = vector.broadcast %le3A_903 : f32 to vector<16xf32>
        %le3A_905 = arith.cmpf ole, %masked_sort3A_901, %le3A_904 : vector<16xf32>
        %neg3A_906 = arith.constant 0.000000e+00 : f32
        %neg3A_907 = vector.broadcast %neg3A_906 : f32 to vector<16xf32>
        %neg3A_908 = arith.subf %neg3A_907, %masked_sort3A_901 : vector<16xf32>
        %exp3A_909 = math.exp %neg3A_908 : vector<16xf32>
        %broadcast_in_dim3A_910 = arith.constant 0.000000e+00 : f32
        %broadcast_in_dim3A_911 = vector.broadcast %broadcast_in_dim3A_910 : f32 to vector<16xf32>
        %select_n3A_912 = arith.select %le3A_905, %exp3A_909, %broadcast_in_dim3A_911 : vector<16xi1>, vector<16xf32>
        %mul3A_913 = arith.constant 128 : i32
        %mul3A_914 = arith.muli %scan3A_66, %mul3A_913 : i32
        %add3A_915 = arith.constant 80 : i32
        %add3A_916 = arith.addi %mul3A_914, %add3A_915 : i32
        %swap3A_917 = arith.index_cast %add3A_916 : i32 to index
        %swap3A_918 = tpu.vector_load %arg7[%swap3A_917] masked %lt3A_2 {strides = array<i32>} : memref<4104xf32, #tpu.memory_space<vmem>>, vector<16xf32>, vector<16xi1>
        tpu.vector_store %arg7[%swap3A_917], %select_n3A_912 masked %lt3A_2 {strides = array<i32>} : memref<4104xf32, #tpu.memory_space<vmem>>, vector<16xf32>, vector<16xi1>
        %broadcast_in_dim3A_919 = arith.constant 11 : i32
        %broadcast_in_dim3A_920 = vector.broadcast %broadcast_in_dim3A_919 : i32 to vector<16x1xi32>
        %gather3A_921 = vector.shape_cast %broadcast_in_dim3A_920 : vector<16x1xi32> to vector<16xi32>
        %gather3A_922 = tpu.dynamic_gather %get3A_70[%gather3A_921] in [0] : vector<16xf32>, vector<16xi32> -> vector<16xf32>
        %sub3A_923 = arith.subf %gather3A_922, %get3A_17 : vector<16xf32>
        %mul3A_924 = arith.mulf %sub3A_923, %sub3A_923 : vector<16xf32>
        %mul3A_925 = arith.mulf %mul3A_924, %get3A_41 : vector<16xf32>
        %masked_sort3A_926 = arith.constant dense<true> : vector<16xi1>
        %masked_sort3A_927, %masked_sort3A_928, %masked_sort3A_929 = tpu.sort %mul3A_925, %mul3A_925 masked %masked_sort3A_926 : (vector<16xf32>, vector<16xf32>, vector<16xi1>) -> (vector<16xi1>, vector<16xf32>, vector<16xf32>)
        %sub3A_930 = arith.subf %gather3A_922, %get3A_23 : vector<16xf32>
        %mul3A_931 = arith.mulf %sub3A_930, %sub3A_930 : vector<16xf32>
        %mul3A_932 = arith.mulf %mul3A_931, %get3A_47 : vector<16xf32>
        %masked_sort3A_933 = arith.constant dense<true> : vector<16xi1>
        %masked_sort3A_934, %masked_sort3A_935, %masked_sort3A_936 = tpu.sort %mul3A_932, %mul3A_932 masked %masked_sort3A_933 : (vector<16xf32>, vector<16xf32>, vector<16xi1>) -> (vector<16xi1>, vector<16xf32>, vector<16xf32>)
        %sub3A_937 = arith.subf %gather3A_922, %get3A_29 : vector<16xf32>
        %mul3A_938 = arith.mulf %sub3A_937, %sub3A_937 : vector<16xf32>
        %mul3A_939 = arith.mulf %mul3A_938, %get3A_53 : vector<16xf32>
        %masked_sort3A_940 = arith.constant dense<true> : vector<16xi1>
        %masked_sort3A_941, %masked_sort3A_942, %masked_sort3A_943 = tpu.sort %mul3A_939, %mul3A_939 masked %masked_sort3A_940 : (vector<16xf32>, vector<16xf32>, vector<16xi1>) -> (vector<16xi1>, vector<16xf32>, vector<16xf32>)
        %sub3A_944 = arith.subf %gather3A_922, %get3A_35 : vector<16xf32>
        %mul3A_945 = arith.mulf %sub3A_944, %sub3A_944 : vector<16xf32>
        %mul3A_946 = arith.mulf %mul3A_945, %get3A_59 : vector<16xf32>
        %masked_sort3A_947 = arith.constant dense<true> : vector<16xi1>
        %masked_sort3A_948, %masked_sort3A_949, %masked_sort3A_950 = tpu.sort %mul3A_946, %mul3A_946 masked %masked_sort3A_947 : (vector<16xf32>, vector<16xf32>, vector<16xi1>) -> (vector<16xi1>, vector<16xf32>, vector<16xf32>)
        %rev3A_951 = arith.constant 15 : i32
        %rev3A_952 = vector.broadcast %rev3A_951 : i32 to vector<16xi32>
        %rev3A_953 = tpu.iota {dimensions = array<i32: 0>} : vector<16xi32>
        %rev3A_954 = arith.subi %rev3A_952, %rev3A_953 : vector<16xi32>
        %rev3A_955 = tpu.dynamic_gather %masked_sort3A_935[%rev3A_954] in [0] : vector<16xf32>, vector<16xi32> -> vector<16xf32>
        %select_n3A_956 = arith.select %lt3A_2, %masked_sort3A_928, %rev3A_955 : vector<16xi1>, vector<16xf32>
        %masked_sort3A_957 = arith.constant dense<true> : vector<16xi1>
        %masked_sort3A_958, %masked_sort3A_959, %masked_sort3A_960 = tpu.sort %select_n3A_956, %select_n3A_956 masked %masked_sort3A_957 : (vector<16xf32>, vector<16xf32>, vector<16xi1>) -> (vector<16xi1>, vector<16xf32>, vector<16xf32>)
        %rev3A_961 = arith.constant 15 : i32
        %rev3A_962 = vector.broadcast %rev3A_961 : i32 to vector<16xi32>
        %rev3A_963 = tpu.iota {dimensions = array<i32: 0>} : vector<16xi32>
        %rev3A_964 = arith.subi %rev3A_962, %rev3A_963 : vector<16xi32>
        %rev3A_965 = tpu.dynamic_gather %masked_sort3A_949[%rev3A_964] in [0] : vector<16xf32>, vector<16xi32> -> vector<16xf32>
        %select_n3A_966 = arith.select %lt3A_2, %masked_sort3A_942, %rev3A_965 : vector<16xi1>, vector<16xf32>
        %masked_sort3A_967 = arith.constant dense<true> : vector<16xi1>
        %masked_sort3A_968, %masked_sort3A_969, %masked_sort3A_970 = tpu.sort %select_n3A_966, %select_n3A_966 masked %masked_sort3A_967 : (vector<16xf32>, vector<16xf32>, vector<16xi1>) -> (vector<16xi1>, vector<16xf32>, vector<16xf32>)
        %rev3A_971 = arith.constant 15 : i32
        %rev3A_972 = vector.broadcast %rev3A_971 : i32 to vector<16xi32>
        %rev3A_973 = tpu.iota {dimensions = array<i32: 0>} : vector<16xi32>
        %rev3A_974 = arith.subi %rev3A_972, %rev3A_973 : vector<16xi32>
        %rev3A_975 = tpu.dynamic_gather %masked_sort3A_969[%rev3A_974] in [0] : vector<16xf32>, vector<16xi32> -> vector<16xf32>
        %select_n3A_976 = arith.select %lt3A_2, %masked_sort3A_959, %rev3A_975 : vector<16xi1>, vector<16xf32>
        %masked_sort3A_977 = arith.constant dense<true> : vector<16xi1>
        %masked_sort3A_978, %masked_sort3A_979, %masked_sort3A_980 = tpu.sort %select_n3A_976, %select_n3A_976 masked %masked_sort3A_977 : (vector<16xf32>, vector<16xf32>, vector<16xi1>) -> (vector<16xi1>, vector<16xf32>, vector<16xf32>)
        %le3A_981 = arith.constant 2.30258512 : f32
        %le3A_982 = vector.broadcast %le3A_981 : f32 to vector<16xf32>
        %le3A_983 = arith.cmpf ole, %masked_sort3A_979, %le3A_982 : vector<16xf32>
        %neg3A_984 = arith.constant 0.000000e+00 : f32
        %neg3A_985 = vector.broadcast %neg3A_984 : f32 to vector<16xf32>
        %neg3A_986 = arith.subf %neg3A_985, %masked_sort3A_979 : vector<16xf32>
        %exp3A_987 = math.exp %neg3A_986 : vector<16xf32>
        %broadcast_in_dim3A_988 = arith.constant 0.000000e+00 : f32
        %broadcast_in_dim3A_989 = vector.broadcast %broadcast_in_dim3A_988 : f32 to vector<16xf32>
        %select_n3A_990 = arith.select %le3A_983, %exp3A_987, %broadcast_in_dim3A_989 : vector<16xi1>, vector<16xf32>
        %mul3A_991 = arith.constant 128 : i32
        %mul3A_992 = arith.muli %scan3A_66, %mul3A_991 : i32
        %add3A_993 = arith.constant 88 : i32
        %add3A_994 = arith.addi %mul3A_992, %add3A_993 : i32
        %swap3A_995 = arith.index_cast %add3A_994 : i32 to index
        %swap3A_996 = tpu.vector_load %arg7[%swap3A_995] masked %lt3A_2 {strides = array<i32>} : memref<4104xf32, #tpu.memory_space<vmem>>, vector<16xf32>, vector<16xi1>
        tpu.vector_store %arg7[%swap3A_995], %select_n3A_990 masked %lt3A_2 {strides = array<i32>} : memref<4104xf32, #tpu.memory_space<vmem>>, vector<16xf32>, vector<16xi1>
        %broadcast_in_dim3A_997 = arith.constant 12 : i32
        %broadcast_in_dim3A_998 = vector.broadcast %broadcast_in_dim3A_997 : i32 to vector<16x1xi32>
        %gather3A_999 = vector.shape_cast %broadcast_in_dim3A_998 : vector<16x1xi32> to vector<16xi32>
        %gather3A_1000 = tpu.dynamic_gather %get3A_70[%gather3A_999] in [0] : vector<16xf32>, vector<16xi32> -> vector<16xf32>
        %sub3A_1001 = arith.subf %gather3A_1000, %get3A_17 : vector<16xf32>
        %mul3A_1002 = arith.mulf %sub3A_1001, %sub3A_1001 : vector<16xf32>
        %mul3A_1003 = arith.mulf %mul3A_1002, %get3A_41 : vector<16xf32>
        %masked_sort3A_1004 = arith.constant dense<true> : vector<16xi1>
        %masked_sort3A_1005, %masked_sort3A_1006, %masked_sort3A_1007 = tpu.sort %mul3A_1003, %mul3A_1003 masked %masked_sort3A_1004 : (vector<16xf32>, vector<16xf32>, vector<16xi1>) -> (vector<16xi1>, vector<16xf32>, vector<16xf32>)
        %sub3A_1008 = arith.subf %gather3A_1000, %get3A_23 : vector<16xf32>
        %mul3A_1009 = arith.mulf %sub3A_1008, %sub3A_1008 : vector<16xf32>
        %mul3A_1010 = arith.mulf %mul3A_1009, %get3A_47 : vector<16xf32>
        %masked_sort3A_1011 = arith.constant dense<true> : vector<16xi1>
        %masked_sort3A_1012, %masked_sort3A_1013, %masked_sort3A_1014 = tpu.sort %mul3A_1010, %mul3A_1010 masked %masked_sort3A_1011 : (vector<16xf32>, vector<16xf32>, vector<16xi1>) -> (vector<16xi1>, vector<16xf32>, vector<16xf32>)
        %sub3A_1015 = arith.subf %gather3A_1000, %get3A_29 : vector<16xf32>
        %mul3A_1016 = arith.mulf %sub3A_1015, %sub3A_1015 : vector<16xf32>
        %mul3A_1017 = arith.mulf %mul3A_1016, %get3A_53 : vector<16xf32>
        %masked_sort3A_1018 = arith.constant dense<true> : vector<16xi1>
        %masked_sort3A_1019, %masked_sort3A_1020, %masked_sort3A_1021 = tpu.sort %mul3A_1017, %mul3A_1017 masked %masked_sort3A_1018 : (vector<16xf32>, vector<16xf32>, vector<16xi1>) -> (vector<16xi1>, vector<16xf32>, vector<16xf32>)
        %sub3A_1022 = arith.subf %gather3A_1000, %get3A_35 : vector<16xf32>
        %mul3A_1023 = arith.mulf %sub3A_1022, %sub3A_1022 : vector<16xf32>
        %mul3A_1024 = arith.mulf %mul3A_1023, %get3A_59 : vector<16xf32>
        %masked_sort3A_1025 = arith.constant dense<true> : vector<16xi1>
        %masked_sort3A_1026, %masked_sort3A_1027, %masked_sort3A_1028 = tpu.sort %mul3A_1024, %mul3A_1024 masked %masked_sort3A_1025 : (vector<16xf32>, vector<16xf32>, vector<16xi1>) -> (vector<16xi1>, vector<16xf32>, vector<16xf32>)
        %rev3A_1029 = arith.constant 15 : i32
        %rev3A_1030 = vector.broadcast %rev3A_1029 : i32 to vector<16xi32>
        %rev3A_1031 = tpu.iota {dimensions = array<i32: 0>} : vector<16xi32>
        %rev3A_1032 = arith.subi %rev3A_1030, %rev3A_1031 : vector<16xi32>
        %rev3A_1033 = tpu.dynamic_gather %masked_sort3A_1013[%rev3A_1032] in [0] : vector<16xf32>, vector<16xi32> -> vector<16xf32>
        %select_n3A_1034 = arith.select %lt3A_2, %masked_sort3A_1006, %rev3A_1033 : vector<16xi1>, vector<16xf32>
        %masked_sort3A_1035 = arith.constant dense<true> : vector<16xi1>
        %masked_sort3A_1036, %masked_sort3A_1037, %masked_sort3A_1038 = tpu.sort %select_n3A_1034, %select_n3A_1034 masked %masked_sort3A_1035 : (vector<16xf32>, vector<16xf32>, vector<16xi1>) -> (vector<16xi1>, vector<16xf32>, vector<16xf32>)
        %rev3A_1039 = arith.constant 15 : i32
        %rev3A_1040 = vector.broadcast %rev3A_1039 : i32 to vector<16xi32>
        %rev3A_1041 = tpu.iota {dimensions = array<i32: 0>} : vector<16xi32>
        %rev3A_1042 = arith.subi %rev3A_1040, %rev3A_1041 : vector<16xi32>
        %rev3A_1043 = tpu.dynamic_gather %masked_sort3A_1027[%rev3A_1042] in [0] : vector<16xf32>, vector<16xi32> -> vector<16xf32>
        %select_n3A_1044 = arith.select %lt3A_2, %masked_sort3A_1020, %rev3A_1043 : vector<16xi1>, vector<16xf32>
        %masked_sort3A_1045 = arith.constant dense<true> : vector<16xi1>
        %masked_sort3A_1046, %masked_sort3A_1047, %masked_sort3A_1048 = tpu.sort %select_n3A_1044, %select_n3A_1044 masked %masked_sort3A_1045 : (vector<16xf32>, vector<16xf32>, vector<16xi1>) -> (vector<16xi1>, vector<16xf32>, vector<16xf32>)
        %rev3A_1049 = arith.constant 15 : i32
        %rev3A_1050 = vector.broadcast %rev3A_1049 : i32 to vector<16xi32>
        %rev3A_1051 = tpu.iota {dimensions = array<i32: 0>} : vector<16xi32>
        %rev3A_1052 = arith.subi %rev3A_1050, %rev3A_1051 : vector<16xi32>
        %rev3A_1053 = tpu.dynamic_gather %masked_sort3A_1047[%rev3A_1052] in [0] : vector<16xf32>, vector<16xi32> -> vector<16xf32>
        %select_n3A_1054 = arith.select %lt3A_2, %masked_sort3A_1037, %rev3A_1053 : vector<16xi1>, vector<16xf32>
        %masked_sort3A_1055 = arith.constant dense<true> : vector<16xi1>
        %masked_sort3A_1056, %masked_sort3A_1057, %masked_sort3A_1058 = tpu.sort %select_n3A_1054, %select_n3A_1054 masked %masked_sort3A_1055 : (vector<16xf32>, vector<16xf32>, vector<16xi1>) -> (vector<16xi1>, vector<16xf32>, vector<16xf32>)
        %le3A_1059 = arith.constant 2.30258512 : f32
        %le3A_1060 = vector.broadcast %le3A_1059 : f32 to vector<16xf32>
        %le3A_1061 = arith.cmpf ole, %masked_sort3A_1057, %le3A_1060 : vector<16xf32>
        %neg3A_1062 = arith.constant 0.000000e+00 : f32
        %neg3A_1063 = vector.broadcast %neg3A_1062 : f32 to vector<16xf32>
        %neg3A_1064 = arith.subf %neg3A_1063, %masked_sort3A_1057 : vector<16xf32>
        %exp3A_1065 = math.exp %neg3A_1064 : vector<16xf32>
        %broadcast_in_dim3A_1066 = arith.constant 0.000000e+00 : f32
        %broadcast_in_dim3A_1067 = vector.broadcast %broadcast_in_dim3A_1066 : f32 to vector<16xf32>
        %select_n3A_1068 = arith.select %le3A_1061, %exp3A_1065, %broadcast_in_dim3A_1067 : vector<16xi1>, vector<16xf32>
        %mul3A_1069 = arith.constant 128 : i32
        %mul3A_1070 = arith.muli %scan3A_66, %mul3A_1069 : i32
        %add3A_1071 = arith.constant 96 : i32
        %add3A_1072 = arith.addi %mul3A_1070, %add3A_1071 : i32
        %swap3A_1073 = arith.index_cast %add3A_1072 : i32 to index
        %swap3A_1074 = tpu.vector_load %arg7[%swap3A_1073] masked %lt3A_2 {strides = array<i32>} : memref<4104xf32, #tpu.memory_space<vmem>>, vector<16xf32>, vector<16xi1>
        tpu.vector_store %arg7[%swap3A_1073], %select_n3A_1068 masked %lt3A_2 {strides = array<i32>} : memref<4104xf32, #tpu.memory_space<vmem>>, vector<16xf32>, vector<16xi1>
        %broadcast_in_dim3A_1075 = arith.constant 13 : i32
        %broadcast_in_dim3A_1076 = vector.broadcast %broadcast_in_dim3A_1075 : i32 to vector<16x1xi32>
        %gather3A_1077 = vector.shape_cast %broadcast_in_dim3A_1076 : vector<16x1xi32> to vector<16xi32>
        %gather3A_1078 = tpu.dynamic_gather %get3A_70[%gather3A_1077] in [0] : vector<16xf32>, vector<16xi32> -> vector<16xf32>
        %sub3A_1079 = arith.subf %gather3A_1078, %get3A_17 : vector<16xf32>
        %mul3A_1080 = arith.mulf %sub3A_1079, %sub3A_1079 : vector<16xf32>
        %mul3A_1081 = arith.mulf %mul3A_1080, %get3A_41 : vector<16xf32>
        %masked_sort3A_1082 = arith.constant dense<true> : vector<16xi1>
        %masked_sort3A_1083, %masked_sort3A_1084, %masked_sort3A_1085 = tpu.sort %mul3A_1081, %mul3A_1081 masked %masked_sort3A_1082 : (vector<16xf32>, vector<16xf32>, vector<16xi1>) -> (vector<16xi1>, vector<16xf32>, vector<16xf32>)
        %sub3A_1086 = arith.subf %gather3A_1078, %get3A_23 : vector<16xf32>
        %mul3A_1087 = arith.mulf %sub3A_1086, %sub3A_1086 : vector<16xf32>
        %mul3A_1088 = arith.mulf %mul3A_1087, %get3A_47 : vector<16xf32>
        %masked_sort3A_1089 = arith.constant dense<true> : vector<16xi1>
        %masked_sort3A_1090, %masked_sort3A_1091, %masked_sort3A_1092 = tpu.sort %mul3A_1088, %mul3A_1088 masked %masked_sort3A_1089 : (vector<16xf32>, vector<16xf32>, vector<16xi1>) -> (vector<16xi1>, vector<16xf32>, vector<16xf32>)
        %sub3A_1093 = arith.subf %gather3A_1078, %get3A_29 : vector<16xf32>
        %mul3A_1094 = arith.mulf %sub3A_1093, %sub3A_1093 : vector<16xf32>
        %mul3A_1095 = arith.mulf %mul3A_1094, %get3A_53 : vector<16xf32>
        %masked_sort3A_1096 = arith.constant dense<true> : vector<16xi1>
        %masked_sort3A_1097, %masked_sort3A_1098, %masked_sort3A_1099 = tpu.sort %mul3A_1095, %mul3A_1095 masked %masked_sort3A_1096 : (vector<16xf32>, vector<16xf32>, vector<16xi1>) -> (vector<16xi1>, vector<16xf32>, vector<16xf32>)
        %sub3A_1100 = arith.subf %gather3A_1078, %get3A_35 : vector<16xf32>
        %mul3A_1101 = arith.mulf %sub3A_1100, %sub3A_1100 : vector<16xf32>
        %mul3A_1102 = arith.mulf %mul3A_1101, %get3A_59 : vector<16xf32>
        %masked_sort3A_1103 = arith.constant dense<true> : vector<16xi1>
        %masked_sort3A_1104, %masked_sort3A_1105, %masked_sort3A_1106 = tpu.sort %mul3A_1102, %mul3A_1102 masked %masked_sort3A_1103 : (vector<16xf32>, vector<16xf32>, vector<16xi1>) -> (vector<16xi1>, vector<16xf32>, vector<16xf32>)
        %rev3A_1107 = arith.constant 15 : i32
        %rev3A_1108 = vector.broadcast %rev3A_1107 : i32 to vector<16xi32>
        %rev3A_1109 = tpu.iota {dimensions = array<i32: 0>} : vector<16xi32>
        %rev3A_1110 = arith.subi %rev3A_1108, %rev3A_1109 : vector<16xi32>
        %rev3A_1111 = tpu.dynamic_gather %masked_sort3A_1091[%rev3A_1110] in [0] : vector<16xf32>, vector<16xi32> -> vector<16xf32>
        %select_n3A_1112 = arith.select %lt3A_2, %masked_sort3A_1084, %rev3A_1111 : vector<16xi1>, vector<16xf32>
        %masked_sort3A_1113 = arith.constant dense<true> : vector<16xi1>
        %masked_sort3A_1114, %masked_sort3A_1115, %masked_sort3A_1116 = tpu.sort %select_n3A_1112, %select_n3A_1112 masked %masked_sort3A_1113 : (vector<16xf32>, vector<16xf32>, vector<16xi1>) -> (vector<16xi1>, vector<16xf32>, vector<16xf32>)
        %rev3A_1117 = arith.constant 15 : i32
        %rev3A_1118 = vector.broadcast %rev3A_1117 : i32 to vector<16xi32>
        %rev3A_1119 = tpu.iota {dimensions = array<i32: 0>} : vector<16xi32>
        %rev3A_1120 = arith.subi %rev3A_1118, %rev3A_1119 : vector<16xi32>
        %rev3A_1121 = tpu.dynamic_gather %masked_sort3A_1105[%rev3A_1120] in [0] : vector<16xf32>, vector<16xi32> -> vector<16xf32>
        %select_n3A_1122 = arith.select %lt3A_2, %masked_sort3A_1098, %rev3A_1121 : vector<16xi1>, vector<16xf32>
        %masked_sort3A_1123 = arith.constant dense<true> : vector<16xi1>
        %masked_sort3A_1124, %masked_sort3A_1125, %masked_sort3A_1126 = tpu.sort %select_n3A_1122, %select_n3A_1122 masked %masked_sort3A_1123 : (vector<16xf32>, vector<16xf32>, vector<16xi1>) -> (vector<16xi1>, vector<16xf32>, vector<16xf32>)
        %rev3A_1127 = arith.constant 15 : i32
        %rev3A_1128 = vector.broadcast %rev3A_1127 : i32 to vector<16xi32>
        %rev3A_1129 = tpu.iota {dimensions = array<i32: 0>} : vector<16xi32>
        %rev3A_1130 = arith.subi %rev3A_1128, %rev3A_1129 : vector<16xi32>
        %rev3A_1131 = tpu.dynamic_gather %masked_sort3A_1125[%rev3A_1130] in [0] : vector<16xf32>, vector<16xi32> -> vector<16xf32>
        %select_n3A_1132 = arith.select %lt3A_2, %masked_sort3A_1115, %rev3A_1131 : vector<16xi1>, vector<16xf32>
        %masked_sort3A_1133 = arith.constant dense<true> : vector<16xi1>
        %masked_sort3A_1134, %masked_sort3A_1135, %masked_sort3A_1136 = tpu.sort %select_n3A_1132, %select_n3A_1132 masked %masked_sort3A_1133 : (vector<16xf32>, vector<16xf32>, vector<16xi1>) -> (vector<16xi1>, vector<16xf32>, vector<16xf32>)
        %le3A_1137 = arith.constant 2.30258512 : f32
        %le3A_1138 = vector.broadcast %le3A_1137 : f32 to vector<16xf32>
        %le3A_1139 = arith.cmpf ole, %masked_sort3A_1135, %le3A_1138 : vector<16xf32>
        %neg3A_1140 = arith.constant 0.000000e+00 : f32
        %neg3A_1141 = vector.broadcast %neg3A_1140 : f32 to vector<16xf32>
        %neg3A_1142 = arith.subf %neg3A_1141, %masked_sort3A_1135 : vector<16xf32>
        %exp3A_1143 = math.exp %neg3A_1142 : vector<16xf32>
        %broadcast_in_dim3A_1144 = arith.constant 0.000000e+00 : f32
        %broadcast_in_dim3A_1145 = vector.broadcast %broadcast_in_dim3A_1144 : f32 to vector<16xf32>
        %select_n3A_1146 = arith.select %le3A_1139, %exp3A_1143, %broadcast_in_dim3A_1145 : vector<16xi1>, vector<16xf32>
        %mul3A_1147 = arith.constant 128 : i32
        %mul3A_1148 = arith.muli %scan3A_66, %mul3A_1147 : i32
        %add3A_1149 = arith.constant 104 : i32
        %add3A_1150 = arith.addi %mul3A_1148, %add3A_1149 : i32
        %swap3A_1151 = arith.index_cast %add3A_1150 : i32 to index
        %swap3A_1152 = tpu.vector_load %arg7[%swap3A_1151] masked %lt3A_2 {strides = array<i32>} : memref<4104xf32, #tpu.memory_space<vmem>>, vector<16xf32>, vector<16xi1>
        tpu.vector_store %arg7[%swap3A_1151], %select_n3A_1146 masked %lt3A_2 {strides = array<i32>} : memref<4104xf32, #tpu.memory_space<vmem>>, vector<16xf32>, vector<16xi1>
        %broadcast_in_dim3A_1153 = arith.constant 14 : i32
        %broadcast_in_dim3A_1154 = vector.broadcast %broadcast_in_dim3A_1153 : i32 to vector<16x1xi32>
        %gather3A_1155 = vector.shape_cast %broadcast_in_dim3A_1154 : vector<16x1xi32> to vector<16xi32>
        %gather3A_1156 = tpu.dynamic_gather %get3A_70[%gather3A_1155] in [0] : vector<16xf32>, vector<16xi32> -> vector<16xf32>
        %sub3A_1157 = arith.subf %gather3A_1156, %get3A_17 : vector<16xf32>
        %mul3A_1158 = arith.mulf %sub3A_1157, %sub3A_1157 : vector<16xf32>
        %mul3A_1159 = arith.mulf %mul3A_1158, %get3A_41 : vector<16xf32>
        %masked_sort3A_1160 = arith.constant dense<true> : vector<16xi1>
        %masked_sort3A_1161, %masked_sort3A_1162, %masked_sort3A_1163 = tpu.sort %mul3A_1159, %mul3A_1159 masked %masked_sort3A_1160 : (vector<16xf32>, vector<16xf32>, vector<16xi1>) -> (vector<16xi1>, vector<16xf32>, vector<16xf32>)
        %sub3A_1164 = arith.subf %gather3A_1156, %get3A_23 : vector<16xf32>
        %mul3A_1165 = arith.mulf %sub3A_1164, %sub3A_1164 : vector<16xf32>
        %mul3A_1166 = arith.mulf %mul3A_1165, %get3A_47 : vector<16xf32>
        %masked_sort3A_1167 = arith.constant dense<true> : vector<16xi1>
        %masked_sort3A_1168, %masked_sort3A_1169, %masked_sort3A_1170 = tpu.sort %mul3A_1166, %mul3A_1166 masked %masked_sort3A_1167 : (vector<16xf32>, vector<16xf32>, vector<16xi1>) -> (vector<16xi1>, vector<16xf32>, vector<16xf32>)
        %sub3A_1171 = arith.subf %gather3A_1156, %get3A_29 : vector<16xf32>
        %mul3A_1172 = arith.mulf %sub3A_1171, %sub3A_1171 : vector<16xf32>
        %mul3A_1173 = arith.mulf %mul3A_1172, %get3A_53 : vector<16xf32>
        %masked_sort3A_1174 = arith.constant dense<true> : vector<16xi1>
        %masked_sort3A_1175, %masked_sort3A_1176, %masked_sort3A_1177 = tpu.sort %mul3A_1173, %mul3A_1173 masked %masked_sort3A_1174 : (vector<16xf32>, vector<16xf32>, vector<16xi1>) -> (vector<16xi1>, vector<16xf32>, vector<16xf32>)
        %sub3A_1178 = arith.subf %gather3A_1156, %get3A_35 : vector<16xf32>
        %mul3A_1179 = arith.mulf %sub3A_1178, %sub3A_1178 : vector<16xf32>
        %mul3A_1180 = arith.mulf %mul3A_1179, %get3A_59 : vector<16xf32>
        %masked_sort3A_1181 = arith.constant dense<true> : vector<16xi1>
        %masked_sort3A_1182, %masked_sort3A_1183, %masked_sort3A_1184 = tpu.sort %mul3A_1180, %mul3A_1180 masked %masked_sort3A_1181 : (vector<16xf32>, vector<16xf32>, vector<16xi1>) -> (vector<16xi1>, vector<16xf32>, vector<16xf32>)
        %rev3A_1185 = arith.constant 15 : i32
        %rev3A_1186 = vector.broadcast %rev3A_1185 : i32 to vector<16xi32>
        %rev3A_1187 = tpu.iota {dimensions = array<i32: 0>} : vector<16xi32>
        %rev3A_1188 = arith.subi %rev3A_1186, %rev3A_1187 : vector<16xi32>
        %rev3A_1189 = tpu.dynamic_gather %masked_sort3A_1169[%rev3A_1188] in [0] : vector<16xf32>, vector<16xi32> -> vector<16xf32>
        %select_n3A_1190 = arith.select %lt3A_2, %masked_sort3A_1162, %rev3A_1189 : vector<16xi1>, vector<16xf32>
        %masked_sort3A_1191 = arith.constant dense<true> : vector<16xi1>
        %masked_sort3A_1192, %masked_sort3A_1193, %masked_sort3A_1194 = tpu.sort %select_n3A_1190, %select_n3A_1190 masked %masked_sort3A_1191 : (vector<16xf32>, vector<16xf32>, vector<16xi1>) -> (vector<16xi1>, vector<16xf32>, vector<16xf32>)
        %rev3A_1195 = arith.constant 15 : i32
        %rev3A_1196 = vector.broadcast %rev3A_1195 : i32 to vector<16xi32>
        %rev3A_1197 = tpu.iota {dimensions = array<i32: 0>} : vector<16xi32>
        %rev3A_1198 = arith.subi %rev3A_1196, %rev3A_1197 : vector<16xi32>
        %rev3A_1199 = tpu.dynamic_gather %masked_sort3A_1183[%rev3A_1198] in [0] : vector<16xf32>, vector<16xi32> -> vector<16xf32>
        %select_n3A_1200 = arith.select %lt3A_2, %masked_sort3A_1176, %rev3A_1199 : vector<16xi1>, vector<16xf32>
        %masked_sort3A_1201 = arith.constant dense<true> : vector<16xi1>
        %masked_sort3A_1202, %masked_sort3A_1203, %masked_sort3A_1204 = tpu.sort %select_n3A_1200, %select_n3A_1200 masked %masked_sort3A_1201 : (vector<16xf32>, vector<16xf32>, vector<16xi1>) -> (vector<16xi1>, vector<16xf32>, vector<16xf32>)
        %rev3A_1205 = arith.constant 15 : i32
        %rev3A_1206 = vector.broadcast %rev3A_1205 : i32 to vector<16xi32>
        %rev3A_1207 = tpu.iota {dimensions = array<i32: 0>} : vector<16xi32>
        %rev3A_1208 = arith.subi %rev3A_1206, %rev3A_1207 : vector<16xi32>
        %rev3A_1209 = tpu.dynamic_gather %masked_sort3A_1203[%rev3A_1208] in [0] : vector<16xf32>, vector<16xi32> -> vector<16xf32>
        %select_n3A_1210 = arith.select %lt3A_2, %masked_sort3A_1193, %rev3A_1209 : vector<16xi1>, vector<16xf32>
        %masked_sort3A_1211 = arith.constant dense<true> : vector<16xi1>
        %masked_sort3A_1212, %masked_sort3A_1213, %masked_sort3A_1214 = tpu.sort %select_n3A_1210, %select_n3A_1210 masked %masked_sort3A_1211 : (vector<16xf32>, vector<16xf32>, vector<16xi1>) -> (vector<16xi1>, vector<16xf32>, vector<16xf32>)
        %le3A_1215 = arith.constant 2.30258512 : f32
        %le3A_1216 = vector.broadcast %le3A_1215 : f32 to vector<16xf32>
        %le3A_1217 = arith.cmpf ole, %masked_sort3A_1213, %le3A_1216 : vector<16xf32>
        %neg3A_1218 = arith.constant 0.000000e+00 : f32
        %neg3A_1219 = vector.broadcast %neg3A_1218 : f32 to vector<16xf32>
        %neg3A_1220 = arith.subf %neg3A_1219, %masked_sort3A_1213 : vector<16xf32>
        %exp3A_1221 = math.exp %neg3A_1220 : vector<16xf32>
        %broadcast_in_dim3A_1222 = arith.constant 0.000000e+00 : f32
        %broadcast_in_dim3A_1223 = vector.broadcast %broadcast_in_dim3A_1222 : f32 to vector<16xf32>
        %select_n3A_1224 = arith.select %le3A_1217, %exp3A_1221, %broadcast_in_dim3A_1223 : vector<16xi1>, vector<16xf32>
        %mul3A_1225 = arith.constant 128 : i32
        %mul3A_1226 = arith.muli %scan3A_66, %mul3A_1225 : i32
        %add3A_1227 = arith.constant 112 : i32
        %add3A_1228 = arith.addi %mul3A_1226, %add3A_1227 : i32
        %swap3A_1229 = arith.index_cast %add3A_1228 : i32 to index
        %swap3A_1230 = tpu.vector_load %arg7[%swap3A_1229] masked %lt3A_2 {strides = array<i32>} : memref<4104xf32, #tpu.memory_space<vmem>>, vector<16xf32>, vector<16xi1>
        tpu.vector_store %arg7[%swap3A_1229], %select_n3A_1224 masked %lt3A_2 {strides = array<i32>} : memref<4104xf32, #tpu.memory_space<vmem>>, vector<16xf32>, vector<16xi1>
        %broadcast_in_dim3A_1231 = arith.constant 15 : i32
        %broadcast_in_dim3A_1232 = vector.broadcast %broadcast_in_dim3A_1231 : i32 to vector<16x1xi32>
        %gather3A_1233 = vector.shape_cast %broadcast_in_dim3A_1232 : vector<16x1xi32> to vector<16xi32>
        %gather3A_1234 = tpu.dynamic_gather %get3A_70[%gather3A_1233] in [0] : vector<16xf32>, vector<16xi32> -> vector<16xf32>
        %sub3A_1235 = arith.subf %gather3A_1234, %get3A_17 : vector<16xf32>
        %mul3A_1236 = arith.mulf %sub3A_1235, %sub3A_1235 : vector<16xf32>
        %mul3A_1237 = arith.mulf %mul3A_1236, %get3A_41 : vector<16xf32>
        %masked_sort3A_1238 = arith.constant dense<true> : vector<16xi1>
        %masked_sort3A_1239, %masked_sort3A_1240, %masked_sort3A_1241 = tpu.sort %mul3A_1237, %mul3A_1237 masked %masked_sort3A_1238 : (vector<16xf32>, vector<16xf32>, vector<16xi1>) -> (vector<16xi1>, vector<16xf32>, vector<16xf32>)
        %sub3A_1242 = arith.subf %gather3A_1234, %get3A_23 : vector<16xf32>
        %mul3A_1243 = arith.mulf %sub3A_1242, %sub3A_1242 : vector<16xf32>
        %mul3A_1244 = arith.mulf %mul3A_1243, %get3A_47 : vector<16xf32>
        %masked_sort3A_1245 = arith.constant dense<true> : vector<16xi1>
        %masked_sort3A_1246, %masked_sort3A_1247, %masked_sort3A_1248 = tpu.sort %mul3A_1244, %mul3A_1244 masked %masked_sort3A_1245 : (vector<16xf32>, vector<16xf32>, vector<16xi1>) -> (vector<16xi1>, vector<16xf32>, vector<16xf32>)
        %sub3A_1249 = arith.subf %gather3A_1234, %get3A_29 : vector<16xf32>
        %mul3A_1250 = arith.mulf %sub3A_1249, %sub3A_1249 : vector<16xf32>
        %mul3A_1251 = arith.mulf %mul3A_1250, %get3A_53 : vector<16xf32>
        %masked_sort3A_1252 = arith.constant dense<true> : vector<16xi1>
        %masked_sort3A_1253, %masked_sort3A_1254, %masked_sort3A_1255 = tpu.sort %mul3A_1251, %mul3A_1251 masked %masked_sort3A_1252 : (vector<16xf32>, vector<16xf32>, vector<16xi1>) -> (vector<16xi1>, vector<16xf32>, vector<16xf32>)
        %sub3A_1256 = arith.subf %gather3A_1234, %get3A_35 : vector<16xf32>
        %mul3A_1257 = arith.mulf %sub3A_1256, %sub3A_1256 : vector<16xf32>
        %mul3A_1258 = arith.mulf %mul3A_1257, %get3A_59 : vector<16xf32>
        %masked_sort3A_1259 = arith.constant dense<true> : vector<16xi1>
        %masked_sort3A_1260, %masked_sort3A_1261, %masked_sort3A_1262 = tpu.sort %mul3A_1258, %mul3A_1258 masked %masked_sort3A_1259 : (vector<16xf32>, vector<16xf32>, vector<16xi1>) -> (vector<16xi1>, vector<16xf32>, vector<16xf32>)
        %rev3A_1263 = arith.constant 15 : i32
        %rev3A_1264 = vector.broadcast %rev3A_1263 : i32 to vector<16xi32>
        %rev3A_1265 = tpu.iota {dimensions = array<i32: 0>} : vector<16xi32>
        %rev3A_1266 = arith.subi %rev3A_1264, %rev3A_1265 : vector<16xi32>
        %rev3A_1267 = tpu.dynamic_gather %masked_sort3A_1247[%rev3A_1266] in [0] : vector<16xf32>, vector<16xi32> -> vector<16xf32>
        %select_n3A_1268 = arith.select %lt3A_2, %masked_sort3A_1240, %rev3A_1267 : vector<16xi1>, vector<16xf32>
        %masked_sort3A_1269 = arith.constant dense<true> : vector<16xi1>
        %masked_sort3A_1270, %masked_sort3A_1271, %masked_sort3A_1272 = tpu.sort %select_n3A_1268, %select_n3A_1268 masked %masked_sort3A_1269 : (vector<16xf32>, vector<16xf32>, vector<16xi1>) -> (vector<16xi1>, vector<16xf32>, vector<16xf32>)
        %rev3A_1273 = arith.constant 15 : i32
        %rev3A_1274 = vector.broadcast %rev3A_1273 : i32 to vector<16xi32>
        %rev3A_1275 = tpu.iota {dimensions = array<i32: 0>} : vector<16xi32>
        %rev3A_1276 = arith.subi %rev3A_1274, %rev3A_1275 : vector<16xi32>
        %rev3A_1277 = tpu.dynamic_gather %masked_sort3A_1261[%rev3A_1276] in [0] : vector<16xf32>, vector<16xi32> -> vector<16xf32>
        %select_n3A_1278 = arith.select %lt3A_2, %masked_sort3A_1254, %rev3A_1277 : vector<16xi1>, vector<16xf32>
        %masked_sort3A_1279 = arith.constant dense<true> : vector<16xi1>
        %masked_sort3A_1280, %masked_sort3A_1281, %masked_sort3A_1282 = tpu.sort %select_n3A_1278, %select_n3A_1278 masked %masked_sort3A_1279 : (vector<16xf32>, vector<16xf32>, vector<16xi1>) -> (vector<16xi1>, vector<16xf32>, vector<16xf32>)
        %rev3A_1283 = arith.constant 15 : i32
        %rev3A_1284 = vector.broadcast %rev3A_1283 : i32 to vector<16xi32>
        %rev3A_1285 = tpu.iota {dimensions = array<i32: 0>} : vector<16xi32>
        %rev3A_1286 = arith.subi %rev3A_1284, %rev3A_1285 : vector<16xi32>
        %rev3A_1287 = tpu.dynamic_gather %masked_sort3A_1281[%rev3A_1286] in [0] : vector<16xf32>, vector<16xi32> -> vector<16xf32>
        %select_n3A_1288 = arith.select %lt3A_2, %masked_sort3A_1271, %rev3A_1287 : vector<16xi1>, vector<16xf32>
        %masked_sort3A_1289 = arith.constant dense<true> : vector<16xi1>
        %masked_sort3A_1290, %masked_sort3A_1291, %masked_sort3A_1292 = tpu.sort %select_n3A_1288, %select_n3A_1288 masked %masked_sort3A_1289 : (vector<16xf32>, vector<16xf32>, vector<16xi1>) -> (vector<16xi1>, vector<16xf32>, vector<16xf32>)
        %le3A_1293 = arith.constant 2.30258512 : f32
        %le3A_1294 = vector.broadcast %le3A_1293 : f32 to vector<16xf32>
        %le3A_1295 = arith.cmpf ole, %masked_sort3A_1291, %le3A_1294 : vector<16xf32>
        %neg3A_1296 = arith.constant 0.000000e+00 : f32
        %neg3A_1297 = vector.broadcast %neg3A_1296 : f32 to vector<16xf32>
        %neg3A_1298 = arith.subf %neg3A_1297, %masked_sort3A_1291 : vector<16xf32>
        %exp3A_1299 = math.exp %neg3A_1298 : vector<16xf32>
        %broadcast_in_dim3A_1300 = arith.constant 0.000000e+00 : f32
        %broadcast_in_dim3A_1301 = vector.broadcast %broadcast_in_dim3A_1300 : f32 to vector<16xf32>
        %select_n3A_1302 = arith.select %le3A_1295, %exp3A_1299, %broadcast_in_dim3A_1301 : vector<16xi1>, vector<16xf32>
        %mul3A_1303 = arith.constant 128 : i32
        %mul3A_1304 = arith.muli %scan3A_66, %mul3A_1303 : i32
        %add3A_1305 = arith.constant 120 : i32
        %add3A_1306 = arith.addi %mul3A_1304, %add3A_1305 : i32
        %swap3A_1307 = arith.index_cast %add3A_1306 : i32 to index
        %swap3A_1308 = tpu.vector_load %arg7[%swap3A_1307] masked %lt3A_2 {strides = array<i32>} : memref<4104xf32, #tpu.memory_space<vmem>>, vector<16xf32>, vector<16xi1>
        tpu.vector_store %arg7[%swap3A_1307], %select_n3A_1302 masked %lt3A_2 {strides = array<i32>} : memref<4104xf32, #tpu.memory_space<vmem>>, vector<16xf32>, vector<16xi1>
      }
      %scan3A_65 = arith.constant 32 : i32
      "tpu.region"() ({
        %run_scoped3A = tpu.sem_alloc : memref<!tpu.dma_semaphore, #tpu.memory_space<semaphore_mem>>
        %dma_start3A = arith.constant 0 : i32
        %dma_start3A_66 = tpu.memref_slice %arg7[%dma_start3A] : memref<4104xf32, #tpu.memory_space<vmem>> -> memref<4096xf32, #tpu.memory_space<vmem>>
        %dma_start3A_67 = arith.constant 0 : i32
        %dma_start3A_68 = tpu.memref_slice %arg5[%add3A_11, %dma_start3A_67] : memref<128x4096xf32, #tpu.memory_space<hbm>> -> memref<1x4096xf32, #tpu.memory_space<hbm>>
        %dma_start3A_69 = tpu.memref_squeeze %dma_start3A_68 : memref<1x4096xf32, #tpu.memory_space<hbm>> -> memref<4096xf32, #tpu.memory_space<hbm>>
        %dma_start3A_70 = arith.constant 0 : i32
        %dma_start3A_71 = tpu.memref_slice %arg5[%add3A_11, %dma_start3A_70] : memref<128x4096xf32, #tpu.memory_space<hbm>> -> memref<1x4096xf32, #tpu.memory_space<hbm>>
        %dma_start3A_72 = tpu.memref_squeeze %dma_start3A_71 : memref<1x4096xf32, #tpu.memory_space<hbm>> -> memref<4096xf32, #tpu.memory_space<hbm>>
        %dma_start3A_73 = arith.constant 0 : i32
        %dma_start3A_74 = tpu.memref_slice %arg7[%dma_start3A_73] : memref<4104xf32, #tpu.memory_space<vmem>> -> memref<4096xf32, #tpu.memory_space<vmem>>
        tpu.enqueue_dma source(%dma_start3A_74 : memref<4096xf32, #tpu.memory_space<vmem>>) target(%dma_start3A_72 : memref<4096xf32, #tpu.memory_space<hbm>>) target_semaphore(%run_scoped3A : memref<!tpu.dma_semaphore, #tpu.memory_space<semaphore_mem>>)
        %dma_wait3A = arith.constant 0 : i32
        %dma_wait3A_75 = tpu.memref_slice %arg7[%dma_wait3A] : memref<4104xf32, #tpu.memory_space<vmem>> -> memref<4096xf32, #tpu.memory_space<vmem>>
        %dma_wait3A_76 = arith.constant 0 : i32
        %dma_wait3A_77 = tpu.memref_slice %arg5[%add3A_11, %dma_wait3A_76] : memref<128x4096xf32, #tpu.memory_space<hbm>> -> memref<1x4096xf32, #tpu.memory_space<hbm>>
        %dma_wait3A_78 = tpu.memref_squeeze %dma_wait3A_77 : memref<1x4096xf32, #tpu.memory_space<hbm>> -> memref<4096xf32, #tpu.memory_space<hbm>>
        %dma_wait3A_79 = arith.constant 0 : i32
        %dma_wait3A_80 = tpu.memref_slice %arg5[%add3A_11, %dma_wait3A_79] : memref<128x4096xf32, #tpu.memory_space<hbm>> -> memref<1x4096xf32, #tpu.memory_space<hbm>>
        %dma_wait3A_81 = tpu.memref_squeeze %dma_wait3A_80 : memref<1x4096xf32, #tpu.memory_space<hbm>> -> memref<4096xf32, #tpu.memory_space<hbm>>
        %dma_wait3A_82 = arith.constant 0 : i32
        %dma_wait3A_83 = tpu.memref_slice %arg7[%dma_wait3A_82] : memref<4104xf32, #tpu.memory_space<vmem>> -> memref<4096xf32, #tpu.memory_space<vmem>>
        tpu.wait_dma2 semaphore(%run_scoped3A : memref<!tpu.dma_semaphore, #tpu.memory_space<semaphore_mem>>) src(%dma_wait3A_83 : memref<4096xf32, #tpu.memory_space<vmem>>) dst(%dma_wait3A_81 : memref<4096xf32, #tpu.memory_space<hbm>>)
        tpu.yield
      }) : () -> ()
    }
    %scan3A_7 = arith.constant 4 : i32
    return
  }
}

module attributes {stable_mosaic.version = 14 : i64} {
  func.func @_tc_body(%arg0: i32, %arg1: i32, %arg2: i32, %arg3: memref<2x1x64xf32, #tpu.memory_space<smem>>, %arg4: memref<2x1x64xf32, #tpu.memory_space<smem>>, %arg5: memref<2x56x512xbf16, #tpu.memory_space<vmem>>, %arg6: memref<56x2x8x512xf32, #tpu.memory_space<vmem>>) attributes {dimension_semantics = [#tpu.dimension_semantics<parallel>, #tpu.dimension_semantics<parallel>, #tpu.dimension_semantics<parallel>], iteration_bounds = array<i64: 1, 8, 1>, scalar_prefetch = 0 : i64, scratch_operands = 0 : i64, tpu.core_type = #tpu.core_type<tc>, window_params = [{transform_indices = @transform_0, window_bounds = array<i64: 2, 1, 64>}, {transform_indices = @transform_1, window_bounds = array<i64: 2, 1, 64>}, {transform_indices = @transform_2, window_bounds = array<i64: 2, 56, 512>}, {transform_indices = @transform_3, window_bounds = array<i64: 56, 2, 8, 512>}]} {
    %get3A = arith.constant 0 : index
    %get3A_0 = arith.constant 0 : index
    %get3A_1 = arith.constant 0 : index
    %get3A_2 = vector.load %arg5[%get3A, %get3A_0, %get3A_1] : memref<2x56x512xbf16, #tpu.memory_space<vmem>>, vector<1x56x512xbf16>
    %get3A_3 = vector.shape_cast %get3A_2 : vector<1x56x512xbf16> to vector<56x512xbf16>
    %get3A_4 = arith.constant 0 : index
    %get3A_5 = arith.constant 0 : index
    %get3A_6 = arith.constant 0 : index
    %get3A_7 = memref.load %arg3[%get3A_4, %get3A_5, %get3A_6] : memref<2x1x64xf32, #tpu.memory_space<smem>>
    %convert_element_type3A = arith.truncf %get3A_7 : f32 to bf16
    %sub3A = vector.broadcast %convert_element_type3A : bf16 to vector<56x512xbf16>
    %sub3A_8 = arith.subf %get3A_3, %sub3A : vector<56x512xbf16>
    %mul3A = arith.mulf %sub3A_8, %sub3A_8 : vector<56x512xbf16>
    %get3A_9 = arith.constant 0 : index
    %get3A_10 = arith.constant 0 : index
    %get3A_11 = arith.constant 0 : index
    %get3A_12 = memref.load %arg4[%get3A_9, %get3A_10, %get3A_11] : memref<2x1x64xf32, #tpu.memory_space<smem>>
    %convert_element_type3A_13 = arith.truncf %get3A_12 : f32 to bf16
    %mul3A_14 = vector.broadcast %convert_element_type3A_13 : bf16 to vector<56x512xbf16>
    %mul3A_15 = arith.mulf %mul3A, %mul3A_14 : vector<56x512xbf16>
    %get3A_16 = arith.constant 0 : index
    %get3A_17 = arith.constant 0 : index
    %get3A_18 = arith.constant 1 : index
    %get3A_19 = memref.load %arg3[%get3A_16, %get3A_17, %get3A_18] : memref<2x1x64xf32, #tpu.memory_space<smem>>
    %convert_element_type3A_20 = arith.truncf %get3A_19 : f32 to bf16
    %sub3A_21 = vector.broadcast %convert_element_type3A_20 : bf16 to vector<56x512xbf16>
    %sub3A_22 = arith.subf %get3A_3, %sub3A_21 : vector<56x512xbf16>
    %mul3A_23 = arith.mulf %sub3A_22, %sub3A_22 : vector<56x512xbf16>
    %get3A_24 = arith.constant 0 : index
    %get3A_25 = arith.constant 0 : index
    %get3A_26 = arith.constant 1 : index
    %get3A_27 = memref.load %arg4[%get3A_24, %get3A_25, %get3A_26] : memref<2x1x64xf32, #tpu.memory_space<smem>>
    %convert_element_type3A_28 = arith.truncf %get3A_27 : f32 to bf16
    %mul3A_29 = vector.broadcast %convert_element_type3A_28 : bf16 to vector<56x512xbf16>
    %mul3A_30 = arith.mulf %mul3A_23, %mul3A_29 : vector<56x512xbf16>
    %get3A_31 = arith.constant 0 : index
    %get3A_32 = arith.constant 0 : index
    %get3A_33 = arith.constant 2 : index
    %get3A_34 = memref.load %arg3[%get3A_31, %get3A_32, %get3A_33] : memref<2x1x64xf32, #tpu.memory_space<smem>>
    %convert_element_type3A_35 = arith.truncf %get3A_34 : f32 to bf16
    %sub3A_36 = vector.broadcast %convert_element_type3A_35 : bf16 to vector<56x512xbf16>
    %sub3A_37 = arith.subf %get3A_3, %sub3A_36 : vector<56x512xbf16>
    %mul3A_38 = arith.mulf %sub3A_37, %sub3A_37 : vector<56x512xbf16>
    %get3A_39 = arith.constant 0 : index
    %get3A_40 = arith.constant 0 : index
    %get3A_41 = arith.constant 2 : index
    %get3A_42 = memref.load %arg4[%get3A_39, %get3A_40, %get3A_41] : memref<2x1x64xf32, #tpu.memory_space<smem>>
    %convert_element_type3A_43 = arith.truncf %get3A_42 : f32 to bf16
    %mul3A_44 = vector.broadcast %convert_element_type3A_43 : bf16 to vector<56x512xbf16>
    %mul3A_45 = arith.mulf %mul3A_38, %mul3A_44 : vector<56x512xbf16>
    %get3A_46 = arith.constant 0 : index
    %get3A_47 = arith.constant 0 : index
    %get3A_48 = arith.constant 3 : index
    %get3A_49 = memref.load %arg3[%get3A_46, %get3A_47, %get3A_48] : memref<2x1x64xf32, #tpu.memory_space<smem>>
    %convert_element_type3A_50 = arith.truncf %get3A_49 : f32 to bf16
    %sub3A_51 = vector.broadcast %convert_element_type3A_50 : bf16 to vector<56x512xbf16>
    %sub3A_52 = arith.subf %get3A_3, %sub3A_51 : vector<56x512xbf16>
    %mul3A_53 = arith.mulf %sub3A_52, %sub3A_52 : vector<56x512xbf16>
    %get3A_54 = arith.constant 0 : index
    %get3A_55 = arith.constant 0 : index
    %get3A_56 = arith.constant 3 : index
    %get3A_57 = memref.load %arg4[%get3A_54, %get3A_55, %get3A_56] : memref<2x1x64xf32, #tpu.memory_space<smem>>
    %convert_element_type3A_58 = arith.truncf %get3A_57 : f32 to bf16
    %mul3A_59 = vector.broadcast %convert_element_type3A_58 : bf16 to vector<56x512xbf16>
    %mul3A_60 = arith.mulf %mul3A_53, %mul3A_59 : vector<56x512xbf16>
    %get3A_61 = arith.constant 0 : index
    %get3A_62 = arith.constant 0 : index
    %get3A_63 = arith.constant 4 : index
    %get3A_64 = memref.load %arg3[%get3A_61, %get3A_62, %get3A_63] : memref<2x1x64xf32, #tpu.memory_space<smem>>
    %convert_element_type3A_65 = arith.truncf %get3A_64 : f32 to bf16
    %sub3A_66 = vector.broadcast %convert_element_type3A_65 : bf16 to vector<56x512xbf16>
    %sub3A_67 = arith.subf %get3A_3, %sub3A_66 : vector<56x512xbf16>
    %mul3A_68 = arith.mulf %sub3A_67, %sub3A_67 : vector<56x512xbf16>
    %get3A_69 = arith.constant 0 : index
    %get3A_70 = arith.constant 0 : index
    %get3A_71 = arith.constant 4 : index
    %get3A_72 = memref.load %arg4[%get3A_69, %get3A_70, %get3A_71] : memref<2x1x64xf32, #tpu.memory_space<smem>>
    %convert_element_type3A_73 = arith.truncf %get3A_72 : f32 to bf16
    %mul3A_74 = vector.broadcast %convert_element_type3A_73 : bf16 to vector<56x512xbf16>
    %mul3A_75 = arith.mulf %mul3A_68, %mul3A_74 : vector<56x512xbf16>
    %get3A_76 = arith.constant 0 : index
    %get3A_77 = arith.constant 0 : index
    %get3A_78 = arith.constant 5 : index
    %get3A_79 = memref.load %arg3[%get3A_76, %get3A_77, %get3A_78] : memref<2x1x64xf32, #tpu.memory_space<smem>>
    %convert_element_type3A_80 = arith.truncf %get3A_79 : f32 to bf16
    %sub3A_81 = vector.broadcast %convert_element_type3A_80 : bf16 to vector<56x512xbf16>
    %sub3A_82 = arith.subf %get3A_3, %sub3A_81 : vector<56x512xbf16>
    %mul3A_83 = arith.mulf %sub3A_82, %sub3A_82 : vector<56x512xbf16>
    %get3A_84 = arith.constant 0 : index
    %get3A_85 = arith.constant 0 : index
    %get3A_86 = arith.constant 5 : index
    %get3A_87 = memref.load %arg4[%get3A_84, %get3A_85, %get3A_86] : memref<2x1x64xf32, #tpu.memory_space<smem>>
    %convert_element_type3A_88 = arith.truncf %get3A_87 : f32 to bf16
    %mul3A_89 = vector.broadcast %convert_element_type3A_88 : bf16 to vector<56x512xbf16>
    %mul3A_90 = arith.mulf %mul3A_83, %mul3A_89 : vector<56x512xbf16>
    %get3A_91 = arith.constant 0 : index
    %get3A_92 = arith.constant 0 : index
    %get3A_93 = arith.constant 6 : index
    %get3A_94 = memref.load %arg3[%get3A_91, %get3A_92, %get3A_93] : memref<2x1x64xf32, #tpu.memory_space<smem>>
    %convert_element_type3A_95 = arith.truncf %get3A_94 : f32 to bf16
    %sub3A_96 = vector.broadcast %convert_element_type3A_95 : bf16 to vector<56x512xbf16>
    %sub3A_97 = arith.subf %get3A_3, %sub3A_96 : vector<56x512xbf16>
    %mul3A_98 = arith.mulf %sub3A_97, %sub3A_97 : vector<56x512xbf16>
    %get3A_99 = arith.constant 0 : index
    %get3A_100 = arith.constant 0 : index
    %get3A_101 = arith.constant 6 : index
    %get3A_102 = memref.load %arg4[%get3A_99, %get3A_100, %get3A_101] : memref<2x1x64xf32, #tpu.memory_space<smem>>
    %convert_element_type3A_103 = arith.truncf %get3A_102 : f32 to bf16
    %mul3A_104 = vector.broadcast %convert_element_type3A_103 : bf16 to vector<56x512xbf16>
    %mul3A_105 = arith.mulf %mul3A_98, %mul3A_104 : vector<56x512xbf16>
    %get3A_106 = arith.constant 0 : index
    %get3A_107 = arith.constant 0 : index
    %get3A_108 = arith.constant 7 : index
    %get3A_109 = memref.load %arg3[%get3A_106, %get3A_107, %get3A_108] : memref<2x1x64xf32, #tpu.memory_space<smem>>
    %convert_element_type3A_110 = arith.truncf %get3A_109 : f32 to bf16
    %sub3A_111 = vector.broadcast %convert_element_type3A_110 : bf16 to vector<56x512xbf16>
    %sub3A_112 = arith.subf %get3A_3, %sub3A_111 : vector<56x512xbf16>
    %mul3A_113 = arith.mulf %sub3A_112, %sub3A_112 : vector<56x512xbf16>
    %get3A_114 = arith.constant 0 : index
    %get3A_115 = arith.constant 0 : index
    %get3A_116 = arith.constant 7 : index
    %get3A_117 = memref.load %arg4[%get3A_114, %get3A_115, %get3A_116] : memref<2x1x64xf32, #tpu.memory_space<smem>>
    %convert_element_type3A_118 = arith.truncf %get3A_117 : f32 to bf16
    %mul3A_119 = vector.broadcast %convert_element_type3A_118 : bf16 to vector<56x512xbf16>
    %mul3A_120 = arith.mulf %mul3A_113, %mul3A_119 : vector<56x512xbf16>
    %min3A = arith.minimumf %mul3A_15, %mul3A_30 : vector<56x512xbf16>
    %max3A = arith.maximumf %mul3A_15, %mul3A_30 : vector<56x512xbf16>
    %min3A_121 = arith.minimumf %mul3A_45, %mul3A_60 : vector<56x512xbf16>
    %max3A_122 = arith.maximumf %mul3A_45, %mul3A_60 : vector<56x512xbf16>
    %min3A_123 = arith.minimumf %mul3A_75, %mul3A_90 : vector<56x512xbf16>
    %max3A_124 = arith.maximumf %mul3A_75, %mul3A_90 : vector<56x512xbf16>
    %min3A_125 = arith.minimumf %mul3A_105, %mul3A_120 : vector<56x512xbf16>
    %max3A_126 = arith.maximumf %mul3A_105, %mul3A_120 : vector<56x512xbf16>
    %min3A_127 = arith.minimumf %min3A, %min3A_121 : vector<56x512xbf16>
    %max3A_128 = arith.maximumf %min3A, %min3A_121 : vector<56x512xbf16>
    %min3A_129 = arith.minimumf %max3A, %max3A_122 : vector<56x512xbf16>
    %max3A_130 = arith.maximumf %max3A, %max3A_122 : vector<56x512xbf16>
    %min3A_131 = arith.minimumf %min3A_123, %min3A_125 : vector<56x512xbf16>
    %max3A_132 = arith.maximumf %min3A_123, %min3A_125 : vector<56x512xbf16>
    %min3A_133 = arith.minimumf %max3A_124, %max3A_126 : vector<56x512xbf16>
    %max3A_134 = arith.maximumf %max3A_124, %max3A_126 : vector<56x512xbf16>
    %min3A_135 = arith.minimumf %min3A_129, %max3A_128 : vector<56x512xbf16>
    %max3A_136 = arith.maximumf %min3A_129, %max3A_128 : vector<56x512xbf16>
    %min3A_137 = arith.minimumf %min3A_133, %max3A_132 : vector<56x512xbf16>
    %max3A_138 = arith.maximumf %min3A_133, %max3A_132 : vector<56x512xbf16>
    %min3A_139 = arith.minimumf %min3A_127, %min3A_131 : vector<56x512xbf16>
    %max3A_140 = arith.maximumf %min3A_127, %min3A_131 : vector<56x512xbf16>
    %min3A_141 = arith.minimumf %min3A_135, %min3A_137 : vector<56x512xbf16>
    %max3A_142 = arith.maximumf %min3A_135, %min3A_137 : vector<56x512xbf16>
    %min3A_143 = arith.minimumf %max3A_136, %max3A_138 : vector<56x512xbf16>
    %max3A_144 = arith.maximumf %max3A_136, %max3A_138 : vector<56x512xbf16>
    %min3A_145 = arith.minimumf %max3A_130, %max3A_134 : vector<56x512xbf16>
    %max3A_146 = arith.maximumf %max3A_130, %max3A_134 : vector<56x512xbf16>
    %min3A_147 = arith.minimumf %min3A_143, %max3A_140 : vector<56x512xbf16>
    %max3A_148 = arith.maximumf %min3A_143, %max3A_140 : vector<56x512xbf16>
    %min3A_149 = arith.minimumf %min3A_145, %max3A_142 : vector<56x512xbf16>
    %max3A_150 = arith.maximumf %min3A_145, %max3A_142 : vector<56x512xbf16>
    %min3A_151 = arith.minimumf %min3A_141, %min3A_147 : vector<56x512xbf16>
    %max3A_152 = arith.maximumf %min3A_141, %min3A_147 : vector<56x512xbf16>
    %min3A_153 = arith.minimumf %min3A_149, %max3A_148 : vector<56x512xbf16>
    %max3A_154 = arith.maximumf %min3A_149, %max3A_148 : vector<56x512xbf16>
    %min3A_155 = arith.minimumf %max3A_150, %max3A_144 : vector<56x512xbf16>
    %max3A_156 = arith.maximumf %max3A_150, %max3A_144 : vector<56x512xbf16>
    %get3A_157 = arith.constant 0 : index
    %get3A_158 = arith.constant 0 : index
    %get3A_159 = arith.constant 8 : index
    %get3A_160 = memref.load %arg3[%get3A_157, %get3A_158, %get3A_159] : memref<2x1x64xf32, #tpu.memory_space<smem>>
    %convert_element_type3A_161 = arith.truncf %get3A_160 : f32 to bf16
    %sub3A_162 = vector.broadcast %convert_element_type3A_161 : bf16 to vector<56x512xbf16>
    %sub3A_163 = arith.subf %get3A_3, %sub3A_162 : vector<56x512xbf16>
    %mul3A_164 = arith.mulf %sub3A_163, %sub3A_163 : vector<56x512xbf16>
    %get3A_165 = arith.constant 0 : index
    %get3A_166 = arith.constant 0 : index
    %get3A_167 = arith.constant 8 : index
    %get3A_168 = memref.load %arg4[%get3A_165, %get3A_166, %get3A_167] : memref<2x1x64xf32, #tpu.memory_space<smem>>
    %convert_element_type3A_169 = arith.truncf %get3A_168 : f32 to bf16
    %mul3A_170 = vector.broadcast %convert_element_type3A_169 : bf16 to vector<56x512xbf16>
    %mul3A_171 = arith.mulf %mul3A_164, %mul3A_170 : vector<56x512xbf16>
    %get3A_172 = arith.constant 0 : index
    %get3A_173 = arith.constant 0 : index
    %get3A_174 = arith.constant 9 : index
    %get3A_175 = memref.load %arg3[%get3A_172, %get3A_173, %get3A_174] : memref<2x1x64xf32, #tpu.memory_space<smem>>
    %convert_element_type3A_176 = arith.truncf %get3A_175 : f32 to bf16
    %sub3A_177 = vector.broadcast %convert_element_type3A_176 : bf16 to vector<56x512xbf16>
    %sub3A_178 = arith.subf %get3A_3, %sub3A_177 : vector<56x512xbf16>
    %mul3A_179 = arith.mulf %sub3A_178, %sub3A_178 : vector<56x512xbf16>
    %get3A_180 = arith.constant 0 : index
    %get3A_181 = arith.constant 0 : index
    %get3A_182 = arith.constant 9 : index
    %get3A_183 = memref.load %arg4[%get3A_180, %get3A_181, %get3A_182] : memref<2x1x64xf32, #tpu.memory_space<smem>>
    %convert_element_type3A_184 = arith.truncf %get3A_183 : f32 to bf16
    %mul3A_185 = vector.broadcast %convert_element_type3A_184 : bf16 to vector<56x512xbf16>
    %mul3A_186 = arith.mulf %mul3A_179, %mul3A_185 : vector<56x512xbf16>
    %get3A_187 = arith.constant 0 : index
    %get3A_188 = arith.constant 0 : index
    %get3A_189 = arith.constant 10 : index
    %get3A_190 = memref.load %arg3[%get3A_187, %get3A_188, %get3A_189] : memref<2x1x64xf32, #tpu.memory_space<smem>>
    %convert_element_type3A_191 = arith.truncf %get3A_190 : f32 to bf16
    %sub3A_192 = vector.broadcast %convert_element_type3A_191 : bf16 to vector<56x512xbf16>
    %sub3A_193 = arith.subf %get3A_3, %sub3A_192 : vector<56x512xbf16>
    %mul3A_194 = arith.mulf %sub3A_193, %sub3A_193 : vector<56x512xbf16>
    %get3A_195 = arith.constant 0 : index
    %get3A_196 = arith.constant 0 : index
    %get3A_197 = arith.constant 10 : index
    %get3A_198 = memref.load %arg4[%get3A_195, %get3A_196, %get3A_197] : memref<2x1x64xf32, #tpu.memory_space<smem>>
    %convert_element_type3A_199 = arith.truncf %get3A_198 : f32 to bf16
    %mul3A_200 = vector.broadcast %convert_element_type3A_199 : bf16 to vector<56x512xbf16>
    %mul3A_201 = arith.mulf %mul3A_194, %mul3A_200 : vector<56x512xbf16>
    %get3A_202 = arith.constant 0 : index
    %get3A_203 = arith.constant 0 : index
    %get3A_204 = arith.constant 11 : index
    %get3A_205 = memref.load %arg3[%get3A_202, %get3A_203, %get3A_204] : memref<2x1x64xf32, #tpu.memory_space<smem>>
    %convert_element_type3A_206 = arith.truncf %get3A_205 : f32 to bf16
    %sub3A_207 = vector.broadcast %convert_element_type3A_206 : bf16 to vector<56x512xbf16>
    %sub3A_208 = arith.subf %get3A_3, %sub3A_207 : vector<56x512xbf16>
    %mul3A_209 = arith.mulf %sub3A_208, %sub3A_208 : vector<56x512xbf16>
    %get3A_210 = arith.constant 0 : index
    %get3A_211 = arith.constant 0 : index
    %get3A_212 = arith.constant 11 : index
    %get3A_213 = memref.load %arg4[%get3A_210, %get3A_211, %get3A_212] : memref<2x1x64xf32, #tpu.memory_space<smem>>
    %convert_element_type3A_214 = arith.truncf %get3A_213 : f32 to bf16
    %mul3A_215 = vector.broadcast %convert_element_type3A_214 : bf16 to vector<56x512xbf16>
    %mul3A_216 = arith.mulf %mul3A_209, %mul3A_215 : vector<56x512xbf16>
    %get3A_217 = arith.constant 0 : index
    %get3A_218 = arith.constant 0 : index
    %get3A_219 = arith.constant 12 : index
    %get3A_220 = memref.load %arg3[%get3A_217, %get3A_218, %get3A_219] : memref<2x1x64xf32, #tpu.memory_space<smem>>
    %convert_element_type3A_221 = arith.truncf %get3A_220 : f32 to bf16
    %sub3A_222 = vector.broadcast %convert_element_type3A_221 : bf16 to vector<56x512xbf16>
    %sub3A_223 = arith.subf %get3A_3, %sub3A_222 : vector<56x512xbf16>
    %mul3A_224 = arith.mulf %sub3A_223, %sub3A_223 : vector<56x512xbf16>
    %get3A_225 = arith.constant 0 : index
    %get3A_226 = arith.constant 0 : index
    %get3A_227 = arith.constant 12 : index
    %get3A_228 = memref.load %arg4[%get3A_225, %get3A_226, %get3A_227] : memref<2x1x64xf32, #tpu.memory_space<smem>>
    %convert_element_type3A_229 = arith.truncf %get3A_228 : f32 to bf16
    %mul3A_230 = vector.broadcast %convert_element_type3A_229 : bf16 to vector<56x512xbf16>
    %mul3A_231 = arith.mulf %mul3A_224, %mul3A_230 : vector<56x512xbf16>
    %get3A_232 = arith.constant 0 : index
    %get3A_233 = arith.constant 0 : index
    %get3A_234 = arith.constant 13 : index
    %get3A_235 = memref.load %arg3[%get3A_232, %get3A_233, %get3A_234] : memref<2x1x64xf32, #tpu.memory_space<smem>>
    %convert_element_type3A_236 = arith.truncf %get3A_235 : f32 to bf16
    %sub3A_237 = vector.broadcast %convert_element_type3A_236 : bf16 to vector<56x512xbf16>
    %sub3A_238 = arith.subf %get3A_3, %sub3A_237 : vector<56x512xbf16>
    %mul3A_239 = arith.mulf %sub3A_238, %sub3A_238 : vector<56x512xbf16>
    %get3A_240 = arith.constant 0 : index
    %get3A_241 = arith.constant 0 : index
    %get3A_242 = arith.constant 13 : index
    %get3A_243 = memref.load %arg4[%get3A_240, %get3A_241, %get3A_242] : memref<2x1x64xf32, #tpu.memory_space<smem>>
    %convert_element_type3A_244 = arith.truncf %get3A_243 : f32 to bf16
    %mul3A_245 = vector.broadcast %convert_element_type3A_244 : bf16 to vector<56x512xbf16>
    %mul3A_246 = arith.mulf %mul3A_239, %mul3A_245 : vector<56x512xbf16>
    %get3A_247 = arith.constant 0 : index
    %get3A_248 = arith.constant 0 : index
    %get3A_249 = arith.constant 14 : index
    %get3A_250 = memref.load %arg3[%get3A_247, %get3A_248, %get3A_249] : memref<2x1x64xf32, #tpu.memory_space<smem>>
    %convert_element_type3A_251 = arith.truncf %get3A_250 : f32 to bf16
    %sub3A_252 = vector.broadcast %convert_element_type3A_251 : bf16 to vector<56x512xbf16>
    %sub3A_253 = arith.subf %get3A_3, %sub3A_252 : vector<56x512xbf16>
    %mul3A_254 = arith.mulf %sub3A_253, %sub3A_253 : vector<56x512xbf16>
    %get3A_255 = arith.constant 0 : index
    %get3A_256 = arith.constant 0 : index
    %get3A_257 = arith.constant 14 : index
    %get3A_258 = memref.load %arg4[%get3A_255, %get3A_256, %get3A_257] : memref<2x1x64xf32, #tpu.memory_space<smem>>
    %convert_element_type3A_259 = arith.truncf %get3A_258 : f32 to bf16
    %mul3A_260 = vector.broadcast %convert_element_type3A_259 : bf16 to vector<56x512xbf16>
    %mul3A_261 = arith.mulf %mul3A_254, %mul3A_260 : vector<56x512xbf16>
    %get3A_262 = arith.constant 0 : index
    %get3A_263 = arith.constant 0 : index
    %get3A_264 = arith.constant 15 : index
    %get3A_265 = memref.load %arg3[%get3A_262, %get3A_263, %get3A_264] : memref<2x1x64xf32, #tpu.memory_space<smem>>
    %convert_element_type3A_266 = arith.truncf %get3A_265 : f32 to bf16
    %sub3A_267 = vector.broadcast %convert_element_type3A_266 : bf16 to vector<56x512xbf16>
    %sub3A_268 = arith.subf %get3A_3, %sub3A_267 : vector<56x512xbf16>
    %mul3A_269 = arith.mulf %sub3A_268, %sub3A_268 : vector<56x512xbf16>
    %get3A_270 = arith.constant 0 : index
    %get3A_271 = arith.constant 0 : index
    %get3A_272 = arith.constant 15 : index
    %get3A_273 = memref.load %arg4[%get3A_270, %get3A_271, %get3A_272] : memref<2x1x64xf32, #tpu.memory_space<smem>>
    %convert_element_type3A_274 = arith.truncf %get3A_273 : f32 to bf16
    %mul3A_275 = vector.broadcast %convert_element_type3A_274 : bf16 to vector<56x512xbf16>
    %mul3A_276 = arith.mulf %mul3A_269, %mul3A_275 : vector<56x512xbf16>
    %min3A_277 = arith.minimumf %mul3A_171, %mul3A_186 : vector<56x512xbf16>
    %max3A_278 = arith.maximumf %mul3A_171, %mul3A_186 : vector<56x512xbf16>
    %min3A_279 = arith.minimumf %mul3A_201, %mul3A_216 : vector<56x512xbf16>
    %max3A_280 = arith.maximumf %mul3A_201, %mul3A_216 : vector<56x512xbf16>
    %min3A_281 = arith.minimumf %mul3A_231, %mul3A_246 : vector<56x512xbf16>
    %max3A_282 = arith.maximumf %mul3A_231, %mul3A_246 : vector<56x512xbf16>
    %min3A_283 = arith.minimumf %mul3A_261, %mul3A_276 : vector<56x512xbf16>
    %max3A_284 = arith.maximumf %mul3A_261, %mul3A_276 : vector<56x512xbf16>
    %min3A_285 = arith.minimumf %min3A_277, %min3A_279 : vector<56x512xbf16>
    %max3A_286 = arith.maximumf %min3A_277, %min3A_279 : vector<56x512xbf16>
    %min3A_287 = arith.minimumf %max3A_278, %max3A_280 : vector<56x512xbf16>
    %max3A_288 = arith.maximumf %max3A_278, %max3A_280 : vector<56x512xbf16>
    %min3A_289 = arith.minimumf %min3A_281, %min3A_283 : vector<56x512xbf16>
    %max3A_290 = arith.maximumf %min3A_281, %min3A_283 : vector<56x512xbf16>
    %min3A_291 = arith.minimumf %max3A_282, %max3A_284 : vector<56x512xbf16>
    %max3A_292 = arith.maximumf %max3A_282, %max3A_284 : vector<56x512xbf16>
    %min3A_293 = arith.minimumf %min3A_287, %max3A_286 : vector<56x512xbf16>
    %max3A_294 = arith.maximumf %min3A_287, %max3A_286 : vector<56x512xbf16>
    %min3A_295 = arith.minimumf %min3A_291, %max3A_290 : vector<56x512xbf16>
    %max3A_296 = arith.maximumf %min3A_291, %max3A_290 : vector<56x512xbf16>
    %min3A_297 = arith.minimumf %min3A_285, %min3A_289 : vector<56x512xbf16>
    %max3A_298 = arith.maximumf %min3A_285, %min3A_289 : vector<56x512xbf16>
    %min3A_299 = arith.minimumf %min3A_293, %min3A_295 : vector<56x512xbf16>
    %max3A_300 = arith.maximumf %min3A_293, %min3A_295 : vector<56x512xbf16>
    %min3A_301 = arith.minimumf %max3A_294, %max3A_296 : vector<56x512xbf16>
    %max3A_302 = arith.maximumf %max3A_294, %max3A_296 : vector<56x512xbf16>
    %min3A_303 = arith.minimumf %max3A_288, %max3A_292 : vector<56x512xbf16>
    %max3A_304 = arith.maximumf %max3A_288, %max3A_292 : vector<56x512xbf16>
    %min3A_305 = arith.minimumf %min3A_301, %max3A_298 : vector<56x512xbf16>
    %max3A_306 = arith.maximumf %min3A_301, %max3A_298 : vector<56x512xbf16>
    %min3A_307 = arith.minimumf %min3A_303, %max3A_300 : vector<56x512xbf16>
    %max3A_308 = arith.maximumf %min3A_303, %max3A_300 : vector<56x512xbf16>
    %min3A_309 = arith.minimumf %min3A_299, %min3A_305 : vector<56x512xbf16>
    %max3A_310 = arith.maximumf %min3A_299, %min3A_305 : vector<56x512xbf16>
    %min3A_311 = arith.minimumf %min3A_307, %max3A_306 : vector<56x512xbf16>
    %max3A_312 = arith.maximumf %min3A_307, %max3A_306 : vector<56x512xbf16>
    %min3A_313 = arith.minimumf %max3A_308, %max3A_302 : vector<56x512xbf16>
    %max3A_314 = arith.maximumf %max3A_308, %max3A_302 : vector<56x512xbf16>
    %min3A_315 = arith.minimumf %min3A_139, %max3A_304 : vector<56x512xbf16>
    %min3A_316 = arith.minimumf %min3A_151, %max3A_314 : vector<56x512xbf16>
    %min3A_317 = arith.minimumf %max3A_152, %min3A_313 : vector<56x512xbf16>
    %min3A_318 = arith.minimumf %min3A_153, %max3A_312 : vector<56x512xbf16>
    %min3A_319 = arith.minimumf %max3A_154, %min3A_311 : vector<56x512xbf16>
    %min3A_320 = arith.minimumf %min3A_155, %max3A_310 : vector<56x512xbf16>
    %min3A_321 = arith.minimumf %max3A_156, %min3A_309 : vector<56x512xbf16>
    %min3A_322 = arith.minimumf %max3A_146, %min3A_297 : vector<56x512xbf16>
    %min3A_323 = arith.minimumf %min3A_315, %min3A_319 : vector<56x512xbf16>
    %max3A_324 = arith.maximumf %min3A_315, %min3A_319 : vector<56x512xbf16>
    %min3A_325 = arith.minimumf %min3A_316, %min3A_320 : vector<56x512xbf16>
    %max3A_326 = arith.maximumf %min3A_316, %min3A_320 : vector<56x512xbf16>
    %min3A_327 = arith.minimumf %min3A_317, %min3A_321 : vector<56x512xbf16>
    %max3A_328 = arith.maximumf %min3A_317, %min3A_321 : vector<56x512xbf16>
    %min3A_329 = arith.minimumf %min3A_318, %min3A_322 : vector<56x512xbf16>
    %max3A_330 = arith.maximumf %min3A_318, %min3A_322 : vector<56x512xbf16>
    %min3A_331 = arith.minimumf %min3A_323, %min3A_327 : vector<56x512xbf16>
    %max3A_332 = arith.maximumf %min3A_323, %min3A_327 : vector<56x512xbf16>
    %min3A_333 = arith.minimumf %min3A_325, %min3A_329 : vector<56x512xbf16>
    %max3A_334 = arith.maximumf %min3A_325, %min3A_329 : vector<56x512xbf16>
    %min3A_335 = arith.minimumf %max3A_324, %max3A_328 : vector<56x512xbf16>
    %max3A_336 = arith.maximumf %max3A_324, %max3A_328 : vector<56x512xbf16>
    %min3A_337 = arith.minimumf %max3A_326, %max3A_330 : vector<56x512xbf16>
    %max3A_338 = arith.maximumf %max3A_326, %max3A_330 : vector<56x512xbf16>
    %min3A_339 = arith.minimumf %min3A_331, %min3A_333 : vector<56x512xbf16>
    %max3A_340 = arith.maximumf %min3A_331, %min3A_333 : vector<56x512xbf16>
    %min3A_341 = arith.minimumf %max3A_332, %max3A_334 : vector<56x512xbf16>
    %max3A_342 = arith.maximumf %max3A_332, %max3A_334 : vector<56x512xbf16>
    %min3A_343 = arith.minimumf %min3A_335, %min3A_337 : vector<56x512xbf16>
    %max3A_344 = arith.maximumf %min3A_335, %min3A_337 : vector<56x512xbf16>
    %min3A_345 = arith.minimumf %max3A_336, %max3A_338 : vector<56x512xbf16>
    %max3A_346 = arith.maximumf %max3A_336, %max3A_338 : vector<56x512xbf16>
    %get3A_347 = arith.constant 0 : index
    %get3A_348 = arith.constant 0 : index
    %get3A_349 = arith.constant 16 : index
    %get3A_350 = memref.load %arg3[%get3A_347, %get3A_348, %get3A_349] : memref<2x1x64xf32, #tpu.memory_space<smem>>
    %convert_element_type3A_351 = arith.truncf %get3A_350 : f32 to bf16
    %sub3A_352 = vector.broadcast %convert_element_type3A_351 : bf16 to vector<56x512xbf16>
    %sub3A_353 = arith.subf %get3A_3, %sub3A_352 : vector<56x512xbf16>
    %mul3A_354 = arith.mulf %sub3A_353, %sub3A_353 : vector<56x512xbf16>
    %get3A_355 = arith.constant 0 : index
    %get3A_356 = arith.constant 0 : index
    %get3A_357 = arith.constant 16 : index
    %get3A_358 = memref.load %arg4[%get3A_355, %get3A_356, %get3A_357] : memref<2x1x64xf32, #tpu.memory_space<smem>>
    %convert_element_type3A_359 = arith.truncf %get3A_358 : f32 to bf16
    %mul3A_360 = vector.broadcast %convert_element_type3A_359 : bf16 to vector<56x512xbf16>
    %mul3A_361 = arith.mulf %mul3A_354, %mul3A_360 : vector<56x512xbf16>
    %get3A_362 = arith.constant 0 : index
    %get3A_363 = arith.constant 0 : index
    %get3A_364 = arith.constant 17 : index
    %get3A_365 = memref.load %arg3[%get3A_362, %get3A_363, %get3A_364] : memref<2x1x64xf32, #tpu.memory_space<smem>>
    %convert_element_type3A_366 = arith.truncf %get3A_365 : f32 to bf16
    %sub3A_367 = vector.broadcast %convert_element_type3A_366 : bf16 to vector<56x512xbf16>
    %sub3A_368 = arith.subf %get3A_3, %sub3A_367 : vector<56x512xbf16>
    %mul3A_369 = arith.mulf %sub3A_368, %sub3A_368 : vector<56x512xbf16>
    %get3A_370 = arith.constant 0 : index
    %get3A_371 = arith.constant 0 : index
    %get3A_372 = arith.constant 17 : index
    %get3A_373 = memref.load %arg4[%get3A_370, %get3A_371, %get3A_372] : memref<2x1x64xf32, #tpu.memory_space<smem>>
    %convert_element_type3A_374 = arith.truncf %get3A_373 : f32 to bf16
    %mul3A_375 = vector.broadcast %convert_element_type3A_374 : bf16 to vector<56x512xbf16>
    %mul3A_376 = arith.mulf %mul3A_369, %mul3A_375 : vector<56x512xbf16>
    %get3A_377 = arith.constant 0 : index
    %get3A_378 = arith.constant 0 : index
    %get3A_379 = arith.constant 18 : index
    %get3A_380 = memref.load %arg3[%get3A_377, %get3A_378, %get3A_379] : memref<2x1x64xf32, #tpu.memory_space<smem>>
    %convert_element_type3A_381 = arith.truncf %get3A_380 : f32 to bf16
    %sub3A_382 = vector.broadcast %convert_element_type3A_381 : bf16 to vector<56x512xbf16>
    %sub3A_383 = arith.subf %get3A_3, %sub3A_382 : vector<56x512xbf16>
    %mul3A_384 = arith.mulf %sub3A_383, %sub3A_383 : vector<56x512xbf16>
    %get3A_385 = arith.constant 0 : index
    %get3A_386 = arith.constant 0 : index
    %get3A_387 = arith.constant 18 : index
    %get3A_388 = memref.load %arg4[%get3A_385, %get3A_386, %get3A_387] : memref<2x1x64xf32, #tpu.memory_space<smem>>
    %convert_element_type3A_389 = arith.truncf %get3A_388 : f32 to bf16
    %mul3A_390 = vector.broadcast %convert_element_type3A_389 : bf16 to vector<56x512xbf16>
    %mul3A_391 = arith.mulf %mul3A_384, %mul3A_390 : vector<56x512xbf16>
    %get3A_392 = arith.constant 0 : index
    %get3A_393 = arith.constant 0 : index
    %get3A_394 = arith.constant 19 : index
    %get3A_395 = memref.load %arg3[%get3A_392, %get3A_393, %get3A_394] : memref<2x1x64xf32, #tpu.memory_space<smem>>
    %convert_element_type3A_396 = arith.truncf %get3A_395 : f32 to bf16
    %sub3A_397 = vector.broadcast %convert_element_type3A_396 : bf16 to vector<56x512xbf16>
    %sub3A_398 = arith.subf %get3A_3, %sub3A_397 : vector<56x512xbf16>
    %mul3A_399 = arith.mulf %sub3A_398, %sub3A_398 : vector<56x512xbf16>
    %get3A_400 = arith.constant 0 : index
    %get3A_401 = arith.constant 0 : index
    %get3A_402 = arith.constant 19 : index
    %get3A_403 = memref.load %arg4[%get3A_400, %get3A_401, %get3A_402] : memref<2x1x64xf32, #tpu.memory_space<smem>>
    %convert_element_type3A_404 = arith.truncf %get3A_403 : f32 to bf16
    %mul3A_405 = vector.broadcast %convert_element_type3A_404 : bf16 to vector<56x512xbf16>
    %mul3A_406 = arith.mulf %mul3A_399, %mul3A_405 : vector<56x512xbf16>
    %get3A_407 = arith.constant 0 : index
    %get3A_408 = arith.constant 0 : index
    %get3A_409 = arith.constant 20 : index
    %get3A_410 = memref.load %arg3[%get3A_407, %get3A_408, %get3A_409] : memref<2x1x64xf32, #tpu.memory_space<smem>>
    %convert_element_type3A_411 = arith.truncf %get3A_410 : f32 to bf16
    %sub3A_412 = vector.broadcast %convert_element_type3A_411 : bf16 to vector<56x512xbf16>
    %sub3A_413 = arith.subf %get3A_3, %sub3A_412 : vector<56x512xbf16>
    %mul3A_414 = arith.mulf %sub3A_413, %sub3A_413 : vector<56x512xbf16>
    %get3A_415 = arith.constant 0 : index
    %get3A_416 = arith.constant 0 : index
    %get3A_417 = arith.constant 20 : index
    %get3A_418 = memref.load %arg4[%get3A_415, %get3A_416, %get3A_417] : memref<2x1x64xf32, #tpu.memory_space<smem>>
    %convert_element_type3A_419 = arith.truncf %get3A_418 : f32 to bf16
    %mul3A_420 = vector.broadcast %convert_element_type3A_419 : bf16 to vector<56x512xbf16>
    %mul3A_421 = arith.mulf %mul3A_414, %mul3A_420 : vector<56x512xbf16>
    %get3A_422 = arith.constant 0 : index
    %get3A_423 = arith.constant 0 : index
    %get3A_424 = arith.constant 21 : index
    %get3A_425 = memref.load %arg3[%get3A_422, %get3A_423, %get3A_424] : memref<2x1x64xf32, #tpu.memory_space<smem>>
    %convert_element_type3A_426 = arith.truncf %get3A_425 : f32 to bf16
    %sub3A_427 = vector.broadcast %convert_element_type3A_426 : bf16 to vector<56x512xbf16>
    %sub3A_428 = arith.subf %get3A_3, %sub3A_427 : vector<56x512xbf16>
    %mul3A_429 = arith.mulf %sub3A_428, %sub3A_428 : vector<56x512xbf16>
    %get3A_430 = arith.constant 0 : index
    %get3A_431 = arith.constant 0 : index
    %get3A_432 = arith.constant 21 : index
    %get3A_433 = memref.load %arg4[%get3A_430, %get3A_431, %get3A_432] : memref<2x1x64xf32, #tpu.memory_space<smem>>
    %convert_element_type3A_434 = arith.truncf %get3A_433 : f32 to bf16
    %mul3A_435 = vector.broadcast %convert_element_type3A_434 : bf16 to vector<56x512xbf16>
    %mul3A_436 = arith.mulf %mul3A_429, %mul3A_435 : vector<56x512xbf16>
    %get3A_437 = arith.constant 0 : index
    %get3A_438 = arith.constant 0 : index
    %get3A_439 = arith.constant 22 : index
    %get3A_440 = memref.load %arg3[%get3A_437, %get3A_438, %get3A_439] : memref<2x1x64xf32, #tpu.memory_space<smem>>
    %convert_element_type3A_441 = arith.truncf %get3A_440 : f32 to bf16
    %sub3A_442 = vector.broadcast %convert_element_type3A_441 : bf16 to vector<56x512xbf16>
    %sub3A_443 = arith.subf %get3A_3, %sub3A_442 : vector<56x512xbf16>
    %mul3A_444 = arith.mulf %sub3A_443, %sub3A_443 : vector<56x512xbf16>
    %get3A_445 = arith.constant 0 : index
    %get3A_446 = arith.constant 0 : index
    %get3A_447 = arith.constant 22 : index
    %get3A_448 = memref.load %arg4[%get3A_445, %get3A_446, %get3A_447] : memref<2x1x64xf32, #tpu.memory_space<smem>>
    %convert_element_type3A_449 = arith.truncf %get3A_448 : f32 to bf16
    %mul3A_450 = vector.broadcast %convert_element_type3A_449 : bf16 to vector<56x512xbf16>
    %mul3A_451 = arith.mulf %mul3A_444, %mul3A_450 : vector<56x512xbf16>
    %get3A_452 = arith.constant 0 : index
    %get3A_453 = arith.constant 0 : index
    %get3A_454 = arith.constant 23 : index
    %get3A_455 = memref.load %arg3[%get3A_452, %get3A_453, %get3A_454] : memref<2x1x64xf32, #tpu.memory_space<smem>>
    %convert_element_type3A_456 = arith.truncf %get3A_455 : f32 to bf16
    %sub3A_457 = vector.broadcast %convert_element_type3A_456 : bf16 to vector<56x512xbf16>
    %sub3A_458 = arith.subf %get3A_3, %sub3A_457 : vector<56x512xbf16>
    %mul3A_459 = arith.mulf %sub3A_458, %sub3A_458 : vector<56x512xbf16>
    %get3A_460 = arith.constant 0 : index
    %get3A_461 = arith.constant 0 : index
    %get3A_462 = arith.constant 23 : index
    %get3A_463 = memref.load %arg4[%get3A_460, %get3A_461, %get3A_462] : memref<2x1x64xf32, #tpu.memory_space<smem>>
    %convert_element_type3A_464 = arith.truncf %get3A_463 : f32 to bf16
    %mul3A_465 = vector.broadcast %convert_element_type3A_464 : bf16 to vector<56x512xbf16>
    %mul3A_466 = arith.mulf %mul3A_459, %mul3A_465 : vector<56x512xbf16>
    %min3A_467 = arith.minimumf %mul3A_361, %mul3A_376 : vector<56x512xbf16>
    %max3A_468 = arith.maximumf %mul3A_361, %mul3A_376 : vector<56x512xbf16>
    %min3A_469 = arith.minimumf %mul3A_391, %mul3A_406 : vector<56x512xbf16>
    %max3A_470 = arith.maximumf %mul3A_391, %mul3A_406 : vector<56x512xbf16>
    %min3A_471 = arith.minimumf %mul3A_421, %mul3A_436 : vector<56x512xbf16>
    %max3A_472 = arith.maximumf %mul3A_421, %mul3A_436 : vector<56x512xbf16>
    %min3A_473 = arith.minimumf %mul3A_451, %mul3A_466 : vector<56x512xbf16>
    %max3A_474 = arith.maximumf %mul3A_451, %mul3A_466 : vector<56x512xbf16>
    %min3A_475 = arith.minimumf %min3A_467, %min3A_469 : vector<56x512xbf16>
    %max3A_476 = arith.maximumf %min3A_467, %min3A_469 : vector<56x512xbf16>
    %min3A_477 = arith.minimumf %max3A_468, %max3A_470 : vector<56x512xbf16>
    %max3A_478 = arith.maximumf %max3A_468, %max3A_470 : vector<56x512xbf16>
    %min3A_479 = arith.minimumf %min3A_471, %min3A_473 : vector<56x512xbf16>
    %max3A_480 = arith.maximumf %min3A_471, %min3A_473 : vector<56x512xbf16>
    %min3A_481 = arith.minimumf %max3A_472, %max3A_474 : vector<56x512xbf16>
    %max3A_482 = arith.maximumf %max3A_472, %max3A_474 : vector<56x512xbf16>
    %min3A_483 = arith.minimumf %min3A_477, %max3A_476 : vector<56x512xbf16>
    %max3A_484 = arith.maximumf %min3A_477, %max3A_476 : vector<56x512xbf16>
    %min3A_485 = arith.minimumf %min3A_481, %max3A_480 : vector<56x512xbf16>
    %max3A_486 = arith.maximumf %min3A_481, %max3A_480 : vector<56x512xbf16>
    %min3A_487 = arith.minimumf %min3A_475, %min3A_479 : vector<56x512xbf16>
    %max3A_488 = arith.maximumf %min3A_475, %min3A_479 : vector<56x512xbf16>
    %min3A_489 = arith.minimumf %min3A_483, %min3A_485 : vector<56x512xbf16>
    %max3A_490 = arith.maximumf %min3A_483, %min3A_485 : vector<56x512xbf16>
    %min3A_491 = arith.minimumf %max3A_484, %max3A_486 : vector<56x512xbf16>
    %max3A_492 = arith.maximumf %max3A_484, %max3A_486 : vector<56x512xbf16>
    %min3A_493 = arith.minimumf %max3A_478, %max3A_482 : vector<56x512xbf16>
    %max3A_494 = arith.maximumf %max3A_478, %max3A_482 : vector<56x512xbf16>
    %min3A_495 = arith.minimumf %min3A_491, %max3A_488 : vector<56x512xbf16>
    %max3A_496 = arith.maximumf %min3A_491, %max3A_488 : vector<56x512xbf16>
    %min3A_497 = arith.minimumf %min3A_493, %max3A_490 : vector<56x512xbf16>
    %max3A_498 = arith.maximumf %min3A_493, %max3A_490 : vector<56x512xbf16>
    %min3A_499 = arith.minimumf %min3A_489, %min3A_495 : vector<56x512xbf16>
    %max3A_500 = arith.maximumf %min3A_489, %min3A_495 : vector<56x512xbf16>
    %min3A_501 = arith.minimumf %min3A_497, %max3A_496 : vector<56x512xbf16>
    %max3A_502 = arith.maximumf %min3A_497, %max3A_496 : vector<56x512xbf16>
    %min3A_503 = arith.minimumf %max3A_498, %max3A_492 : vector<56x512xbf16>
    %max3A_504 = arith.maximumf %max3A_498, %max3A_492 : vector<56x512xbf16>
    %min3A_505 = arith.minimumf %min3A_339, %max3A_494 : vector<56x512xbf16>
    %min3A_506 = arith.minimumf %max3A_340, %max3A_504 : vector<56x512xbf16>
    %min3A_507 = arith.minimumf %min3A_341, %min3A_503 : vector<56x512xbf16>
    %min3A_508 = arith.minimumf %max3A_342, %max3A_502 : vector<56x512xbf16>
    %min3A_509 = arith.minimumf %min3A_343, %min3A_501 : vector<56x512xbf16>
    %min3A_510 = arith.minimumf %max3A_344, %max3A_500 : vector<56x512xbf16>
    %min3A_511 = arith.minimumf %min3A_345, %min3A_499 : vector<56x512xbf16>
    %min3A_512 = arith.minimumf %max3A_346, %min3A_487 : vector<56x512xbf16>
    %min3A_513 = arith.minimumf %min3A_505, %min3A_509 : vector<56x512xbf16>
    %max3A_514 = arith.maximumf %min3A_505, %min3A_509 : vector<56x512xbf16>
    %min3A_515 = arith.minimumf %min3A_506, %min3A_510 : vector<56x512xbf16>
    %max3A_516 = arith.maximumf %min3A_506, %min3A_510 : vector<56x512xbf16>
    %min3A_517 = arith.minimumf %min3A_507, %min3A_511 : vector<56x512xbf16>
    %max3A_518 = arith.maximumf %min3A_507, %min3A_511 : vector<56x512xbf16>
    %min3A_519 = arith.minimumf %min3A_508, %min3A_512 : vector<56x512xbf16>
    %max3A_520 = arith.maximumf %min3A_508, %min3A_512 : vector<56x512xbf16>
    %min3A_521 = arith.minimumf %min3A_513, %min3A_517 : vector<56x512xbf16>
    %max3A_522 = arith.maximumf %min3A_513, %min3A_517 : vector<56x512xbf16>
    %min3A_523 = arith.minimumf %min3A_515, %min3A_519 : vector<56x512xbf16>
    %max3A_524 = arith.maximumf %min3A_515, %min3A_519 : vector<56x512xbf16>
    %min3A_525 = arith.minimumf %max3A_514, %max3A_518 : vector<56x512xbf16>
    %max3A_526 = arith.maximumf %max3A_514, %max3A_518 : vector<56x512xbf16>
    %min3A_527 = arith.minimumf %max3A_516, %max3A_520 : vector<56x512xbf16>
    %max3A_528 = arith.maximumf %max3A_516, %max3A_520 : vector<56x512xbf16>
    %min3A_529 = arith.minimumf %min3A_521, %min3A_523 : vector<56x512xbf16>
    %max3A_530 = arith.maximumf %min3A_521, %min3A_523 : vector<56x512xbf16>
    %min3A_531 = arith.minimumf %max3A_522, %max3A_524 : vector<56x512xbf16>
    %max3A_532 = arith.maximumf %max3A_522, %max3A_524 : vector<56x512xbf16>
    %min3A_533 = arith.minimumf %min3A_525, %min3A_527 : vector<56x512xbf16>
    %max3A_534 = arith.maximumf %min3A_525, %min3A_527 : vector<56x512xbf16>
    %min3A_535 = arith.minimumf %max3A_526, %max3A_528 : vector<56x512xbf16>
    %max3A_536 = arith.maximumf %max3A_526, %max3A_528 : vector<56x512xbf16>
    %get3A_537 = arith.constant 0 : index
    %get3A_538 = arith.constant 0 : index
    %get3A_539 = arith.constant 24 : index
    %get3A_540 = memref.load %arg3[%get3A_537, %get3A_538, %get3A_539] : memref<2x1x64xf32, #tpu.memory_space<smem>>
    %convert_element_type3A_541 = arith.truncf %get3A_540 : f32 to bf16
    %sub3A_542 = vector.broadcast %convert_element_type3A_541 : bf16 to vector<56x512xbf16>
    %sub3A_543 = arith.subf %get3A_3, %sub3A_542 : vector<56x512xbf16>
    %mul3A_544 = arith.mulf %sub3A_543, %sub3A_543 : vector<56x512xbf16>
    %get3A_545 = arith.constant 0 : index
    %get3A_546 = arith.constant 0 : index
    %get3A_547 = arith.constant 24 : index
    %get3A_548 = memref.load %arg4[%get3A_545, %get3A_546, %get3A_547] : memref<2x1x64xf32, #tpu.memory_space<smem>>
    %convert_element_type3A_549 = arith.truncf %get3A_548 : f32 to bf16
    %mul3A_550 = vector.broadcast %convert_element_type3A_549 : bf16 to vector<56x512xbf16>
    %mul3A_551 = arith.mulf %mul3A_544, %mul3A_550 : vector<56x512xbf16>
    %get3A_552 = arith.constant 0 : index
    %get3A_553 = arith.constant 0 : index
    %get3A_554 = arith.constant 25 : index
    %get3A_555 = memref.load %arg3[%get3A_552, %get3A_553, %get3A_554] : memref<2x1x64xf32, #tpu.memory_space<smem>>
    %convert_element_type3A_556 = arith.truncf %get3A_555 : f32 to bf16
    %sub3A_557 = vector.broadcast %convert_element_type3A_556 : bf16 to vector<56x512xbf16>
    %sub3A_558 = arith.subf %get3A_3, %sub3A_557 : vector<56x512xbf16>
    %mul3A_559 = arith.mulf %sub3A_558, %sub3A_558 : vector<56x512xbf16>
    %get3A_560 = arith.constant 0 : index
    %get3A_561 = arith.constant 0 : index
    %get3A_562 = arith.constant 25 : index
    %get3A_563 = memref.load %arg4[%get3A_560, %get3A_561, %get3A_562] : memref<2x1x64xf32, #tpu.memory_space<smem>>
    %convert_element_type3A_564 = arith.truncf %get3A_563 : f32 to bf16
    %mul3A_565 = vector.broadcast %convert_element_type3A_564 : bf16 to vector<56x512xbf16>
    %mul3A_566 = arith.mulf %mul3A_559, %mul3A_565 : vector<56x512xbf16>
    %get3A_567 = arith.constant 0 : index
    %get3A_568 = arith.constant 0 : index
    %get3A_569 = arith.constant 26 : index
    %get3A_570 = memref.load %arg3[%get3A_567, %get3A_568, %get3A_569] : memref<2x1x64xf32, #tpu.memory_space<smem>>
    %convert_element_type3A_571 = arith.truncf %get3A_570 : f32 to bf16
    %sub3A_572 = vector.broadcast %convert_element_type3A_571 : bf16 to vector<56x512xbf16>
    %sub3A_573 = arith.subf %get3A_3, %sub3A_572 : vector<56x512xbf16>
    %mul3A_574 = arith.mulf %sub3A_573, %sub3A_573 : vector<56x512xbf16>
    %get3A_575 = arith.constant 0 : index
    %get3A_576 = arith.constant 0 : index
    %get3A_577 = arith.constant 26 : index
    %get3A_578 = memref.load %arg4[%get3A_575, %get3A_576, %get3A_577] : memref<2x1x64xf32, #tpu.memory_space<smem>>
    %convert_element_type3A_579 = arith.truncf %get3A_578 : f32 to bf16
    %mul3A_580 = vector.broadcast %convert_element_type3A_579 : bf16 to vector<56x512xbf16>
    %mul3A_581 = arith.mulf %mul3A_574, %mul3A_580 : vector<56x512xbf16>
    %get3A_582 = arith.constant 0 : index
    %get3A_583 = arith.constant 0 : index
    %get3A_584 = arith.constant 27 : index
    %get3A_585 = memref.load %arg3[%get3A_582, %get3A_583, %get3A_584] : memref<2x1x64xf32, #tpu.memory_space<smem>>
    %convert_element_type3A_586 = arith.truncf %get3A_585 : f32 to bf16
    %sub3A_587 = vector.broadcast %convert_element_type3A_586 : bf16 to vector<56x512xbf16>
    %sub3A_588 = arith.subf %get3A_3, %sub3A_587 : vector<56x512xbf16>
    %mul3A_589 = arith.mulf %sub3A_588, %sub3A_588 : vector<56x512xbf16>
    %get3A_590 = arith.constant 0 : index
    %get3A_591 = arith.constant 0 : index
    %get3A_592 = arith.constant 27 : index
    %get3A_593 = memref.load %arg4[%get3A_590, %get3A_591, %get3A_592] : memref<2x1x64xf32, #tpu.memory_space<smem>>
    %convert_element_type3A_594 = arith.truncf %get3A_593 : f32 to bf16
    %mul3A_595 = vector.broadcast %convert_element_type3A_594 : bf16 to vector<56x512xbf16>
    %mul3A_596 = arith.mulf %mul3A_589, %mul3A_595 : vector<56x512xbf16>
    %get3A_597 = arith.constant 0 : index
    %get3A_598 = arith.constant 0 : index
    %get3A_599 = arith.constant 28 : index
    %get3A_600 = memref.load %arg3[%get3A_597, %get3A_598, %get3A_599] : memref<2x1x64xf32, #tpu.memory_space<smem>>
    %convert_element_type3A_601 = arith.truncf %get3A_600 : f32 to bf16
    %sub3A_602 = vector.broadcast %convert_element_type3A_601 : bf16 to vector<56x512xbf16>
    %sub3A_603 = arith.subf %get3A_3, %sub3A_602 : vector<56x512xbf16>
    %mul3A_604 = arith.mulf %sub3A_603, %sub3A_603 : vector<56x512xbf16>
    %get3A_605 = arith.constant 0 : index
    %get3A_606 = arith.constant 0 : index
    %get3A_607 = arith.constant 28 : index
    %get3A_608 = memref.load %arg4[%get3A_605, %get3A_606, %get3A_607] : memref<2x1x64xf32, #tpu.memory_space<smem>>
    %convert_element_type3A_609 = arith.truncf %get3A_608 : f32 to bf16
    %mul3A_610 = vector.broadcast %convert_element_type3A_609 : bf16 to vector<56x512xbf16>
    %mul3A_611 = arith.mulf %mul3A_604, %mul3A_610 : vector<56x512xbf16>
    %get3A_612 = arith.constant 0 : index
    %get3A_613 = arith.constant 0 : index
    %get3A_614 = arith.constant 29 : index
    %get3A_615 = memref.load %arg3[%get3A_612, %get3A_613, %get3A_614] : memref<2x1x64xf32, #tpu.memory_space<smem>>
    %convert_element_type3A_616 = arith.truncf %get3A_615 : f32 to bf16
    %sub3A_617 = vector.broadcast %convert_element_type3A_616 : bf16 to vector<56x512xbf16>
    %sub3A_618 = arith.subf %get3A_3, %sub3A_617 : vector<56x512xbf16>
    %mul3A_619 = arith.mulf %sub3A_618, %sub3A_618 : vector<56x512xbf16>
    %get3A_620 = arith.constant 0 : index
    %get3A_621 = arith.constant 0 : index
    %get3A_622 = arith.constant 29 : index
    %get3A_623 = memref.load %arg4[%get3A_620, %get3A_621, %get3A_622] : memref<2x1x64xf32, #tpu.memory_space<smem>>
    %convert_element_type3A_624 = arith.truncf %get3A_623 : f32 to bf16
    %mul3A_625 = vector.broadcast %convert_element_type3A_624 : bf16 to vector<56x512xbf16>
    %mul3A_626 = arith.mulf %mul3A_619, %mul3A_625 : vector<56x512xbf16>
    %get3A_627 = arith.constant 0 : index
    %get3A_628 = arith.constant 0 : index
    %get3A_629 = arith.constant 30 : index
    %get3A_630 = memref.load %arg3[%get3A_627, %get3A_628, %get3A_629] : memref<2x1x64xf32, #tpu.memory_space<smem>>
    %convert_element_type3A_631 = arith.truncf %get3A_630 : f32 to bf16
    %sub3A_632 = vector.broadcast %convert_element_type3A_631 : bf16 to vector<56x512xbf16>
    %sub3A_633 = arith.subf %get3A_3, %sub3A_632 : vector<56x512xbf16>
    %mul3A_634 = arith.mulf %sub3A_633, %sub3A_633 : vector<56x512xbf16>
    %get3A_635 = arith.constant 0 : index
    %get3A_636 = arith.constant 0 : index
    %get3A_637 = arith.constant 30 : index
    %get3A_638 = memref.load %arg4[%get3A_635, %get3A_636, %get3A_637] : memref<2x1x64xf32, #tpu.memory_space<smem>>
    %convert_element_type3A_639 = arith.truncf %get3A_638 : f32 to bf16
    %mul3A_640 = vector.broadcast %convert_element_type3A_639 : bf16 to vector<56x512xbf16>
    %mul3A_641 = arith.mulf %mul3A_634, %mul3A_640 : vector<56x512xbf16>
    %get3A_642 = arith.constant 0 : index
    %get3A_643 = arith.constant 0 : index
    %get3A_644 = arith.constant 31 : index
    %get3A_645 = memref.load %arg3[%get3A_642, %get3A_643, %get3A_644] : memref<2x1x64xf32, #tpu.memory_space<smem>>
    %convert_element_type3A_646 = arith.truncf %get3A_645 : f32 to bf16
    %sub3A_647 = vector.broadcast %convert_element_type3A_646 : bf16 to vector<56x512xbf16>
    %sub3A_648 = arith.subf %get3A_3, %sub3A_647 : vector<56x512xbf16>
    %mul3A_649 = arith.mulf %sub3A_648, %sub3A_648 : vector<56x512xbf16>
    %get3A_650 = arith.constant 0 : index
    %get3A_651 = arith.constant 0 : index
    %get3A_652 = arith.constant 31 : index
    %get3A_653 = memref.load %arg4[%get3A_650, %get3A_651, %get3A_652] : memref<2x1x64xf32, #tpu.memory_space<smem>>
    %convert_element_type3A_654 = arith.truncf %get3A_653 : f32 to bf16
    %mul3A_655 = vector.broadcast %convert_element_type3A_654 : bf16 to vector<56x512xbf16>
    %mul3A_656 = arith.mulf %mul3A_649, %mul3A_655 : vector<56x512xbf16>
    %min3A_657 = arith.minimumf %mul3A_551, %mul3A_566 : vector<56x512xbf16>
    %max3A_658 = arith.maximumf %mul3A_551, %mul3A_566 : vector<56x512xbf16>
    %min3A_659 = arith.minimumf %mul3A_581, %mul3A_596 : vector<56x512xbf16>
    %max3A_660 = arith.maximumf %mul3A_581, %mul3A_596 : vector<56x512xbf16>
    %min3A_661 = arith.minimumf %mul3A_611, %mul3A_626 : vector<56x512xbf16>
    %max3A_662 = arith.maximumf %mul3A_611, %mul3A_626 : vector<56x512xbf16>
    %min3A_663 = arith.minimumf %mul3A_641, %mul3A_656 : vector<56x512xbf16>
    %max3A_664 = arith.maximumf %mul3A_641, %mul3A_656 : vector<56x512xbf16>
    %min3A_665 = arith.minimumf %min3A_657, %min3A_659 : vector<56x512xbf16>
    %max3A_666 = arith.maximumf %min3A_657, %min3A_659 : vector<56x512xbf16>
    %min3A_667 = arith.minimumf %max3A_658, %max3A_660 : vector<56x512xbf16>
    %max3A_668 = arith.maximumf %max3A_658, %max3A_660 : vector<56x512xbf16>
    %min3A_669 = arith.minimumf %min3A_661, %min3A_663 : vector<56x512xbf16>
    %max3A_670 = arith.maximumf %min3A_661, %min3A_663 : vector<56x512xbf16>
    %min3A_671 = arith.minimumf %max3A_662, %max3A_664 : vector<56x512xbf16>
    %max3A_672 = arith.maximumf %max3A_662, %max3A_664 : vector<56x512xbf16>
    %min3A_673 = arith.minimumf %min3A_667, %max3A_666 : vector<56x512xbf16>
    %max3A_674 = arith.maximumf %min3A_667, %max3A_666 : vector<56x512xbf16>
    %min3A_675 = arith.minimumf %min3A_671, %max3A_670 : vector<56x512xbf16>
    %max3A_676 = arith.maximumf %min3A_671, %max3A_670 : vector<56x512xbf16>
    %min3A_677 = arith.minimumf %min3A_665, %min3A_669 : vector<56x512xbf16>
    %max3A_678 = arith.maximumf %min3A_665, %min3A_669 : vector<56x512xbf16>
    %min3A_679 = arith.minimumf %min3A_673, %min3A_675 : vector<56x512xbf16>
    %max3A_680 = arith.maximumf %min3A_673, %min3A_675 : vector<56x512xbf16>
    %min3A_681 = arith.minimumf %max3A_674, %max3A_676 : vector<56x512xbf16>
    %max3A_682 = arith.maximumf %max3A_674, %max3A_676 : vector<56x512xbf16>
    %min3A_683 = arith.minimumf %max3A_668, %max3A_672 : vector<56x512xbf16>
    %max3A_684 = arith.maximumf %max3A_668, %max3A_672 : vector<56x512xbf16>
    %min3A_685 = arith.minimumf %min3A_681, %max3A_678 : vector<56x512xbf16>
    %max3A_686 = arith.maximumf %min3A_681, %max3A_678 : vector<56x512xbf16>
    %min3A_687 = arith.minimumf %min3A_683, %max3A_680 : vector<56x512xbf16>
    %max3A_688 = arith.maximumf %min3A_683, %max3A_680 : vector<56x512xbf16>
    %min3A_689 = arith.minimumf %min3A_679, %min3A_685 : vector<56x512xbf16>
    %max3A_690 = arith.maximumf %min3A_679, %min3A_685 : vector<56x512xbf16>
    %min3A_691 = arith.minimumf %min3A_687, %max3A_686 : vector<56x512xbf16>
    %max3A_692 = arith.maximumf %min3A_687, %max3A_686 : vector<56x512xbf16>
    %min3A_693 = arith.minimumf %max3A_688, %max3A_682 : vector<56x512xbf16>
    %max3A_694 = arith.maximumf %max3A_688, %max3A_682 : vector<56x512xbf16>
    %min3A_695 = arith.minimumf %min3A_529, %max3A_684 : vector<56x512xbf16>
    %min3A_696 = arith.minimumf %max3A_530, %max3A_694 : vector<56x512xbf16>
    %min3A_697 = arith.minimumf %min3A_531, %min3A_693 : vector<56x512xbf16>
    %min3A_698 = arith.minimumf %max3A_532, %max3A_692 : vector<56x512xbf16>
    %min3A_699 = arith.minimumf %min3A_533, %min3A_691 : vector<56x512xbf16>
    %min3A_700 = arith.minimumf %max3A_534, %max3A_690 : vector<56x512xbf16>
    %min3A_701 = arith.minimumf %min3A_535, %min3A_689 : vector<56x512xbf16>
    %min3A_702 = arith.minimumf %max3A_536, %min3A_677 : vector<56x512xbf16>
    %min3A_703 = arith.minimumf %min3A_695, %min3A_699 : vector<56x512xbf16>
    %max3A_704 = arith.maximumf %min3A_695, %min3A_699 : vector<56x512xbf16>
    %min3A_705 = arith.minimumf %min3A_696, %min3A_700 : vector<56x512xbf16>
    %max3A_706 = arith.maximumf %min3A_696, %min3A_700 : vector<56x512xbf16>
    %min3A_707 = arith.minimumf %min3A_697, %min3A_701 : vector<56x512xbf16>
    %max3A_708 = arith.maximumf %min3A_697, %min3A_701 : vector<56x512xbf16>
    %min3A_709 = arith.minimumf %min3A_698, %min3A_702 : vector<56x512xbf16>
    %max3A_710 = arith.maximumf %min3A_698, %min3A_702 : vector<56x512xbf16>
    %min3A_711 = arith.minimumf %min3A_703, %min3A_707 : vector<56x512xbf16>
    %max3A_712 = arith.maximumf %min3A_703, %min3A_707 : vector<56x512xbf16>
    %min3A_713 = arith.minimumf %min3A_705, %min3A_709 : vector<56x512xbf16>
    %max3A_714 = arith.maximumf %min3A_705, %min3A_709 : vector<56x512xbf16>
    %min3A_715 = arith.minimumf %max3A_704, %max3A_708 : vector<56x512xbf16>
    %max3A_716 = arith.maximumf %max3A_704, %max3A_708 : vector<56x512xbf16>
    %min3A_717 = arith.minimumf %max3A_706, %max3A_710 : vector<56x512xbf16>
    %max3A_718 = arith.maximumf %max3A_706, %max3A_710 : vector<56x512xbf16>
    %min3A_719 = arith.minimumf %min3A_711, %min3A_713 : vector<56x512xbf16>
    %max3A_720 = arith.maximumf %min3A_711, %min3A_713 : vector<56x512xbf16>
    %min3A_721 = arith.minimumf %max3A_712, %max3A_714 : vector<56x512xbf16>
    %max3A_722 = arith.maximumf %max3A_712, %max3A_714 : vector<56x512xbf16>
    %min3A_723 = arith.minimumf %min3A_715, %min3A_717 : vector<56x512xbf16>
    %max3A_724 = arith.maximumf %min3A_715, %min3A_717 : vector<56x512xbf16>
    %min3A_725 = arith.minimumf %max3A_716, %max3A_718 : vector<56x512xbf16>
    %max3A_726 = arith.maximumf %max3A_716, %max3A_718 : vector<56x512xbf16>
    %get3A_727 = arith.constant 0 : index
    %get3A_728 = arith.constant 0 : index
    %get3A_729 = arith.constant 32 : index
    %get3A_730 = memref.load %arg3[%get3A_727, %get3A_728, %get3A_729] : memref<2x1x64xf32, #tpu.memory_space<smem>>
    %convert_element_type3A_731 = arith.truncf %get3A_730 : f32 to bf16
    %sub3A_732 = vector.broadcast %convert_element_type3A_731 : bf16 to vector<56x512xbf16>
    %sub3A_733 = arith.subf %get3A_3, %sub3A_732 : vector<56x512xbf16>
    %mul3A_734 = arith.mulf %sub3A_733, %sub3A_733 : vector<56x512xbf16>
    %get3A_735 = arith.constant 0 : index
    %get3A_736 = arith.constant 0 : index
    %get3A_737 = arith.constant 32 : index
    %get3A_738 = memref.load %arg4[%get3A_735, %get3A_736, %get3A_737] : memref<2x1x64xf32, #tpu.memory_space<smem>>
    %convert_element_type3A_739 = arith.truncf %get3A_738 : f32 to bf16
    %mul3A_740 = vector.broadcast %convert_element_type3A_739 : bf16 to vector<56x512xbf16>
    %mul3A_741 = arith.mulf %mul3A_734, %mul3A_740 : vector<56x512xbf16>
    %get3A_742 = arith.constant 0 : index
    %get3A_743 = arith.constant 0 : index
    %get3A_744 = arith.constant 33 : index
    %get3A_745 = memref.load %arg3[%get3A_742, %get3A_743, %get3A_744] : memref<2x1x64xf32, #tpu.memory_space<smem>>
    %convert_element_type3A_746 = arith.truncf %get3A_745 : f32 to bf16
    %sub3A_747 = vector.broadcast %convert_element_type3A_746 : bf16 to vector<56x512xbf16>
    %sub3A_748 = arith.subf %get3A_3, %sub3A_747 : vector<56x512xbf16>
    %mul3A_749 = arith.mulf %sub3A_748, %sub3A_748 : vector<56x512xbf16>
    %get3A_750 = arith.constant 0 : index
    %get3A_751 = arith.constant 0 : index
    %get3A_752 = arith.constant 33 : index
    %get3A_753 = memref.load %arg4[%get3A_750, %get3A_751, %get3A_752] : memref<2x1x64xf32, #tpu.memory_space<smem>>
    %convert_element_type3A_754 = arith.truncf %get3A_753 : f32 to bf16
    %mul3A_755 = vector.broadcast %convert_element_type3A_754 : bf16 to vector<56x512xbf16>
    %mul3A_756 = arith.mulf %mul3A_749, %mul3A_755 : vector<56x512xbf16>
    %get3A_757 = arith.constant 0 : index
    %get3A_758 = arith.constant 0 : index
    %get3A_759 = arith.constant 34 : index
    %get3A_760 = memref.load %arg3[%get3A_757, %get3A_758, %get3A_759] : memref<2x1x64xf32, #tpu.memory_space<smem>>
    %convert_element_type3A_761 = arith.truncf %get3A_760 : f32 to bf16
    %sub3A_762 = vector.broadcast %convert_element_type3A_761 : bf16 to vector<56x512xbf16>
    %sub3A_763 = arith.subf %get3A_3, %sub3A_762 : vector<56x512xbf16>
    %mul3A_764 = arith.mulf %sub3A_763, %sub3A_763 : vector<56x512xbf16>
    %get3A_765 = arith.constant 0 : index
    %get3A_766 = arith.constant 0 : index
    %get3A_767 = arith.constant 34 : index
    %get3A_768 = memref.load %arg4[%get3A_765, %get3A_766, %get3A_767] : memref<2x1x64xf32, #tpu.memory_space<smem>>
    %convert_element_type3A_769 = arith.truncf %get3A_768 : f32 to bf16
    %mul3A_770 = vector.broadcast %convert_element_type3A_769 : bf16 to vector<56x512xbf16>
    %mul3A_771 = arith.mulf %mul3A_764, %mul3A_770 : vector<56x512xbf16>
    %get3A_772 = arith.constant 0 : index
    %get3A_773 = arith.constant 0 : index
    %get3A_774 = arith.constant 35 : index
    %get3A_775 = memref.load %arg3[%get3A_772, %get3A_773, %get3A_774] : memref<2x1x64xf32, #tpu.memory_space<smem>>
    %convert_element_type3A_776 = arith.truncf %get3A_775 : f32 to bf16
    %sub3A_777 = vector.broadcast %convert_element_type3A_776 : bf16 to vector<56x512xbf16>
    %sub3A_778 = arith.subf %get3A_3, %sub3A_777 : vector<56x512xbf16>
    %mul3A_779 = arith.mulf %sub3A_778, %sub3A_778 : vector<56x512xbf16>
    %get3A_780 = arith.constant 0 : index
    %get3A_781 = arith.constant 0 : index
    %get3A_782 = arith.constant 35 : index
    %get3A_783 = memref.load %arg4[%get3A_780, %get3A_781, %get3A_782] : memref<2x1x64xf32, #tpu.memory_space<smem>>
    %convert_element_type3A_784 = arith.truncf %get3A_783 : f32 to bf16
    %mul3A_785 = vector.broadcast %convert_element_type3A_784 : bf16 to vector<56x512xbf16>
    %mul3A_786 = arith.mulf %mul3A_779, %mul3A_785 : vector<56x512xbf16>
    %get3A_787 = arith.constant 0 : index
    %get3A_788 = arith.constant 0 : index
    %get3A_789 = arith.constant 36 : index
    %get3A_790 = memref.load %arg3[%get3A_787, %get3A_788, %get3A_789] : memref<2x1x64xf32, #tpu.memory_space<smem>>
    %convert_element_type3A_791 = arith.truncf %get3A_790 : f32 to bf16
    %sub3A_792 = vector.broadcast %convert_element_type3A_791 : bf16 to vector<56x512xbf16>
    %sub3A_793 = arith.subf %get3A_3, %sub3A_792 : vector<56x512xbf16>
    %mul3A_794 = arith.mulf %sub3A_793, %sub3A_793 : vector<56x512xbf16>
    %get3A_795 = arith.constant 0 : index
    %get3A_796 = arith.constant 0 : index
    %get3A_797 = arith.constant 36 : index
    %get3A_798 = memref.load %arg4[%get3A_795, %get3A_796, %get3A_797] : memref<2x1x64xf32, #tpu.memory_space<smem>>
    %convert_element_type3A_799 = arith.truncf %get3A_798 : f32 to bf16
    %mul3A_800 = vector.broadcast %convert_element_type3A_799 : bf16 to vector<56x512xbf16>
    %mul3A_801 = arith.mulf %mul3A_794, %mul3A_800 : vector<56x512xbf16>
    %get3A_802 = arith.constant 0 : index
    %get3A_803 = arith.constant 0 : index
    %get3A_804 = arith.constant 37 : index
    %get3A_805 = memref.load %arg3[%get3A_802, %get3A_803, %get3A_804] : memref<2x1x64xf32, #tpu.memory_space<smem>>
    %convert_element_type3A_806 = arith.truncf %get3A_805 : f32 to bf16
    %sub3A_807 = vector.broadcast %convert_element_type3A_806 : bf16 to vector<56x512xbf16>
    %sub3A_808 = arith.subf %get3A_3, %sub3A_807 : vector<56x512xbf16>
    %mul3A_809 = arith.mulf %sub3A_808, %sub3A_808 : vector<56x512xbf16>
    %get3A_810 = arith.constant 0 : index
    %get3A_811 = arith.constant 0 : index
    %get3A_812 = arith.constant 37 : index
    %get3A_813 = memref.load %arg4[%get3A_810, %get3A_811, %get3A_812] : memref<2x1x64xf32, #tpu.memory_space<smem>>
    %convert_element_type3A_814 = arith.truncf %get3A_813 : f32 to bf16
    %mul3A_815 = vector.broadcast %convert_element_type3A_814 : bf16 to vector<56x512xbf16>
    %mul3A_816 = arith.mulf %mul3A_809, %mul3A_815 : vector<56x512xbf16>
    %get3A_817 = arith.constant 0 : index
    %get3A_818 = arith.constant 0 : index
    %get3A_819 = arith.constant 38 : index
    %get3A_820 = memref.load %arg3[%get3A_817, %get3A_818, %get3A_819] : memref<2x1x64xf32, #tpu.memory_space<smem>>
    %convert_element_type3A_821 = arith.truncf %get3A_820 : f32 to bf16
    %sub3A_822 = vector.broadcast %convert_element_type3A_821 : bf16 to vector<56x512xbf16>
    %sub3A_823 = arith.subf %get3A_3, %sub3A_822 : vector<56x512xbf16>
    %mul3A_824 = arith.mulf %sub3A_823, %sub3A_823 : vector<56x512xbf16>
    %get3A_825 = arith.constant 0 : index
    %get3A_826 = arith.constant 0 : index
    %get3A_827 = arith.constant 38 : index
    %get3A_828 = memref.load %arg4[%get3A_825, %get3A_826, %get3A_827] : memref<2x1x64xf32, #tpu.memory_space<smem>>
    %convert_element_type3A_829 = arith.truncf %get3A_828 : f32 to bf16
    %mul3A_830 = vector.broadcast %convert_element_type3A_829 : bf16 to vector<56x512xbf16>
    %mul3A_831 = arith.mulf %mul3A_824, %mul3A_830 : vector<56x512xbf16>
    %get3A_832 = arith.constant 0 : index
    %get3A_833 = arith.constant 0 : index
    %get3A_834 = arith.constant 39 : index
    %get3A_835 = memref.load %arg3[%get3A_832, %get3A_833, %get3A_834] : memref<2x1x64xf32, #tpu.memory_space<smem>>
    %convert_element_type3A_836 = arith.truncf %get3A_835 : f32 to bf16
    %sub3A_837 = vector.broadcast %convert_element_type3A_836 : bf16 to vector<56x512xbf16>
    %sub3A_838 = arith.subf %get3A_3, %sub3A_837 : vector<56x512xbf16>
    %mul3A_839 = arith.mulf %sub3A_838, %sub3A_838 : vector<56x512xbf16>
    %get3A_840 = arith.constant 0 : index
    %get3A_841 = arith.constant 0 : index
    %get3A_842 = arith.constant 39 : index
    %get3A_843 = memref.load %arg4[%get3A_840, %get3A_841, %get3A_842] : memref<2x1x64xf32, #tpu.memory_space<smem>>
    %convert_element_type3A_844 = arith.truncf %get3A_843 : f32 to bf16
    %mul3A_845 = vector.broadcast %convert_element_type3A_844 : bf16 to vector<56x512xbf16>
    %mul3A_846 = arith.mulf %mul3A_839, %mul3A_845 : vector<56x512xbf16>
    %min3A_847 = arith.minimumf %mul3A_741, %mul3A_756 : vector<56x512xbf16>
    %max3A_848 = arith.maximumf %mul3A_741, %mul3A_756 : vector<56x512xbf16>
    %min3A_849 = arith.minimumf %mul3A_771, %mul3A_786 : vector<56x512xbf16>
    %max3A_850 = arith.maximumf %mul3A_771, %mul3A_786 : vector<56x512xbf16>
    %min3A_851 = arith.minimumf %mul3A_801, %mul3A_816 : vector<56x512xbf16>
    %max3A_852 = arith.maximumf %mul3A_801, %mul3A_816 : vector<56x512xbf16>
    %min3A_853 = arith.minimumf %mul3A_831, %mul3A_846 : vector<56x512xbf16>
    %max3A_854 = arith.maximumf %mul3A_831, %mul3A_846 : vector<56x512xbf16>
    %min3A_855 = arith.minimumf %min3A_847, %min3A_849 : vector<56x512xbf16>
    %max3A_856 = arith.maximumf %min3A_847, %min3A_849 : vector<56x512xbf16>
    %min3A_857 = arith.minimumf %max3A_848, %max3A_850 : vector<56x512xbf16>
    %max3A_858 = arith.maximumf %max3A_848, %max3A_850 : vector<56x512xbf16>
    %min3A_859 = arith.minimumf %min3A_851, %min3A_853 : vector<56x512xbf16>
    %max3A_860 = arith.maximumf %min3A_851, %min3A_853 : vector<56x512xbf16>
    %min3A_861 = arith.minimumf %max3A_852, %max3A_854 : vector<56x512xbf16>
    %max3A_862 = arith.maximumf %max3A_852, %max3A_854 : vector<56x512xbf16>
    %min3A_863 = arith.minimumf %min3A_857, %max3A_856 : vector<56x512xbf16>
    %max3A_864 = arith.maximumf %min3A_857, %max3A_856 : vector<56x512xbf16>
    %min3A_865 = arith.minimumf %min3A_861, %max3A_860 : vector<56x512xbf16>
    %max3A_866 = arith.maximumf %min3A_861, %max3A_860 : vector<56x512xbf16>
    %min3A_867 = arith.minimumf %min3A_855, %min3A_859 : vector<56x512xbf16>
    %max3A_868 = arith.maximumf %min3A_855, %min3A_859 : vector<56x512xbf16>
    %min3A_869 = arith.minimumf %min3A_863, %min3A_865 : vector<56x512xbf16>
    %max3A_870 = arith.maximumf %min3A_863, %min3A_865 : vector<56x512xbf16>
    %min3A_871 = arith.minimumf %max3A_864, %max3A_866 : vector<56x512xbf16>
    %max3A_872 = arith.maximumf %max3A_864, %max3A_866 : vector<56x512xbf16>
    %min3A_873 = arith.minimumf %max3A_858, %max3A_862 : vector<56x512xbf16>
    %max3A_874 = arith.maximumf %max3A_858, %max3A_862 : vector<56x512xbf16>
    %min3A_875 = arith.minimumf %min3A_871, %max3A_868 : vector<56x512xbf16>
    %max3A_876 = arith.maximumf %min3A_871, %max3A_868 : vector<56x512xbf16>
    %min3A_877 = arith.minimumf %min3A_873, %max3A_870 : vector<56x512xbf16>
    %max3A_878 = arith.maximumf %min3A_873, %max3A_870 : vector<56x512xbf16>
    %min3A_879 = arith.minimumf %min3A_869, %min3A_875 : vector<56x512xbf16>
    %max3A_880 = arith.maximumf %min3A_869, %min3A_875 : vector<56x512xbf16>
    %min3A_881 = arith.minimumf %min3A_877, %max3A_876 : vector<56x512xbf16>
    %max3A_882 = arith.maximumf %min3A_877, %max3A_876 : vector<56x512xbf16>
    %min3A_883 = arith.minimumf %max3A_878, %max3A_872 : vector<56x512xbf16>
    %max3A_884 = arith.maximumf %max3A_878, %max3A_872 : vector<56x512xbf16>
    %min3A_885 = arith.minimumf %min3A_719, %max3A_874 : vector<56x512xbf16>
    %min3A_886 = arith.minimumf %max3A_720, %max3A_884 : vector<56x512xbf16>
    %min3A_887 = arith.minimumf %min3A_721, %min3A_883 : vector<56x512xbf16>
    %min3A_888 = arith.minimumf %max3A_722, %max3A_882 : vector<56x512xbf16>
    %min3A_889 = arith.minimumf %min3A_723, %min3A_881 : vector<56x512xbf16>
    %min3A_890 = arith.minimumf %max3A_724, %max3A_880 : vector<56x512xbf16>
    %min3A_891 = arith.minimumf %min3A_725, %min3A_879 : vector<56x512xbf16>
    %min3A_892 = arith.minimumf %max3A_726, %min3A_867 : vector<56x512xbf16>
    %min3A_893 = arith.minimumf %min3A_885, %min3A_889 : vector<56x512xbf16>
    %max3A_894 = arith.maximumf %min3A_885, %min3A_889 : vector<56x512xbf16>
    %min3A_895 = arith.minimumf %min3A_886, %min3A_890 : vector<56x512xbf16>
    %max3A_896 = arith.maximumf %min3A_886, %min3A_890 : vector<56x512xbf16>
    %min3A_897 = arith.minimumf %min3A_887, %min3A_891 : vector<56x512xbf16>
    %max3A_898 = arith.maximumf %min3A_887, %min3A_891 : vector<56x512xbf16>
    %min3A_899 = arith.minimumf %min3A_888, %min3A_892 : vector<56x512xbf16>
    %max3A_900 = arith.maximumf %min3A_888, %min3A_892 : vector<56x512xbf16>
    %min3A_901 = arith.minimumf %min3A_893, %min3A_897 : vector<56x512xbf16>
    %max3A_902 = arith.maximumf %min3A_893, %min3A_897 : vector<56x512xbf16>
    %min3A_903 = arith.minimumf %min3A_895, %min3A_899 : vector<56x512xbf16>
    %max3A_904 = arith.maximumf %min3A_895, %min3A_899 : vector<56x512xbf16>
    %min3A_905 = arith.minimumf %max3A_894, %max3A_898 : vector<56x512xbf16>
    %max3A_906 = arith.maximumf %max3A_894, %max3A_898 : vector<56x512xbf16>
    %min3A_907 = arith.minimumf %max3A_896, %max3A_900 : vector<56x512xbf16>
    %max3A_908 = arith.maximumf %max3A_896, %max3A_900 : vector<56x512xbf16>
    %min3A_909 = arith.minimumf %min3A_901, %min3A_903 : vector<56x512xbf16>
    %max3A_910 = arith.maximumf %min3A_901, %min3A_903 : vector<56x512xbf16>
    %min3A_911 = arith.minimumf %max3A_902, %max3A_904 : vector<56x512xbf16>
    %max3A_912 = arith.maximumf %max3A_902, %max3A_904 : vector<56x512xbf16>
    %min3A_913 = arith.minimumf %min3A_905, %min3A_907 : vector<56x512xbf16>
    %max3A_914 = arith.maximumf %min3A_905, %min3A_907 : vector<56x512xbf16>
    %min3A_915 = arith.minimumf %max3A_906, %max3A_908 : vector<56x512xbf16>
    %max3A_916 = arith.maximumf %max3A_906, %max3A_908 : vector<56x512xbf16>
    %get3A_917 = arith.constant 0 : index
    %get3A_918 = arith.constant 0 : index
    %get3A_919 = arith.constant 40 : index
    %get3A_920 = memref.load %arg3[%get3A_917, %get3A_918, %get3A_919] : memref<2x1x64xf32, #tpu.memory_space<smem>>
    %convert_element_type3A_921 = arith.truncf %get3A_920 : f32 to bf16
    %sub3A_922 = vector.broadcast %convert_element_type3A_921 : bf16 to vector<56x512xbf16>
    %sub3A_923 = arith.subf %get3A_3, %sub3A_922 : vector<56x512xbf16>
    %mul3A_924 = arith.mulf %sub3A_923, %sub3A_923 : vector<56x512xbf16>
    %get3A_925 = arith.constant 0 : index
    %get3A_926 = arith.constant 0 : index
    %get3A_927 = arith.constant 40 : index
    %get3A_928 = memref.load %arg4[%get3A_925, %get3A_926, %get3A_927] : memref<2x1x64xf32, #tpu.memory_space<smem>>
    %convert_element_type3A_929 = arith.truncf %get3A_928 : f32 to bf16
    %mul3A_930 = vector.broadcast %convert_element_type3A_929 : bf16 to vector<56x512xbf16>
    %mul3A_931 = arith.mulf %mul3A_924, %mul3A_930 : vector<56x512xbf16>
    %get3A_932 = arith.constant 0 : index
    %get3A_933 = arith.constant 0 : index
    %get3A_934 = arith.constant 41 : index
    %get3A_935 = memref.load %arg3[%get3A_932, %get3A_933, %get3A_934] : memref<2x1x64xf32, #tpu.memory_space<smem>>
    %convert_element_type3A_936 = arith.truncf %get3A_935 : f32 to bf16
    %sub3A_937 = vector.broadcast %convert_element_type3A_936 : bf16 to vector<56x512xbf16>
    %sub3A_938 = arith.subf %get3A_3, %sub3A_937 : vector<56x512xbf16>
    %mul3A_939 = arith.mulf %sub3A_938, %sub3A_938 : vector<56x512xbf16>
    %get3A_940 = arith.constant 0 : index
    %get3A_941 = arith.constant 0 : index
    %get3A_942 = arith.constant 41 : index
    %get3A_943 = memref.load %arg4[%get3A_940, %get3A_941, %get3A_942] : memref<2x1x64xf32, #tpu.memory_space<smem>>
    %convert_element_type3A_944 = arith.truncf %get3A_943 : f32 to bf16
    %mul3A_945 = vector.broadcast %convert_element_type3A_944 : bf16 to vector<56x512xbf16>
    %mul3A_946 = arith.mulf %mul3A_939, %mul3A_945 : vector<56x512xbf16>
    %get3A_947 = arith.constant 0 : index
    %get3A_948 = arith.constant 0 : index
    %get3A_949 = arith.constant 42 : index
    %get3A_950 = memref.load %arg3[%get3A_947, %get3A_948, %get3A_949] : memref<2x1x64xf32, #tpu.memory_space<smem>>
    %convert_element_type3A_951 = arith.truncf %get3A_950 : f32 to bf16
    %sub3A_952 = vector.broadcast %convert_element_type3A_951 : bf16 to vector<56x512xbf16>
    %sub3A_953 = arith.subf %get3A_3, %sub3A_952 : vector<56x512xbf16>
    %mul3A_954 = arith.mulf %sub3A_953, %sub3A_953 : vector<56x512xbf16>
    %get3A_955 = arith.constant 0 : index
    %get3A_956 = arith.constant 0 : index
    %get3A_957 = arith.constant 42 : index
    %get3A_958 = memref.load %arg4[%get3A_955, %get3A_956, %get3A_957] : memref<2x1x64xf32, #tpu.memory_space<smem>>
    %convert_element_type3A_959 = arith.truncf %get3A_958 : f32 to bf16
    %mul3A_960 = vector.broadcast %convert_element_type3A_959 : bf16 to vector<56x512xbf16>
    %mul3A_961 = arith.mulf %mul3A_954, %mul3A_960 : vector<56x512xbf16>
    %get3A_962 = arith.constant 0 : index
    %get3A_963 = arith.constant 0 : index
    %get3A_964 = arith.constant 43 : index
    %get3A_965 = memref.load %arg3[%get3A_962, %get3A_963, %get3A_964] : memref<2x1x64xf32, #tpu.memory_space<smem>>
    %convert_element_type3A_966 = arith.truncf %get3A_965 : f32 to bf16
    %sub3A_967 = vector.broadcast %convert_element_type3A_966 : bf16 to vector<56x512xbf16>
    %sub3A_968 = arith.subf %get3A_3, %sub3A_967 : vector<56x512xbf16>
    %mul3A_969 = arith.mulf %sub3A_968, %sub3A_968 : vector<56x512xbf16>
    %get3A_970 = arith.constant 0 : index
    %get3A_971 = arith.constant 0 : index
    %get3A_972 = arith.constant 43 : index
    %get3A_973 = memref.load %arg4[%get3A_970, %get3A_971, %get3A_972] : memref<2x1x64xf32, #tpu.memory_space<smem>>
    %convert_element_type3A_974 = arith.truncf %get3A_973 : f32 to bf16
    %mul3A_975 = vector.broadcast %convert_element_type3A_974 : bf16 to vector<56x512xbf16>
    %mul3A_976 = arith.mulf %mul3A_969, %mul3A_975 : vector<56x512xbf16>
    %get3A_977 = arith.constant 0 : index
    %get3A_978 = arith.constant 0 : index
    %get3A_979 = arith.constant 44 : index
    %get3A_980 = memref.load %arg3[%get3A_977, %get3A_978, %get3A_979] : memref<2x1x64xf32, #tpu.memory_space<smem>>
    %convert_element_type3A_981 = arith.truncf %get3A_980 : f32 to bf16
    %sub3A_982 = vector.broadcast %convert_element_type3A_981 : bf16 to vector<56x512xbf16>
    %sub3A_983 = arith.subf %get3A_3, %sub3A_982 : vector<56x512xbf16>
    %mul3A_984 = arith.mulf %sub3A_983, %sub3A_983 : vector<56x512xbf16>
    %get3A_985 = arith.constant 0 : index
    %get3A_986 = arith.constant 0 : index
    %get3A_987 = arith.constant 44 : index
    %get3A_988 = memref.load %arg4[%get3A_985, %get3A_986, %get3A_987] : memref<2x1x64xf32, #tpu.memory_space<smem>>
    %convert_element_type3A_989 = arith.truncf %get3A_988 : f32 to bf16
    %mul3A_990 = vector.broadcast %convert_element_type3A_989 : bf16 to vector<56x512xbf16>
    %mul3A_991 = arith.mulf %mul3A_984, %mul3A_990 : vector<56x512xbf16>
    %get3A_992 = arith.constant 0 : index
    %get3A_993 = arith.constant 0 : index
    %get3A_994 = arith.constant 45 : index
    %get3A_995 = memref.load %arg3[%get3A_992, %get3A_993, %get3A_994] : memref<2x1x64xf32, #tpu.memory_space<smem>>
    %convert_element_type3A_996 = arith.truncf %get3A_995 : f32 to bf16
    %sub3A_997 = vector.broadcast %convert_element_type3A_996 : bf16 to vector<56x512xbf16>
    %sub3A_998 = arith.subf %get3A_3, %sub3A_997 : vector<56x512xbf16>
    %mul3A_999 = arith.mulf %sub3A_998, %sub3A_998 : vector<56x512xbf16>
    %get3A_1000 = arith.constant 0 : index
    %get3A_1001 = arith.constant 0 : index
    %get3A_1002 = arith.constant 45 : index
    %get3A_1003 = memref.load %arg4[%get3A_1000, %get3A_1001, %get3A_1002] : memref<2x1x64xf32, #tpu.memory_space<smem>>
    %convert_element_type3A_1004 = arith.truncf %get3A_1003 : f32 to bf16
    %mul3A_1005 = vector.broadcast %convert_element_type3A_1004 : bf16 to vector<56x512xbf16>
    %mul3A_1006 = arith.mulf %mul3A_999, %mul3A_1005 : vector<56x512xbf16>
    %get3A_1007 = arith.constant 0 : index
    %get3A_1008 = arith.constant 0 : index
    %get3A_1009 = arith.constant 46 : index
    %get3A_1010 = memref.load %arg3[%get3A_1007, %get3A_1008, %get3A_1009] : memref<2x1x64xf32, #tpu.memory_space<smem>>
    %convert_element_type3A_1011 = arith.truncf %get3A_1010 : f32 to bf16
    %sub3A_1012 = vector.broadcast %convert_element_type3A_1011 : bf16 to vector<56x512xbf16>
    %sub3A_1013 = arith.subf %get3A_3, %sub3A_1012 : vector<56x512xbf16>
    %mul3A_1014 = arith.mulf %sub3A_1013, %sub3A_1013 : vector<56x512xbf16>
    %get3A_1015 = arith.constant 0 : index
    %get3A_1016 = arith.constant 0 : index
    %get3A_1017 = arith.constant 46 : index
    %get3A_1018 = memref.load %arg4[%get3A_1015, %get3A_1016, %get3A_1017] : memref<2x1x64xf32, #tpu.memory_space<smem>>
    %convert_element_type3A_1019 = arith.truncf %get3A_1018 : f32 to bf16
    %mul3A_1020 = vector.broadcast %convert_element_type3A_1019 : bf16 to vector<56x512xbf16>
    %mul3A_1021 = arith.mulf %mul3A_1014, %mul3A_1020 : vector<56x512xbf16>
    %get3A_1022 = arith.constant 0 : index
    %get3A_1023 = arith.constant 0 : index
    %get3A_1024 = arith.constant 47 : index
    %get3A_1025 = memref.load %arg3[%get3A_1022, %get3A_1023, %get3A_1024] : memref<2x1x64xf32, #tpu.memory_space<smem>>
    %convert_element_type3A_1026 = arith.truncf %get3A_1025 : f32 to bf16
    %sub3A_1027 = vector.broadcast %convert_element_type3A_1026 : bf16 to vector<56x512xbf16>
    %sub3A_1028 = arith.subf %get3A_3, %sub3A_1027 : vector<56x512xbf16>
    %mul3A_1029 = arith.mulf %sub3A_1028, %sub3A_1028 : vector<56x512xbf16>
    %get3A_1030 = arith.constant 0 : index
    %get3A_1031 = arith.constant 0 : index
    %get3A_1032 = arith.constant 47 : index
    %get3A_1033 = memref.load %arg4[%get3A_1030, %get3A_1031, %get3A_1032] : memref<2x1x64xf32, #tpu.memory_space<smem>>
    %convert_element_type3A_1034 = arith.truncf %get3A_1033 : f32 to bf16
    %mul3A_1035 = vector.broadcast %convert_element_type3A_1034 : bf16 to vector<56x512xbf16>
    %mul3A_1036 = arith.mulf %mul3A_1029, %mul3A_1035 : vector<56x512xbf16>
    %min3A_1037 = arith.minimumf %mul3A_931, %mul3A_946 : vector<56x512xbf16>
    %max3A_1038 = arith.maximumf %mul3A_931, %mul3A_946 : vector<56x512xbf16>
    %min3A_1039 = arith.minimumf %mul3A_961, %mul3A_976 : vector<56x512xbf16>
    %max3A_1040 = arith.maximumf %mul3A_961, %mul3A_976 : vector<56x512xbf16>
    %min3A_1041 = arith.minimumf %mul3A_991, %mul3A_1006 : vector<56x512xbf16>
    %max3A_1042 = arith.maximumf %mul3A_991, %mul3A_1006 : vector<56x512xbf16>
    %min3A_1043 = arith.minimumf %mul3A_1021, %mul3A_1036 : vector<56x512xbf16>
    %max3A_1044 = arith.maximumf %mul3A_1021, %mul3A_1036 : vector<56x512xbf16>
    %min3A_1045 = arith.minimumf %min3A_1037, %min3A_1039 : vector<56x512xbf16>
    %max3A_1046 = arith.maximumf %min3A_1037, %min3A_1039 : vector<56x512xbf16>
    %min3A_1047 = arith.minimumf %max3A_1038, %max3A_1040 : vector<56x512xbf16>
    %max3A_1048 = arith.maximumf %max3A_1038, %max3A_1040 : vector<56x512xbf16>
    %min3A_1049 = arith.minimumf %min3A_1041, %min3A_1043 : vector<56x512xbf16>
    %max3A_1050 = arith.maximumf %min3A_1041, %min3A_1043 : vector<56x512xbf16>
    %min3A_1051 = arith.minimumf %max3A_1042, %max3A_1044 : vector<56x512xbf16>
    %max3A_1052 = arith.maximumf %max3A_1042, %max3A_1044 : vector<56x512xbf16>
    %min3A_1053 = arith.minimumf %min3A_1047, %max3A_1046 : vector<56x512xbf16>
    %max3A_1054 = arith.maximumf %min3A_1047, %max3A_1046 : vector<56x512xbf16>
    %min3A_1055 = arith.minimumf %min3A_1051, %max3A_1050 : vector<56x512xbf16>
    %max3A_1056 = arith.maximumf %min3A_1051, %max3A_1050 : vector<56x512xbf16>
    %min3A_1057 = arith.minimumf %min3A_1045, %min3A_1049 : vector<56x512xbf16>
    %max3A_1058 = arith.maximumf %min3A_1045, %min3A_1049 : vector<56x512xbf16>
    %min3A_1059 = arith.minimumf %min3A_1053, %min3A_1055 : vector<56x512xbf16>
    %max3A_1060 = arith.maximumf %min3A_1053, %min3A_1055 : vector<56x512xbf16>
    %min3A_1061 = arith.minimumf %max3A_1054, %max3A_1056 : vector<56x512xbf16>
    %max3A_1062 = arith.maximumf %max3A_1054, %max3A_1056 : vector<56x512xbf16>
    %min3A_1063 = arith.minimumf %max3A_1048, %max3A_1052 : vector<56x512xbf16>
    %max3A_1064 = arith.maximumf %max3A_1048, %max3A_1052 : vector<56x512xbf16>
    %min3A_1065 = arith.minimumf %min3A_1061, %max3A_1058 : vector<56x512xbf16>
    %max3A_1066 = arith.maximumf %min3A_1061, %max3A_1058 : vector<56x512xbf16>
    %min3A_1067 = arith.minimumf %min3A_1063, %max3A_1060 : vector<56x512xbf16>
    %max3A_1068 = arith.maximumf %min3A_1063, %max3A_1060 : vector<56x512xbf16>
    %min3A_1069 = arith.minimumf %min3A_1059, %min3A_1065 : vector<56x512xbf16>
    %max3A_1070 = arith.maximumf %min3A_1059, %min3A_1065 : vector<56x512xbf16>
    %min3A_1071 = arith.minimumf %min3A_1067, %max3A_1066 : vector<56x512xbf16>
    %max3A_1072 = arith.maximumf %min3A_1067, %max3A_1066 : vector<56x512xbf16>
    %min3A_1073 = arith.minimumf %max3A_1068, %max3A_1062 : vector<56x512xbf16>
    %max3A_1074 = arith.maximumf %max3A_1068, %max3A_1062 : vector<56x512xbf16>
    %min3A_1075 = arith.minimumf %min3A_909, %max3A_1064 : vector<56x512xbf16>
    %min3A_1076 = arith.minimumf %max3A_910, %max3A_1074 : vector<56x512xbf16>
    %min3A_1077 = arith.minimumf %min3A_911, %min3A_1073 : vector<56x512xbf16>
    %min3A_1078 = arith.minimumf %max3A_912, %max3A_1072 : vector<56x512xbf16>
    %min3A_1079 = arith.minimumf %min3A_913, %min3A_1071 : vector<56x512xbf16>
    %min3A_1080 = arith.minimumf %max3A_914, %max3A_1070 : vector<56x512xbf16>
    %min3A_1081 = arith.minimumf %min3A_915, %min3A_1069 : vector<56x512xbf16>
    %min3A_1082 = arith.minimumf %max3A_916, %min3A_1057 : vector<56x512xbf16>
    %min3A_1083 = arith.minimumf %min3A_1075, %min3A_1079 : vector<56x512xbf16>
    %max3A_1084 = arith.maximumf %min3A_1075, %min3A_1079 : vector<56x512xbf16>
    %min3A_1085 = arith.minimumf %min3A_1076, %min3A_1080 : vector<56x512xbf16>
    %max3A_1086 = arith.maximumf %min3A_1076, %min3A_1080 : vector<56x512xbf16>
    %min3A_1087 = arith.minimumf %min3A_1077, %min3A_1081 : vector<56x512xbf16>
    %max3A_1088 = arith.maximumf %min3A_1077, %min3A_1081 : vector<56x512xbf16>
    %min3A_1089 = arith.minimumf %min3A_1078, %min3A_1082 : vector<56x512xbf16>
    %max3A_1090 = arith.maximumf %min3A_1078, %min3A_1082 : vector<56x512xbf16>
    %min3A_1091 = arith.minimumf %min3A_1083, %min3A_1087 : vector<56x512xbf16>
    %max3A_1092 = arith.maximumf %min3A_1083, %min3A_1087 : vector<56x512xbf16>
    %min3A_1093 = arith.minimumf %min3A_1085, %min3A_1089 : vector<56x512xbf16>
    %max3A_1094 = arith.maximumf %min3A_1085, %min3A_1089 : vector<56x512xbf16>
    %min3A_1095 = arith.minimumf %max3A_1084, %max3A_1088 : vector<56x512xbf16>
    %max3A_1096 = arith.maximumf %max3A_1084, %max3A_1088 : vector<56x512xbf16>
    %min3A_1097 = arith.minimumf %max3A_1086, %max3A_1090 : vector<56x512xbf16>
    %max3A_1098 = arith.maximumf %max3A_1086, %max3A_1090 : vector<56x512xbf16>
    %min3A_1099 = arith.minimumf %min3A_1091, %min3A_1093 : vector<56x512xbf16>
    %max3A_1100 = arith.maximumf %min3A_1091, %min3A_1093 : vector<56x512xbf16>
    %min3A_1101 = arith.minimumf %max3A_1092, %max3A_1094 : vector<56x512xbf16>
    %max3A_1102 = arith.maximumf %max3A_1092, %max3A_1094 : vector<56x512xbf16>
    %min3A_1103 = arith.minimumf %min3A_1095, %min3A_1097 : vector<56x512xbf16>
    %max3A_1104 = arith.maximumf %min3A_1095, %min3A_1097 : vector<56x512xbf16>
    %min3A_1105 = arith.minimumf %max3A_1096, %max3A_1098 : vector<56x512xbf16>
    %max3A_1106 = arith.maximumf %max3A_1096, %max3A_1098 : vector<56x512xbf16>
    %get3A_1107 = arith.constant 0 : index
    %get3A_1108 = arith.constant 0 : index
    %get3A_1109 = arith.constant 48 : index
    %get3A_1110 = memref.load %arg3[%get3A_1107, %get3A_1108, %get3A_1109] : memref<2x1x64xf32, #tpu.memory_space<smem>>
    %convert_element_type3A_1111 = arith.truncf %get3A_1110 : f32 to bf16
    %sub3A_1112 = vector.broadcast %convert_element_type3A_1111 : bf16 to vector<56x512xbf16>
    %sub3A_1113 = arith.subf %get3A_3, %sub3A_1112 : vector<56x512xbf16>
    %mul3A_1114 = arith.mulf %sub3A_1113, %sub3A_1113 : vector<56x512xbf16>
    %get3A_1115 = arith.constant 0 : index
    %get3A_1116 = arith.constant 0 : index
    %get3A_1117 = arith.constant 48 : index
    %get3A_1118 = memref.load %arg4[%get3A_1115, %get3A_1116, %get3A_1117] : memref<2x1x64xf32, #tpu.memory_space<smem>>
    %convert_element_type3A_1119 = arith.truncf %get3A_1118 : f32 to bf16
    %mul3A_1120 = vector.broadcast %convert_element_type3A_1119 : bf16 to vector<56x512xbf16>
    %mul3A_1121 = arith.mulf %mul3A_1114, %mul3A_1120 : vector<56x512xbf16>
    %get3A_1122 = arith.constant 0 : index
    %get3A_1123 = arith.constant 0 : index
    %get3A_1124 = arith.constant 49 : index
    %get3A_1125 = memref.load %arg3[%get3A_1122, %get3A_1123, %get3A_1124] : memref<2x1x64xf32, #tpu.memory_space<smem>>
    %convert_element_type3A_1126 = arith.truncf %get3A_1125 : f32 to bf16
    %sub3A_1127 = vector.broadcast %convert_element_type3A_1126 : bf16 to vector<56x512xbf16>
    %sub3A_1128 = arith.subf %get3A_3, %sub3A_1127 : vector<56x512xbf16>
    %mul3A_1129 = arith.mulf %sub3A_1128, %sub3A_1128 : vector<56x512xbf16>
    %get3A_1130 = arith.constant 0 : index
    %get3A_1131 = arith.constant 0 : index
    %get3A_1132 = arith.constant 49 : index
    %get3A_1133 = memref.load %arg4[%get3A_1130, %get3A_1131, %get3A_1132] : memref<2x1x64xf32, #tpu.memory_space<smem>>
    %convert_element_type3A_1134 = arith.truncf %get3A_1133 : f32 to bf16
    %mul3A_1135 = vector.broadcast %convert_element_type3A_1134 : bf16 to vector<56x512xbf16>
    %mul3A_1136 = arith.mulf %mul3A_1129, %mul3A_1135 : vector<56x512xbf16>
    %get3A_1137 = arith.constant 0 : index
    %get3A_1138 = arith.constant 0 : index
    %get3A_1139 = arith.constant 50 : index
    %get3A_1140 = memref.load %arg3[%get3A_1137, %get3A_1138, %get3A_1139] : memref<2x1x64xf32, #tpu.memory_space<smem>>
    %convert_element_type3A_1141 = arith.truncf %get3A_1140 : f32 to bf16
    %sub3A_1142 = vector.broadcast %convert_element_type3A_1141 : bf16 to vector<56x512xbf16>
    %sub3A_1143 = arith.subf %get3A_3, %sub3A_1142 : vector<56x512xbf16>
    %mul3A_1144 = arith.mulf %sub3A_1143, %sub3A_1143 : vector<56x512xbf16>
    %get3A_1145 = arith.constant 0 : index
    %get3A_1146 = arith.constant 0 : index
    %get3A_1147 = arith.constant 50 : index
    %get3A_1148 = memref.load %arg4[%get3A_1145, %get3A_1146, %get3A_1147] : memref<2x1x64xf32, #tpu.memory_space<smem>>
    %convert_element_type3A_1149 = arith.truncf %get3A_1148 : f32 to bf16
    %mul3A_1150 = vector.broadcast %convert_element_type3A_1149 : bf16 to vector<56x512xbf16>
    %mul3A_1151 = arith.mulf %mul3A_1144, %mul3A_1150 : vector<56x512xbf16>
    %get3A_1152 = arith.constant 0 : index
    %get3A_1153 = arith.constant 0 : index
    %get3A_1154 = arith.constant 51 : index
    %get3A_1155 = memref.load %arg3[%get3A_1152, %get3A_1153, %get3A_1154] : memref<2x1x64xf32, #tpu.memory_space<smem>>
    %convert_element_type3A_1156 = arith.truncf %get3A_1155 : f32 to bf16
    %sub3A_1157 = vector.broadcast %convert_element_type3A_1156 : bf16 to vector<56x512xbf16>
    %sub3A_1158 = arith.subf %get3A_3, %sub3A_1157 : vector<56x512xbf16>
    %mul3A_1159 = arith.mulf %sub3A_1158, %sub3A_1158 : vector<56x512xbf16>
    %get3A_1160 = arith.constant 0 : index
    %get3A_1161 = arith.constant 0 : index
    %get3A_1162 = arith.constant 51 : index
    %get3A_1163 = memref.load %arg4[%get3A_1160, %get3A_1161, %get3A_1162] : memref<2x1x64xf32, #tpu.memory_space<smem>>
    %convert_element_type3A_1164 = arith.truncf %get3A_1163 : f32 to bf16
    %mul3A_1165 = vector.broadcast %convert_element_type3A_1164 : bf16 to vector<56x512xbf16>
    %mul3A_1166 = arith.mulf %mul3A_1159, %mul3A_1165 : vector<56x512xbf16>
    %get3A_1167 = arith.constant 0 : index
    %get3A_1168 = arith.constant 0 : index
    %get3A_1169 = arith.constant 52 : index
    %get3A_1170 = memref.load %arg3[%get3A_1167, %get3A_1168, %get3A_1169] : memref<2x1x64xf32, #tpu.memory_space<smem>>
    %convert_element_type3A_1171 = arith.truncf %get3A_1170 : f32 to bf16
    %sub3A_1172 = vector.broadcast %convert_element_type3A_1171 : bf16 to vector<56x512xbf16>
    %sub3A_1173 = arith.subf %get3A_3, %sub3A_1172 : vector<56x512xbf16>
    %mul3A_1174 = arith.mulf %sub3A_1173, %sub3A_1173 : vector<56x512xbf16>
    %get3A_1175 = arith.constant 0 : index
    %get3A_1176 = arith.constant 0 : index
    %get3A_1177 = arith.constant 52 : index
    %get3A_1178 = memref.load %arg4[%get3A_1175, %get3A_1176, %get3A_1177] : memref<2x1x64xf32, #tpu.memory_space<smem>>
    %convert_element_type3A_1179 = arith.truncf %get3A_1178 : f32 to bf16
    %mul3A_1180 = vector.broadcast %convert_element_type3A_1179 : bf16 to vector<56x512xbf16>
    %mul3A_1181 = arith.mulf %mul3A_1174, %mul3A_1180 : vector<56x512xbf16>
    %get3A_1182 = arith.constant 0 : index
    %get3A_1183 = arith.constant 0 : index
    %get3A_1184 = arith.constant 53 : index
    %get3A_1185 = memref.load %arg3[%get3A_1182, %get3A_1183, %get3A_1184] : memref<2x1x64xf32, #tpu.memory_space<smem>>
    %convert_element_type3A_1186 = arith.truncf %get3A_1185 : f32 to bf16
    %sub3A_1187 = vector.broadcast %convert_element_type3A_1186 : bf16 to vector<56x512xbf16>
    %sub3A_1188 = arith.subf %get3A_3, %sub3A_1187 : vector<56x512xbf16>
    %mul3A_1189 = arith.mulf %sub3A_1188, %sub3A_1188 : vector<56x512xbf16>
    %get3A_1190 = arith.constant 0 : index
    %get3A_1191 = arith.constant 0 : index
    %get3A_1192 = arith.constant 53 : index
    %get3A_1193 = memref.load %arg4[%get3A_1190, %get3A_1191, %get3A_1192] : memref<2x1x64xf32, #tpu.memory_space<smem>>
    %convert_element_type3A_1194 = arith.truncf %get3A_1193 : f32 to bf16
    %mul3A_1195 = vector.broadcast %convert_element_type3A_1194 : bf16 to vector<56x512xbf16>
    %mul3A_1196 = arith.mulf %mul3A_1189, %mul3A_1195 : vector<56x512xbf16>
    %get3A_1197 = arith.constant 0 : index
    %get3A_1198 = arith.constant 0 : index
    %get3A_1199 = arith.constant 54 : index
    %get3A_1200 = memref.load %arg3[%get3A_1197, %get3A_1198, %get3A_1199] : memref<2x1x64xf32, #tpu.memory_space<smem>>
    %convert_element_type3A_1201 = arith.truncf %get3A_1200 : f32 to bf16
    %sub3A_1202 = vector.broadcast %convert_element_type3A_1201 : bf16 to vector<56x512xbf16>
    %sub3A_1203 = arith.subf %get3A_3, %sub3A_1202 : vector<56x512xbf16>
    %mul3A_1204 = arith.mulf %sub3A_1203, %sub3A_1203 : vector<56x512xbf16>
    %get3A_1205 = arith.constant 0 : index
    %get3A_1206 = arith.constant 0 : index
    %get3A_1207 = arith.constant 54 : index
    %get3A_1208 = memref.load %arg4[%get3A_1205, %get3A_1206, %get3A_1207] : memref<2x1x64xf32, #tpu.memory_space<smem>>
    %convert_element_type3A_1209 = arith.truncf %get3A_1208 : f32 to bf16
    %mul3A_1210 = vector.broadcast %convert_element_type3A_1209 : bf16 to vector<56x512xbf16>
    %mul3A_1211 = arith.mulf %mul3A_1204, %mul3A_1210 : vector<56x512xbf16>
    %get3A_1212 = arith.constant 0 : index
    %get3A_1213 = arith.constant 0 : index
    %get3A_1214 = arith.constant 55 : index
    %get3A_1215 = memref.load %arg3[%get3A_1212, %get3A_1213, %get3A_1214] : memref<2x1x64xf32, #tpu.memory_space<smem>>
    %convert_element_type3A_1216 = arith.truncf %get3A_1215 : f32 to bf16
    %sub3A_1217 = vector.broadcast %convert_element_type3A_1216 : bf16 to vector<56x512xbf16>
    %sub3A_1218 = arith.subf %get3A_3, %sub3A_1217 : vector<56x512xbf16>
    %mul3A_1219 = arith.mulf %sub3A_1218, %sub3A_1218 : vector<56x512xbf16>
    %get3A_1220 = arith.constant 0 : index
    %get3A_1221 = arith.constant 0 : index
    %get3A_1222 = arith.constant 55 : index
    %get3A_1223 = memref.load %arg4[%get3A_1220, %get3A_1221, %get3A_1222] : memref<2x1x64xf32, #tpu.memory_space<smem>>
    %convert_element_type3A_1224 = arith.truncf %get3A_1223 : f32 to bf16
    %mul3A_1225 = vector.broadcast %convert_element_type3A_1224 : bf16 to vector<56x512xbf16>
    %mul3A_1226 = arith.mulf %mul3A_1219, %mul3A_1225 : vector<56x512xbf16>
    %min3A_1227 = arith.minimumf %mul3A_1121, %mul3A_1136 : vector<56x512xbf16>
    %max3A_1228 = arith.maximumf %mul3A_1121, %mul3A_1136 : vector<56x512xbf16>
    %min3A_1229 = arith.minimumf %mul3A_1151, %mul3A_1166 : vector<56x512xbf16>
    %max3A_1230 = arith.maximumf %mul3A_1151, %mul3A_1166 : vector<56x512xbf16>
    %min3A_1231 = arith.minimumf %mul3A_1181, %mul3A_1196 : vector<56x512xbf16>
    %max3A_1232 = arith.maximumf %mul3A_1181, %mul3A_1196 : vector<56x512xbf16>
    %min3A_1233 = arith.minimumf %mul3A_1211, %mul3A_1226 : vector<56x512xbf16>
    %max3A_1234 = arith.maximumf %mul3A_1211, %mul3A_1226 : vector<56x512xbf16>
    %min3A_1235 = arith.minimumf %min3A_1227, %min3A_1229 : vector<56x512xbf16>
    %max3A_1236 = arith.maximumf %min3A_1227, %min3A_1229 : vector<56x512xbf16>
    %min3A_1237 = arith.minimumf %max3A_1228, %max3A_1230 : vector<56x512xbf16>
    %max3A_1238 = arith.maximumf %max3A_1228, %max3A_1230 : vector<56x512xbf16>
    %min3A_1239 = arith.minimumf %min3A_1231, %min3A_1233 : vector<56x512xbf16>
    %max3A_1240 = arith.maximumf %min3A_1231, %min3A_1233 : vector<56x512xbf16>
    %min3A_1241 = arith.minimumf %max3A_1232, %max3A_1234 : vector<56x512xbf16>
    %max3A_1242 = arith.maximumf %max3A_1232, %max3A_1234 : vector<56x512xbf16>
    %min3A_1243 = arith.minimumf %min3A_1237, %max3A_1236 : vector<56x512xbf16>
    %max3A_1244 = arith.maximumf %min3A_1237, %max3A_1236 : vector<56x512xbf16>
    %min3A_1245 = arith.minimumf %min3A_1241, %max3A_1240 : vector<56x512xbf16>
    %max3A_1246 = arith.maximumf %min3A_1241, %max3A_1240 : vector<56x512xbf16>
    %min3A_1247 = arith.minimumf %min3A_1235, %min3A_1239 : vector<56x512xbf16>
    %max3A_1248 = arith.maximumf %min3A_1235, %min3A_1239 : vector<56x512xbf16>
    %min3A_1249 = arith.minimumf %min3A_1243, %min3A_1245 : vector<56x512xbf16>
    %max3A_1250 = arith.maximumf %min3A_1243, %min3A_1245 : vector<56x512xbf16>
    %min3A_1251 = arith.minimumf %max3A_1244, %max3A_1246 : vector<56x512xbf16>
    %max3A_1252 = arith.maximumf %max3A_1244, %max3A_1246 : vector<56x512xbf16>
    %min3A_1253 = arith.minimumf %max3A_1238, %max3A_1242 : vector<56x512xbf16>
    %max3A_1254 = arith.maximumf %max3A_1238, %max3A_1242 : vector<56x512xbf16>
    %min3A_1255 = arith.minimumf %min3A_1251, %max3A_1248 : vector<56x512xbf16>
    %max3A_1256 = arith.maximumf %min3A_1251, %max3A_1248 : vector<56x512xbf16>
    %min3A_1257 = arith.minimumf %min3A_1253, %max3A_1250 : vector<56x512xbf16>
    %max3A_1258 = arith.maximumf %min3A_1253, %max3A_1250 : vector<56x512xbf16>
    %min3A_1259 = arith.minimumf %min3A_1249, %min3A_1255 : vector<56x512xbf16>
    %max3A_1260 = arith.maximumf %min3A_1249, %min3A_1255 : vector<56x512xbf16>
    %min3A_1261 = arith.minimumf %min3A_1257, %max3A_1256 : vector<56x512xbf16>
    %max3A_1262 = arith.maximumf %min3A_1257, %max3A_1256 : vector<56x512xbf16>
    %min3A_1263 = arith.minimumf %max3A_1258, %max3A_1252 : vector<56x512xbf16>
    %max3A_1264 = arith.maximumf %max3A_1258, %max3A_1252 : vector<56x512xbf16>
    %min3A_1265 = arith.minimumf %min3A_1099, %max3A_1254 : vector<56x512xbf16>
    %min3A_1266 = arith.minimumf %max3A_1100, %max3A_1264 : vector<56x512xbf16>
    %min3A_1267 = arith.minimumf %min3A_1101, %min3A_1263 : vector<56x512xbf16>
    %min3A_1268 = arith.minimumf %max3A_1102, %max3A_1262 : vector<56x512xbf16>
    %min3A_1269 = arith.minimumf %min3A_1103, %min3A_1261 : vector<56x512xbf16>
    %min3A_1270 = arith.minimumf %max3A_1104, %max3A_1260 : vector<56x512xbf16>
    %min3A_1271 = arith.minimumf %min3A_1105, %min3A_1259 : vector<56x512xbf16>
    %min3A_1272 = arith.minimumf %max3A_1106, %min3A_1247 : vector<56x512xbf16>
    %min3A_1273 = arith.minimumf %min3A_1265, %min3A_1269 : vector<56x512xbf16>
    %max3A_1274 = arith.maximumf %min3A_1265, %min3A_1269 : vector<56x512xbf16>
    %min3A_1275 = arith.minimumf %min3A_1266, %min3A_1270 : vector<56x512xbf16>
    %max3A_1276 = arith.maximumf %min3A_1266, %min3A_1270 : vector<56x512xbf16>
    %min3A_1277 = arith.minimumf %min3A_1267, %min3A_1271 : vector<56x512xbf16>
    %max3A_1278 = arith.maximumf %min3A_1267, %min3A_1271 : vector<56x512xbf16>
    %min3A_1279 = arith.minimumf %min3A_1268, %min3A_1272 : vector<56x512xbf16>
    %max3A_1280 = arith.maximumf %min3A_1268, %min3A_1272 : vector<56x512xbf16>
    %min3A_1281 = arith.minimumf %min3A_1273, %min3A_1277 : vector<56x512xbf16>
    %max3A_1282 = arith.maximumf %min3A_1273, %min3A_1277 : vector<56x512xbf16>
    %min3A_1283 = arith.minimumf %min3A_1275, %min3A_1279 : vector<56x512xbf16>
    %max3A_1284 = arith.maximumf %min3A_1275, %min3A_1279 : vector<56x512xbf16>
    %min3A_1285 = arith.minimumf %max3A_1274, %max3A_1278 : vector<56x512xbf16>
    %max3A_1286 = arith.maximumf %max3A_1274, %max3A_1278 : vector<56x512xbf16>
    %min3A_1287 = arith.minimumf %max3A_1276, %max3A_1280 : vector<56x512xbf16>
    %max3A_1288 = arith.maximumf %max3A_1276, %max3A_1280 : vector<56x512xbf16>
    %min3A_1289 = arith.minimumf %min3A_1281, %min3A_1283 : vector<56x512xbf16>
    %max3A_1290 = arith.maximumf %min3A_1281, %min3A_1283 : vector<56x512xbf16>
    %min3A_1291 = arith.minimumf %max3A_1282, %max3A_1284 : vector<56x512xbf16>
    %max3A_1292 = arith.maximumf %max3A_1282, %max3A_1284 : vector<56x512xbf16>
    %min3A_1293 = arith.minimumf %min3A_1285, %min3A_1287 : vector<56x512xbf16>
    %max3A_1294 = arith.maximumf %min3A_1285, %min3A_1287 : vector<56x512xbf16>
    %min3A_1295 = arith.minimumf %max3A_1286, %max3A_1288 : vector<56x512xbf16>
    %max3A_1296 = arith.maximumf %max3A_1286, %max3A_1288 : vector<56x512xbf16>
    %get3A_1297 = arith.constant 0 : index
    %get3A_1298 = arith.constant 0 : index
    %get3A_1299 = arith.constant 56 : index
    %get3A_1300 = memref.load %arg3[%get3A_1297, %get3A_1298, %get3A_1299] : memref<2x1x64xf32, #tpu.memory_space<smem>>
    %convert_element_type3A_1301 = arith.truncf %get3A_1300 : f32 to bf16
    %sub3A_1302 = vector.broadcast %convert_element_type3A_1301 : bf16 to vector<56x512xbf16>
    %sub3A_1303 = arith.subf %get3A_3, %sub3A_1302 : vector<56x512xbf16>
    %mul3A_1304 = arith.mulf %sub3A_1303, %sub3A_1303 : vector<56x512xbf16>
    %get3A_1305 = arith.constant 0 : index
    %get3A_1306 = arith.constant 0 : index
    %get3A_1307 = arith.constant 56 : index
    %get3A_1308 = memref.load %arg4[%get3A_1305, %get3A_1306, %get3A_1307] : memref<2x1x64xf32, #tpu.memory_space<smem>>
    %convert_element_type3A_1309 = arith.truncf %get3A_1308 : f32 to bf16
    %mul3A_1310 = vector.broadcast %convert_element_type3A_1309 : bf16 to vector<56x512xbf16>
    %mul3A_1311 = arith.mulf %mul3A_1304, %mul3A_1310 : vector<56x512xbf16>
    %get3A_1312 = arith.constant 0 : index
    %get3A_1313 = arith.constant 0 : index
    %get3A_1314 = arith.constant 57 : index
    %get3A_1315 = memref.load %arg3[%get3A_1312, %get3A_1313, %get3A_1314] : memref<2x1x64xf32, #tpu.memory_space<smem>>
    %convert_element_type3A_1316 = arith.truncf %get3A_1315 : f32 to bf16
    %sub3A_1317 = vector.broadcast %convert_element_type3A_1316 : bf16 to vector<56x512xbf16>
    %sub3A_1318 = arith.subf %get3A_3, %sub3A_1317 : vector<56x512xbf16>
    %mul3A_1319 = arith.mulf %sub3A_1318, %sub3A_1318 : vector<56x512xbf16>
    %get3A_1320 = arith.constant 0 : index
    %get3A_1321 = arith.constant 0 : index
    %get3A_1322 = arith.constant 57 : index
    %get3A_1323 = memref.load %arg4[%get3A_1320, %get3A_1321, %get3A_1322] : memref<2x1x64xf32, #tpu.memory_space<smem>>
    %convert_element_type3A_1324 = arith.truncf %get3A_1323 : f32 to bf16
    %mul3A_1325 = vector.broadcast %convert_element_type3A_1324 : bf16 to vector<56x512xbf16>
    %mul3A_1326 = arith.mulf %mul3A_1319, %mul3A_1325 : vector<56x512xbf16>
    %get3A_1327 = arith.constant 0 : index
    %get3A_1328 = arith.constant 0 : index
    %get3A_1329 = arith.constant 58 : index
    %get3A_1330 = memref.load %arg3[%get3A_1327, %get3A_1328, %get3A_1329] : memref<2x1x64xf32, #tpu.memory_space<smem>>
    %convert_element_type3A_1331 = arith.truncf %get3A_1330 : f32 to bf16
    %sub3A_1332 = vector.broadcast %convert_element_type3A_1331 : bf16 to vector<56x512xbf16>
    %sub3A_1333 = arith.subf %get3A_3, %sub3A_1332 : vector<56x512xbf16>
    %mul3A_1334 = arith.mulf %sub3A_1333, %sub3A_1333 : vector<56x512xbf16>
    %get3A_1335 = arith.constant 0 : index
    %get3A_1336 = arith.constant 0 : index
    %get3A_1337 = arith.constant 58 : index
    %get3A_1338 = memref.load %arg4[%get3A_1335, %get3A_1336, %get3A_1337] : memref<2x1x64xf32, #tpu.memory_space<smem>>
    %convert_element_type3A_1339 = arith.truncf %get3A_1338 : f32 to bf16
    %mul3A_1340 = vector.broadcast %convert_element_type3A_1339 : bf16 to vector<56x512xbf16>
    %mul3A_1341 = arith.mulf %mul3A_1334, %mul3A_1340 : vector<56x512xbf16>
    %get3A_1342 = arith.constant 0 : index
    %get3A_1343 = arith.constant 0 : index
    %get3A_1344 = arith.constant 59 : index
    %get3A_1345 = memref.load %arg3[%get3A_1342, %get3A_1343, %get3A_1344] : memref<2x1x64xf32, #tpu.memory_space<smem>>
    %convert_element_type3A_1346 = arith.truncf %get3A_1345 : f32 to bf16
    %sub3A_1347 = vector.broadcast %convert_element_type3A_1346 : bf16 to vector<56x512xbf16>
    %sub3A_1348 = arith.subf %get3A_3, %sub3A_1347 : vector<56x512xbf16>
    %mul3A_1349 = arith.mulf %sub3A_1348, %sub3A_1348 : vector<56x512xbf16>
    %get3A_1350 = arith.constant 0 : index
    %get3A_1351 = arith.constant 0 : index
    %get3A_1352 = arith.constant 59 : index
    %get3A_1353 = memref.load %arg4[%get3A_1350, %get3A_1351, %get3A_1352] : memref<2x1x64xf32, #tpu.memory_space<smem>>
    %convert_element_type3A_1354 = arith.truncf %get3A_1353 : f32 to bf16
    %mul3A_1355 = vector.broadcast %convert_element_type3A_1354 : bf16 to vector<56x512xbf16>
    %mul3A_1356 = arith.mulf %mul3A_1349, %mul3A_1355 : vector<56x512xbf16>
    %get3A_1357 = arith.constant 0 : index
    %get3A_1358 = arith.constant 0 : index
    %get3A_1359 = arith.constant 60 : index
    %get3A_1360 = memref.load %arg3[%get3A_1357, %get3A_1358, %get3A_1359] : memref<2x1x64xf32, #tpu.memory_space<smem>>
    %convert_element_type3A_1361 = arith.truncf %get3A_1360 : f32 to bf16
    %sub3A_1362 = vector.broadcast %convert_element_type3A_1361 : bf16 to vector<56x512xbf16>
    %sub3A_1363 = arith.subf %get3A_3, %sub3A_1362 : vector<56x512xbf16>
    %mul3A_1364 = arith.mulf %sub3A_1363, %sub3A_1363 : vector<56x512xbf16>
    %get3A_1365 = arith.constant 0 : index
    %get3A_1366 = arith.constant 0 : index
    %get3A_1367 = arith.constant 60 : index
    %get3A_1368 = memref.load %arg4[%get3A_1365, %get3A_1366, %get3A_1367] : memref<2x1x64xf32, #tpu.memory_space<smem>>
    %convert_element_type3A_1369 = arith.truncf %get3A_1368 : f32 to bf16
    %mul3A_1370 = vector.broadcast %convert_element_type3A_1369 : bf16 to vector<56x512xbf16>
    %mul3A_1371 = arith.mulf %mul3A_1364, %mul3A_1370 : vector<56x512xbf16>
    %get3A_1372 = arith.constant 0 : index
    %get3A_1373 = arith.constant 0 : index
    %get3A_1374 = arith.constant 61 : index
    %get3A_1375 = memref.load %arg3[%get3A_1372, %get3A_1373, %get3A_1374] : memref<2x1x64xf32, #tpu.memory_space<smem>>
    %convert_element_type3A_1376 = arith.truncf %get3A_1375 : f32 to bf16
    %sub3A_1377 = vector.broadcast %convert_element_type3A_1376 : bf16 to vector<56x512xbf16>
    %sub3A_1378 = arith.subf %get3A_3, %sub3A_1377 : vector<56x512xbf16>
    %mul3A_1379 = arith.mulf %sub3A_1378, %sub3A_1378 : vector<56x512xbf16>
    %get3A_1380 = arith.constant 0 : index
    %get3A_1381 = arith.constant 0 : index
    %get3A_1382 = arith.constant 61 : index
    %get3A_1383 = memref.load %arg4[%get3A_1380, %get3A_1381, %get3A_1382] : memref<2x1x64xf32, #tpu.memory_space<smem>>
    %convert_element_type3A_1384 = arith.truncf %get3A_1383 : f32 to bf16
    %mul3A_1385 = vector.broadcast %convert_element_type3A_1384 : bf16 to vector<56x512xbf16>
    %mul3A_1386 = arith.mulf %mul3A_1379, %mul3A_1385 : vector<56x512xbf16>
    %get3A_1387 = arith.constant 0 : index
    %get3A_1388 = arith.constant 0 : index
    %get3A_1389 = arith.constant 62 : index
    %get3A_1390 = memref.load %arg3[%get3A_1387, %get3A_1388, %get3A_1389] : memref<2x1x64xf32, #tpu.memory_space<smem>>
    %convert_element_type3A_1391 = arith.truncf %get3A_1390 : f32 to bf16
    %sub3A_1392 = vector.broadcast %convert_element_type3A_1391 : bf16 to vector<56x512xbf16>
    %sub3A_1393 = arith.subf %get3A_3, %sub3A_1392 : vector<56x512xbf16>
    %mul3A_1394 = arith.mulf %sub3A_1393, %sub3A_1393 : vector<56x512xbf16>
    %get3A_1395 = arith.constant 0 : index
    %get3A_1396 = arith.constant 0 : index
    %get3A_1397 = arith.constant 62 : index
    %get3A_1398 = memref.load %arg4[%get3A_1395, %get3A_1396, %get3A_1397] : memref<2x1x64xf32, #tpu.memory_space<smem>>
    %convert_element_type3A_1399 = arith.truncf %get3A_1398 : f32 to bf16
    %mul3A_1400 = vector.broadcast %convert_element_type3A_1399 : bf16 to vector<56x512xbf16>
    %mul3A_1401 = arith.mulf %mul3A_1394, %mul3A_1400 : vector<56x512xbf16>
    %get3A_1402 = arith.constant 0 : index
    %get3A_1403 = arith.constant 0 : index
    %get3A_1404 = arith.constant 63 : index
    %get3A_1405 = memref.load %arg3[%get3A_1402, %get3A_1403, %get3A_1404] : memref<2x1x64xf32, #tpu.memory_space<smem>>
    %convert_element_type3A_1406 = arith.truncf %get3A_1405 : f32 to bf16
    %sub3A_1407 = vector.broadcast %convert_element_type3A_1406 : bf16 to vector<56x512xbf16>
    %sub3A_1408 = arith.subf %get3A_3, %sub3A_1407 : vector<56x512xbf16>
    %mul3A_1409 = arith.mulf %sub3A_1408, %sub3A_1408 : vector<56x512xbf16>
    %get3A_1410 = arith.constant 0 : index
    %get3A_1411 = arith.constant 0 : index
    %get3A_1412 = arith.constant 63 : index
    %get3A_1413 = memref.load %arg4[%get3A_1410, %get3A_1411, %get3A_1412] : memref<2x1x64xf32, #tpu.memory_space<smem>>
    %convert_element_type3A_1414 = arith.truncf %get3A_1413 : f32 to bf16
    %mul3A_1415 = vector.broadcast %convert_element_type3A_1414 : bf16 to vector<56x512xbf16>
    %mul3A_1416 = arith.mulf %mul3A_1409, %mul3A_1415 : vector<56x512xbf16>
    %min3A_1417 = arith.minimumf %mul3A_1311, %mul3A_1326 : vector<56x512xbf16>
    %max3A_1418 = arith.maximumf %mul3A_1311, %mul3A_1326 : vector<56x512xbf16>
    %min3A_1419 = arith.minimumf %mul3A_1341, %mul3A_1356 : vector<56x512xbf16>
    %max3A_1420 = arith.maximumf %mul3A_1341, %mul3A_1356 : vector<56x512xbf16>
    %min3A_1421 = arith.minimumf %mul3A_1371, %mul3A_1386 : vector<56x512xbf16>
    %max3A_1422 = arith.maximumf %mul3A_1371, %mul3A_1386 : vector<56x512xbf16>
    %min3A_1423 = arith.minimumf %mul3A_1401, %mul3A_1416 : vector<56x512xbf16>
    %max3A_1424 = arith.maximumf %mul3A_1401, %mul3A_1416 : vector<56x512xbf16>
    %min3A_1425 = arith.minimumf %min3A_1417, %min3A_1419 : vector<56x512xbf16>
    %max3A_1426 = arith.maximumf %min3A_1417, %min3A_1419 : vector<56x512xbf16>
    %min3A_1427 = arith.minimumf %max3A_1418, %max3A_1420 : vector<56x512xbf16>
    %max3A_1428 = arith.maximumf %max3A_1418, %max3A_1420 : vector<56x512xbf16>
    %min3A_1429 = arith.minimumf %min3A_1421, %min3A_1423 : vector<56x512xbf16>
    %max3A_1430 = arith.maximumf %min3A_1421, %min3A_1423 : vector<56x512xbf16>
    %min3A_1431 = arith.minimumf %max3A_1422, %max3A_1424 : vector<56x512xbf16>
    %max3A_1432 = arith.maximumf %max3A_1422, %max3A_1424 : vector<56x512xbf16>
    %min3A_1433 = arith.minimumf %min3A_1427, %max3A_1426 : vector<56x512xbf16>
    %max3A_1434 = arith.maximumf %min3A_1427, %max3A_1426 : vector<56x512xbf16>
    %min3A_1435 = arith.minimumf %min3A_1431, %max3A_1430 : vector<56x512xbf16>
    %max3A_1436 = arith.maximumf %min3A_1431, %max3A_1430 : vector<56x512xbf16>
    %min3A_1437 = arith.minimumf %min3A_1425, %min3A_1429 : vector<56x512xbf16>
    %max3A_1438 = arith.maximumf %min3A_1425, %min3A_1429 : vector<56x512xbf16>
    %min3A_1439 = arith.minimumf %min3A_1433, %min3A_1435 : vector<56x512xbf16>
    %max3A_1440 = arith.maximumf %min3A_1433, %min3A_1435 : vector<56x512xbf16>
    %min3A_1441 = arith.minimumf %max3A_1434, %max3A_1436 : vector<56x512xbf16>
    %max3A_1442 = arith.maximumf %max3A_1434, %max3A_1436 : vector<56x512xbf16>
    %min3A_1443 = arith.minimumf %max3A_1428, %max3A_1432 : vector<56x512xbf16>
    %max3A_1444 = arith.maximumf %max3A_1428, %max3A_1432 : vector<56x512xbf16>
    %min3A_1445 = arith.minimumf %min3A_1441, %max3A_1438 : vector<56x512xbf16>
    %max3A_1446 = arith.maximumf %min3A_1441, %max3A_1438 : vector<56x512xbf16>
    %min3A_1447 = arith.minimumf %min3A_1443, %max3A_1440 : vector<56x512xbf16>
    %max3A_1448 = arith.maximumf %min3A_1443, %max3A_1440 : vector<56x512xbf16>
    %min3A_1449 = arith.minimumf %min3A_1439, %min3A_1445 : vector<56x512xbf16>
    %max3A_1450 = arith.maximumf %min3A_1439, %min3A_1445 : vector<56x512xbf16>
    %min3A_1451 = arith.minimumf %min3A_1447, %max3A_1446 : vector<56x512xbf16>
    %max3A_1452 = arith.maximumf %min3A_1447, %max3A_1446 : vector<56x512xbf16>
    %min3A_1453 = arith.minimumf %max3A_1448, %max3A_1442 : vector<56x512xbf16>
    %max3A_1454 = arith.maximumf %max3A_1448, %max3A_1442 : vector<56x512xbf16>
    %min3A_1455 = arith.minimumf %min3A_1289, %max3A_1444 : vector<56x512xbf16>
    %min3A_1456 = arith.minimumf %max3A_1290, %max3A_1454 : vector<56x512xbf16>
    %min3A_1457 = arith.minimumf %min3A_1291, %min3A_1453 : vector<56x512xbf16>
    %min3A_1458 = arith.minimumf %max3A_1292, %max3A_1452 : vector<56x512xbf16>
    %min3A_1459 = arith.minimumf %min3A_1293, %min3A_1451 : vector<56x512xbf16>
    %min3A_1460 = arith.minimumf %max3A_1294, %max3A_1450 : vector<56x512xbf16>
    %min3A_1461 = arith.minimumf %min3A_1295, %min3A_1449 : vector<56x512xbf16>
    %min3A_1462 = arith.minimumf %max3A_1296, %min3A_1437 : vector<56x512xbf16>
    %min3A_1463 = arith.minimumf %min3A_1455, %min3A_1459 : vector<56x512xbf16>
    %max3A_1464 = arith.maximumf %min3A_1455, %min3A_1459 : vector<56x512xbf16>
    %min3A_1465 = arith.minimumf %min3A_1456, %min3A_1460 : vector<56x512xbf16>
    %max3A_1466 = arith.maximumf %min3A_1456, %min3A_1460 : vector<56x512xbf16>
    %min3A_1467 = arith.minimumf %min3A_1457, %min3A_1461 : vector<56x512xbf16>
    %max3A_1468 = arith.maximumf %min3A_1457, %min3A_1461 : vector<56x512xbf16>
    %min3A_1469 = arith.minimumf %min3A_1458, %min3A_1462 : vector<56x512xbf16>
    %max3A_1470 = arith.maximumf %min3A_1458, %min3A_1462 : vector<56x512xbf16>
    %min3A_1471 = arith.minimumf %min3A_1463, %min3A_1467 : vector<56x512xbf16>
    %max3A_1472 = arith.maximumf %min3A_1463, %min3A_1467 : vector<56x512xbf16>
    %min3A_1473 = arith.minimumf %min3A_1465, %min3A_1469 : vector<56x512xbf16>
    %max3A_1474 = arith.maximumf %min3A_1465, %min3A_1469 : vector<56x512xbf16>
    %min3A_1475 = arith.minimumf %max3A_1464, %max3A_1468 : vector<56x512xbf16>
    %max3A_1476 = arith.maximumf %max3A_1464, %max3A_1468 : vector<56x512xbf16>
    %min3A_1477 = arith.minimumf %max3A_1466, %max3A_1470 : vector<56x512xbf16>
    %max3A_1478 = arith.maximumf %max3A_1466, %max3A_1470 : vector<56x512xbf16>
    %min3A_1479 = arith.minimumf %min3A_1471, %min3A_1473 : vector<56x512xbf16>
    %max3A_1480 = arith.maximumf %min3A_1471, %min3A_1473 : vector<56x512xbf16>
    %min3A_1481 = arith.minimumf %max3A_1472, %max3A_1474 : vector<56x512xbf16>
    %max3A_1482 = arith.maximumf %max3A_1472, %max3A_1474 : vector<56x512xbf16>
    %min3A_1483 = arith.minimumf %min3A_1475, %min3A_1477 : vector<56x512xbf16>
    %max3A_1484 = arith.maximumf %min3A_1475, %min3A_1477 : vector<56x512xbf16>
    %min3A_1485 = arith.minimumf %max3A_1476, %max3A_1478 : vector<56x512xbf16>
    %max3A_1486 = arith.maximumf %max3A_1476, %max3A_1478 : vector<56x512xbf16>
    %convert_element_type3A_1487 = arith.extf %min3A_1479 : vector<56x512xbf16> to vector<56x512xf32>
    %le3A = arith.constant 2.30258512 : f32
    %le3A_1488 = vector.broadcast %le3A : f32 to vector<56x512xf32>
    %le3A_1489 = arith.cmpf ole, %convert_element_type3A_1487, %le3A_1488 : vector<56x512xf32>
    %neg3A = arith.constant 0.000000e+00 : f32
    %neg3A_1490 = vector.broadcast %neg3A : f32 to vector<56x512xf32>
    %neg3A_1491 = arith.subf %neg3A_1490, %convert_element_type3A_1487 : vector<56x512xf32>
    %exp3A = math.exp %neg3A_1491 : vector<56x512xf32>
    %jit3A = arith.constant 0.000000e+00 : f32
    %broadcast_in_dim3A = vector.broadcast %jit3A : f32 to vector<56x512xf32>
    %select_n3A = arith.select %le3A_1489, %exp3A, %broadcast_in_dim3A : vector<56x512xi1>, vector<56x512xf32>
    %swap3A = arith.constant 0 : index
    %swap3A_1492 = arith.constant 0 : index
    %swap3A_1493 = arith.constant 0 : index
    %swap3A_1494 = arith.constant 0 : index
    %swap3A_1495 = vector.load %arg6[%swap3A, %swap3A_1492, %swap3A_1493, %swap3A_1494] : memref<56x2x8x512xf32, #tpu.memory_space<vmem>>, vector<56x1x1x512xf32>
    %swap3A_1496 = vector.shape_cast %swap3A_1495 : vector<56x1x1x512xf32> to vector<56x512xf32>
    %swap3A_1497 = vector.shape_cast %select_n3A : vector<56x512xf32> to vector<56x1x1x512xf32>
    tpu.vector_store %arg6[%swap3A, %swap3A_1492, %swap3A_1493, %swap3A_1494], %swap3A_1497 {strides = array<i32>} : memref<56x2x8x512xf32, #tpu.memory_space<vmem>>, vector<56x1x1x512xf32>,
    %convert_element_type3A_1498 = arith.extf %max3A_1480 : vector<56x512xbf16> to vector<56x512xf32>
    %le3A_1499 = arith.constant 2.30258512 : f32
    %le3A_1500 = vector.broadcast %le3A_1499 : f32 to vector<56x512xf32>
    %le3A_1501 = arith.cmpf ole, %convert_element_type3A_1498, %le3A_1500 : vector<56x512xf32>
    %neg3A_1502 = arith.constant 0.000000e+00 : f32
    %neg3A_1503 = vector.broadcast %neg3A_1502 : f32 to vector<56x512xf32>
    %neg3A_1504 = arith.subf %neg3A_1503, %convert_element_type3A_1498 : vector<56x512xf32>
    %exp3A_1505 = math.exp %neg3A_1504 : vector<56x512xf32>
    %jit3A_1506 = arith.constant 0.000000e+00 : f32
    %broadcast_in_dim3A_1507 = vector.broadcast %jit3A_1506 : f32 to vector<56x512xf32>
    %select_n3A_1508 = arith.select %le3A_1501, %exp3A_1505, %broadcast_in_dim3A_1507 : vector<56x512xi1>, vector<56x512xf32>
    %swap3A_1509 = arith.constant 0 : index
    %swap3A_1510 = arith.constant 0 : index
    %swap3A_1511 = arith.constant 1 : index
    %swap3A_1512 = arith.constant 0 : index
    %swap3A_1513 = vector.load %arg6[%swap3A_1509, %swap3A_1510, %swap3A_1511, %swap3A_1512] : memref<56x2x8x512xf32, #tpu.memory_space<vmem>>, vector<56x1x1x512xf32>
    %swap3A_1514 = vector.shape_cast %swap3A_1513 : vector<56x1x1x512xf32> to vector<56x512xf32>
    %swap3A_1515 = vector.shape_cast %select_n3A_1508 : vector<56x512xf32> to vector<56x1x1x512xf32>
    tpu.vector_store %arg6[%swap3A_1509, %swap3A_1510, %swap3A_1511, %swap3A_1512], %swap3A_1515 {strides = array<i32>} : memref<56x2x8x512xf32, #tpu.memory_space<vmem>>, vector<56x1x1x512xf32>,
    %convert_element_type3A_1516 = arith.extf %min3A_1481 : vector<56x512xbf16> to vector<56x512xf32>
    %le3A_1517 = arith.constant 2.30258512 : f32
    %le3A_1518 = vector.broadcast %le3A_1517 : f32 to vector<56x512xf32>
    %le3A_1519 = arith.cmpf ole, %convert_element_type3A_1516, %le3A_1518 : vector<56x512xf32>
    %neg3A_1520 = arith.constant 0.000000e+00 : f32
    %neg3A_1521 = vector.broadcast %neg3A_1520 : f32 to vector<56x512xf32>
    %neg3A_1522 = arith.subf %neg3A_1521, %convert_element_type3A_1516 : vector<56x512xf32>
    %exp3A_1523 = math.exp %neg3A_1522 : vector<56x512xf32>
    %jit3A_1524 = arith.constant 0.000000e+00 : f32
    %broadcast_in_dim3A_1525 = vector.broadcast %jit3A_1524 : f32 to vector<56x512xf32>
    %select_n3A_1526 = arith.select %le3A_1519, %exp3A_1523, %broadcast_in_dim3A_1525 : vector<56x512xi1>, vector<56x512xf32>
    %swap3A_1527 = arith.constant 0 : index
    %swap3A_1528 = arith.constant 0 : index
    %swap3A_1529 = arith.constant 2 : index
    %swap3A_1530 = arith.constant 0 : index
    %swap3A_1531 = vector.load %arg6[%swap3A_1527, %swap3A_1528, %swap3A_1529, %swap3A_1530] : memref<56x2x8x512xf32, #tpu.memory_space<vmem>>, vector<56x1x1x512xf32>
    %swap3A_1532 = vector.shape_cast %swap3A_1531 : vector<56x1x1x512xf32> to vector<56x512xf32>
    %swap3A_1533 = vector.shape_cast %select_n3A_1526 : vector<56x512xf32> to vector<56x1x1x512xf32>
    tpu.vector_store %arg6[%swap3A_1527, %swap3A_1528, %swap3A_1529, %swap3A_1530], %swap3A_1533 {strides = array<i32>} : memref<56x2x8x512xf32, #tpu.memory_space<vmem>>, vector<56x1x1x512xf32>,
    %convert_element_type3A_1534 = arith.extf %max3A_1482 : vector<56x512xbf16> to vector<56x512xf32>
    %le3A_1535 = arith.constant 2.30258512 : f32
    %le3A_1536 = vector.broadcast %le3A_1535 : f32 to vector<56x512xf32>
    %le3A_1537 = arith.cmpf ole, %convert_element_type3A_1534, %le3A_1536 : vector<56x512xf32>
    %neg3A_1538 = arith.constant 0.000000e+00 : f32
    %neg3A_1539 = vector.broadcast %neg3A_1538 : f32 to vector<56x512xf32>
    %neg3A_1540 = arith.subf %neg3A_1539, %convert_element_type3A_1534 : vector<56x512xf32>
    %exp3A_1541 = math.exp %neg3A_1540 : vector<56x512xf32>
    %jit3A_1542 = arith.constant 0.000000e+00 : f32
    %broadcast_in_dim3A_1543 = vector.broadcast %jit3A_1542 : f32 to vector<56x512xf32>
    %select_n3A_1544 = arith.select %le3A_1537, %exp3A_1541, %broadcast_in_dim3A_1543 : vector<56x512xi1>, vector<56x512xf32>
    %swap3A_1545 = arith.constant 0 : index
    %swap3A_1546 = arith.constant 0 : index
    %swap3A_1547 = arith.constant 3 : index
    %swap3A_1548 = arith.constant 0 : index
    %swap3A_1549 = vector.load %arg6[%swap3A_1545, %swap3A_1546, %swap3A_1547, %swap3A_1548] : memref<56x2x8x512xf32, #tpu.memory_space<vmem>>, vector<56x1x1x512xf32>
    %swap3A_1550 = vector.shape_cast %swap3A_1549 : vector<56x1x1x512xf32> to vector<56x512xf32>
    %swap3A_1551 = vector.shape_cast %select_n3A_1544 : vector<56x512xf32> to vector<56x1x1x512xf32>
    tpu.vector_store %arg6[%swap3A_1545, %swap3A_1546, %swap3A_1547, %swap3A_1548], %swap3A_1551 {strides = array<i32>} : memref<56x2x8x512xf32, #tpu.memory_space<vmem>>, vector<56x1x1x512xf32>,
    %convert_element_type3A_1552 = arith.extf %min3A_1483 : vector<56x512xbf16> to vector<56x512xf32>
    %le3A_1553 = arith.constant 2.30258512 : f32
    %le3A_1554 = vector.broadcast %le3A_1553 : f32 to vector<56x512xf32>
    %le3A_1555 = arith.cmpf ole, %convert_element_type3A_1552, %le3A_1554 : vector<56x512xf32>
    %neg3A_1556 = arith.constant 0.000000e+00 : f32
    %neg3A_1557 = vector.broadcast %neg3A_1556 : f32 to vector<56x512xf32>
    %neg3A_1558 = arith.subf %neg3A_1557, %convert_element_type3A_1552 : vector<56x512xf32>
    %exp3A_1559 = math.exp %neg3A_1558 : vector<56x512xf32>
    %jit3A_1560 = arith.constant 0.000000e+00 : f32
    %broadcast_in_dim3A_1561 = vector.broadcast %jit3A_1560 : f32 to vector<56x512xf32>
    %select_n3A_1562 = arith.select %le3A_1555, %exp3A_1559, %broadcast_in_dim3A_1561 : vector<56x512xi1>, vector<56x512xf32>
    %swap3A_1563 = arith.constant 0 : index
    %swap3A_1564 = arith.constant 0 : index
    %swap3A_1565 = arith.constant 4 : index
    %swap3A_1566 = arith.constant 0 : index
    %swap3A_1567 = vector.load %arg6[%swap3A_1563, %swap3A_1564, %swap3A_1565, %swap3A_1566] : memref<56x2x8x512xf32, #tpu.memory_space<vmem>>, vector<56x1x1x512xf32>
    %swap3A_1568 = vector.shape_cast %swap3A_1567 : vector<56x1x1x512xf32> to vector<56x512xf32>
    %swap3A_1569 = vector.shape_cast %select_n3A_1562 : vector<56x512xf32> to vector<56x1x1x512xf32>
    tpu.vector_store %arg6[%swap3A_1563, %swap3A_1564, %swap3A_1565, %swap3A_1566], %swap3A_1569 {strides = array<i32>} : memref<56x2x8x512xf32, #tpu.memory_space<vmem>>, vector<56x1x1x512xf32>,
    %convert_element_type3A_1570 = arith.extf %max3A_1484 : vector<56x512xbf16> to vector<56x512xf32>
    %le3A_1571 = arith.constant 2.30258512 : f32
    %le3A_1572 = vector.broadcast %le3A_1571 : f32 to vector<56x512xf32>
    %le3A_1573 = arith.cmpf ole, %convert_element_type3A_1570, %le3A_1572 : vector<56x512xf32>
    %neg3A_1574 = arith.constant 0.000000e+00 : f32
    %neg3A_1575 = vector.broadcast %neg3A_1574 : f32 to vector<56x512xf32>
    %neg3A_1576 = arith.subf %neg3A_1575, %convert_element_type3A_1570 : vector<56x512xf32>
    %exp3A_1577 = math.exp %neg3A_1576 : vector<56x512xf32>
    %jit3A_1578 = arith.constant 0.000000e+00 : f32
    %broadcast_in_dim3A_1579 = vector.broadcast %jit3A_1578 : f32 to vector<56x512xf32>
    %select_n3A_1580 = arith.select %le3A_1573, %exp3A_1577, %broadcast_in_dim3A_1579 : vector<56x512xi1>, vector<56x512xf32>
    %swap3A_1581 = arith.constant 0 : index
    %swap3A_1582 = arith.constant 0 : index
    %swap3A_1583 = arith.constant 5 : index
    %swap3A_1584 = arith.constant 0 : index
    %swap3A_1585 = vector.load %arg6[%swap3A_1581, %swap3A_1582, %swap3A_1583, %swap3A_1584] : memref<56x2x8x512xf32, #tpu.memory_space<vmem>>, vector<56x1x1x512xf32>
    %swap3A_1586 = vector.shape_cast %swap3A_1585 : vector<56x1x1x512xf32> to vector<56x512xf32>
    %swap3A_1587 = vector.shape_cast %select_n3A_1580 : vector<56x512xf32> to vector<56x1x1x512xf32>
    tpu.vector_store %arg6[%swap3A_1581, %swap3A_1582, %swap3A_1583, %swap3A_1584], %swap3A_1587 {strides = array<i32>} : memref<56x2x8x512xf32, #tpu.memory_space<vmem>>, vector<56x1x1x512xf32>,
    %convert_element_type3A_1588 = arith.extf %min3A_1485 : vector<56x512xbf16> to vector<56x512xf32>
    %le3A_1589 = arith.constant 2.30258512 : f32
    %le3A_1590 = vector.broadcast %le3A_1589 : f32 to vector<56x512xf32>
    %le3A_1591 = arith.cmpf ole, %convert_element_type3A_1588, %le3A_1590 : vector<56x512xf32>
    %neg3A_1592 = arith.constant 0.000000e+00 : f32
    %neg3A_1593 = vector.broadcast %neg3A_1592 : f32 to vector<56x512xf32>
    %neg3A_1594 = arith.subf %neg3A_1593, %convert_element_type3A_1588 : vector<56x512xf32>
    %exp3A_1595 = math.exp %neg3A_1594 : vector<56x512xf32>
    %jit3A_1596 = arith.constant 0.000000e+00 : f32
    %broadcast_in_dim3A_1597 = vector.broadcast %jit3A_1596 : f32 to vector<56x512xf32>
    %select_n3A_1598 = arith.select %le3A_1591, %exp3A_1595, %broadcast_in_dim3A_1597 : vector<56x512xi1>, vector<56x512xf32>
    %swap3A_1599 = arith.constant 0 : index
    %swap3A_1600 = arith.constant 0 : index
    %swap3A_1601 = arith.constant 6 : index
    %swap3A_1602 = arith.constant 0 : index
    %swap3A_1603 = vector.load %arg6[%swap3A_1599, %swap3A_1600, %swap3A_1601, %swap3A_1602] : memref<56x2x8x512xf32, #tpu.memory_space<vmem>>, vector<56x1x1x512xf32>
    %swap3A_1604 = vector.shape_cast %swap3A_1603 : vector<56x1x1x512xf32> to vector<56x512xf32>
    %swap3A_1605 = vector.shape_cast %select_n3A_1598 : vector<56x512xf32> to vector<56x1x1x512xf32>
    tpu.vector_store %arg6[%swap3A_1599, %swap3A_1600, %swap3A_1601, %swap3A_1602], %swap3A_1605 {strides = array<i32>} : memref<56x2x8x512xf32, #tpu.memory_space<vmem>>, vector<56x1x1x512xf32>,
    %convert_element_type3A_1606 = arith.extf %max3A_1486 : vector<56x512xbf16> to vector<56x512xf32>
    %le3A_1607 = arith.constant 2.30258512 : f32
    %le3A_1608 = vector.broadcast %le3A_1607 : f32 to vector<56x512xf32>
    %le3A_1609 = arith.cmpf ole, %convert_element_type3A_1606, %le3A_1608 : vector<56x512xf32>
    %neg3A_1610 = arith.constant 0.000000e+00 : f32
    %neg3A_1611 = vector.broadcast %neg3A_1610 : f32 to vector<56x512xf32>
    %neg3A_1612 = arith.subf %neg3A_1611, %convert_element_type3A_1606 : vector<56x512xf32>
    %exp3A_1613 = math.exp %neg3A_1612 : vector<56x512xf32>
    %jit3A_1614 = arith.constant 0.000000e+00 : f32
    %broadcast_in_dim3A_1615 = vector.broadcast %jit3A_1614 : f32 to vector<56x512xf32>
    %select_n3A_1616 = arith.select %le3A_1609, %exp3A_1613, %broadcast_in_dim3A_1615 : vector<56x512xi1>, vector<56x512xf32>
    %swap3A_1617 = arith.constant 0 : index
    %swap3A_1618 = arith.constant 0 : index
    %swap3A_1619 = arith.constant 7 : index
    %swap3A_1620 = arith.constant 0 : index
    %swap3A_1621 = vector.load %arg6[%swap3A_1617, %swap3A_1618, %swap3A_1619, %swap3A_1620] : memref<56x2x8x512xf32, #tpu.memory_space<vmem>>, vector<56x1x1x512xf32>
    %swap3A_1622 = vector.shape_cast %swap3A_1621 : vector<56x1x1x512xf32> to vector<56x512xf32>
    %swap3A_1623 = vector.shape_cast %select_n3A_1616 : vector<56x512xf32> to vector<56x1x1x512xf32>
    tpu.vector_store %arg6[%swap3A_1617, %swap3A_1618, %swap3A_1619, %swap3A_1620], %swap3A_1623 {strides = array<i32>} : memref<56x2x8x512xf32, #tpu.memory_space<vmem>>, vector<56x1x1x512xf32>,
    %get3A_1624 = arith.constant 1 : index
    %get3A_1625 = arith.constant 0 : index
    %get3A_1626 = arith.constant 0 : index
    %get3A_1627 = vector.load %arg5[%get3A_1624, %get3A_1625, %get3A_1626] : memref<2x56x512xbf16, #tpu.memory_space<vmem>>, vector<1x56x512xbf16>
    %get3A_1628 = vector.shape_cast %get3A_1627 : vector<1x56x512xbf16> to vector<56x512xbf16>
    %get3A_1629 = arith.constant 1 : index
    %get3A_1630 = arith.constant 0 : index
    %get3A_1631 = arith.constant 0 : index
    %get3A_1632 = memref.load %arg3[%get3A_1629, %get3A_1630, %get3A_1631] : memref<2x1x64xf32, #tpu.memory_space<smem>>
    %convert_element_type3A_1633 = arith.truncf %get3A_1632 : f32 to bf16
    %sub3A_1634 = vector.broadcast %convert_element_type3A_1633 : bf16 to vector<56x512xbf16>
    %sub3A_1635 = arith.subf %get3A_1628, %sub3A_1634 : vector<56x512xbf16>
    %mul3A_1636 = arith.mulf %sub3A_1635, %sub3A_1635 : vector<56x512xbf16>
    %get3A_1637 = arith.constant 1 : index
    %get3A_1638 = arith.constant 0 : index
    %get3A_1639 = arith.constant 0 : index
    %get3A_1640 = memref.load %arg4[%get3A_1637, %get3A_1638, %get3A_1639] : memref<2x1x64xf32, #tpu.memory_space<smem>>
    %convert_element_type3A_1641 = arith.truncf %get3A_1640 : f32 to bf16
    %mul3A_1642 = vector.broadcast %convert_element_type3A_1641 : bf16 to vector<56x512xbf16>
    %mul3A_1643 = arith.mulf %mul3A_1636, %mul3A_1642 : vector<56x512xbf16>
    %get3A_1644 = arith.constant 1 : index
    %get3A_1645 = arith.constant 0 : index
    %get3A_1646 = arith.constant 1 : index
    %get3A_1647 = memref.load %arg3[%get3A_1644, %get3A_1645, %get3A_1646] : memref<2x1x64xf32, #tpu.memory_space<smem>>
    %convert_element_type3A_1648 = arith.truncf %get3A_1647 : f32 to bf16
    %sub3A_1649 = vector.broadcast %convert_element_type3A_1648 : bf16 to vector<56x512xbf16>
    %sub3A_1650 = arith.subf %get3A_1628, %sub3A_1649 : vector<56x512xbf16>
    %mul3A_1651 = arith.mulf %sub3A_1650, %sub3A_1650 : vector<56x512xbf16>
    %get3A_1652 = arith.constant 1 : index
    %get3A_1653 = arith.constant 0 : index
    %get3A_1654 = arith.constant 1 : index
    %get3A_1655 = memref.load %arg4[%get3A_1652, %get3A_1653, %get3A_1654] : memref<2x1x64xf32, #tpu.memory_space<smem>>
    %convert_element_type3A_1656 = arith.truncf %get3A_1655 : f32 to bf16
    %mul3A_1657 = vector.broadcast %convert_element_type3A_1656 : bf16 to vector<56x512xbf16>
    %mul3A_1658 = arith.mulf %mul3A_1651, %mul3A_1657 : vector<56x512xbf16>
    %get3A_1659 = arith.constant 1 : index
    %get3A_1660 = arith.constant 0 : index
    %get3A_1661 = arith.constant 2 : index
    %get3A_1662 = memref.load %arg3[%get3A_1659, %get3A_1660, %get3A_1661] : memref<2x1x64xf32, #tpu.memory_space<smem>>
    %convert_element_type3A_1663 = arith.truncf %get3A_1662 : f32 to bf16
    %sub3A_1664 = vector.broadcast %convert_element_type3A_1663 : bf16 to vector<56x512xbf16>
    %sub3A_1665 = arith.subf %get3A_1628, %sub3A_1664 : vector<56x512xbf16>
    %mul3A_1666 = arith.mulf %sub3A_1665, %sub3A_1665 : vector<56x512xbf16>
    %get3A_1667 = arith.constant 1 : index
    %get3A_1668 = arith.constant 0 : index
    %get3A_1669 = arith.constant 2 : index
    %get3A_1670 = memref.load %arg4[%get3A_1667, %get3A_1668, %get3A_1669] : memref<2x1x64xf32, #tpu.memory_space<smem>>
    %convert_element_type3A_1671 = arith.truncf %get3A_1670 : f32 to bf16
    %mul3A_1672 = vector.broadcast %convert_element_type3A_1671 : bf16 to vector<56x512xbf16>
    %mul3A_1673 = arith.mulf %mul3A_1666, %mul3A_1672 : vector<56x512xbf16>
    %get3A_1674 = arith.constant 1 : index
    %get3A_1675 = arith.constant 0 : index
    %get3A_1676 = arith.constant 3 : index
    %get3A_1677 = memref.load %arg3[%get3A_1674, %get3A_1675, %get3A_1676] : memref<2x1x64xf32, #tpu.memory_space<smem>>
    %convert_element_type3A_1678 = arith.truncf %get3A_1677 : f32 to bf16
    %sub3A_1679 = vector.broadcast %convert_element_type3A_1678 : bf16 to vector<56x512xbf16>
    %sub3A_1680 = arith.subf %get3A_1628, %sub3A_1679 : vector<56x512xbf16>
    %mul3A_1681 = arith.mulf %sub3A_1680, %sub3A_1680 : vector<56x512xbf16>
    %get3A_1682 = arith.constant 1 : index
    %get3A_1683 = arith.constant 0 : index
    %get3A_1684 = arith.constant 3 : index
    %get3A_1685 = memref.load %arg4[%get3A_1682, %get3A_1683, %get3A_1684] : memref<2x1x64xf32, #tpu.memory_space<smem>>
    %convert_element_type3A_1686 = arith.truncf %get3A_1685 : f32 to bf16
    %mul3A_1687 = vector.broadcast %convert_element_type3A_1686 : bf16 to vector<56x512xbf16>
    %mul3A_1688 = arith.mulf %mul3A_1681, %mul3A_1687 : vector<56x512xbf16>
    %get3A_1689 = arith.constant 1 : index
    %get3A_1690 = arith.constant 0 : index
    %get3A_1691 = arith.constant 4 : index
    %get3A_1692 = memref.load %arg3[%get3A_1689, %get3A_1690, %get3A_1691] : memref<2x1x64xf32, #tpu.memory_space<smem>>
    %convert_element_type3A_1693 = arith.truncf %get3A_1692 : f32 to bf16
    %sub3A_1694 = vector.broadcast %convert_element_type3A_1693 : bf16 to vector<56x512xbf16>
    %sub3A_1695 = arith.subf %get3A_1628, %sub3A_1694 : vector<56x512xbf16>
    %mul3A_1696 = arith.mulf %sub3A_1695, %sub3A_1695 : vector<56x512xbf16>
    %get3A_1697 = arith.constant 1 : index
    %get3A_1698 = arith.constant 0 : index
    %get3A_1699 = arith.constant 4 : index
    %get3A_1700 = memref.load %arg4[%get3A_1697, %get3A_1698, %get3A_1699] : memref<2x1x64xf32, #tpu.memory_space<smem>>
    %convert_element_type3A_1701 = arith.truncf %get3A_1700 : f32 to bf16
    %mul3A_1702 = vector.broadcast %convert_element_type3A_1701 : bf16 to vector<56x512xbf16>
    %mul3A_1703 = arith.mulf %mul3A_1696, %mul3A_1702 : vector<56x512xbf16>
    %get3A_1704 = arith.constant 1 : index
    %get3A_1705 = arith.constant 0 : index
    %get3A_1706 = arith.constant 5 : index
    %get3A_1707 = memref.load %arg3[%get3A_1704, %get3A_1705, %get3A_1706] : memref<2x1x64xf32, #tpu.memory_space<smem>>
    %convert_element_type3A_1708 = arith.truncf %get3A_1707 : f32 to bf16
    %sub3A_1709 = vector.broadcast %convert_element_type3A_1708 : bf16 to vector<56x512xbf16>
    %sub3A_1710 = arith.subf %get3A_1628, %sub3A_1709 : vector<56x512xbf16>
    %mul3A_1711 = arith.mulf %sub3A_1710, %sub3A_1710 : vector<56x512xbf16>
    %get3A_1712 = arith.constant 1 : index
    %get3A_1713 = arith.constant 0 : index
    %get3A_1714 = arith.constant 5 : index
    %get3A_1715 = memref.load %arg4[%get3A_1712, %get3A_1713, %get3A_1714] : memref<2x1x64xf32, #tpu.memory_space<smem>>
    %convert_element_type3A_1716 = arith.truncf %get3A_1715 : f32 to bf16
    %mul3A_1717 = vector.broadcast %convert_element_type3A_1716 : bf16 to vector<56x512xbf16>
    %mul3A_1718 = arith.mulf %mul3A_1711, %mul3A_1717 : vector<56x512xbf16>
    %get3A_1719 = arith.constant 1 : index
    %get3A_1720 = arith.constant 0 : index
    %get3A_1721 = arith.constant 6 : index
    %get3A_1722 = memref.load %arg3[%get3A_1719, %get3A_1720, %get3A_1721] : memref<2x1x64xf32, #tpu.memory_space<smem>>
    %convert_element_type3A_1723 = arith.truncf %get3A_1722 : f32 to bf16
    %sub3A_1724 = vector.broadcast %convert_element_type3A_1723 : bf16 to vector<56x512xbf16>
    %sub3A_1725 = arith.subf %get3A_1628, %sub3A_1724 : vector<56x512xbf16>
    %mul3A_1726 = arith.mulf %sub3A_1725, %sub3A_1725 : vector<56x512xbf16>
    %get3A_1727 = arith.constant 1 : index
    %get3A_1728 = arith.constant 0 : index
    %get3A_1729 = arith.constant 6 : index
    %get3A_1730 = memref.load %arg4[%get3A_1727, %get3A_1728, %get3A_1729] : memref<2x1x64xf32, #tpu.memory_space<smem>>
    %convert_element_type3A_1731 = arith.truncf %get3A_1730 : f32 to bf16
    %mul3A_1732 = vector.broadcast %convert_element_type3A_1731 : bf16 to vector<56x512xbf16>
    %mul3A_1733 = arith.mulf %mul3A_1726, %mul3A_1732 : vector<56x512xbf16>
    %get3A_1734 = arith.constant 1 : index
    %get3A_1735 = arith.constant 0 : index
    %get3A_1736 = arith.constant 7 : index
    %get3A_1737 = memref.load %arg3[%get3A_1734, %get3A_1735, %get3A_1736] : memref<2x1x64xf32, #tpu.memory_space<smem>>
    %convert_element_type3A_1738 = arith.truncf %get3A_1737 : f32 to bf16
    %sub3A_1739 = vector.broadcast %convert_element_type3A_1738 : bf16 to vector<56x512xbf16>
    %sub3A_1740 = arith.subf %get3A_1628, %sub3A_1739 : vector<56x512xbf16>
    %mul3A_1741 = arith.mulf %sub3A_1740, %sub3A_1740 : vector<56x512xbf16>
    %get3A_1742 = arith.constant 1 : index
    %get3A_1743 = arith.constant 0 : index
    %get3A_1744 = arith.constant 7 : index
    %get3A_1745 = memref.load %arg4[%get3A_1742, %get3A_1743, %get3A_1744] : memref<2x1x64xf32, #tpu.memory_space<smem>>
    %convert_element_type3A_1746 = arith.truncf %get3A_1745 : f32 to bf16
    %mul3A_1747 = vector.broadcast %convert_element_type3A_1746 : bf16 to vector<56x512xbf16>
    %mul3A_1748 = arith.mulf %mul3A_1741, %mul3A_1747 : vector<56x512xbf16>
    %min3A_1749 = arith.minimumf %mul3A_1643, %mul3A_1658 : vector<56x512xbf16>
    %max3A_1750 = arith.maximumf %mul3A_1643, %mul3A_1658 : vector<56x512xbf16>
    %min3A_1751 = arith.minimumf %mul3A_1673, %mul3A_1688 : vector<56x512xbf16>
    %max3A_1752 = arith.maximumf %mul3A_1673, %mul3A_1688 : vector<56x512xbf16>
    %min3A_1753 = arith.minimumf %mul3A_1703, %mul3A_1718 : vector<56x512xbf16>
    %max3A_1754 = arith.maximumf %mul3A_1703, %mul3A_1718 : vector<56x512xbf16>
    %min3A_1755 = arith.minimumf %mul3A_1733, %mul3A_1748 : vector<56x512xbf16>
    %max3A_1756 = arith.maximumf %mul3A_1733, %mul3A_1748 : vector<56x512xbf16>
    %min3A_1757 = arith.minimumf %min3A_1749, %min3A_1751 : vector<56x512xbf16>
    %max3A_1758 = arith.maximumf %min3A_1749, %min3A_1751 : vector<56x512xbf16>
    %min3A_1759 = arith.minimumf %max3A_1750, %max3A_1752 : vector<56x512xbf16>
    %max3A_1760 = arith.maximumf %max3A_1750, %max3A_1752 : vector<56x512xbf16>
    %min3A_1761 = arith.minimumf %min3A_1753, %min3A_1755 : vector<56x512xbf16>
    %max3A_1762 = arith.maximumf %min3A_1753, %min3A_1755 : vector<56x512xbf16>
    %min3A_1763 = arith.minimumf %max3A_1754, %max3A_1756 : vector<56x512xbf16>
    %max3A_1764 = arith.maximumf %max3A_1754, %max3A_1756 : vector<56x512xbf16>
    %min3A_1765 = arith.minimumf %min3A_1759, %max3A_1758 : vector<56x512xbf16>
    %max3A_1766 = arith.maximumf %min3A_1759, %max3A_1758 : vector<56x512xbf16>
    %min3A_1767 = arith.minimumf %min3A_1763, %max3A_1762 : vector<56x512xbf16>
    %max3A_1768 = arith.maximumf %min3A_1763, %max3A_1762 : vector<56x512xbf16>
    %min3A_1769 = arith.minimumf %min3A_1757, %min3A_1761 : vector<56x512xbf16>
    %max3A_1770 = arith.maximumf %min3A_1757, %min3A_1761 : vector<56x512xbf16>
    %min3A_1771 = arith.minimumf %min3A_1765, %min3A_1767 : vector<56x512xbf16>
    %max3A_1772 = arith.maximumf %min3A_1765, %min3A_1767 : vector<56x512xbf16>
    %min3A_1773 = arith.minimumf %max3A_1766, %max3A_1768 : vector<56x512xbf16>
    %max3A_1774 = arith.maximumf %max3A_1766, %max3A_1768 : vector<56x512xbf16>
    %min3A_1775 = arith.minimumf %max3A_1760, %max3A_1764 : vector<56x512xbf16>
    %max3A_1776 = arith.maximumf %max3A_1760, %max3A_1764 : vector<56x512xbf16>
    %min3A_1777 = arith.minimumf %min3A_1773, %max3A_1770 : vector<56x512xbf16>
    %max3A_1778 = arith.maximumf %min3A_1773, %max3A_1770 : vector<56x512xbf16>
    %min3A_1779 = arith.minimumf %min3A_1775, %max3A_1772 : vector<56x512xbf16>
    %max3A_1780 = arith.maximumf %min3A_1775, %max3A_1772 : vector<56x512xbf16>
    %min3A_1781 = arith.minimumf %min3A_1771, %min3A_1777 : vector<56x512xbf16>
    %max3A_1782 = arith.maximumf %min3A_1771, %min3A_1777 : vector<56x512xbf16>
    %min3A_1783 = arith.minimumf %min3A_1779, %max3A_1778 : vector<56x512xbf16>
    %max3A_1784 = arith.maximumf %min3A_1779, %max3A_1778 : vector<56x512xbf16>
    %min3A_1785 = arith.minimumf %max3A_1780, %max3A_1774 : vector<56x512xbf16>
    %max3A_1786 = arith.maximumf %max3A_1780, %max3A_1774 : vector<56x512xbf16>
    %get3A_1787 = arith.constant 1 : index
    %get3A_1788 = arith.constant 0 : index
    %get3A_1789 = arith.constant 8 : index
    %get3A_1790 = memref.load %arg3[%get3A_1787, %get3A_1788, %get3A_1789] : memref<2x1x64xf32, #tpu.memory_space<smem>>
    %convert_element_type3A_1791 = arith.truncf %get3A_1790 : f32 to bf16
    %sub3A_1792 = vector.broadcast %convert_element_type3A_1791 : bf16 to vector<56x512xbf16>
    %sub3A_1793 = arith.subf %get3A_1628, %sub3A_1792 : vector<56x512xbf16>
    %mul3A_1794 = arith.mulf %sub3A_1793, %sub3A_1793 : vector<56x512xbf16>
    %get3A_1795 = arith.constant 1 : index
    %get3A_1796 = arith.constant 0 : index
    %get3A_1797 = arith.constant 8 : index
    %get3A_1798 = memref.load %arg4[%get3A_1795, %get3A_1796, %get3A_1797] : memref<2x1x64xf32, #tpu.memory_space<smem>>
    %convert_element_type3A_1799 = arith.truncf %get3A_1798 : f32 to bf16
    %mul3A_1800 = vector.broadcast %convert_element_type3A_1799 : bf16 to vector<56x512xbf16>
    %mul3A_1801 = arith.mulf %mul3A_1794, %mul3A_1800 : vector<56x512xbf16>
    %get3A_1802 = arith.constant 1 : index
    %get3A_1803 = arith.constant 0 : index
    %get3A_1804 = arith.constant 9 : index
    %get3A_1805 = memref.load %arg3[%get3A_1802, %get3A_1803, %get3A_1804] : memref<2x1x64xf32, #tpu.memory_space<smem>>
    %convert_element_type3A_1806 = arith.truncf %get3A_1805 : f32 to bf16
    %sub3A_1807 = vector.broadcast %convert_element_type3A_1806 : bf16 to vector<56x512xbf16>
    %sub3A_1808 = arith.subf %get3A_1628, %sub3A_1807 : vector<56x512xbf16>
    %mul3A_1809 = arith.mulf %sub3A_1808, %sub3A_1808 : vector<56x512xbf16>
    %get3A_1810 = arith.constant 1 : index
    %get3A_1811 = arith.constant 0 : index
    %get3A_1812 = arith.constant 9 : index
    %get3A_1813 = memref.load %arg4[%get3A_1810, %get3A_1811, %get3A_1812] : memref<2x1x64xf32, #tpu.memory_space<smem>>
    %convert_element_type3A_1814 = arith.truncf %get3A_1813 : f32 to bf16
    %mul3A_1815 = vector.broadcast %convert_element_type3A_1814 : bf16 to vector<56x512xbf16>
    %mul3A_1816 = arith.mulf %mul3A_1809, %mul3A_1815 : vector<56x512xbf16>
    %get3A_1817 = arith.constant 1 : index
    %get3A_1818 = arith.constant 0 : index
    %get3A_1819 = arith.constant 10 : index
    %get3A_1820 = memref.load %arg3[%get3A_1817, %get3A_1818, %get3A_1819] : memref<2x1x64xf32, #tpu.memory_space<smem>>
    %convert_element_type3A_1821 = arith.truncf %get3A_1820 : f32 to bf16
    %sub3A_1822 = vector.broadcast %convert_element_type3A_1821 : bf16 to vector<56x512xbf16>
    %sub3A_1823 = arith.subf %get3A_1628, %sub3A_1822 : vector<56x512xbf16>
    %mul3A_1824 = arith.mulf %sub3A_1823, %sub3A_1823 : vector<56x512xbf16>
    %get3A_1825 = arith.constant 1 : index
    %get3A_1826 = arith.constant 0 : index
    %get3A_1827 = arith.constant 10 : index
    %get3A_1828 = memref.load %arg4[%get3A_1825, %get3A_1826, %get3A_1827] : memref<2x1x64xf32, #tpu.memory_space<smem>>
    %convert_element_type3A_1829 = arith.truncf %get3A_1828 : f32 to bf16
    %mul3A_1830 = vector.broadcast %convert_element_type3A_1829 : bf16 to vector<56x512xbf16>
    %mul3A_1831 = arith.mulf %mul3A_1824, %mul3A_1830 : vector<56x512xbf16>
    %get3A_1832 = arith.constant 1 : index
    %get3A_1833 = arith.constant 0 : index
    %get3A_1834 = arith.constant 11 : index
    %get3A_1835 = memref.load %arg3[%get3A_1832, %get3A_1833, %get3A_1834] : memref<2x1x64xf32, #tpu.memory_space<smem>>
    %convert_element_type3A_1836 = arith.truncf %get3A_1835 : f32 to bf16
    %sub3A_1837 = vector.broadcast %convert_element_type3A_1836 : bf16 to vector<56x512xbf16>
    %sub3A_1838 = arith.subf %get3A_1628, %sub3A_1837 : vector<56x512xbf16>
    %mul3A_1839 = arith.mulf %sub3A_1838, %sub3A_1838 : vector<56x512xbf16>
    %get3A_1840 = arith.constant 1 : index
    %get3A_1841 = arith.constant 0 : index
    %get3A_1842 = arith.constant 11 : index
    %get3A_1843 = memref.load %arg4[%get3A_1840, %get3A_1841, %get3A_1842] : memref<2x1x64xf32, #tpu.memory_space<smem>>
    %convert_element_type3A_1844 = arith.truncf %get3A_1843 : f32 to bf16
    %mul3A_1845 = vector.broadcast %convert_element_type3A_1844 : bf16 to vector<56x512xbf16>
    %mul3A_1846 = arith.mulf %mul3A_1839, %mul3A_1845 : vector<56x512xbf16>
    %get3A_1847 = arith.constant 1 : index
    %get3A_1848 = arith.constant 0 : index
    %get3A_1849 = arith.constant 12 : index
    %get3A_1850 = memref.load %arg3[%get3A_1847, %get3A_1848, %get3A_1849] : memref<2x1x64xf32, #tpu.memory_space<smem>>
    %convert_element_type3A_1851 = arith.truncf %get3A_1850 : f32 to bf16
    %sub3A_1852 = vector.broadcast %convert_element_type3A_1851 : bf16 to vector<56x512xbf16>
    %sub3A_1853 = arith.subf %get3A_1628, %sub3A_1852 : vector<56x512xbf16>
    %mul3A_1854 = arith.mulf %sub3A_1853, %sub3A_1853 : vector<56x512xbf16>
    %get3A_1855 = arith.constant 1 : index
    %get3A_1856 = arith.constant 0 : index
    %get3A_1857 = arith.constant 12 : index
    %get3A_1858 = memref.load %arg4[%get3A_1855, %get3A_1856, %get3A_1857] : memref<2x1x64xf32, #tpu.memory_space<smem>>
    %convert_element_type3A_1859 = arith.truncf %get3A_1858 : f32 to bf16
    %mul3A_1860 = vector.broadcast %convert_element_type3A_1859 : bf16 to vector<56x512xbf16>
    %mul3A_1861 = arith.mulf %mul3A_1854, %mul3A_1860 : vector<56x512xbf16>
    %get3A_1862 = arith.constant 1 : index
    %get3A_1863 = arith.constant 0 : index
    %get3A_1864 = arith.constant 13 : index
    %get3A_1865 = memref.load %arg3[%get3A_1862, %get3A_1863, %get3A_1864] : memref<2x1x64xf32, #tpu.memory_space<smem>>
    %convert_element_type3A_1866 = arith.truncf %get3A_1865 : f32 to bf16
    %sub3A_1867 = vector.broadcast %convert_element_type3A_1866 : bf16 to vector<56x512xbf16>
    %sub3A_1868 = arith.subf %get3A_1628, %sub3A_1867 : vector<56x512xbf16>
    %mul3A_1869 = arith.mulf %sub3A_1868, %sub3A_1868 : vector<56x512xbf16>
    %get3A_1870 = arith.constant 1 : index
    %get3A_1871 = arith.constant 0 : index
    %get3A_1872 = arith.constant 13 : index
    %get3A_1873 = memref.load %arg4[%get3A_1870, %get3A_1871, %get3A_1872] : memref<2x1x64xf32, #tpu.memory_space<smem>>
    %convert_element_type3A_1874 = arith.truncf %get3A_1873 : f32 to bf16
    %mul3A_1875 = vector.broadcast %convert_element_type3A_1874 : bf16 to vector<56x512xbf16>
    %mul3A_1876 = arith.mulf %mul3A_1869, %mul3A_1875 : vector<56x512xbf16>
    %get3A_1877 = arith.constant 1 : index
    %get3A_1878 = arith.constant 0 : index
    %get3A_1879 = arith.constant 14 : index
    %get3A_1880 = memref.load %arg3[%get3A_1877, %get3A_1878, %get3A_1879] : memref<2x1x64xf32, #tpu.memory_space<smem>>
    %convert_element_type3A_1881 = arith.truncf %get3A_1880 : f32 to bf16
    %sub3A_1882 = vector.broadcast %convert_element_type3A_1881 : bf16 to vector<56x512xbf16>
    %sub3A_1883 = arith.subf %get3A_1628, %sub3A_1882 : vector<56x512xbf16>
    %mul3A_1884 = arith.mulf %sub3A_1883, %sub3A_1883 : vector<56x512xbf16>
    %get3A_1885 = arith.constant 1 : index
    %get3A_1886 = arith.constant 0 : index
    %get3A_1887 = arith.constant 14 : index
    %get3A_1888 = memref.load %arg4[%get3A_1885, %get3A_1886, %get3A_1887] : memref<2x1x64xf32, #tpu.memory_space<smem>>
    %convert_element_type3A_1889 = arith.truncf %get3A_1888 : f32 to bf16
    %mul3A_1890 = vector.broadcast %convert_element_type3A_1889 : bf16 to vector<56x512xbf16>
    %mul3A_1891 = arith.mulf %mul3A_1884, %mul3A_1890 : vector<56x512xbf16>
    %get3A_1892 = arith.constant 1 : index
    %get3A_1893 = arith.constant 0 : index
    %get3A_1894 = arith.constant 15 : index
    %get3A_1895 = memref.load %arg3[%get3A_1892, %get3A_1893, %get3A_1894] : memref<2x1x64xf32, #tpu.memory_space<smem>>
    %convert_element_type3A_1896 = arith.truncf %get3A_1895 : f32 to bf16
    %sub3A_1897 = vector.broadcast %convert_element_type3A_1896 : bf16 to vector<56x512xbf16>
    %sub3A_1898 = arith.subf %get3A_1628, %sub3A_1897 : vector<56x512xbf16>
    %mul3A_1899 = arith.mulf %sub3A_1898, %sub3A_1898 : vector<56x512xbf16>
    %get3A_1900 = arith.constant 1 : index
    %get3A_1901 = arith.constant 0 : index
    %get3A_1902 = arith.constant 15 : index
    %get3A_1903 = memref.load %arg4[%get3A_1900, %get3A_1901, %get3A_1902] : memref<2x1x64xf32, #tpu.memory_space<smem>>
    %convert_element_type3A_1904 = arith.truncf %get3A_1903 : f32 to bf16
    %mul3A_1905 = vector.broadcast %convert_element_type3A_1904 : bf16 to vector<56x512xbf16>
    %mul3A_1906 = arith.mulf %mul3A_1899, %mul3A_1905 : vector<56x512xbf16>
    %min3A_1907 = arith.minimumf %mul3A_1801, %mul3A_1816 : vector<56x512xbf16>
    %max3A_1908 = arith.maximumf %mul3A_1801, %mul3A_1816 : vector<56x512xbf16>
    %min3A_1909 = arith.minimumf %mul3A_1831, %mul3A_1846 : vector<56x512xbf16>
    %max3A_1910 = arith.maximumf %mul3A_1831, %mul3A_1846 : vector<56x512xbf16>
    %min3A_1911 = arith.minimumf %mul3A_1861, %mul3A_1876 : vector<56x512xbf16>
    %max3A_1912 = arith.maximumf %mul3A_1861, %mul3A_1876 : vector<56x512xbf16>
    %min3A_1913 = arith.minimumf %mul3A_1891, %mul3A_1906 : vector<56x512xbf16>
    %max3A_1914 = arith.maximumf %mul3A_1891, %mul3A_1906 : vector<56x512xbf16>
    %min3A_1915 = arith.minimumf %min3A_1907, %min3A_1909 : vector<56x512xbf16>
    %max3A_1916 = arith.maximumf %min3A_1907, %min3A_1909 : vector<56x512xbf16>
    %min3A_1917 = arith.minimumf %max3A_1908, %max3A_1910 : vector<56x512xbf16>
    %max3A_1918 = arith.maximumf %max3A_1908, %max3A_1910 : vector<56x512xbf16>
    %min3A_1919 = arith.minimumf %min3A_1911, %min3A_1913 : vector<56x512xbf16>
    %max3A_1920 = arith.maximumf %min3A_1911, %min3A_1913 : vector<56x512xbf16>
    %min3A_1921 = arith.minimumf %max3A_1912, %max3A_1914 : vector<56x512xbf16>
    %max3A_1922 = arith.maximumf %max3A_1912, %max3A_1914 : vector<56x512xbf16>
    %min3A_1923 = arith.minimumf %min3A_1917, %max3A_1916 : vector<56x512xbf16>
    %max3A_1924 = arith.maximumf %min3A_1917, %max3A_1916 : vector<56x512xbf16>
    %min3A_1925 = arith.minimumf %min3A_1921, %max3A_1920 : vector<56x512xbf16>
    %max3A_1926 = arith.maximumf %min3A_1921, %max3A_1920 : vector<56x512xbf16>
    %min3A_1927 = arith.minimumf %min3A_1915, %min3A_1919 : vector<56x512xbf16>
    %max3A_1928 = arith.maximumf %min3A_1915, %min3A_1919 : vector<56x512xbf16>
    %min3A_1929 = arith.minimumf %min3A_1923, %min3A_1925 : vector<56x512xbf16>
    %max3A_1930 = arith.maximumf %min3A_1923, %min3A_1925 : vector<56x512xbf16>
    %min3A_1931 = arith.minimumf %max3A_1924, %max3A_1926 : vector<56x512xbf16>
    %max3A_1932 = arith.maximumf %max3A_1924, %max3A_1926 : vector<56x512xbf16>
    %min3A_1933 = arith.minimumf %max3A_1918, %max3A_1922 : vector<56x512xbf16>
    %max3A_1934 = arith.maximumf %max3A_1918, %max3A_1922 : vector<56x512xbf16>
    %min3A_1935 = arith.minimumf %min3A_1931, %max3A_1928 : vector<56x512xbf16>
    %max3A_1936 = arith.maximumf %min3A_1931, %max3A_1928 : vector<56x512xbf16>
    %min3A_1937 = arith.minimumf %min3A_1933, %max3A_1930 : vector<56x512xbf16>
    %max3A_1938 = arith.maximumf %min3A_1933, %max3A_1930 : vector<56x512xbf16>
    %min3A_1939 = arith.minimumf %min3A_1929, %min3A_1935 : vector<56x512xbf16>
    %max3A_1940 = arith.maximumf %min3A_1929, %min3A_1935 : vector<56x512xbf16>
    %min3A_1941 = arith.minimumf %min3A_1937, %max3A_1936 : vector<56x512xbf16>
    %max3A_1942 = arith.maximumf %min3A_1937, %max3A_1936 : vector<56x512xbf16>
    %min3A_1943 = arith.minimumf %max3A_1938, %max3A_1932 : vector<56x512xbf16>
    %max3A_1944 = arith.maximumf %max3A_1938, %max3A_1932 : vector<56x512xbf16>
    %min3A_1945 = arith.minimumf %min3A_1769, %max3A_1934 : vector<56x512xbf16>
    %min3A_1946 = arith.minimumf %min3A_1781, %max3A_1944 : vector<56x512xbf16>
    %min3A_1947 = arith.minimumf %max3A_1782, %min3A_1943 : vector<56x512xbf16>
    %min3A_1948 = arith.minimumf %min3A_1783, %max3A_1942 : vector<56x512xbf16>
    %min3A_1949 = arith.minimumf %max3A_1784, %min3A_1941 : vector<56x512xbf16>
    %min3A_1950 = arith.minimumf %min3A_1785, %max3A_1940 : vector<56x512xbf16>
    %min3A_1951 = arith.minimumf %max3A_1786, %min3A_1939 : vector<56x512xbf16>
    %min3A_1952 = arith.minimumf %max3A_1776, %min3A_1927 : vector<56x512xbf16>
    %min3A_1953 = arith.minimumf %min3A_1945, %min3A_1949 : vector<56x512xbf16>
    %max3A_1954 = arith.maximumf %min3A_1945, %min3A_1949 : vector<56x512xbf16>
    %min3A_1955 = arith.minimumf %min3A_1946, %min3A_1950 : vector<56x512xbf16>
    %max3A_1956 = arith.maximumf %min3A_1946, %min3A_1950 : vector<56x512xbf16>
    %min3A_1957 = arith.minimumf %min3A_1947, %min3A_1951 : vector<56x512xbf16>
    %max3A_1958 = arith.maximumf %min3A_1947, %min3A_1951 : vector<56x512xbf16>
    %min3A_1959 = arith.minimumf %min3A_1948, %min3A_1952 : vector<56x512xbf16>
    %max3A_1960 = arith.maximumf %min3A_1948, %min3A_1952 : vector<56x512xbf16>
    %min3A_1961 = arith.minimumf %min3A_1953, %min3A_1957 : vector<56x512xbf16>
    %max3A_1962 = arith.maximumf %min3A_1953, %min3A_1957 : vector<56x512xbf16>
    %min3A_1963 = arith.minimumf %min3A_1955, %min3A_1959 : vector<56x512xbf16>
    %max3A_1964 = arith.maximumf %min3A_1955, %min3A_1959 : vector<56x512xbf16>
    %min3A_1965 = arith.minimumf %max3A_1954, %max3A_1958 : vector<56x512xbf16>
    %max3A_1966 = arith.maximumf %max3A_1954, %max3A_1958 : vector<56x512xbf16>
    %min3A_1967 = arith.minimumf %max3A_1956, %max3A_1960 : vector<56x512xbf16>
    %max3A_1968 = arith.maximumf %max3A_1956, %max3A_1960 : vector<56x512xbf16>
    %min3A_1969 = arith.minimumf %min3A_1961, %min3A_1963 : vector<56x512xbf16>
    %max3A_1970 = arith.maximumf %min3A_1961, %min3A_1963 : vector<56x512xbf16>
    %min3A_1971 = arith.minimumf %max3A_1962, %max3A_1964 : vector<56x512xbf16>
    %max3A_1972 = arith.maximumf %max3A_1962, %max3A_1964 : vector<56x512xbf16>
    %min3A_1973 = arith.minimumf %min3A_1965, %min3A_1967 : vector<56x512xbf16>
    %max3A_1974 = arith.maximumf %min3A_1965, %min3A_1967 : vector<56x512xbf16>
    %min3A_1975 = arith.minimumf %max3A_1966, %max3A_1968 : vector<56x512xbf16>
    %max3A_1976 = arith.maximumf %max3A_1966, %max3A_1968 : vector<56x512xbf16>
    %get3A_1977 = arith.constant 1 : index
    %get3A_1978 = arith.constant 0 : index
    %get3A_1979 = arith.constant 16 : index
    %get3A_1980 = memref.load %arg3[%get3A_1977, %get3A_1978, %get3A_1979] : memref<2x1x64xf32, #tpu.memory_space<smem>>
    %convert_element_type3A_1981 = arith.truncf %get3A_1980 : f32 to bf16
    %sub3A_1982 = vector.broadcast %convert_element_type3A_1981 : bf16 to vector<56x512xbf16>
    %sub3A_1983 = arith.subf %get3A_1628, %sub3A_1982 : vector<56x512xbf16>
    %mul3A_1984 = arith.mulf %sub3A_1983, %sub3A_1983 : vector<56x512xbf16>
    %get3A_1985 = arith.constant 1 : index
    %get3A_1986 = arith.constant 0 : index
    %get3A_1987 = arith.constant 16 : index
    %get3A_1988 = memref.load %arg4[%get3A_1985, %get3A_1986, %get3A_1987] : memref<2x1x64xf32, #tpu.memory_space<smem>>
    %convert_element_type3A_1989 = arith.truncf %get3A_1988 : f32 to bf16
    %mul3A_1990 = vector.broadcast %convert_element_type3A_1989 : bf16 to vector<56x512xbf16>
    %mul3A_1991 = arith.mulf %mul3A_1984, %mul3A_1990 : vector<56x512xbf16>
    %get3A_1992 = arith.constant 1 : index
    %get3A_1993 = arith.constant 0 : index
    %get3A_1994 = arith.constant 17 : index
    %get3A_1995 = memref.load %arg3[%get3A_1992, %get3A_1993, %get3A_1994] : memref<2x1x64xf32, #tpu.memory_space<smem>>
    %convert_element_type3A_1996 = arith.truncf %get3A_1995 : f32 to bf16
    %sub3A_1997 = vector.broadcast %convert_element_type3A_1996 : bf16 to vector<56x512xbf16>
    %sub3A_1998 = arith.subf %get3A_1628, %sub3A_1997 : vector<56x512xbf16>
    %mul3A_1999 = arith.mulf %sub3A_1998, %sub3A_1998 : vector<56x512xbf16>
    %get3A_2000 = arith.constant 1 : index
    %get3A_2001 = arith.constant 0 : index
    %get3A_2002 = arith.constant 17 : index
    %get3A_2003 = memref.load %arg4[%get3A_2000, %get3A_2001, %get3A_2002] : memref<2x1x64xf32, #tpu.memory_space<smem>>
    %convert_element_type3A_2004 = arith.truncf %get3A_2003 : f32 to bf16
    %mul3A_2005 = vector.broadcast %convert_element_type3A_2004 : bf16 to vector<56x512xbf16>
    %mul3A_2006 = arith.mulf %mul3A_1999, %mul3A_2005 : vector<56x512xbf16>
    %get3A_2007 = arith.constant 1 : index
    %get3A_2008 = arith.constant 0 : index
    %get3A_2009 = arith.constant 18 : index
    %get3A_2010 = memref.load %arg3[%get3A_2007, %get3A_2008, %get3A_2009] : memref<2x1x64xf32, #tpu.memory_space<smem>>
    %convert_element_type3A_2011 = arith.truncf %get3A_2010 : f32 to bf16
    %sub3A_2012 = vector.broadcast %convert_element_type3A_2011 : bf16 to vector<56x512xbf16>
    %sub3A_2013 = arith.subf %get3A_1628, %sub3A_2012 : vector<56x512xbf16>
    %mul3A_2014 = arith.mulf %sub3A_2013, %sub3A_2013 : vector<56x512xbf16>
    %get3A_2015 = arith.constant 1 : index
    %get3A_2016 = arith.constant 0 : index
    %get3A_2017 = arith.constant 18 : index
    %get3A_2018 = memref.load %arg4[%get3A_2015, %get3A_2016, %get3A_2017] : memref<2x1x64xf32, #tpu.memory_space<smem>>
    %convert_element_type3A_2019 = arith.truncf %get3A_2018 : f32 to bf16
    %mul3A_2020 = vector.broadcast %convert_element_type3A_2019 : bf16 to vector<56x512xbf16>
    %mul3A_2021 = arith.mulf %mul3A_2014, %mul3A_2020 : vector<56x512xbf16>
    %get3A_2022 = arith.constant 1 : index
    %get3A_2023 = arith.constant 0 : index
    %get3A_2024 = arith.constant 19 : index
    %get3A_2025 = memref.load %arg3[%get3A_2022, %get3A_2023, %get3A_2024] : memref<2x1x64xf32, #tpu.memory_space<smem>>
    %convert_element_type3A_2026 = arith.truncf %get3A_2025 : f32 to bf16
    %sub3A_2027 = vector.broadcast %convert_element_type3A_2026 : bf16 to vector<56x512xbf16>
    %sub3A_2028 = arith.subf %get3A_1628, %sub3A_2027 : vector<56x512xbf16>
    %mul3A_2029 = arith.mulf %sub3A_2028, %sub3A_2028 : vector<56x512xbf16>
    %get3A_2030 = arith.constant 1 : index
    %get3A_2031 = arith.constant 0 : index
    %get3A_2032 = arith.constant 19 : index
    %get3A_2033 = memref.load %arg4[%get3A_2030, %get3A_2031, %get3A_2032] : memref<2x1x64xf32, #tpu.memory_space<smem>>
    %convert_element_type3A_2034 = arith.truncf %get3A_2033 : f32 to bf16
    %mul3A_2035 = vector.broadcast %convert_element_type3A_2034 : bf16 to vector<56x512xbf16>
    %mul3A_2036 = arith.mulf %mul3A_2029, %mul3A_2035 : vector<56x512xbf16>
    %get3A_2037 = arith.constant 1 : index
    %get3A_2038 = arith.constant 0 : index
    %get3A_2039 = arith.constant 20 : index
    %get3A_2040 = memref.load %arg3[%get3A_2037, %get3A_2038, %get3A_2039] : memref<2x1x64xf32, #tpu.memory_space<smem>>
    %convert_element_type3A_2041 = arith.truncf %get3A_2040 : f32 to bf16
    %sub3A_2042 = vector.broadcast %convert_element_type3A_2041 : bf16 to vector<56x512xbf16>
    %sub3A_2043 = arith.subf %get3A_1628, %sub3A_2042 : vector<56x512xbf16>
    %mul3A_2044 = arith.mulf %sub3A_2043, %sub3A_2043 : vector<56x512xbf16>
    %get3A_2045 = arith.constant 1 : index
    %get3A_2046 = arith.constant 0 : index
    %get3A_2047 = arith.constant 20 : index
    %get3A_2048 = memref.load %arg4[%get3A_2045, %get3A_2046, %get3A_2047] : memref<2x1x64xf32, #tpu.memory_space<smem>>
    %convert_element_type3A_2049 = arith.truncf %get3A_2048 : f32 to bf16
    %mul3A_2050 = vector.broadcast %convert_element_type3A_2049 : bf16 to vector<56x512xbf16>
    %mul3A_2051 = arith.mulf %mul3A_2044, %mul3A_2050 : vector<56x512xbf16>
    %get3A_2052 = arith.constant 1 : index
    %get3A_2053 = arith.constant 0 : index
    %get3A_2054 = arith.constant 21 : index
    %get3A_2055 = memref.load %arg3[%get3A_2052, %get3A_2053, %get3A_2054] : memref<2x1x64xf32, #tpu.memory_space<smem>>
    %convert_element_type3A_2056 = arith.truncf %get3A_2055 : f32 to bf16
    %sub3A_2057 = vector.broadcast %convert_element_type3A_2056 : bf16 to vector<56x512xbf16>
    %sub3A_2058 = arith.subf %get3A_1628, %sub3A_2057 : vector<56x512xbf16>
    %mul3A_2059 = arith.mulf %sub3A_2058, %sub3A_2058 : vector<56x512xbf16>
    %get3A_2060 = arith.constant 1 : index
    %get3A_2061 = arith.constant 0 : index
    %get3A_2062 = arith.constant 21 : index
    %get3A_2063 = memref.load %arg4[%get3A_2060, %get3A_2061, %get3A_2062] : memref<2x1x64xf32, #tpu.memory_space<smem>>
    %convert_element_type3A_2064 = arith.truncf %get3A_2063 : f32 to bf16
    %mul3A_2065 = vector.broadcast %convert_element_type3A_2064 : bf16 to vector<56x512xbf16>
    %mul3A_2066 = arith.mulf %mul3A_2059, %mul3A_2065 : vector<56x512xbf16>
    %get3A_2067 = arith.constant 1 : index
    %get3A_2068 = arith.constant 0 : index
    %get3A_2069 = arith.constant 22 : index
    %get3A_2070 = memref.load %arg3[%get3A_2067, %get3A_2068, %get3A_2069] : memref<2x1x64xf32, #tpu.memory_space<smem>>
    %convert_element_type3A_2071 = arith.truncf %get3A_2070 : f32 to bf16
    %sub3A_2072 = vector.broadcast %convert_element_type3A_2071 : bf16 to vector<56x512xbf16>
    %sub3A_2073 = arith.subf %get3A_1628, %sub3A_2072 : vector<56x512xbf16>
    %mul3A_2074 = arith.mulf %sub3A_2073, %sub3A_2073 : vector<56x512xbf16>
    %get3A_2075 = arith.constant 1 : index
    %get3A_2076 = arith.constant 0 : index
    %get3A_2077 = arith.constant 22 : index
    %get3A_2078 = memref.load %arg4[%get3A_2075, %get3A_2076, %get3A_2077] : memref<2x1x64xf32, #tpu.memory_space<smem>>
    %convert_element_type3A_2079 = arith.truncf %get3A_2078 : f32 to bf16
    %mul3A_2080 = vector.broadcast %convert_element_type3A_2079 : bf16 to vector<56x512xbf16>
    %mul3A_2081 = arith.mulf %mul3A_2074, %mul3A_2080 : vector<56x512xbf16>
    %get3A_2082 = arith.constant 1 : index
    %get3A_2083 = arith.constant 0 : index
    %get3A_2084 = arith.constant 23 : index
    %get3A_2085 = memref.load %arg3[%get3A_2082, %get3A_2083, %get3A_2084] : memref<2x1x64xf32, #tpu.memory_space<smem>>
    %convert_element_type3A_2086 = arith.truncf %get3A_2085 : f32 to bf16
    %sub3A_2087 = vector.broadcast %convert_element_type3A_2086 : bf16 to vector<56x512xbf16>
    %sub3A_2088 = arith.subf %get3A_1628, %sub3A_2087 : vector<56x512xbf16>
    %mul3A_2089 = arith.mulf %sub3A_2088, %sub3A_2088 : vector<56x512xbf16>
    %get3A_2090 = arith.constant 1 : index
    %get3A_2091 = arith.constant 0 : index
    %get3A_2092 = arith.constant 23 : index
    %get3A_2093 = memref.load %arg4[%get3A_2090, %get3A_2091, %get3A_2092] : memref<2x1x64xf32, #tpu.memory_space<smem>>
    %convert_element_type3A_2094 = arith.truncf %get3A_2093 : f32 to bf16
    %mul3A_2095 = vector.broadcast %convert_element_type3A_2094 : bf16 to vector<56x512xbf16>
    %mul3A_2096 = arith.mulf %mul3A_2089, %mul3A_2095 : vector<56x512xbf16>
    %min3A_2097 = arith.minimumf %mul3A_1991, %mul3A_2006 : vector<56x512xbf16>
    %max3A_2098 = arith.maximumf %mul3A_1991, %mul3A_2006 : vector<56x512xbf16>
    %min3A_2099 = arith.minimumf %mul3A_2021, %mul3A_2036 : vector<56x512xbf16>
    %max3A_2100 = arith.maximumf %mul3A_2021, %mul3A_2036 : vector<56x512xbf16>
    %min3A_2101 = arith.minimumf %mul3A_2051, %mul3A_2066 : vector<56x512xbf16>
    %max3A_2102 = arith.maximumf %mul3A_2051, %mul3A_2066 : vector<56x512xbf16>
    %min3A_2103 = arith.minimumf %mul3A_2081, %mul3A_2096 : vector<56x512xbf16>
    %max3A_2104 = arith.maximumf %mul3A_2081, %mul3A_2096 : vector<56x512xbf16>
    %min3A_2105 = arith.minimumf %min3A_2097, %min3A_2099 : vector<56x512xbf16>
    %max3A_2106 = arith.maximumf %min3A_2097, %min3A_2099 : vector<56x512xbf16>
    %min3A_2107 = arith.minimumf %max3A_2098, %max3A_2100 : vector<56x512xbf16>
    %max3A_2108 = arith.maximumf %max3A_2098, %max3A_2100 : vector<56x512xbf16>
    %min3A_2109 = arith.minimumf %min3A_2101, %min3A_2103 : vector<56x512xbf16>
    %max3A_2110 = arith.maximumf %min3A_2101, %min3A_2103 : vector<56x512xbf16>
    %min3A_2111 = arith.minimumf %max3A_2102, %max3A_2104 : vector<56x512xbf16>
    %max3A_2112 = arith.maximumf %max3A_2102, %max3A_2104 : vector<56x512xbf16>
    %min3A_2113 = arith.minimumf %min3A_2107, %max3A_2106 : vector<56x512xbf16>
    %max3A_2114 = arith.maximumf %min3A_2107, %max3A_2106 : vector<56x512xbf16>
    %min3A_2115 = arith.minimumf %min3A_2111, %max3A_2110 : vector<56x512xbf16>
    %max3A_2116 = arith.maximumf %min3A_2111, %max3A_2110 : vector<56x512xbf16>
    %min3A_2117 = arith.minimumf %min3A_2105, %min3A_2109 : vector<56x512xbf16>
    %max3A_2118 = arith.maximumf %min3A_2105, %min3A_2109 : vector<56x512xbf16>
    %min3A_2119 = arith.minimumf %min3A_2113, %min3A_2115 : vector<56x512xbf16>
    %max3A_2120 = arith.maximumf %min3A_2113, %min3A_2115 : vector<56x512xbf16>
    %min3A_2121 = arith.minimumf %max3A_2114, %max3A_2116 : vector<56x512xbf16>
    %max3A_2122 = arith.maximumf %max3A_2114, %max3A_2116 : vector<56x512xbf16>
    %min3A_2123 = arith.minimumf %max3A_2108, %max3A_2112 : vector<56x512xbf16>
    %max3A_2124 = arith.maximumf %max3A_2108, %max3A_2112 : vector<56x512xbf16>
    %min3A_2125 = arith.minimumf %min3A_2121, %max3A_2118 : vector<56x512xbf16>
    %max3A_2126 = arith.maximumf %min3A_2121, %max3A_2118 : vector<56x512xbf16>
    %min3A_2127 = arith.minimumf %min3A_2123, %max3A_2120 : vector<56x512xbf16>
    %max3A_2128 = arith.maximumf %min3A_2123, %max3A_2120 : vector<56x512xbf16>
    %min3A_2129 = arith.minimumf %min3A_2119, %min3A_2125 : vector<56x512xbf16>
    %max3A_2130 = arith.maximumf %min3A_2119, %min3A_2125 : vector<56x512xbf16>
    %min3A_2131 = arith.minimumf %min3A_2127, %max3A_2126 : vector<56x512xbf16>
    %max3A_2132 = arith.maximumf %min3A_2127, %max3A_2126 : vector<56x512xbf16>
    %min3A_2133 = arith.minimumf %max3A_2128, %max3A_2122 : vector<56x512xbf16>
    %max3A_2134 = arith.maximumf %max3A_2128, %max3A_2122 : vector<56x512xbf16>
    %min3A_2135 = arith.minimumf %min3A_1969, %max3A_2124 : vector<56x512xbf16>
    %min3A_2136 = arith.minimumf %max3A_1970, %max3A_2134 : vector<56x512xbf16>
    %min3A_2137 = arith.minimumf %min3A_1971, %min3A_2133 : vector<56x512xbf16>
    %min3A_2138 = arith.minimumf %max3A_1972, %max3A_2132 : vector<56x512xbf16>
    %min3A_2139 = arith.minimumf %min3A_1973, %min3A_2131 : vector<56x512xbf16>
    %min3A_2140 = arith.minimumf %max3A_1974, %max3A_2130 : vector<56x512xbf16>
    %min3A_2141 = arith.minimumf %min3A_1975, %min3A_2129 : vector<56x512xbf16>
    %min3A_2142 = arith.minimumf %max3A_1976, %min3A_2117 : vector<56x512xbf16>
    %min3A_2143 = arith.minimumf %min3A_2135, %min3A_2139 : vector<56x512xbf16>
    %max3A_2144 = arith.maximumf %min3A_2135, %min3A_2139 : vector<56x512xbf16>
    %min3A_2145 = arith.minimumf %min3A_2136, %min3A_2140 : vector<56x512xbf16>
    %max3A_2146 = arith.maximumf %min3A_2136, %min3A_2140 : vector<56x512xbf16>
    %min3A_2147 = arith.minimumf %min3A_2137, %min3A_2141 : vector<56x512xbf16>
    %max3A_2148 = arith.maximumf %min3A_2137, %min3A_2141 : vector<56x512xbf16>
    %min3A_2149 = arith.minimumf %min3A_2138, %min3A_2142 : vector<56x512xbf16>
    %max3A_2150 = arith.maximumf %min3A_2138, %min3A_2142 : vector<56x512xbf16>
    %min3A_2151 = arith.minimumf %min3A_2143, %min3A_2147 : vector<56x512xbf16>
    %max3A_2152 = arith.maximumf %min3A_2143, %min3A_2147 : vector<56x512xbf16>
    %min3A_2153 = arith.minimumf %min3A_2145, %min3A_2149 : vector<56x512xbf16>
    %max3A_2154 = arith.maximumf %min3A_2145, %min3A_2149 : vector<56x512xbf16>
    %min3A_2155 = arith.minimumf %max3A_2144, %max3A_2148 : vector<56x512xbf16>
    %max3A_2156 = arith.maximumf %max3A_2144, %max3A_2148 : vector<56x512xbf16>
    %min3A_2157 = arith.minimumf %max3A_2146, %max3A_2150 : vector<56x512xbf16>
    %max3A_2158 = arith.maximumf %max3A_2146, %max3A_2150 : vector<56x512xbf16>
    %min3A_2159 = arith.minimumf %min3A_2151, %min3A_2153 : vector<56x512xbf16>
    %max3A_2160 = arith.maximumf %min3A_2151, %min3A_2153 : vector<56x512xbf16>
    %min3A_2161 = arith.minimumf %max3A_2152, %max3A_2154 : vector<56x512xbf16>
    %max3A_2162 = arith.maximumf %max3A_2152, %max3A_2154 : vector<56x512xbf16>
    %min3A_2163 = arith.minimumf %min3A_2155, %min3A_2157 : vector<56x512xbf16>
    %max3A_2164 = arith.maximumf %min3A_2155, %min3A_2157 : vector<56x512xbf16>
    %min3A_2165 = arith.minimumf %max3A_2156, %max3A_2158 : vector<56x512xbf16>
    %max3A_2166 = arith.maximumf %max3A_2156, %max3A_2158 : vector<56x512xbf16>
    %get3A_2167 = arith.constant 1 : index
    %get3A_2168 = arith.constant 0 : index
    %get3A_2169 = arith.constant 24 : index
    %get3A_2170 = memref.load %arg3[%get3A_2167, %get3A_2168, %get3A_2169] : memref<2x1x64xf32, #tpu.memory_space<smem>>
    %convert_element_type3A_2171 = arith.truncf %get3A_2170 : f32 to bf16
    %sub3A_2172 = vector.broadcast %convert_element_type3A_2171 : bf16 to vector<56x512xbf16>
    %sub3A_2173 = arith.subf %get3A_1628, %sub3A_2172 : vector<56x512xbf16>
    %mul3A_2174 = arith.mulf %sub3A_2173, %sub3A_2173 : vector<56x512xbf16>
    %get3A_2175 = arith.constant 1 : index
    %get3A_2176 = arith.constant 0 : index
    %get3A_2177 = arith.constant 24 : index
    %get3A_2178 = memref.load %arg4[%get3A_2175, %get3A_2176, %get3A_2177] : memref<2x1x64xf32, #tpu.memory_space<smem>>
    %convert_element_type3A_2179 = arith.truncf %get3A_2178 : f32 to bf16
    %mul3A_2180 = vector.broadcast %convert_element_type3A_2179 : bf16 to vector<56x512xbf16>
    %mul3A_2181 = arith.mulf %mul3A_2174, %mul3A_2180 : vector<56x512xbf16>
    %get3A_2182 = arith.constant 1 : index
    %get3A_2183 = arith.constant 0 : index
    %get3A_2184 = arith.constant 25 : index
    %get3A_2185 = memref.load %arg3[%get3A_2182, %get3A_2183, %get3A_2184] : memref<2x1x64xf32, #tpu.memory_space<smem>>
    %convert_element_type3A_2186 = arith.truncf %get3A_2185 : f32 to bf16
    %sub3A_2187 = vector.broadcast %convert_element_type3A_2186 : bf16 to vector<56x512xbf16>
    %sub3A_2188 = arith.subf %get3A_1628, %sub3A_2187 : vector<56x512xbf16>
    %mul3A_2189 = arith.mulf %sub3A_2188, %sub3A_2188 : vector<56x512xbf16>
    %get3A_2190 = arith.constant 1 : index
    %get3A_2191 = arith.constant 0 : index
    %get3A_2192 = arith.constant 25 : index
    %get3A_2193 = memref.load %arg4[%get3A_2190, %get3A_2191, %get3A_2192] : memref<2x1x64xf32, #tpu.memory_space<smem>>
    %convert_element_type3A_2194 = arith.truncf %get3A_2193 : f32 to bf16
    %mul3A_2195 = vector.broadcast %convert_element_type3A_2194 : bf16 to vector<56x512xbf16>
    %mul3A_2196 = arith.mulf %mul3A_2189, %mul3A_2195 : vector<56x512xbf16>
    %get3A_2197 = arith.constant 1 : index
    %get3A_2198 = arith.constant 0 : index
    %get3A_2199 = arith.constant 26 : index
    %get3A_2200 = memref.load %arg3[%get3A_2197, %get3A_2198, %get3A_2199] : memref<2x1x64xf32, #tpu.memory_space<smem>>
    %convert_element_type3A_2201 = arith.truncf %get3A_2200 : f32 to bf16
    %sub3A_2202 = vector.broadcast %convert_element_type3A_2201 : bf16 to vector<56x512xbf16>
    %sub3A_2203 = arith.subf %get3A_1628, %sub3A_2202 : vector<56x512xbf16>
    %mul3A_2204 = arith.mulf %sub3A_2203, %sub3A_2203 : vector<56x512xbf16>
    %get3A_2205 = arith.constant 1 : index
    %get3A_2206 = arith.constant 0 : index
    %get3A_2207 = arith.constant 26 : index
    %get3A_2208 = memref.load %arg4[%get3A_2205, %get3A_2206, %get3A_2207] : memref<2x1x64xf32, #tpu.memory_space<smem>>
    %convert_element_type3A_2209 = arith.truncf %get3A_2208 : f32 to bf16
    %mul3A_2210 = vector.broadcast %convert_element_type3A_2209 : bf16 to vector<56x512xbf16>
    %mul3A_2211 = arith.mulf %mul3A_2204, %mul3A_2210 : vector<56x512xbf16>
    %get3A_2212 = arith.constant 1 : index
    %get3A_2213 = arith.constant 0 : index
    %get3A_2214 = arith.constant 27 : index
    %get3A_2215 = memref.load %arg3[%get3A_2212, %get3A_2213, %get3A_2214] : memref<2x1x64xf32, #tpu.memory_space<smem>>
    %convert_element_type3A_2216 = arith.truncf %get3A_2215 : f32 to bf16
    %sub3A_2217 = vector.broadcast %convert_element_type3A_2216 : bf16 to vector<56x512xbf16>
    %sub3A_2218 = arith.subf %get3A_1628, %sub3A_2217 : vector<56x512xbf16>
    %mul3A_2219 = arith.mulf %sub3A_2218, %sub3A_2218 : vector<56x512xbf16>
    %get3A_2220 = arith.constant 1 : index
    %get3A_2221 = arith.constant 0 : index
    %get3A_2222 = arith.constant 27 : index
    %get3A_2223 = memref.load %arg4[%get3A_2220, %get3A_2221, %get3A_2222] : memref<2x1x64xf32, #tpu.memory_space<smem>>
    %convert_element_type3A_2224 = arith.truncf %get3A_2223 : f32 to bf16
    %mul3A_2225 = vector.broadcast %convert_element_type3A_2224 : bf16 to vector<56x512xbf16>
    %mul3A_2226 = arith.mulf %mul3A_2219, %mul3A_2225 : vector<56x512xbf16>
    %get3A_2227 = arith.constant 1 : index
    %get3A_2228 = arith.constant 0 : index
    %get3A_2229 = arith.constant 28 : index
    %get3A_2230 = memref.load %arg3[%get3A_2227, %get3A_2228, %get3A_2229] : memref<2x1x64xf32, #tpu.memory_space<smem>>
    %convert_element_type3A_2231 = arith.truncf %get3A_2230 : f32 to bf16
    %sub3A_2232 = vector.broadcast %convert_element_type3A_2231 : bf16 to vector<56x512xbf16>
    %sub3A_2233 = arith.subf %get3A_1628, %sub3A_2232 : vector<56x512xbf16>
    %mul3A_2234 = arith.mulf %sub3A_2233, %sub3A_2233 : vector<56x512xbf16>
    %get3A_2235 = arith.constant 1 : index
    %get3A_2236 = arith.constant 0 : index
    %get3A_2237 = arith.constant 28 : index
    %get3A_2238 = memref.load %arg4[%get3A_2235, %get3A_2236, %get3A_2237] : memref<2x1x64xf32, #tpu.memory_space<smem>>
    %convert_element_type3A_2239 = arith.truncf %get3A_2238 : f32 to bf16
    %mul3A_2240 = vector.broadcast %convert_element_type3A_2239 : bf16 to vector<56x512xbf16>
    %mul3A_2241 = arith.mulf %mul3A_2234, %mul3A_2240 : vector<56x512xbf16>
    %get3A_2242 = arith.constant 1 : index
    %get3A_2243 = arith.constant 0 : index
    %get3A_2244 = arith.constant 29 : index
    %get3A_2245 = memref.load %arg3[%get3A_2242, %get3A_2243, %get3A_2244] : memref<2x1x64xf32, #tpu.memory_space<smem>>
    %convert_element_type3A_2246 = arith.truncf %get3A_2245 : f32 to bf16
    %sub3A_2247 = vector.broadcast %convert_element_type3A_2246 : bf16 to vector<56x512xbf16>
    %sub3A_2248 = arith.subf %get3A_1628, %sub3A_2247 : vector<56x512xbf16>
    %mul3A_2249 = arith.mulf %sub3A_2248, %sub3A_2248 : vector<56x512xbf16>
    %get3A_2250 = arith.constant 1 : index
    %get3A_2251 = arith.constant 0 : index
    %get3A_2252 = arith.constant 29 : index
    %get3A_2253 = memref.load %arg4[%get3A_2250, %get3A_2251, %get3A_2252] : memref<2x1x64xf32, #tpu.memory_space<smem>>
    %convert_element_type3A_2254 = arith.truncf %get3A_2253 : f32 to bf16
    %mul3A_2255 = vector.broadcast %convert_element_type3A_2254 : bf16 to vector<56x512xbf16>
    %mul3A_2256 = arith.mulf %mul3A_2249, %mul3A_2255 : vector<56x512xbf16>
    %get3A_2257 = arith.constant 1 : index
    %get3A_2258 = arith.constant 0 : index
    %get3A_2259 = arith.constant 30 : index
    %get3A_2260 = memref.load %arg3[%get3A_2257, %get3A_2258, %get3A_2259] : memref<2x1x64xf32, #tpu.memory_space<smem>>
    %convert_element_type3A_2261 = arith.truncf %get3A_2260 : f32 to bf16
    %sub3A_2262 = vector.broadcast %convert_element_type3A_2261 : bf16 to vector<56x512xbf16>
    %sub3A_2263 = arith.subf %get3A_1628, %sub3A_2262 : vector<56x512xbf16>
    %mul3A_2264 = arith.mulf %sub3A_2263, %sub3A_2263 : vector<56x512xbf16>
    %get3A_2265 = arith.constant 1 : index
    %get3A_2266 = arith.constant 0 : index
    %get3A_2267 = arith.constant 30 : index
    %get3A_2268 = memref.load %arg4[%get3A_2265, %get3A_2266, %get3A_2267] : memref<2x1x64xf32, #tpu.memory_space<smem>>
    %convert_element_type3A_2269 = arith.truncf %get3A_2268 : f32 to bf16
    %mul3A_2270 = vector.broadcast %convert_element_type3A_2269 : bf16 to vector<56x512xbf16>
    %mul3A_2271 = arith.mulf %mul3A_2264, %mul3A_2270 : vector<56x512xbf16>
    %get3A_2272 = arith.constant 1 : index
    %get3A_2273 = arith.constant 0 : index
    %get3A_2274 = arith.constant 31 : index
    %get3A_2275 = memref.load %arg3[%get3A_2272, %get3A_2273, %get3A_2274] : memref<2x1x64xf32, #tpu.memory_space<smem>>
    %convert_element_type3A_2276 = arith.truncf %get3A_2275 : f32 to bf16
    %sub3A_2277 = vector.broadcast %convert_element_type3A_2276 : bf16 to vector<56x512xbf16>
    %sub3A_2278 = arith.subf %get3A_1628, %sub3A_2277 : vector<56x512xbf16>
    %mul3A_2279 = arith.mulf %sub3A_2278, %sub3A_2278 : vector<56x512xbf16>
    %get3A_2280 = arith.constant 1 : index
    %get3A_2281 = arith.constant 0 : index
    %get3A_2282 = arith.constant 31 : index
    %get3A_2283 = memref.load %arg4[%get3A_2280, %get3A_2281, %get3A_2282] : memref<2x1x64xf32, #tpu.memory_space<smem>>
    %convert_element_type3A_2284 = arith.truncf %get3A_2283 : f32 to bf16
    %mul3A_2285 = vector.broadcast %convert_element_type3A_2284 : bf16 to vector<56x512xbf16>
    %mul3A_2286 = arith.mulf %mul3A_2279, %mul3A_2285 : vector<56x512xbf16>
    %min3A_2287 = arith.minimumf %mul3A_2181, %mul3A_2196 : vector<56x512xbf16>
    %max3A_2288 = arith.maximumf %mul3A_2181, %mul3A_2196 : vector<56x512xbf16>
    %min3A_2289 = arith.minimumf %mul3A_2211, %mul3A_2226 : vector<56x512xbf16>
    %max3A_2290 = arith.maximumf %mul3A_2211, %mul3A_2226 : vector<56x512xbf16>
    %min3A_2291 = arith.minimumf %mul3A_2241, %mul3A_2256 : vector<56x512xbf16>
    %max3A_2292 = arith.maximumf %mul3A_2241, %mul3A_2256 : vector<56x512xbf16>
    %min3A_2293 = arith.minimumf %mul3A_2271, %mul3A_2286 : vector<56x512xbf16>
    %max3A_2294 = arith.maximumf %mul3A_2271, %mul3A_2286 : vector<56x512xbf16>
    %min3A_2295 = arith.minimumf %min3A_2287, %min3A_2289 : vector<56x512xbf16>
    %max3A_2296 = arith.maximumf %min3A_2287, %min3A_2289 : vector<56x512xbf16>
    %min3A_2297 = arith.minimumf %max3A_2288, %max3A_2290 : vector<56x512xbf16>
    %max3A_2298 = arith.maximumf %max3A_2288, %max3A_2290 : vector<56x512xbf16>
    %min3A_2299 = arith.minimumf %min3A_2291, %min3A_2293 : vector<56x512xbf16>
    %max3A_2300 = arith.maximumf %min3A_2291, %min3A_2293 : vector<56x512xbf16>
    %min3A_2301 = arith.minimumf %max3A_2292, %max3A_2294 : vector<56x512xbf16>
    %max3A_2302 = arith.maximumf %max3A_2292, %max3A_2294 : vector<56x512xbf16>
    %min3A_2303 = arith.minimumf %min3A_2297, %max3A_2296 : vector<56x512xbf16>
    %max3A_2304 = arith.maximumf %min3A_2297, %max3A_2296 : vector<56x512xbf16>
    %min3A_2305 = arith.minimumf %min3A_2301, %max3A_2300 : vector<56x512xbf16>
    %max3A_2306 = arith.maximumf %min3A_2301, %max3A_2300 : vector<56x512xbf16>
    %min3A_2307 = arith.minimumf %min3A_2295, %min3A_2299 : vector<56x512xbf16>
    %max3A_2308 = arith.maximumf %min3A_2295, %min3A_2299 : vector<56x512xbf16>
    %min3A_2309 = arith.minimumf %min3A_2303, %min3A_2305 : vector<56x512xbf16>
    %max3A_2310 = arith.maximumf %min3A_2303, %min3A_2305 : vector<56x512xbf16>
    %min3A_2311 = arith.minimumf %max3A_2304, %max3A_2306 : vector<56x512xbf16>
    %max3A_2312 = arith.maximumf %max3A_2304, %max3A_2306 : vector<56x512xbf16>
    %min3A_2313 = arith.minimumf %max3A_2298, %max3A_2302 : vector<56x512xbf16>
    %max3A_2314 = arith.maximumf %max3A_2298, %max3A_2302 : vector<56x512xbf16>
    %min3A_2315 = arith.minimumf %min3A_2311, %max3A_2308 : vector<56x512xbf16>
    %max3A_2316 = arith.maximumf %min3A_2311, %max3A_2308 : vector<56x512xbf16>
    %min3A_2317 = arith.minimumf %min3A_2313, %max3A_2310 : vector<56x512xbf16>
    %max3A_2318 = arith.maximumf %min3A_2313, %max3A_2310 : vector<56x512xbf16>
    %min3A_2319 = arith.minimumf %min3A_2309, %min3A_2315 : vector<56x512xbf16>
    %max3A_2320 = arith.maximumf %min3A_2309, %min3A_2315 : vector<56x512xbf16>
    %min3A_2321 = arith.minimumf %min3A_2317, %max3A_2316 : vector<56x512xbf16>
    %max3A_2322 = arith.maximumf %min3A_2317, %max3A_2316 : vector<56x512xbf16>
    %min3A_2323 = arith.minimumf %max3A_2318, %max3A_2312 : vector<56x512xbf16>
    %max3A_2324 = arith.maximumf %max3A_2318, %max3A_2312 : vector<56x512xbf16>
    %min3A_2325 = arith.minimumf %min3A_2159, %max3A_2314 : vector<56x512xbf16>
    %min3A_2326 = arith.minimumf %max3A_2160, %max3A_2324 : vector<56x512xbf16>
    %min3A_2327 = arith.minimumf %min3A_2161, %min3A_2323 : vector<56x512xbf16>
    %min3A_2328 = arith.minimumf %max3A_2162, %max3A_2322 : vector<56x512xbf16>
    %min3A_2329 = arith.minimumf %min3A_2163, %min3A_2321 : vector<56x512xbf16>
    %min3A_2330 = arith.minimumf %max3A_2164, %max3A_2320 : vector<56x512xbf16>
    %min3A_2331 = arith.minimumf %min3A_2165, %min3A_2319 : vector<56x512xbf16>
    %min3A_2332 = arith.minimumf %max3A_2166, %min3A_2307 : vector<56x512xbf16>
    %min3A_2333 = arith.minimumf %min3A_2325, %min3A_2329 : vector<56x512xbf16>
    %max3A_2334 = arith.maximumf %min3A_2325, %min3A_2329 : vector<56x512xbf16>
    %min3A_2335 = arith.minimumf %min3A_2326, %min3A_2330 : vector<56x512xbf16>
    %max3A_2336 = arith.maximumf %min3A_2326, %min3A_2330 : vector<56x512xbf16>
    %min3A_2337 = arith.minimumf %min3A_2327, %min3A_2331 : vector<56x512xbf16>
    %max3A_2338 = arith.maximumf %min3A_2327, %min3A_2331 : vector<56x512xbf16>
    %min3A_2339 = arith.minimumf %min3A_2328, %min3A_2332 : vector<56x512xbf16>
    %max3A_2340 = arith.maximumf %min3A_2328, %min3A_2332 : vector<56x512xbf16>
    %min3A_2341 = arith.minimumf %min3A_2333, %min3A_2337 : vector<56x512xbf16>
    %max3A_2342 = arith.maximumf %min3A_2333, %min3A_2337 : vector<56x512xbf16>
    %min3A_2343 = arith.minimumf %min3A_2335, %min3A_2339 : vector<56x512xbf16>
    %max3A_2344 = arith.maximumf %min3A_2335, %min3A_2339 : vector<56x512xbf16>
    %min3A_2345 = arith.minimumf %max3A_2334, %max3A_2338 : vector<56x512xbf16>
    %max3A_2346 = arith.maximumf %max3A_2334, %max3A_2338 : vector<56x512xbf16>
    %min3A_2347 = arith.minimumf %max3A_2336, %max3A_2340 : vector<56x512xbf16>
    %max3A_2348 = arith.maximumf %max3A_2336, %max3A_2340 : vector<56x512xbf16>
    %min3A_2349 = arith.minimumf %min3A_2341, %min3A_2343 : vector<56x512xbf16>
    %max3A_2350 = arith.maximumf %min3A_2341, %min3A_2343 : vector<56x512xbf16>
    %min3A_2351 = arith.minimumf %max3A_2342, %max3A_2344 : vector<56x512xbf16>
    %max3A_2352 = arith.maximumf %max3A_2342, %max3A_2344 : vector<56x512xbf16>
    %min3A_2353 = arith.minimumf %min3A_2345, %min3A_2347 : vector<56x512xbf16>
    %max3A_2354 = arith.maximumf %min3A_2345, %min3A_2347 : vector<56x512xbf16>
    %min3A_2355 = arith.minimumf %max3A_2346, %max3A_2348 : vector<56x512xbf16>
    %max3A_2356 = arith.maximumf %max3A_2346, %max3A_2348 : vector<56x512xbf16>
    %get3A_2357 = arith.constant 1 : index
    %get3A_2358 = arith.constant 0 : index
    %get3A_2359 = arith.constant 32 : index
    %get3A_2360 = memref.load %arg3[%get3A_2357, %get3A_2358, %get3A_2359] : memref<2x1x64xf32, #tpu.memory_space<smem>>
    %convert_element_type3A_2361 = arith.truncf %get3A_2360 : f32 to bf16
    %sub3A_2362 = vector.broadcast %convert_element_type3A_2361 : bf16 to vector<56x512xbf16>
    %sub3A_2363 = arith.subf %get3A_1628, %sub3A_2362 : vector<56x512xbf16>
    %mul3A_2364 = arith.mulf %sub3A_2363, %sub3A_2363 : vector<56x512xbf16>
    %get3A_2365 = arith.constant 1 : index
    %get3A_2366 = arith.constant 0 : index
    %get3A_2367 = arith.constant 32 : index
    %get3A_2368 = memref.load %arg4[%get3A_2365, %get3A_2366, %get3A_2367] : memref<2x1x64xf32, #tpu.memory_space<smem>>
    %convert_element_type3A_2369 = arith.truncf %get3A_2368 : f32 to bf16
    %mul3A_2370 = vector.broadcast %convert_element_type3A_2369 : bf16 to vector<56x512xbf16>
    %mul3A_2371 = arith.mulf %mul3A_2364, %mul3A_2370 : vector<56x512xbf16>
    %get3A_2372 = arith.constant 1 : index
    %get3A_2373 = arith.constant 0 : index
    %get3A_2374 = arith.constant 33 : index
    %get3A_2375 = memref.load %arg3[%get3A_2372, %get3A_2373, %get3A_2374] : memref<2x1x64xf32, #tpu.memory_space<smem>>
    %convert_element_type3A_2376 = arith.truncf %get3A_2375 : f32 to bf16
    %sub3A_2377 = vector.broadcast %convert_element_type3A_2376 : bf16 to vector<56x512xbf16>
    %sub3A_2378 = arith.subf %get3A_1628, %sub3A_2377 : vector<56x512xbf16>
    %mul3A_2379 = arith.mulf %sub3A_2378, %sub3A_2378 : vector<56x512xbf16>
    %get3A_2380 = arith.constant 1 : index
    %get3A_2381 = arith.constant 0 : index
    %get3A_2382 = arith.constant 33 : index
    %get3A_2383 = memref.load %arg4[%get3A_2380, %get3A_2381, %get3A_2382] : memref<2x1x64xf32, #tpu.memory_space<smem>>
    %convert_element_type3A_2384 = arith.truncf %get3A_2383 : f32 to bf16
    %mul3A_2385 = vector.broadcast %convert_element_type3A_2384 : bf16 to vector<56x512xbf16>
    %mul3A_2386 = arith.mulf %mul3A_2379, %mul3A_2385 : vector<56x512xbf16>
    %get3A_2387 = arith.constant 1 : index
    %get3A_2388 = arith.constant 0 : index
    %get3A_2389 = arith.constant 34 : index
    %get3A_2390 = memref.load %arg3[%get3A_2387, %get3A_2388, %get3A_2389] : memref<2x1x64xf32, #tpu.memory_space<smem>>
    %convert_element_type3A_2391 = arith.truncf %get3A_2390 : f32 to bf16
    %sub3A_2392 = vector.broadcast %convert_element_type3A_2391 : bf16 to vector<56x512xbf16>
    %sub3A_2393 = arith.subf %get3A_1628, %sub3A_2392 : vector<56x512xbf16>
    %mul3A_2394 = arith.mulf %sub3A_2393, %sub3A_2393 : vector<56x512xbf16>
    %get3A_2395 = arith.constant 1 : index
    %get3A_2396 = arith.constant 0 : index
    %get3A_2397 = arith.constant 34 : index
    %get3A_2398 = memref.load %arg4[%get3A_2395, %get3A_2396, %get3A_2397] : memref<2x1x64xf32, #tpu.memory_space<smem>>
    %convert_element_type3A_2399 = arith.truncf %get3A_2398 : f32 to bf16
    %mul3A_2400 = vector.broadcast %convert_element_type3A_2399 : bf16 to vector<56x512xbf16>
    %mul3A_2401 = arith.mulf %mul3A_2394, %mul3A_2400 : vector<56x512xbf16>
    %get3A_2402 = arith.constant 1 : index
    %get3A_2403 = arith.constant 0 : index
    %get3A_2404 = arith.constant 35 : index
    %get3A_2405 = memref.load %arg3[%get3A_2402, %get3A_2403, %get3A_2404] : memref<2x1x64xf32, #tpu.memory_space<smem>>
    %convert_element_type3A_2406 = arith.truncf %get3A_2405 : f32 to bf16
    %sub3A_2407 = vector.broadcast %convert_element_type3A_2406 : bf16 to vector<56x512xbf16>
    %sub3A_2408 = arith.subf %get3A_1628, %sub3A_2407 : vector<56x512xbf16>
    %mul3A_2409 = arith.mulf %sub3A_2408, %sub3A_2408 : vector<56x512xbf16>
    %get3A_2410 = arith.constant 1 : index
    %get3A_2411 = arith.constant 0 : index
    %get3A_2412 = arith.constant 35 : index
    %get3A_2413 = memref.load %arg4[%get3A_2410, %get3A_2411, %get3A_2412] : memref<2x1x64xf32, #tpu.memory_space<smem>>
    %convert_element_type3A_2414 = arith.truncf %get3A_2413 : f32 to bf16
    %mul3A_2415 = vector.broadcast %convert_element_type3A_2414 : bf16 to vector<56x512xbf16>
    %mul3A_2416 = arith.mulf %mul3A_2409, %mul3A_2415 : vector<56x512xbf16>
    %get3A_2417 = arith.constant 1 : index
    %get3A_2418 = arith.constant 0 : index
    %get3A_2419 = arith.constant 36 : index
    %get3A_2420 = memref.load %arg3[%get3A_2417, %get3A_2418, %get3A_2419] : memref<2x1x64xf32, #tpu.memory_space<smem>>
    %convert_element_type3A_2421 = arith.truncf %get3A_2420 : f32 to bf16
    %sub3A_2422 = vector.broadcast %convert_element_type3A_2421 : bf16 to vector<56x512xbf16>
    %sub3A_2423 = arith.subf %get3A_1628, %sub3A_2422 : vector<56x512xbf16>
    %mul3A_2424 = arith.mulf %sub3A_2423, %sub3A_2423 : vector<56x512xbf16>
    %get3A_2425 = arith.constant 1 : index
    %get3A_2426 = arith.constant 0 : index
    %get3A_2427 = arith.constant 36 : index
    %get3A_2428 = memref.load %arg4[%get3A_2425, %get3A_2426, %get3A_2427] : memref<2x1x64xf32, #tpu.memory_space<smem>>
    %convert_element_type3A_2429 = arith.truncf %get3A_2428 : f32 to bf16
    %mul3A_2430 = vector.broadcast %convert_element_type3A_2429 : bf16 to vector<56x512xbf16>
    %mul3A_2431 = arith.mulf %mul3A_2424, %mul3A_2430 : vector<56x512xbf16>
    %get3A_2432 = arith.constant 1 : index
    %get3A_2433 = arith.constant 0 : index
    %get3A_2434 = arith.constant 37 : index
    %get3A_2435 = memref.load %arg3[%get3A_2432, %get3A_2433, %get3A_2434] : memref<2x1x64xf32, #tpu.memory_space<smem>>
    %convert_element_type3A_2436 = arith.truncf %get3A_2435 : f32 to bf16
    %sub3A_2437 = vector.broadcast %convert_element_type3A_2436 : bf16 to vector<56x512xbf16>
    %sub3A_2438 = arith.subf %get3A_1628, %sub3A_2437 : vector<56x512xbf16>
    %mul3A_2439 = arith.mulf %sub3A_2438, %sub3A_2438 : vector<56x512xbf16>
    %get3A_2440 = arith.constant 1 : index
    %get3A_2441 = arith.constant 0 : index
    %get3A_2442 = arith.constant 37 : index
    %get3A_2443 = memref.load %arg4[%get3A_2440, %get3A_2441, %get3A_2442] : memref<2x1x64xf32, #tpu.memory_space<smem>>
    %convert_element_type3A_2444 = arith.truncf %get3A_2443 : f32 to bf16
    %mul3A_2445 = vector.broadcast %convert_element_type3A_2444 : bf16 to vector<56x512xbf16>
    %mul3A_2446 = arith.mulf %mul3A_2439, %mul3A_2445 : vector<56x512xbf16>
    %get3A_2447 = arith.constant 1 : index
    %get3A_2448 = arith.constant 0 : index
    %get3A_2449 = arith.constant 38 : index
    %get3A_2450 = memref.load %arg3[%get3A_2447, %get3A_2448, %get3A_2449] : memref<2x1x64xf32, #tpu.memory_space<smem>>
    %convert_element_type3A_2451 = arith.truncf %get3A_2450 : f32 to bf16
    %sub3A_2452 = vector.broadcast %convert_element_type3A_2451 : bf16 to vector<56x512xbf16>
    %sub3A_2453 = arith.subf %get3A_1628, %sub3A_2452 : vector<56x512xbf16>
    %mul3A_2454 = arith.mulf %sub3A_2453, %sub3A_2453 : vector<56x512xbf16>
    %get3A_2455 = arith.constant 1 : index
    %get3A_2456 = arith.constant 0 : index
    %get3A_2457 = arith.constant 38 : index
    %get3A_2458 = memref.load %arg4[%get3A_2455, %get3A_2456, %get3A_2457] : memref<2x1x64xf32, #tpu.memory_space<smem>>
    %convert_element_type3A_2459 = arith.truncf %get3A_2458 : f32 to bf16
    %mul3A_2460 = vector.broadcast %convert_element_type3A_2459 : bf16 to vector<56x512xbf16>
    %mul3A_2461 = arith.mulf %mul3A_2454, %mul3A_2460 : vector<56x512xbf16>
    %get3A_2462 = arith.constant 1 : index
    %get3A_2463 = arith.constant 0 : index
    %get3A_2464 = arith.constant 39 : index
    %get3A_2465 = memref.load %arg3[%get3A_2462, %get3A_2463, %get3A_2464] : memref<2x1x64xf32, #tpu.memory_space<smem>>
    %convert_element_type3A_2466 = arith.truncf %get3A_2465 : f32 to bf16
    %sub3A_2467 = vector.broadcast %convert_element_type3A_2466 : bf16 to vector<56x512xbf16>
    %sub3A_2468 = arith.subf %get3A_1628, %sub3A_2467 : vector<56x512xbf16>
    %mul3A_2469 = arith.mulf %sub3A_2468, %sub3A_2468 : vector<56x512xbf16>
    %get3A_2470 = arith.constant 1 : index
    %get3A_2471 = arith.constant 0 : index
    %get3A_2472 = arith.constant 39 : index
    %get3A_2473 = memref.load %arg4[%get3A_2470, %get3A_2471, %get3A_2472] : memref<2x1x64xf32, #tpu.memory_space<smem>>
    %convert_element_type3A_2474 = arith.truncf %get3A_2473 : f32 to bf16
    %mul3A_2475 = vector.broadcast %convert_element_type3A_2474 : bf16 to vector<56x512xbf16>
    %mul3A_2476 = arith.mulf %mul3A_2469, %mul3A_2475 : vector<56x512xbf16>
    %min3A_2477 = arith.minimumf %mul3A_2371, %mul3A_2386 : vector<56x512xbf16>
    %max3A_2478 = arith.maximumf %mul3A_2371, %mul3A_2386 : vector<56x512xbf16>
    %min3A_2479 = arith.minimumf %mul3A_2401, %mul3A_2416 : vector<56x512xbf16>
    %max3A_2480 = arith.maximumf %mul3A_2401, %mul3A_2416 : vector<56x512xbf16>
    %min3A_2481 = arith.minimumf %mul3A_2431, %mul3A_2446 : vector<56x512xbf16>
    %max3A_2482 = arith.maximumf %mul3A_2431, %mul3A_2446 : vector<56x512xbf16>
    %min3A_2483 = arith.minimumf %mul3A_2461, %mul3A_2476 : vector<56x512xbf16>
    %max3A_2484 = arith.maximumf %mul3A_2461, %mul3A_2476 : vector<56x512xbf16>
    %min3A_2485 = arith.minimumf %min3A_2477, %min3A_2479 : vector<56x512xbf16>
    %max3A_2486 = arith.maximumf %min3A_2477, %min3A_2479 : vector<56x512xbf16>
    %min3A_2487 = arith.minimumf %max3A_2478, %max3A_2480 : vector<56x512xbf16>
    %max3A_2488 = arith.maximumf %max3A_2478, %max3A_2480 : vector<56x512xbf16>
    %min3A_2489 = arith.minimumf %min3A_2481, %min3A_2483 : vector<56x512xbf16>
    %max3A_2490 = arith.maximumf %min3A_2481, %min3A_2483 : vector<56x512xbf16>
    %min3A_2491 = arith.minimumf %max3A_2482, %max3A_2484 : vector<56x512xbf16>
    %max3A_2492 = arith.maximumf %max3A_2482, %max3A_2484 : vector<56x512xbf16>
    %min3A_2493 = arith.minimumf %min3A_2487, %max3A_2486 : vector<56x512xbf16>
    %max3A_2494 = arith.maximumf %min3A_2487, %max3A_2486 : vector<56x512xbf16>
    %min3A_2495 = arith.minimumf %min3A_2491, %max3A_2490 : vector<56x512xbf16>
    %max3A_2496 = arith.maximumf %min3A_2491, %max3A_2490 : vector<56x512xbf16>
    %min3A_2497 = arith.minimumf %min3A_2485, %min3A_2489 : vector<56x512xbf16>
    %max3A_2498 = arith.maximumf %min3A_2485, %min3A_2489 : vector<56x512xbf16>
    %min3A_2499 = arith.minimumf %min3A_2493, %min3A_2495 : vector<56x512xbf16>
    %max3A_2500 = arith.maximumf %min3A_2493, %min3A_2495 : vector<56x512xbf16>
    %min3A_2501 = arith.minimumf %max3A_2494, %max3A_2496 : vector<56x512xbf16>
    %max3A_2502 = arith.maximumf %max3A_2494, %max3A_2496 : vector<56x512xbf16>
    %min3A_2503 = arith.minimumf %max3A_2488, %max3A_2492 : vector<56x512xbf16>
    %max3A_2504 = arith.maximumf %max3A_2488, %max3A_2492 : vector<56x512xbf16>
    %min3A_2505 = arith.minimumf %min3A_2501, %max3A_2498 : vector<56x512xbf16>
    %max3A_2506 = arith.maximumf %min3A_2501, %max3A_2498 : vector<56x512xbf16>
    %min3A_2507 = arith.minimumf %min3A_2503, %max3A_2500 : vector<56x512xbf16>
    %max3A_2508 = arith.maximumf %min3A_2503, %max3A_2500 : vector<56x512xbf16>
    %min3A_2509 = arith.minimumf %min3A_2499, %min3A_2505 : vector<56x512xbf16>
    %max3A_2510 = arith.maximumf %min3A_2499, %min3A_2505 : vector<56x512xbf16>
    %min3A_2511 = arith.minimumf %min3A_2507, %max3A_2506 : vector<56x512xbf16>
    %max3A_2512 = arith.maximumf %min3A_2507, %max3A_2506 : vector<56x512xbf16>
    %min3A_2513 = arith.minimumf %max3A_2508, %max3A_2502 : vector<56x512xbf16>
    %max3A_2514 = arith.maximumf %max3A_2508, %max3A_2502 : vector<56x512xbf16>
    %min3A_2515 = arith.minimumf %min3A_2349, %max3A_2504 : vector<56x512xbf16>
    %min3A_2516 = arith.minimumf %max3A_2350, %max3A_2514 : vector<56x512xbf16>
    %min3A_2517 = arith.minimumf %min3A_2351, %min3A_2513 : vector<56x512xbf16>
    %min3A_2518 = arith.minimumf %max3A_2352, %max3A_2512 : vector<56x512xbf16>
    %min3A_2519 = arith.minimumf %min3A_2353, %min3A_2511 : vector<56x512xbf16>
    %min3A_2520 = arith.minimumf %max3A_2354, %max3A_2510 : vector<56x512xbf16>
    %min3A_2521 = arith.minimumf %min3A_2355, %min3A_2509 : vector<56x512xbf16>
    %min3A_2522 = arith.minimumf %max3A_2356, %min3A_2497 : vector<56x512xbf16>
    %min3A_2523 = arith.minimumf %min3A_2515, %min3A_2519 : vector<56x512xbf16>
    %max3A_2524 = arith.maximumf %min3A_2515, %min3A_2519 : vector<56x512xbf16>
    %min3A_2525 = arith.minimumf %min3A_2516, %min3A_2520 : vector<56x512xbf16>
    %max3A_2526 = arith.maximumf %min3A_2516, %min3A_2520 : vector<56x512xbf16>
    %min3A_2527 = arith.minimumf %min3A_2517, %min3A_2521 : vector<56x512xbf16>
    %max3A_2528 = arith.maximumf %min3A_2517, %min3A_2521 : vector<56x512xbf16>
    %min3A_2529 = arith.minimumf %min3A_2518, %min3A_2522 : vector<56x512xbf16>
    %max3A_2530 = arith.maximumf %min3A_2518, %min3A_2522 : vector<56x512xbf16>
    %min3A_2531 = arith.minimumf %min3A_2523, %min3A_2527 : vector<56x512xbf16>
    %max3A_2532 = arith.maximumf %min3A_2523, %min3A_2527 : vector<56x512xbf16>
    %min3A_2533 = arith.minimumf %min3A_2525, %min3A_2529 : vector<56x512xbf16>
    %max3A_2534 = arith.maximumf %min3A_2525, %min3A_2529 : vector<56x512xbf16>
    %min3A_2535 = arith.minimumf %max3A_2524, %max3A_2528 : vector<56x512xbf16>
    %max3A_2536 = arith.maximumf %max3A_2524, %max3A_2528 : vector<56x512xbf16>
    %min3A_2537 = arith.minimumf %max3A_2526, %max3A_2530 : vector<56x512xbf16>
    %max3A_2538 = arith.maximumf %max3A_2526, %max3A_2530 : vector<56x512xbf16>
    %min3A_2539 = arith.minimumf %min3A_2531, %min3A_2533 : vector<56x512xbf16>
    %max3A_2540 = arith.maximumf %min3A_2531, %min3A_2533 : vector<56x512xbf16>
    %min3A_2541 = arith.minimumf %max3A_2532, %max3A_2534 : vector<56x512xbf16>
    %max3A_2542 = arith.maximumf %max3A_2532, %max3A_2534 : vector<56x512xbf16>
    %min3A_2543 = arith.minimumf %min3A_2535, %min3A_2537 : vector<56x512xbf16>
    %max3A_2544 = arith.maximumf %min3A_2535, %min3A_2537 : vector<56x512xbf16>
    %min3A_2545 = arith.minimumf %max3A_2536, %max3A_2538 : vector<56x512xbf16>
    %max3A_2546 = arith.maximumf %max3A_2536, %max3A_2538 : vector<56x512xbf16>
    %get3A_2547 = arith.constant 1 : index
    %get3A_2548 = arith.constant 0 : index
    %get3A_2549 = arith.constant 40 : index
    %get3A_2550 = memref.load %arg3[%get3A_2547, %get3A_2548, %get3A_2549] : memref<2x1x64xf32, #tpu.memory_space<smem>>
    %convert_element_type3A_2551 = arith.truncf %get3A_2550 : f32 to bf16
    %sub3A_2552 = vector.broadcast %convert_element_type3A_2551 : bf16 to vector<56x512xbf16>
    %sub3A_2553 = arith.subf %get3A_1628, %sub3A_2552 : vector<56x512xbf16>
    %mul3A_2554 = arith.mulf %sub3A_2553, %sub3A_2553 : vector<56x512xbf16>
    %get3A_2555 = arith.constant 1 : index
    %get3A_2556 = arith.constant 0 : index
    %get3A_2557 = arith.constant 40 : index
    %get3A_2558 = memref.load %arg4[%get3A_2555, %get3A_2556, %get3A_2557] : memref<2x1x64xf32, #tpu.memory_space<smem>>
    %convert_element_type3A_2559 = arith.truncf %get3A_2558 : f32 to bf16
    %mul3A_2560 = vector.broadcast %convert_element_type3A_2559 : bf16 to vector<56x512xbf16>
    %mul3A_2561 = arith.mulf %mul3A_2554, %mul3A_2560 : vector<56x512xbf16>
    %get3A_2562 = arith.constant 1 : index
    %get3A_2563 = arith.constant 0 : index
    %get3A_2564 = arith.constant 41 : index
    %get3A_2565 = memref.load %arg3[%get3A_2562, %get3A_2563, %get3A_2564] : memref<2x1x64xf32, #tpu.memory_space<smem>>
    %convert_element_type3A_2566 = arith.truncf %get3A_2565 : f32 to bf16
    %sub3A_2567 = vector.broadcast %convert_element_type3A_2566 : bf16 to vector<56x512xbf16>
    %sub3A_2568 = arith.subf %get3A_1628, %sub3A_2567 : vector<56x512xbf16>
    %mul3A_2569 = arith.mulf %sub3A_2568, %sub3A_2568 : vector<56x512xbf16>
    %get3A_2570 = arith.constant 1 : index
    %get3A_2571 = arith.constant 0 : index
    %get3A_2572 = arith.constant 41 : index
    %get3A_2573 = memref.load %arg4[%get3A_2570, %get3A_2571, %get3A_2572] : memref<2x1x64xf32, #tpu.memory_space<smem>>
    %convert_element_type3A_2574 = arith.truncf %get3A_2573 : f32 to bf16
    %mul3A_2575 = vector.broadcast %convert_element_type3A_2574 : bf16 to vector<56x512xbf16>
    %mul3A_2576 = arith.mulf %mul3A_2569, %mul3A_2575 : vector<56x512xbf16>
    %get3A_2577 = arith.constant 1 : index
    %get3A_2578 = arith.constant 0 : index
    %get3A_2579 = arith.constant 42 : index
    %get3A_2580 = memref.load %arg3[%get3A_2577, %get3A_2578, %get3A_2579] : memref<2x1x64xf32, #tpu.memory_space<smem>>
    %convert_element_type3A_2581 = arith.truncf %get3A_2580 : f32 to bf16
    %sub3A_2582 = vector.broadcast %convert_element_type3A_2581 : bf16 to vector<56x512xbf16>
    %sub3A_2583 = arith.subf %get3A_1628, %sub3A_2582 : vector<56x512xbf16>
    %mul3A_2584 = arith.mulf %sub3A_2583, %sub3A_2583 : vector<56x512xbf16>
    %get3A_2585 = arith.constant 1 : index
    %get3A_2586 = arith.constant 0 : index
    %get3A_2587 = arith.constant 42 : index
    %get3A_2588 = memref.load %arg4[%get3A_2585, %get3A_2586, %get3A_2587] : memref<2x1x64xf32, #tpu.memory_space<smem>>
    %convert_element_type3A_2589 = arith.truncf %get3A_2588 : f32 to bf16
    %mul3A_2590 = vector.broadcast %convert_element_type3A_2589 : bf16 to vector<56x512xbf16>
    %mul3A_2591 = arith.mulf %mul3A_2584, %mul3A_2590 : vector<56x512xbf16>
    %get3A_2592 = arith.constant 1 : index
    %get3A_2593 = arith.constant 0 : index
    %get3A_2594 = arith.constant 43 : index
    %get3A_2595 = memref.load %arg3[%get3A_2592, %get3A_2593, %get3A_2594] : memref<2x1x64xf32, #tpu.memory_space<smem>>
    %convert_element_type3A_2596 = arith.truncf %get3A_2595 : f32 to bf16
    %sub3A_2597 = vector.broadcast %convert_element_type3A_2596 : bf16 to vector<56x512xbf16>
    %sub3A_2598 = arith.subf %get3A_1628, %sub3A_2597 : vector<56x512xbf16>
    %mul3A_2599 = arith.mulf %sub3A_2598, %sub3A_2598 : vector<56x512xbf16>
    %get3A_2600 = arith.constant 1 : index
    %get3A_2601 = arith.constant 0 : index
    %get3A_2602 = arith.constant 43 : index
    %get3A_2603 = memref.load %arg4[%get3A_2600, %get3A_2601, %get3A_2602] : memref<2x1x64xf32, #tpu.memory_space<smem>>
    %convert_element_type3A_2604 = arith.truncf %get3A_2603 : f32 to bf16
    %mul3A_2605 = vector.broadcast %convert_element_type3A_2604 : bf16 to vector<56x512xbf16>
    %mul3A_2606 = arith.mulf %mul3A_2599, %mul3A_2605 : vector<56x512xbf16>
    %get3A_2607 = arith.constant 1 : index
    %get3A_2608 = arith.constant 0 : index
    %get3A_2609 = arith.constant 44 : index
    %get3A_2610 = memref.load %arg3[%get3A_2607, %get3A_2608, %get3A_2609] : memref<2x1x64xf32, #tpu.memory_space<smem>>
    %convert_element_type3A_2611 = arith.truncf %get3A_2610 : f32 to bf16
    %sub3A_2612 = vector.broadcast %convert_element_type3A_2611 : bf16 to vector<56x512xbf16>
    %sub3A_2613 = arith.subf %get3A_1628, %sub3A_2612 : vector<56x512xbf16>
    %mul3A_2614 = arith.mulf %sub3A_2613, %sub3A_2613 : vector<56x512xbf16>
    %get3A_2615 = arith.constant 1 : index
    %get3A_2616 = arith.constant 0 : index
    %get3A_2617 = arith.constant 44 : index
    %get3A_2618 = memref.load %arg4[%get3A_2615, %get3A_2616, %get3A_2617] : memref<2x1x64xf32, #tpu.memory_space<smem>>
    %convert_element_type3A_2619 = arith.truncf %get3A_2618 : f32 to bf16
    %mul3A_2620 = vector.broadcast %convert_element_type3A_2619 : bf16 to vector<56x512xbf16>
    %mul3A_2621 = arith.mulf %mul3A_2614, %mul3A_2620 : vector<56x512xbf16>
    %get3A_2622 = arith.constant 1 : index
    %get3A_2623 = arith.constant 0 : index
    %get3A_2624 = arith.constant 45 : index
    %get3A_2625 = memref.load %arg3[%get3A_2622, %get3A_2623, %get3A_2624] : memref<2x1x64xf32, #tpu.memory_space<smem>>
    %convert_element_type3A_2626 = arith.truncf %get3A_2625 : f32 to bf16
    %sub3A_2627 = vector.broadcast %convert_element_type3A_2626 : bf16 to vector<56x512xbf16>
    %sub3A_2628 = arith.subf %get3A_1628, %sub3A_2627 : vector<56x512xbf16>
    %mul3A_2629 = arith.mulf %sub3A_2628, %sub3A_2628 : vector<56x512xbf16>
    %get3A_2630 = arith.constant 1 : index
    %get3A_2631 = arith.constant 0 : index
    %get3A_2632 = arith.constant 45 : index
    %get3A_2633 = memref.load %arg4[%get3A_2630, %get3A_2631, %get3A_2632] : memref<2x1x64xf32, #tpu.memory_space<smem>>
    %convert_element_type3A_2634 = arith.truncf %get3A_2633 : f32 to bf16
    %mul3A_2635 = vector.broadcast %convert_element_type3A_2634 : bf16 to vector<56x512xbf16>
    %mul3A_2636 = arith.mulf %mul3A_2629, %mul3A_2635 : vector<56x512xbf16>
    %get3A_2637 = arith.constant 1 : index
    %get3A_2638 = arith.constant 0 : index
    %get3A_2639 = arith.constant 46 : index
    %get3A_2640 = memref.load %arg3[%get3A_2637, %get3A_2638, %get3A_2639] : memref<2x1x64xf32, #tpu.memory_space<smem>>
    %convert_element_type3A_2641 = arith.truncf %get3A_2640 : f32 to bf16
    %sub3A_2642 = vector.broadcast %convert_element_type3A_2641 : bf16 to vector<56x512xbf16>
    %sub3A_2643 = arith.subf %get3A_1628, %sub3A_2642 : vector<56x512xbf16>
    %mul3A_2644 = arith.mulf %sub3A_2643, %sub3A_2643 : vector<56x512xbf16>
    %get3A_2645 = arith.constant 1 : index
    %get3A_2646 = arith.constant 0 : index
    %get3A_2647 = arith.constant 46 : index
    %get3A_2648 = memref.load %arg4[%get3A_2645, %get3A_2646, %get3A_2647] : memref<2x1x64xf32, #tpu.memory_space<smem>>
    %convert_element_type3A_2649 = arith.truncf %get3A_2648 : f32 to bf16
    %mul3A_2650 = vector.broadcast %convert_element_type3A_2649 : bf16 to vector<56x512xbf16>
    %mul3A_2651 = arith.mulf %mul3A_2644, %mul3A_2650 : vector<56x512xbf16>
    %get3A_2652 = arith.constant 1 : index
    %get3A_2653 = arith.constant 0 : index
    %get3A_2654 = arith.constant 47 : index
    %get3A_2655 = memref.load %arg3[%get3A_2652, %get3A_2653, %get3A_2654] : memref<2x1x64xf32, #tpu.memory_space<smem>>
    %convert_element_type3A_2656 = arith.truncf %get3A_2655 : f32 to bf16
    %sub3A_2657 = vector.broadcast %convert_element_type3A_2656 : bf16 to vector<56x512xbf16>
    %sub3A_2658 = arith.subf %get3A_1628, %sub3A_2657 : vector<56x512xbf16>
    %mul3A_2659 = arith.mulf %sub3A_2658, %sub3A_2658 : vector<56x512xbf16>
    %get3A_2660 = arith.constant 1 : index
    %get3A_2661 = arith.constant 0 : index
    %get3A_2662 = arith.constant 47 : index
    %get3A_2663 = memref.load %arg4[%get3A_2660, %get3A_2661, %get3A_2662] : memref<2x1x64xf32, #tpu.memory_space<smem>>
    %convert_element_type3A_2664 = arith.truncf %get3A_2663 : f32 to bf16
    %mul3A_2665 = vector.broadcast %convert_element_type3A_2664 : bf16 to vector<56x512xbf16>
    %mul3A_2666 = arith.mulf %mul3A_2659, %mul3A_2665 : vector<56x512xbf16>
    %min3A_2667 = arith.minimumf %mul3A_2561, %mul3A_2576 : vector<56x512xbf16>
    %max3A_2668 = arith.maximumf %mul3A_2561, %mul3A_2576 : vector<56x512xbf16>
    %min3A_2669 = arith.minimumf %mul3A_2591, %mul3A_2606 : vector<56x512xbf16>
    %max3A_2670 = arith.maximumf %mul3A_2591, %mul3A_2606 : vector<56x512xbf16>
    %min3A_2671 = arith.minimumf %mul3A_2621, %mul3A_2636 : vector<56x512xbf16>
    %max3A_2672 = arith.maximumf %mul3A_2621, %mul3A_2636 : vector<56x512xbf16>
    %min3A_2673 = arith.minimumf %mul3A_2651, %mul3A_2666 : vector<56x512xbf16>
    %max3A_2674 = arith.maximumf %mul3A_2651, %mul3A_2666 : vector<56x512xbf16>
    %min3A_2675 = arith.minimumf %min3A_2667, %min3A_2669 : vector<56x512xbf16>
    %max3A_2676 = arith.maximumf %min3A_2667, %min3A_2669 : vector<56x512xbf16>
    %min3A_2677 = arith.minimumf %max3A_2668, %max3A_2670 : vector<56x512xbf16>
    %max3A_2678 = arith.maximumf %max3A_2668, %max3A_2670 : vector<56x512xbf16>
    %min3A_2679 = arith.minimumf %min3A_2671, %min3A_2673 : vector<56x512xbf16>
    %max3A_2680 = arith.maximumf %min3A_2671, %min3A_2673 : vector<56x512xbf16>
    %min3A_2681 = arith.minimumf %max3A_2672, %max3A_2674 : vector<56x512xbf16>
    %max3A_2682 = arith.maximumf %max3A_2672, %max3A_2674 : vector<56x512xbf16>
    %min3A_2683 = arith.minimumf %min3A_2677, %max3A_2676 : vector<56x512xbf16>
    %max3A_2684 = arith.maximumf %min3A_2677, %max3A_2676 : vector<56x512xbf16>
    %min3A_2685 = arith.minimumf %min3A_2681, %max3A_2680 : vector<56x512xbf16>
    %max3A_2686 = arith.maximumf %min3A_2681, %max3A_2680 : vector<56x512xbf16>
    %min3A_2687 = arith.minimumf %min3A_2675, %min3A_2679 : vector<56x512xbf16>
    %max3A_2688 = arith.maximumf %min3A_2675, %min3A_2679 : vector<56x512xbf16>
    %min3A_2689 = arith.minimumf %min3A_2683, %min3A_2685 : vector<56x512xbf16>
    %max3A_2690 = arith.maximumf %min3A_2683, %min3A_2685 : vector<56x512xbf16>
    %min3A_2691 = arith.minimumf %max3A_2684, %max3A_2686 : vector<56x512xbf16>
    %max3A_2692 = arith.maximumf %max3A_2684, %max3A_2686 : vector<56x512xbf16>
    %min3A_2693 = arith.minimumf %max3A_2678, %max3A_2682 : vector<56x512xbf16>
    %max3A_2694 = arith.maximumf %max3A_2678, %max3A_2682 : vector<56x512xbf16>
    %min3A_2695 = arith.minimumf %min3A_2691, %max3A_2688 : vector<56x512xbf16>
    %max3A_2696 = arith.maximumf %min3A_2691, %max3A_2688 : vector<56x512xbf16>
    %min3A_2697 = arith.minimumf %min3A_2693, %max3A_2690 : vector<56x512xbf16>
    %max3A_2698 = arith.maximumf %min3A_2693, %max3A_2690 : vector<56x512xbf16>
    %min3A_2699 = arith.minimumf %min3A_2689, %min3A_2695 : vector<56x512xbf16>
    %max3A_2700 = arith.maximumf %min3A_2689, %min3A_2695 : vector<56x512xbf16>
    %min3A_2701 = arith.minimumf %min3A_2697, %max3A_2696 : vector<56x512xbf16>
    %max3A_2702 = arith.maximumf %min3A_2697, %max3A_2696 : vector<56x512xbf16>
    %min3A_2703 = arith.minimumf %max3A_2698, %max3A_2692 : vector<56x512xbf16>
    %max3A_2704 = arith.maximumf %max3A_2698, %max3A_2692 : vector<56x512xbf16>
    %min3A_2705 = arith.minimumf %min3A_2539, %max3A_2694 : vector<56x512xbf16>
    %min3A_2706 = arith.minimumf %max3A_2540, %max3A_2704 : vector<56x512xbf16>
    %min3A_2707 = arith.minimumf %min3A_2541, %min3A_2703 : vector<56x512xbf16>
    %min3A_2708 = arith.minimumf %max3A_2542, %max3A_2702 : vector<56x512xbf16>
    %min3A_2709 = arith.minimumf %min3A_2543, %min3A_2701 : vector<56x512xbf16>
    %min3A_2710 = arith.minimumf %max3A_2544, %max3A_2700 : vector<56x512xbf16>
    %min3A_2711 = arith.minimumf %min3A_2545, %min3A_2699 : vector<56x512xbf16>
    %min3A_2712 = arith.minimumf %max3A_2546, %min3A_2687 : vector<56x512xbf16>
    %min3A_2713 = arith.minimumf %min3A_2705, %min3A_2709 : vector<56x512xbf16>
    %max3A_2714 = arith.maximumf %min3A_2705, %min3A_2709 : vector<56x512xbf16>
    %min3A_2715 = arith.minimumf %min3A_2706, %min3A_2710 : vector<56x512xbf16>
    %max3A_2716 = arith.maximumf %min3A_2706, %min3A_2710 : vector<56x512xbf16>
    %min3A_2717 = arith.minimumf %min3A_2707, %min3A_2711 : vector<56x512xbf16>
    %max3A_2718 = arith.maximumf %min3A_2707, %min3A_2711 : vector<56x512xbf16>
    %min3A_2719 = arith.minimumf %min3A_2708, %min3A_2712 : vector<56x512xbf16>
    %max3A_2720 = arith.maximumf %min3A_2708, %min3A_2712 : vector<56x512xbf16>
    %min3A_2721 = arith.minimumf %min3A_2713, %min3A_2717 : vector<56x512xbf16>
    %max3A_2722 = arith.maximumf %min3A_2713, %min3A_2717 : vector<56x512xbf16>
    %min3A_2723 = arith.minimumf %min3A_2715, %min3A_2719 : vector<56x512xbf16>
    %max3A_2724 = arith.maximumf %min3A_2715, %min3A_2719 : vector<56x512xbf16>
    %min3A_2725 = arith.minimumf %max3A_2714, %max3A_2718 : vector<56x512xbf16>
    %max3A_2726 = arith.maximumf %max3A_2714, %max3A_2718 : vector<56x512xbf16>
    %min3A_2727 = arith.minimumf %max3A_2716, %max3A_2720 : vector<56x512xbf16>
    %max3A_2728 = arith.maximumf %max3A_2716, %max3A_2720 : vector<56x512xbf16>
    %min3A_2729 = arith.minimumf %min3A_2721, %min3A_2723 : vector<56x512xbf16>
    %max3A_2730 = arith.maximumf %min3A_2721, %min3A_2723 : vector<56x512xbf16>
    %min3A_2731 = arith.minimumf %max3A_2722, %max3A_2724 : vector<56x512xbf16>
    %max3A_2732 = arith.maximumf %max3A_2722, %max3A_2724 : vector<56x512xbf16>
    %min3A_2733 = arith.minimumf %min3A_2725, %min3A_2727 : vector<56x512xbf16>
    %max3A_2734 = arith.maximumf %min3A_2725, %min3A_2727 : vector<56x512xbf16>
    %min3A_2735 = arith.minimumf %max3A_2726, %max3A_2728 : vector<56x512xbf16>
    %max3A_2736 = arith.maximumf %max3A_2726, %max3A_2728 : vector<56x512xbf16>
    %get3A_2737 = arith.constant 1 : index
    %get3A_2738 = arith.constant 0 : index
    %get3A_2739 = arith.constant 48 : index
    %get3A_2740 = memref.load %arg3[%get3A_2737, %get3A_2738, %get3A_2739] : memref<2x1x64xf32, #tpu.memory_space<smem>>
    %convert_element_type3A_2741 = arith.truncf %get3A_2740 : f32 to bf16
    %sub3A_2742 = vector.broadcast %convert_element_type3A_2741 : bf16 to vector<56x512xbf16>
    %sub3A_2743 = arith.subf %get3A_1628, %sub3A_2742 : vector<56x512xbf16>
    %mul3A_2744 = arith.mulf %sub3A_2743, %sub3A_2743 : vector<56x512xbf16>
    %get3A_2745 = arith.constant 1 : index
    %get3A_2746 = arith.constant 0 : index
    %get3A_2747 = arith.constant 48 : index
    %get3A_2748 = memref.load %arg4[%get3A_2745, %get3A_2746, %get3A_2747] : memref<2x1x64xf32, #tpu.memory_space<smem>>
    %convert_element_type3A_2749 = arith.truncf %get3A_2748 : f32 to bf16
    %mul3A_2750 = vector.broadcast %convert_element_type3A_2749 : bf16 to vector<56x512xbf16>
    %mul3A_2751 = arith.mulf %mul3A_2744, %mul3A_2750 : vector<56x512xbf16>
    %get3A_2752 = arith.constant 1 : index
    %get3A_2753 = arith.constant 0 : index
    %get3A_2754 = arith.constant 49 : index
    %get3A_2755 = memref.load %arg3[%get3A_2752, %get3A_2753, %get3A_2754] : memref<2x1x64xf32, #tpu.memory_space<smem>>
    %convert_element_type3A_2756 = arith.truncf %get3A_2755 : f32 to bf16
    %sub3A_2757 = vector.broadcast %convert_element_type3A_2756 : bf16 to vector<56x512xbf16>
    %sub3A_2758 = arith.subf %get3A_1628, %sub3A_2757 : vector<56x512xbf16>
    %mul3A_2759 = arith.mulf %sub3A_2758, %sub3A_2758 : vector<56x512xbf16>
    %get3A_2760 = arith.constant 1 : index
    %get3A_2761 = arith.constant 0 : index
    %get3A_2762 = arith.constant 49 : index
    %get3A_2763 = memref.load %arg4[%get3A_2760, %get3A_2761, %get3A_2762] : memref<2x1x64xf32, #tpu.memory_space<smem>>
    %convert_element_type3A_2764 = arith.truncf %get3A_2763 : f32 to bf16
    %mul3A_2765 = vector.broadcast %convert_element_type3A_2764 : bf16 to vector<56x512xbf16>
    %mul3A_2766 = arith.mulf %mul3A_2759, %mul3A_2765 : vector<56x512xbf16>
    %get3A_2767 = arith.constant 1 : index
    %get3A_2768 = arith.constant 0 : index
    %get3A_2769 = arith.constant 50 : index
    %get3A_2770 = memref.load %arg3[%get3A_2767, %get3A_2768, %get3A_2769] : memref<2x1x64xf32, #tpu.memory_space<smem>>
    %convert_element_type3A_2771 = arith.truncf %get3A_2770 : f32 to bf16
    %sub3A_2772 = vector.broadcast %convert_element_type3A_2771 : bf16 to vector<56x512xbf16>
    %sub3A_2773 = arith.subf %get3A_1628, %sub3A_2772 : vector<56x512xbf16>
    %mul3A_2774 = arith.mulf %sub3A_2773, %sub3A_2773 : vector<56x512xbf16>
    %get3A_2775 = arith.constant 1 : index
    %get3A_2776 = arith.constant 0 : index
    %get3A_2777 = arith.constant 50 : index
    %get3A_2778 = memref.load %arg4[%get3A_2775, %get3A_2776, %get3A_2777] : memref<2x1x64xf32, #tpu.memory_space<smem>>
    %convert_element_type3A_2779 = arith.truncf %get3A_2778 : f32 to bf16
    %mul3A_2780 = vector.broadcast %convert_element_type3A_2779 : bf16 to vector<56x512xbf16>
    %mul3A_2781 = arith.mulf %mul3A_2774, %mul3A_2780 : vector<56x512xbf16>
    %get3A_2782 = arith.constant 1 : index
    %get3A_2783 = arith.constant 0 : index
    %get3A_2784 = arith.constant 51 : index
    %get3A_2785 = memref.load %arg3[%get3A_2782, %get3A_2783, %get3A_2784] : memref<2x1x64xf32, #tpu.memory_space<smem>>
    %convert_element_type3A_2786 = arith.truncf %get3A_2785 : f32 to bf16
    %sub3A_2787 = vector.broadcast %convert_element_type3A_2786 : bf16 to vector<56x512xbf16>
    %sub3A_2788 = arith.subf %get3A_1628, %sub3A_2787 : vector<56x512xbf16>
    %mul3A_2789 = arith.mulf %sub3A_2788, %sub3A_2788 : vector<56x512xbf16>
    %get3A_2790 = arith.constant 1 : index
    %get3A_2791 = arith.constant 0 : index
    %get3A_2792 = arith.constant 51 : index
    %get3A_2793 = memref.load %arg4[%get3A_2790, %get3A_2791, %get3A_2792] : memref<2x1x64xf32, #tpu.memory_space<smem>>
    %convert_element_type3A_2794 = arith.truncf %get3A_2793 : f32 to bf16
    %mul3A_2795 = vector.broadcast %convert_element_type3A_2794 : bf16 to vector<56x512xbf16>
    %mul3A_2796 = arith.mulf %mul3A_2789, %mul3A_2795 : vector<56x512xbf16>
    %get3A_2797 = arith.constant 1 : index
    %get3A_2798 = arith.constant 0 : index
    %get3A_2799 = arith.constant 52 : index
    %get3A_2800 = memref.load %arg3[%get3A_2797, %get3A_2798, %get3A_2799] : memref<2x1x64xf32, #tpu.memory_space<smem>>
    %convert_element_type3A_2801 = arith.truncf %get3A_2800 : f32 to bf16
    %sub3A_2802 = vector.broadcast %convert_element_type3A_2801 : bf16 to vector<56x512xbf16>
    %sub3A_2803 = arith.subf %get3A_1628, %sub3A_2802 : vector<56x512xbf16>
    %mul3A_2804 = arith.mulf %sub3A_2803, %sub3A_2803 : vector<56x512xbf16>
    %get3A_2805 = arith.constant 1 : index
    %get3A_2806 = arith.constant 0 : index
    %get3A_2807 = arith.constant 52 : index
    %get3A_2808 = memref.load %arg4[%get3A_2805, %get3A_2806, %get3A_2807] : memref<2x1x64xf32, #tpu.memory_space<smem>>
    %convert_element_type3A_2809 = arith.truncf %get3A_2808 : f32 to bf16
    %mul3A_2810 = vector.broadcast %convert_element_type3A_2809 : bf16 to vector<56x512xbf16>
    %mul3A_2811 = arith.mulf %mul3A_2804, %mul3A_2810 : vector<56x512xbf16>
    %get3A_2812 = arith.constant 1 : index
    %get3A_2813 = arith.constant 0 : index
    %get3A_2814 = arith.constant 53 : index
    %get3A_2815 = memref.load %arg3[%get3A_2812, %get3A_2813, %get3A_2814] : memref<2x1x64xf32, #tpu.memory_space<smem>>
    %convert_element_type3A_2816 = arith.truncf %get3A_2815 : f32 to bf16
    %sub3A_2817 = vector.broadcast %convert_element_type3A_2816 : bf16 to vector<56x512xbf16>
    %sub3A_2818 = arith.subf %get3A_1628, %sub3A_2817 : vector<56x512xbf16>
    %mul3A_2819 = arith.mulf %sub3A_2818, %sub3A_2818 : vector<56x512xbf16>
    %get3A_2820 = arith.constant 1 : index
    %get3A_2821 = arith.constant 0 : index
    %get3A_2822 = arith.constant 53 : index
    %get3A_2823 = memref.load %arg4[%get3A_2820, %get3A_2821, %get3A_2822] : memref<2x1x64xf32, #tpu.memory_space<smem>>
    %convert_element_type3A_2824 = arith.truncf %get3A_2823 : f32 to bf16
    %mul3A_2825 = vector.broadcast %convert_element_type3A_2824 : bf16 to vector<56x512xbf16>
    %mul3A_2826 = arith.mulf %mul3A_2819, %mul3A_2825 : vector<56x512xbf16>
    %get3A_2827 = arith.constant 1 : index
    %get3A_2828 = arith.constant 0 : index
    %get3A_2829 = arith.constant 54 : index
    %get3A_2830 = memref.load %arg3[%get3A_2827, %get3A_2828, %get3A_2829] : memref<2x1x64xf32, #tpu.memory_space<smem>>
    %convert_element_type3A_2831 = arith.truncf %get3A_2830 : f32 to bf16
    %sub3A_2832 = vector.broadcast %convert_element_type3A_2831 : bf16 to vector<56x512xbf16>
    %sub3A_2833 = arith.subf %get3A_1628, %sub3A_2832 : vector<56x512xbf16>
    %mul3A_2834 = arith.mulf %sub3A_2833, %sub3A_2833 : vector<56x512xbf16>
    %get3A_2835 = arith.constant 1 : index
    %get3A_2836 = arith.constant 0 : index
    %get3A_2837 = arith.constant 54 : index
    %get3A_2838 = memref.load %arg4[%get3A_2835, %get3A_2836, %get3A_2837] : memref<2x1x64xf32, #tpu.memory_space<smem>>
    %convert_element_type3A_2839 = arith.truncf %get3A_2838 : f32 to bf16
    %mul3A_2840 = vector.broadcast %convert_element_type3A_2839 : bf16 to vector<56x512xbf16>
    %mul3A_2841 = arith.mulf %mul3A_2834, %mul3A_2840 : vector<56x512xbf16>
    %get3A_2842 = arith.constant 1 : index
    %get3A_2843 = arith.constant 0 : index
    %get3A_2844 = arith.constant 55 : index
    %get3A_2845 = memref.load %arg3[%get3A_2842, %get3A_2843, %get3A_2844] : memref<2x1x64xf32, #tpu.memory_space<smem>>
    %convert_element_type3A_2846 = arith.truncf %get3A_2845 : f32 to bf16
    %sub3A_2847 = vector.broadcast %convert_element_type3A_2846 : bf16 to vector<56x512xbf16>
    %sub3A_2848 = arith.subf %get3A_1628, %sub3A_2847 : vector<56x512xbf16>
    %mul3A_2849 = arith.mulf %sub3A_2848, %sub3A_2848 : vector<56x512xbf16>
    %get3A_2850 = arith.constant 1 : index
    %get3A_2851 = arith.constant 0 : index
    %get3A_2852 = arith.constant 55 : index
    %get3A_2853 = memref.load %arg4[%get3A_2850, %get3A_2851, %get3A_2852] : memref<2x1x64xf32, #tpu.memory_space<smem>>
    %convert_element_type3A_2854 = arith.truncf %get3A_2853 : f32 to bf16
    %mul3A_2855 = vector.broadcast %convert_element_type3A_2854 : bf16 to vector<56x512xbf16>
    %mul3A_2856 = arith.mulf %mul3A_2849, %mul3A_2855 : vector<56x512xbf16>
    %min3A_2857 = arith.minimumf %mul3A_2751, %mul3A_2766 : vector<56x512xbf16>
    %max3A_2858 = arith.maximumf %mul3A_2751, %mul3A_2766 : vector<56x512xbf16>
    %min3A_2859 = arith.minimumf %mul3A_2781, %mul3A_2796 : vector<56x512xbf16>
    %max3A_2860 = arith.maximumf %mul3A_2781, %mul3A_2796 : vector<56x512xbf16>
    %min3A_2861 = arith.minimumf %mul3A_2811, %mul3A_2826 : vector<56x512xbf16>
    %max3A_2862 = arith.maximumf %mul3A_2811, %mul3A_2826 : vector<56x512xbf16>
    %min3A_2863 = arith.minimumf %mul3A_2841, %mul3A_2856 : vector<56x512xbf16>
    %max3A_2864 = arith.maximumf %mul3A_2841, %mul3A_2856 : vector<56x512xbf16>
    %min3A_2865 = arith.minimumf %min3A_2857, %min3A_2859 : vector<56x512xbf16>
    %max3A_2866 = arith.maximumf %min3A_2857, %min3A_2859 : vector<56x512xbf16>
    %min3A_2867 = arith.minimumf %max3A_2858, %max3A_2860 : vector<56x512xbf16>
    %max3A_2868 = arith.maximumf %max3A_2858, %max3A_2860 : vector<56x512xbf16>
    %min3A_2869 = arith.minimumf %min3A_2861, %min3A_2863 : vector<56x512xbf16>
    %max3A_2870 = arith.maximumf %min3A_2861, %min3A_2863 : vector<56x512xbf16>
    %min3A_2871 = arith.minimumf %max3A_2862, %max3A_2864 : vector<56x512xbf16>
    %max3A_2872 = arith.maximumf %max3A_2862, %max3A_2864 : vector<56x512xbf16>
    %min3A_2873 = arith.minimumf %min3A_2867, %max3A_2866 : vector<56x512xbf16>
    %max3A_2874 = arith.maximumf %min3A_2867, %max3A_2866 : vector<56x512xbf16>
    %min3A_2875 = arith.minimumf %min3A_2871, %max3A_2870 : vector<56x512xbf16>
    %max3A_2876 = arith.maximumf %min3A_2871, %max3A_2870 : vector<56x512xbf16>
    %min3A_2877 = arith.minimumf %min3A_2865, %min3A_2869 : vector<56x512xbf16>
    %max3A_2878 = arith.maximumf %min3A_2865, %min3A_2869 : vector<56x512xbf16>
    %min3A_2879 = arith.minimumf %min3A_2873, %min3A_2875 : vector<56x512xbf16>
    %max3A_2880 = arith.maximumf %min3A_2873, %min3A_2875 : vector<56x512xbf16>
    %min3A_2881 = arith.minimumf %max3A_2874, %max3A_2876 : vector<56x512xbf16>
    %max3A_2882 = arith.maximumf %max3A_2874, %max3A_2876 : vector<56x512xbf16>
    %min3A_2883 = arith.minimumf %max3A_2868, %max3A_2872 : vector<56x512xbf16>
    %max3A_2884 = arith.maximumf %max3A_2868, %max3A_2872 : vector<56x512xbf16>
    %min3A_2885 = arith.minimumf %min3A_2881, %max3A_2878 : vector<56x512xbf16>
    %max3A_2886 = arith.maximumf %min3A_2881, %max3A_2878 : vector<56x512xbf16>
    %min3A_2887 = arith.minimumf %min3A_2883, %max3A_2880 : vector<56x512xbf16>
    %max3A_2888 = arith.maximumf %min3A_2883, %max3A_2880 : vector<56x512xbf16>
    %min3A_2889 = arith.minimumf %min3A_2879, %min3A_2885 : vector<56x512xbf16>
    %max3A_2890 = arith.maximumf %min3A_2879, %min3A_2885 : vector<56x512xbf16>
    %min3A_2891 = arith.minimumf %min3A_2887, %max3A_2886 : vector<56x512xbf16>
    %max3A_2892 = arith.maximumf %min3A_2887, %max3A_2886 : vector<56x512xbf16>
    %min3A_2893 = arith.minimumf %max3A_2888, %max3A_2882 : vector<56x512xbf16>
    %max3A_2894 = arith.maximumf %max3A_2888, %max3A_2882 : vector<56x512xbf16>
    %min3A_2895 = arith.minimumf %min3A_2729, %max3A_2884 : vector<56x512xbf16>
    %min3A_2896 = arith.minimumf %max3A_2730, %max3A_2894 : vector<56x512xbf16>
    %min3A_2897 = arith.minimumf %min3A_2731, %min3A_2893 : vector<56x512xbf16>
    %min3A_2898 = arith.minimumf %max3A_2732, %max3A_2892 : vector<56x512xbf16>
    %min3A_2899 = arith.minimumf %min3A_2733, %min3A_2891 : vector<56x512xbf16>
    %min3A_2900 = arith.minimumf %max3A_2734, %max3A_2890 : vector<56x512xbf16>
    %min3A_2901 = arith.minimumf %min3A_2735, %min3A_2889 : vector<56x512xbf16>
    %min3A_2902 = arith.minimumf %max3A_2736, %min3A_2877 : vector<56x512xbf16>
    %min3A_2903 = arith.minimumf %min3A_2895, %min3A_2899 : vector<56x512xbf16>
    %max3A_2904 = arith.maximumf %min3A_2895, %min3A_2899 : vector<56x512xbf16>
    %min3A_2905 = arith.minimumf %min3A_2896, %min3A_2900 : vector<56x512xbf16>
    %max3A_2906 = arith.maximumf %min3A_2896, %min3A_2900 : vector<56x512xbf16>
    %min3A_2907 = arith.minimumf %min3A_2897, %min3A_2901 : vector<56x512xbf16>
    %max3A_2908 = arith.maximumf %min3A_2897, %min3A_2901 : vector<56x512xbf16>
    %min3A_2909 = arith.minimumf %min3A_2898, %min3A_2902 : vector<56x512xbf16>
    %max3A_2910 = arith.maximumf %min3A_2898, %min3A_2902 : vector<56x512xbf16>
    %min3A_2911 = arith.minimumf %min3A_2903, %min3A_2907 : vector<56x512xbf16>
    %max3A_2912 = arith.maximumf %min3A_2903, %min3A_2907 : vector<56x512xbf16>
    %min3A_2913 = arith.minimumf %min3A_2905, %min3A_2909 : vector<56x512xbf16>
    %max3A_2914 = arith.maximumf %min3A_2905, %min3A_2909 : vector<56x512xbf16>
    %min3A_2915 = arith.minimumf %max3A_2904, %max3A_2908 : vector<56x512xbf16>
    %max3A_2916 = arith.maximumf %max3A_2904, %max3A_2908 : vector<56x512xbf16>
    %min3A_2917 = arith.minimumf %max3A_2906, %max3A_2910 : vector<56x512xbf16>
    %max3A_2918 = arith.maximumf %max3A_2906, %max3A_2910 : vector<56x512xbf16>
    %min3A_2919 = arith.minimumf %min3A_2911, %min3A_2913 : vector<56x512xbf16>
    %max3A_2920 = arith.maximumf %min3A_2911, %min3A_2913 : vector<56x512xbf16>
    %min3A_2921 = arith.minimumf %max3A_2912, %max3A_2914 : vector<56x512xbf16>
    %max3A_2922 = arith.maximumf %max3A_2912, %max3A_2914 : vector<56x512xbf16>
    %min3A_2923 = arith.minimumf %min3A_2915, %min3A_2917 : vector<56x512xbf16>
    %max3A_2924 = arith.maximumf %min3A_2915, %min3A_2917 : vector<56x512xbf16>
    %min3A_2925 = arith.minimumf %max3A_2916, %max3A_2918 : vector<56x512xbf16>
    %max3A_2926 = arith.maximumf %max3A_2916, %max3A_2918 : vector<56x512xbf16>
    %get3A_2927 = arith.constant 1 : index
    %get3A_2928 = arith.constant 0 : index
    %get3A_2929 = arith.constant 56 : index
    %get3A_2930 = memref.load %arg3[%get3A_2927, %get3A_2928, %get3A_2929] : memref<2x1x64xf32, #tpu.memory_space<smem>>
    %convert_element_type3A_2931 = arith.truncf %get3A_2930 : f32 to bf16
    %sub3A_2932 = vector.broadcast %convert_element_type3A_2931 : bf16 to vector<56x512xbf16>
    %sub3A_2933 = arith.subf %get3A_1628, %sub3A_2932 : vector<56x512xbf16>
    %mul3A_2934 = arith.mulf %sub3A_2933, %sub3A_2933 : vector<56x512xbf16>
    %get3A_2935 = arith.constant 1 : index
    %get3A_2936 = arith.constant 0 : index
    %get3A_2937 = arith.constant 56 : index
    %get3A_2938 = memref.load %arg4[%get3A_2935, %get3A_2936, %get3A_2937] : memref<2x1x64xf32, #tpu.memory_space<smem>>
    %convert_element_type3A_2939 = arith.truncf %get3A_2938 : f32 to bf16
    %mul3A_2940 = vector.broadcast %convert_element_type3A_2939 : bf16 to vector<56x512xbf16>
    %mul3A_2941 = arith.mulf %mul3A_2934, %mul3A_2940 : vector<56x512xbf16>
    %get3A_2942 = arith.constant 1 : index
    %get3A_2943 = arith.constant 0 : index
    %get3A_2944 = arith.constant 57 : index
    %get3A_2945 = memref.load %arg3[%get3A_2942, %get3A_2943, %get3A_2944] : memref<2x1x64xf32, #tpu.memory_space<smem>>
    %convert_element_type3A_2946 = arith.truncf %get3A_2945 : f32 to bf16
    %sub3A_2947 = vector.broadcast %convert_element_type3A_2946 : bf16 to vector<56x512xbf16>
    %sub3A_2948 = arith.subf %get3A_1628, %sub3A_2947 : vector<56x512xbf16>
    %mul3A_2949 = arith.mulf %sub3A_2948, %sub3A_2948 : vector<56x512xbf16>
    %get3A_2950 = arith.constant 1 : index
    %get3A_2951 = arith.constant 0 : index
    %get3A_2952 = arith.constant 57 : index
    %get3A_2953 = memref.load %arg4[%get3A_2950, %get3A_2951, %get3A_2952] : memref<2x1x64xf32, #tpu.memory_space<smem>>
    %convert_element_type3A_2954 = arith.truncf %get3A_2953 : f32 to bf16
    %mul3A_2955 = vector.broadcast %convert_element_type3A_2954 : bf16 to vector<56x512xbf16>
    %mul3A_2956 = arith.mulf %mul3A_2949, %mul3A_2955 : vector<56x512xbf16>
    %get3A_2957 = arith.constant 1 : index
    %get3A_2958 = arith.constant 0 : index
    %get3A_2959 = arith.constant 58 : index
    %get3A_2960 = memref.load %arg3[%get3A_2957, %get3A_2958, %get3A_2959] : memref<2x1x64xf32, #tpu.memory_space<smem>>
    %convert_element_type3A_2961 = arith.truncf %get3A_2960 : f32 to bf16
    %sub3A_2962 = vector.broadcast %convert_element_type3A_2961 : bf16 to vector<56x512xbf16>
    %sub3A_2963 = arith.subf %get3A_1628, %sub3A_2962 : vector<56x512xbf16>
    %mul3A_2964 = arith.mulf %sub3A_2963, %sub3A_2963 : vector<56x512xbf16>
    %get3A_2965 = arith.constant 1 : index
    %get3A_2966 = arith.constant 0 : index
    %get3A_2967 = arith.constant 58 : index
    %get3A_2968 = memref.load %arg4[%get3A_2965, %get3A_2966, %get3A_2967] : memref<2x1x64xf32, #tpu.memory_space<smem>>
    %convert_element_type3A_2969 = arith.truncf %get3A_2968 : f32 to bf16
    %mul3A_2970 = vector.broadcast %convert_element_type3A_2969 : bf16 to vector<56x512xbf16>
    %mul3A_2971 = arith.mulf %mul3A_2964, %mul3A_2970 : vector<56x512xbf16>
    %get3A_2972 = arith.constant 1 : index
    %get3A_2973 = arith.constant 0 : index
    %get3A_2974 = arith.constant 59 : index
    %get3A_2975 = memref.load %arg3[%get3A_2972, %get3A_2973, %get3A_2974] : memref<2x1x64xf32, #tpu.memory_space<smem>>
    %convert_element_type3A_2976 = arith.truncf %get3A_2975 : f32 to bf16
    %sub3A_2977 = vector.broadcast %convert_element_type3A_2976 : bf16 to vector<56x512xbf16>
    %sub3A_2978 = arith.subf %get3A_1628, %sub3A_2977 : vector<56x512xbf16>
    %mul3A_2979 = arith.mulf %sub3A_2978, %sub3A_2978 : vector<56x512xbf16>
    %get3A_2980 = arith.constant 1 : index
    %get3A_2981 = arith.constant 0 : index
    %get3A_2982 = arith.constant 59 : index
    %get3A_2983 = memref.load %arg4[%get3A_2980, %get3A_2981, %get3A_2982] : memref<2x1x64xf32, #tpu.memory_space<smem>>
    %convert_element_type3A_2984 = arith.truncf %get3A_2983 : f32 to bf16
    %mul3A_2985 = vector.broadcast %convert_element_type3A_2984 : bf16 to vector<56x512xbf16>
    %mul3A_2986 = arith.mulf %mul3A_2979, %mul3A_2985 : vector<56x512xbf16>
    %get3A_2987 = arith.constant 1 : index
    %get3A_2988 = arith.constant 0 : index
    %get3A_2989 = arith.constant 60 : index
    %get3A_2990 = memref.load %arg3[%get3A_2987, %get3A_2988, %get3A_2989] : memref<2x1x64xf32, #tpu.memory_space<smem>>
    %convert_element_type3A_2991 = arith.truncf %get3A_2990 : f32 to bf16
    %sub3A_2992 = vector.broadcast %convert_element_type3A_2991 : bf16 to vector<56x512xbf16>
    %sub3A_2993 = arith.subf %get3A_1628, %sub3A_2992 : vector<56x512xbf16>
    %mul3A_2994 = arith.mulf %sub3A_2993, %sub3A_2993 : vector<56x512xbf16>
    %get3A_2995 = arith.constant 1 : index
    %get3A_2996 = arith.constant 0 : index
    %get3A_2997 = arith.constant 60 : index
    %get3A_2998 = memref.load %arg4[%get3A_2995, %get3A_2996, %get3A_2997] : memref<2x1x64xf32, #tpu.memory_space<smem>>
    %convert_element_type3A_2999 = arith.truncf %get3A_2998 : f32 to bf16
    %mul3A_3000 = vector.broadcast %convert_element_type3A_2999 : bf16 to vector<56x512xbf16>
    %mul3A_3001 = arith.mulf %mul3A_2994, %mul3A_3000 : vector<56x512xbf16>
    %get3A_3002 = arith.constant 1 : index
    %get3A_3003 = arith.constant 0 : index
    %get3A_3004 = arith.constant 61 : index
    %get3A_3005 = memref.load %arg3[%get3A_3002, %get3A_3003, %get3A_3004] : memref<2x1x64xf32, #tpu.memory_space<smem>>
    %convert_element_type3A_3006 = arith.truncf %get3A_3005 : f32 to bf16
    %sub3A_3007 = vector.broadcast %convert_element_type3A_3006 : bf16 to vector<56x512xbf16>
    %sub3A_3008 = arith.subf %get3A_1628, %sub3A_3007 : vector<56x512xbf16>
    %mul3A_3009 = arith.mulf %sub3A_3008, %sub3A_3008 : vector<56x512xbf16>
    %get3A_3010 = arith.constant 1 : index
    %get3A_3011 = arith.constant 0 : index
    %get3A_3012 = arith.constant 61 : index
    %get3A_3013 = memref.load %arg4[%get3A_3010, %get3A_3011, %get3A_3012] : memref<2x1x64xf32, #tpu.memory_space<smem>>
    %convert_element_type3A_3014 = arith.truncf %get3A_3013 : f32 to bf16
    %mul3A_3015 = vector.broadcast %convert_element_type3A_3014 : bf16 to vector<56x512xbf16>
    %mul3A_3016 = arith.mulf %mul3A_3009, %mul3A_3015 : vector<56x512xbf16>
    %get3A_3017 = arith.constant 1 : index
    %get3A_3018 = arith.constant 0 : index
    %get3A_3019 = arith.constant 62 : index
    %get3A_3020 = memref.load %arg3[%get3A_3017, %get3A_3018, %get3A_3019] : memref<2x1x64xf32, #tpu.memory_space<smem>>
    %convert_element_type3A_3021 = arith.truncf %get3A_3020 : f32 to bf16
    %sub3A_3022 = vector.broadcast %convert_element_type3A_3021 : bf16 to vector<56x512xbf16>
    %sub3A_3023 = arith.subf %get3A_1628, %sub3A_3022 : vector<56x512xbf16>
    %mul3A_3024 = arith.mulf %sub3A_3023, %sub3A_3023 : vector<56x512xbf16>
    %get3A_3025 = arith.constant 1 : index
    %get3A_3026 = arith.constant 0 : index
    %get3A_3027 = arith.constant 62 : index
    %get3A_3028 = memref.load %arg4[%get3A_3025, %get3A_3026, %get3A_3027] : memref<2x1x64xf32, #tpu.memory_space<smem>>
    %convert_element_type3A_3029 = arith.truncf %get3A_3028 : f32 to bf16
    %mul3A_3030 = vector.broadcast %convert_element_type3A_3029 : bf16 to vector<56x512xbf16>
    %mul3A_3031 = arith.mulf %mul3A_3024, %mul3A_3030 : vector<56x512xbf16>
    %get3A_3032 = arith.constant 1 : index
    %get3A_3033 = arith.constant 0 : index
    %get3A_3034 = arith.constant 63 : index
    %get3A_3035 = memref.load %arg3[%get3A_3032, %get3A_3033, %get3A_3034] : memref<2x1x64xf32, #tpu.memory_space<smem>>
    %convert_element_type3A_3036 = arith.truncf %get3A_3035 : f32 to bf16
    %sub3A_3037 = vector.broadcast %convert_element_type3A_3036 : bf16 to vector<56x512xbf16>
    %sub3A_3038 = arith.subf %get3A_1628, %sub3A_3037 : vector<56x512xbf16>
    %mul3A_3039 = arith.mulf %sub3A_3038, %sub3A_3038 : vector<56x512xbf16>
    %get3A_3040 = arith.constant 1 : index
    %get3A_3041 = arith.constant 0 : index
    %get3A_3042 = arith.constant 63 : index
    %get3A_3043 = memref.load %arg4[%get3A_3040, %get3A_3041, %get3A_3042] : memref<2x1x64xf32, #tpu.memory_space<smem>>
    %convert_element_type3A_3044 = arith.truncf %get3A_3043 : f32 to bf16
    %mul3A_3045 = vector.broadcast %convert_element_type3A_3044 : bf16 to vector<56x512xbf16>
    %mul3A_3046 = arith.mulf %mul3A_3039, %mul3A_3045 : vector<56x512xbf16>
    %min3A_3047 = arith.minimumf %mul3A_2941, %mul3A_2956 : vector<56x512xbf16>
    %max3A_3048 = arith.maximumf %mul3A_2941, %mul3A_2956 : vector<56x512xbf16>
    %min3A_3049 = arith.minimumf %mul3A_2971, %mul3A_2986 : vector<56x512xbf16>
    %max3A_3050 = arith.maximumf %mul3A_2971, %mul3A_2986 : vector<56x512xbf16>
    %min3A_3051 = arith.minimumf %mul3A_3001, %mul3A_3016 : vector<56x512xbf16>
    %max3A_3052 = arith.maximumf %mul3A_3001, %mul3A_3016 : vector<56x512xbf16>
    %min3A_3053 = arith.minimumf %mul3A_3031, %mul3A_3046 : vector<56x512xbf16>
    %max3A_3054 = arith.maximumf %mul3A_3031, %mul3A_3046 : vector<56x512xbf16>
    %min3A_3055 = arith.minimumf %min3A_3047, %min3A_3049 : vector<56x512xbf16>
    %max3A_3056 = arith.maximumf %min3A_3047, %min3A_3049 : vector<56x512xbf16>
    %min3A_3057 = arith.minimumf %max3A_3048, %max3A_3050 : vector<56x512xbf16>
    %max3A_3058 = arith.maximumf %max3A_3048, %max3A_3050 : vector<56x512xbf16>
    %min3A_3059 = arith.minimumf %min3A_3051, %min3A_3053 : vector<56x512xbf16>
    %max3A_3060 = arith.maximumf %min3A_3051, %min3A_3053 : vector<56x512xbf16>
    %min3A_3061 = arith.minimumf %max3A_3052, %max3A_3054 : vector<56x512xbf16>
    %max3A_3062 = arith.maximumf %max3A_3052, %max3A_3054 : vector<56x512xbf16>
    %min3A_3063 = arith.minimumf %min3A_3057, %max3A_3056 : vector<56x512xbf16>
    %max3A_3064 = arith.maximumf %min3A_3057, %max3A_3056 : vector<56x512xbf16>
    %min3A_3065 = arith.minimumf %min3A_3061, %max3A_3060 : vector<56x512xbf16>
    %max3A_3066 = arith.maximumf %min3A_3061, %max3A_3060 : vector<56x512xbf16>
    %min3A_3067 = arith.minimumf %min3A_3055, %min3A_3059 : vector<56x512xbf16>
    %max3A_3068 = arith.maximumf %min3A_3055, %min3A_3059 : vector<56x512xbf16>
    %min3A_3069 = arith.minimumf %min3A_3063, %min3A_3065 : vector<56x512xbf16>
    %max3A_3070 = arith.maximumf %min3A_3063, %min3A_3065 : vector<56x512xbf16>
    %min3A_3071 = arith.minimumf %max3A_3064, %max3A_3066 : vector<56x512xbf16>
    %max3A_3072 = arith.maximumf %max3A_3064, %max3A_3066 : vector<56x512xbf16>
    %min3A_3073 = arith.minimumf %max3A_3058, %max3A_3062 : vector<56x512xbf16>
    %max3A_3074 = arith.maximumf %max3A_3058, %max3A_3062 : vector<56x512xbf16>
    %min3A_3075 = arith.minimumf %min3A_3071, %max3A_3068 : vector<56x512xbf16>
    %max3A_3076 = arith.maximumf %min3A_3071, %max3A_3068 : vector<56x512xbf16>
    %min3A_3077 = arith.minimumf %min3A_3073, %max3A_3070 : vector<56x512xbf16>
    %max3A_3078 = arith.maximumf %min3A_3073, %max3A_3070 : vector<56x512xbf16>
    %min3A_3079 = arith.minimumf %min3A_3069, %min3A_3075 : vector<56x512xbf16>
    %max3A_3080 = arith.maximumf %min3A_3069, %min3A_3075 : vector<56x512xbf16>
    %min3A_3081 = arith.minimumf %min3A_3077, %max3A_3076 : vector<56x512xbf16>
    %max3A_3082 = arith.maximumf %min3A_3077, %max3A_3076 : vector<56x512xbf16>
    %min3A_3083 = arith.minimumf %max3A_3078, %max3A_3072 : vector<56x512xbf16>
    %max3A_3084 = arith.maximumf %max3A_3078, %max3A_3072 : vector<56x512xbf16>
    %min3A_3085 = arith.minimumf %min3A_2919, %max3A_3074 : vector<56x512xbf16>
    %min3A_3086 = arith.minimumf %max3A_2920, %max3A_3084 : vector<56x512xbf16>
    %min3A_3087 = arith.minimumf %min3A_2921, %min3A_3083 : vector<56x512xbf16>
    %min3A_3088 = arith.minimumf %max3A_2922, %max3A_3082 : vector<56x512xbf16>
    %min3A_3089 = arith.minimumf %min3A_2923, %min3A_3081 : vector<56x512xbf16>
    %min3A_3090 = arith.minimumf %max3A_2924, %max3A_3080 : vector<56x512xbf16>
    %min3A_3091 = arith.minimumf %min3A_2925, %min3A_3079 : vector<56x512xbf16>
    %min3A_3092 = arith.minimumf %max3A_2926, %min3A_3067 : vector<56x512xbf16>
    %min3A_3093 = arith.minimumf %min3A_3085, %min3A_3089 : vector<56x512xbf16>
    %max3A_3094 = arith.maximumf %min3A_3085, %min3A_3089 : vector<56x512xbf16>
    %min3A_3095 = arith.minimumf %min3A_3086, %min3A_3090 : vector<56x512xbf16>
    %max3A_3096 = arith.maximumf %min3A_3086, %min3A_3090 : vector<56x512xbf16>
    %min3A_3097 = arith.minimumf %min3A_3087, %min3A_3091 : vector<56x512xbf16>
    %max3A_3098 = arith.maximumf %min3A_3087, %min3A_3091 : vector<56x512xbf16>
    %min3A_3099 = arith.minimumf %min3A_3088, %min3A_3092 : vector<56x512xbf16>
    %max3A_3100 = arith.maximumf %min3A_3088, %min3A_3092 : vector<56x512xbf16>
    %min3A_3101 = arith.minimumf %min3A_3093, %min3A_3097 : vector<56x512xbf16>
    %max3A_3102 = arith.maximumf %min3A_3093, %min3A_3097 : vector<56x512xbf16>
    %min3A_3103 = arith.minimumf %min3A_3095, %min3A_3099 : vector<56x512xbf16>
    %max3A_3104 = arith.maximumf %min3A_3095, %min3A_3099 : vector<56x512xbf16>
    %min3A_3105 = arith.minimumf %max3A_3094, %max3A_3098 : vector<56x512xbf16>
    %max3A_3106 = arith.maximumf %max3A_3094, %max3A_3098 : vector<56x512xbf16>
    %min3A_3107 = arith.minimumf %max3A_3096, %max3A_3100 : vector<56x512xbf16>
    %max3A_3108 = arith.maximumf %max3A_3096, %max3A_3100 : vector<56x512xbf16>
    %min3A_3109 = arith.minimumf %min3A_3101, %min3A_3103 : vector<56x512xbf16>
    %max3A_3110 = arith.maximumf %min3A_3101, %min3A_3103 : vector<56x512xbf16>
    %min3A_3111 = arith.minimumf %max3A_3102, %max3A_3104 : vector<56x512xbf16>
    %max3A_3112 = arith.maximumf %max3A_3102, %max3A_3104 : vector<56x512xbf16>
    %min3A_3113 = arith.minimumf %min3A_3105, %min3A_3107 : vector<56x512xbf16>
    %max3A_3114 = arith.maximumf %min3A_3105, %min3A_3107 : vector<56x512xbf16>
    %min3A_3115 = arith.minimumf %max3A_3106, %max3A_3108 : vector<56x512xbf16>
    %max3A_3116 = arith.maximumf %max3A_3106, %max3A_3108 : vector<56x512xbf16>
    %convert_element_type3A_3117 = arith.extf %min3A_3109 : vector<56x512xbf16> to vector<56x512xf32>
    %le3A_3118 = arith.constant 2.30258512 : f32
    %le3A_3119 = vector.broadcast %le3A_3118 : f32 to vector<56x512xf32>
    %le3A_3120 = arith.cmpf ole, %convert_element_type3A_3117, %le3A_3119 : vector<56x512xf32>
    %neg3A_3121 = arith.constant 0.000000e+00 : f32
    %neg3A_3122 = vector.broadcast %neg3A_3121 : f32 to vector<56x512xf32>
    %neg3A_3123 = arith.subf %neg3A_3122, %convert_element_type3A_3117 : vector<56x512xf32>
    %exp3A_3124 = math.exp %neg3A_3123 : vector<56x512xf32>
    %jit3A_3125 = arith.constant 0.000000e+00 : f32
    %broadcast_in_dim3A_3126 = vector.broadcast %jit3A_3125 : f32 to vector<56x512xf32>
    %select_n3A_3127 = arith.select %le3A_3120, %exp3A_3124, %broadcast_in_dim3A_3126 : vector<56x512xi1>, vector<56x512xf32>
    %swap3A_3128 = arith.constant 0 : index
    %swap3A_3129 = arith.constant 1 : index
    %swap3A_3130 = arith.constant 0 : index
    %swap3A_3131 = arith.constant 0 : index
    %swap3A_3132 = vector.load %arg6[%swap3A_3128, %swap3A_3129, %swap3A_3130, %swap3A_3131] : memref<56x2x8x512xf32, #tpu.memory_space<vmem>>, vector<56x1x1x512xf32>
    %swap3A_3133 = vector.shape_cast %swap3A_3132 : vector<56x1x1x512xf32> to vector<56x512xf32>
    %swap3A_3134 = vector.shape_cast %select_n3A_3127 : vector<56x512xf32> to vector<56x1x1x512xf32>
    tpu.vector_store %arg6[%swap3A_3128, %swap3A_3129, %swap3A_3130, %swap3A_3131], %swap3A_3134 {strides = array<i32>} : memref<56x2x8x512xf32, #tpu.memory_space<vmem>>, vector<56x1x1x512xf32>,
    %convert_element_type3A_3135 = arith.extf %max3A_3110 : vector<56x512xbf16> to vector<56x512xf32>
    %le3A_3136 = arith.constant 2.30258512 : f32
    %le3A_3137 = vector.broadcast %le3A_3136 : f32 to vector<56x512xf32>
    %le3A_3138 = arith.cmpf ole, %convert_element_type3A_3135, %le3A_3137 : vector<56x512xf32>
    %neg3A_3139 = arith.constant 0.000000e+00 : f32
    %neg3A_3140 = vector.broadcast %neg3A_3139 : f32 to vector<56x512xf32>
    %neg3A_3141 = arith.subf %neg3A_3140, %convert_element_type3A_3135 : vector<56x512xf32>
    %exp3A_3142 = math.exp %neg3A_3141 : vector<56x512xf32>
    %jit3A_3143 = arith.constant 0.000000e+00 : f32
    %broadcast_in_dim3A_3144 = vector.broadcast %jit3A_3143 : f32 to vector<56x512xf32>
    %select_n3A_3145 = arith.select %le3A_3138, %exp3A_3142, %broadcast_in_dim3A_3144 : vector<56x512xi1>, vector<56x512xf32>
    %swap3A_3146 = arith.constant 0 : index
    %swap3A_3147 = arith.constant 1 : index
    %swap3A_3148 = arith.constant 1 : index
    %swap3A_3149 = arith.constant 0 : index
    %swap3A_3150 = vector.load %arg6[%swap3A_3146, %swap3A_3147, %swap3A_3148, %swap3A_3149] : memref<56x2x8x512xf32, #tpu.memory_space<vmem>>, vector<56x1x1x512xf32>
    %swap3A_3151 = vector.shape_cast %swap3A_3150 : vector<56x1x1x512xf32> to vector<56x512xf32>
    %swap3A_3152 = vector.shape_cast %select_n3A_3145 : vector<56x512xf32> to vector<56x1x1x512xf32>
    tpu.vector_store %arg6[%swap3A_3146, %swap3A_3147, %swap3A_3148, %swap3A_3149], %swap3A_3152 {strides = array<i32>} : memref<56x2x8x512xf32, #tpu.memory_space<vmem>>, vector<56x1x1x512xf32>,
    %convert_element_type3A_3153 = arith.extf %min3A_3111 : vector<56x512xbf16> to vector<56x512xf32>
    %le3A_3154 = arith.constant 2.30258512 : f32
    %le3A_3155 = vector.broadcast %le3A_3154 : f32 to vector<56x512xf32>
    %le3A_3156 = arith.cmpf ole, %convert_element_type3A_3153, %le3A_3155 : vector<56x512xf32>
    %neg3A_3157 = arith.constant 0.000000e+00 : f32
    %neg3A_3158 = vector.broadcast %neg3A_3157 : f32 to vector<56x512xf32>
    %neg3A_3159 = arith.subf %neg3A_3158, %convert_element_type3A_3153 : vector<56x512xf32>
    %exp3A_3160 = math.exp %neg3A_3159 : vector<56x512xf32>
    %jit3A_3161 = arith.constant 0.000000e+00 : f32
    %broadcast_in_dim3A_3162 = vector.broadcast %jit3A_3161 : f32 to vector<56x512xf32>
    %select_n3A_3163 = arith.select %le3A_3156, %exp3A_3160, %broadcast_in_dim3A_3162 : vector<56x512xi1>, vector<56x512xf32>
    %swap3A_3164 = arith.constant 0 : index
    %swap3A_3165 = arith.constant 1 : index
    %swap3A_3166 = arith.constant 2 : index
    %swap3A_3167 = arith.constant 0 : index
    %swap3A_3168 = vector.load %arg6[%swap3A_3164, %swap3A_3165, %swap3A_3166, %swap3A_3167] : memref<56x2x8x512xf32, #tpu.memory_space<vmem>>, vector<56x1x1x512xf32>
    %swap3A_3169 = vector.shape_cast %swap3A_3168 : vector<56x1x1x512xf32> to vector<56x512xf32>
    %swap3A_3170 = vector.shape_cast %select_n3A_3163 : vector<56x512xf32> to vector<56x1x1x512xf32>
    tpu.vector_store %arg6[%swap3A_3164, %swap3A_3165, %swap3A_3166, %swap3A_3167], %swap3A_3170 {strides = array<i32>} : memref<56x2x8x512xf32, #tpu.memory_space<vmem>>, vector<56x1x1x512xf32>,
    %convert_element_type3A_3171 = arith.extf %max3A_3112 : vector<56x512xbf16> to vector<56x512xf32>
    %le3A_3172 = arith.constant 2.30258512 : f32
    %le3A_3173 = vector.broadcast %le3A_3172 : f32 to vector<56x512xf32>
    %le3A_3174 = arith.cmpf ole, %convert_element_type3A_3171, %le3A_3173 : vector<56x512xf32>
    %neg3A_3175 = arith.constant 0.000000e+00 : f32
    %neg3A_3176 = vector.broadcast %neg3A_3175 : f32 to vector<56x512xf32>
    %neg3A_3177 = arith.subf %neg3A_3176, %convert_element_type3A_3171 : vector<56x512xf32>
    %exp3A_3178 = math.exp %neg3A_3177 : vector<56x512xf32>
    %jit3A_3179 = arith.constant 0.000000e+00 : f32
    %broadcast_in_dim3A_3180 = vector.broadcast %jit3A_3179 : f32 to vector<56x512xf32>
    %select_n3A_3181 = arith.select %le3A_3174, %exp3A_3178, %broadcast_in_dim3A_3180 : vector<56x512xi1>, vector<56x512xf32>
    %swap3A_3182 = arith.constant 0 : index
    %swap3A_3183 = arith.constant 1 : index
    %swap3A_3184 = arith.constant 3 : index
    %swap3A_3185 = arith.constant 0 : index
    %swap3A_3186 = vector.load %arg6[%swap3A_3182, %swap3A_3183, %swap3A_3184, %swap3A_3185] : memref<56x2x8x512xf32, #tpu.memory_space<vmem>>, vector<56x1x1x512xf32>
    %swap3A_3187 = vector.shape_cast %swap3A_3186 : vector<56x1x1x512xf32> to vector<56x512xf32>
    %swap3A_3188 = vector.shape_cast %select_n3A_3181 : vector<56x512xf32> to vector<56x1x1x512xf32>
    tpu.vector_store %arg6[%swap3A_3182, %swap3A_3183, %swap3A_3184, %swap3A_3185], %swap3A_3188 {strides = array<i32>} : memref<56x2x8x512xf32, #tpu.memory_space<vmem>>, vector<56x1x1x512xf32>,
    %convert_element_type3A_3189 = arith.extf %min3A_3113 : vector<56x512xbf16> to vector<56x512xf32>
    %le3A_3190 = arith.constant 2.30258512 : f32
    %le3A_3191 = vector.broadcast %le3A_3190 : f32 to vector<56x512xf32>
    %le3A_3192 = arith.cmpf ole, %convert_element_type3A_3189, %le3A_3191 : vector<56x512xf32>
    %neg3A_3193 = arith.constant 0.000000e+00 : f32
    %neg3A_3194 = vector.broadcast %neg3A_3193 : f32 to vector<56x512xf32>
    %neg3A_3195 = arith.subf %neg3A_3194, %convert_element_type3A_3189 : vector<56x512xf32>
    %exp3A_3196 = math.exp %neg3A_3195 : vector<56x512xf32>
    %jit3A_3197 = arith.constant 0.000000e+00 : f32
    %broadcast_in_dim3A_3198 = vector.broadcast %jit3A_3197 : f32 to vector<56x512xf32>
    %select_n3A_3199 = arith.select %le3A_3192, %exp3A_3196, %broadcast_in_dim3A_3198 : vector<56x512xi1>, vector<56x512xf32>
    %swap3A_3200 = arith.constant 0 : index
    %swap3A_3201 = arith.constant 1 : index
    %swap3A_3202 = arith.constant 4 : index
    %swap3A_3203 = arith.constant 0 : index
    %swap3A_3204 = vector.load %arg6[%swap3A_3200, %swap3A_3201, %swap3A_3202, %swap3A_3203] : memref<56x2x8x512xf32, #tpu.memory_space<vmem>>, vector<56x1x1x512xf32>
    %swap3A_3205 = vector.shape_cast %swap3A_3204 : vector<56x1x1x512xf32> to vector<56x512xf32>
    %swap3A_3206 = vector.shape_cast %select_n3A_3199 : vector<56x512xf32> to vector<56x1x1x512xf32>
    tpu.vector_store %arg6[%swap3A_3200, %swap3A_3201, %swap3A_3202, %swap3A_3203], %swap3A_3206 {strides = array<i32>} : memref<56x2x8x512xf32, #tpu.memory_space<vmem>>, vector<56x1x1x512xf32>,
    %convert_element_type3A_3207 = arith.extf %max3A_3114 : vector<56x512xbf16> to vector<56x512xf32>
    %le3A_3208 = arith.constant 2.30258512 : f32
    %le3A_3209 = vector.broadcast %le3A_3208 : f32 to vector<56x512xf32>
    %le3A_3210 = arith.cmpf ole, %convert_element_type3A_3207, %le3A_3209 : vector<56x512xf32>
    %neg3A_3211 = arith.constant 0.000000e+00 : f32
    %neg3A_3212 = vector.broadcast %neg3A_3211 : f32 to vector<56x512xf32>
    %neg3A_3213 = arith.subf %neg3A_3212, %convert_element_type3A_3207 : vector<56x512xf32>
    %exp3A_3214 = math.exp %neg3A_3213 : vector<56x512xf32>
    %jit3A_3215 = arith.constant 0.000000e+00 : f32
    %broadcast_in_dim3A_3216 = vector.broadcast %jit3A_3215 : f32 to vector<56x512xf32>
    %select_n3A_3217 = arith.select %le3A_3210, %exp3A_3214, %broadcast_in_dim3A_3216 : vector<56x512xi1>, vector<56x512xf32>
    %swap3A_3218 = arith.constant 0 : index
    %swap3A_3219 = arith.constant 1 : index
    %swap3A_3220 = arith.constant 5 : index
    %swap3A_3221 = arith.constant 0 : index
    %swap3A_3222 = vector.load %arg6[%swap3A_3218, %swap3A_3219, %swap3A_3220, %swap3A_3221] : memref<56x2x8x512xf32, #tpu.memory_space<vmem>>, vector<56x1x1x512xf32>
    %swap3A_3223 = vector.shape_cast %swap3A_3222 : vector<56x1x1x512xf32> to vector<56x512xf32>
    %swap3A_3224 = vector.shape_cast %select_n3A_3217 : vector<56x512xf32> to vector<56x1x1x512xf32>
    tpu.vector_store %arg6[%swap3A_3218, %swap3A_3219, %swap3A_3220, %swap3A_3221], %swap3A_3224 {strides = array<i32>} : memref<56x2x8x512xf32, #tpu.memory_space<vmem>>, vector<56x1x1x512xf32>,
    %convert_element_type3A_3225 = arith.extf %min3A_3115 : vector<56x512xbf16> to vector<56x512xf32>
    %le3A_3226 = arith.constant 2.30258512 : f32
    %le3A_3227 = vector.broadcast %le3A_3226 : f32 to vector<56x512xf32>
    %le3A_3228 = arith.cmpf ole, %convert_element_type3A_3225, %le3A_3227 : vector<56x512xf32>
    %neg3A_3229 = arith.constant 0.000000e+00 : f32
    %neg3A_3230 = vector.broadcast %neg3A_3229 : f32 to vector<56x512xf32>
    %neg3A_3231 = arith.subf %neg3A_3230, %convert_element_type3A_3225 : vector<56x512xf32>
    %exp3A_3232 = math.exp %neg3A_3231 : vector<56x512xf32>
    %jit3A_3233 = arith.constant 0.000000e+00 : f32
    %broadcast_in_dim3A_3234 = vector.broadcast %jit3A_3233 : f32 to vector<56x512xf32>
    %select_n3A_3235 = arith.select %le3A_3228, %exp3A_3232, %broadcast_in_dim3A_3234 : vector<56x512xi1>, vector<56x512xf32>
    %swap3A_3236 = arith.constant 0 : index
    %swap3A_3237 = arith.constant 1 : index
    %swap3A_3238 = arith.constant 6 : index
    %swap3A_3239 = arith.constant 0 : index
    %swap3A_3240 = vector.load %arg6[%swap3A_3236, %swap3A_3237, %swap3A_3238, %swap3A_3239] : memref<56x2x8x512xf32, #tpu.memory_space<vmem>>, vector<56x1x1x512xf32>
    %swap3A_3241 = vector.shape_cast %swap3A_3240 : vector<56x1x1x512xf32> to vector<56x512xf32>
    %swap3A_3242 = vector.shape_cast %select_n3A_3235 : vector<56x512xf32> to vector<56x1x1x512xf32>
    tpu.vector_store %arg6[%swap3A_3236, %swap3A_3237, %swap3A_3238, %swap3A_3239], %swap3A_3242 {strides = array<i32>} : memref<56x2x8x512xf32, #tpu.memory_space<vmem>>, vector<56x1x1x512xf32>,
    %convert_element_type3A_3243 = arith.extf %max3A_3116 : vector<56x512xbf16> to vector<56x512xf32>
    %le3A_3244 = arith.constant 2.30258512 : f32
    %le3A_3245 = vector.broadcast %le3A_3244 : f32 to vector<56x512xf32>
    %le3A_3246 = arith.cmpf ole, %convert_element_type3A_3243, %le3A_3245 : vector<56x512xf32>
    %neg3A_3247 = arith.constant 0.000000e+00 : f32
    %neg3A_3248 = vector.broadcast %neg3A_3247 : f32 to vector<56x512xf32>
    %neg3A_3249 = arith.subf %neg3A_3248, %convert_element_type3A_3243 : vector<56x512xf32>
    %exp3A_3250 = math.exp %neg3A_3249 : vector<56x512xf32>
    %jit3A_3251 = arith.constant 0.000000e+00 : f32
    %broadcast_in_dim3A_3252 = vector.broadcast %jit3A_3251 : f32 to vector<56x512xf32>
    %select_n3A_3253 = arith.select %le3A_3246, %exp3A_3250, %broadcast_in_dim3A_3252 : vector<56x512xi1>, vector<56x512xf32>
    %swap3A_3254 = arith.constant 0 : index
    %swap3A_3255 = arith.constant 1 : index
    %swap3A_3256 = arith.constant 7 : index
    %swap3A_3257 = arith.constant 0 : index
    %swap3A_3258 = vector.load %arg6[%swap3A_3254, %swap3A_3255, %swap3A_3256, %swap3A_3257] : memref<56x2x8x512xf32, #tpu.memory_space<vmem>>, vector<56x1x1x512xf32>
    %swap3A_3259 = vector.shape_cast %swap3A_3258 : vector<56x1x1x512xf32> to vector<56x512xf32>
    %swap3A_3260 = vector.shape_cast %select_n3A_3253 : vector<56x512xf32> to vector<56x1x1x512xf32>
    tpu.vector_store %arg6[%swap3A_3254, %swap3A_3255, %swap3A_3256, %swap3A_3257], %swap3A_3260 {strides = array<i32>} : memref<56x2x8x512xf32, #tpu.memory_space<vmem>>, vector<56x1x1x512xf32>,
    return
  }
  func.func @transform_0(%arg0: i32, %arg1: i32, %arg2: i32) -> (i32, i32, i32) {
    %c0_i32 = arith.constant 0 : i32
    %c0_i32_0 = arith.constant 0 : i32
    %c0_i32_1 = arith.constant 0 : i32
    return %arg1, %c0_i32, %c0_i32_0 : i32, i32, i32
  }
  func.func @transform_1(%arg0: i32, %arg1: i32, %arg2: i32) -> (i32, i32, i32) {
    %c0_i32 = arith.constant 0 : i32
    %c0_i32_0 = arith.constant 0 : i32
    %c0_i32_1 = arith.constant 0 : i32
    return %arg1, %c0_i32, %c0_i32_0 : i32, i32, i32
  }
  func.func @transform_2(%arg0: i32, %arg1: i32, %arg2: i32) -> (i32, i32, i32) {
    %c0_i32 = arith.constant 0 : i32
    return %arg1, %arg0, %arg2 : i32, i32, i32
  }
  func.func @transform_3(%arg0: i32, %arg1: i32, %arg2: i32) -> (i32, i32, i32, i32) {
    %c0_i32 = arith.constant 0 : i32
    %c0_i32_0 = arith.constant 0 : i32
    return %arg0, %arg1, %c0_i32, %arg2 : i32, i32, i32, i32
  }
}

</mosaic_0001>

<sc_bundles>
// kernel: kernel.4.cloned.1.call-start
scs
__scs_entry_jumppad:
0x0: {  	(pc) =	sbr.rel $0x88, $3  }
0x1: {  	(tag) =	ssettag $0x0;
	lr =	simm.s32 $0x1  }
0x2: {  	[smem:$0x3F9F] =	sst lr;
	_ =	strace $0xD0000000  }
0x3: {  	_ = 	snop  }
0x4: {  	_ = 	snop  }
0x5: {  	_ = 	snop  }
0x6: {  	_ = 	snop  }
0x7: {  	_ = 	snop  }
__scs_overlays_trampoline_lowered:
0x8: {  	[smem:$0x3FAE] =	sst s0  }
0x9: {  	[smem:$0x3FAF] =	sst s1  }
0xa: {  	[smem:$0x3FB0] =	sst s2  }
0xb: {  	[smem:$0x3FB1] =	sst s3  }
0xc: {  	[smem:$0x3FB2] =	sst s4  }
0xd: {  	[smem:$0x3FB3] =	sst s5  }
0xe: {  	[smem:$0x3FB4] =	sst s6  }
0xf: {  	[smem:$0x3FB5] =	sst s7  }
0x10: {  	[smem:$0x3FB6] =	sst s8  }
0x11: {  	[smem:$0x3FB7] =	sst s9;
	s0 =	simm.s32 @!p0 $0x0  }
0x12: {  	s1 =	sld [smem:$0x3F9D];
	s0 =	simm.s32 @p0 $0x1  }
0x13: {  	[smem:$0x3FB8] =	sst s0;
	s0 =	simm.s32 @!p1 $0x0  }
0x14: {  	s2 =	sld [smem:$0x3F9C];
	s0 =	simm.s32 @p1 $0x1  }
0x15: {  	[smem:$0x3FB9] =	sst s0;
	s0 =	simm.s32 @!p2 $0x0  }
0x16: {  	s3 =	sld [smem:$0x3FDB];
	s0 =	simm.s32 @p2 $0x1  }
0x17: {  	s4 =	simm.s32 $0x1BF5;
	[smem:$0x3FBB] =	sst s0  }
0x18: {  	s0 =	sld [smem:$0x3F9E];
	_ =	swait.ge [sflag:s4], $0x0  }
0x19: {  	s7 =	sld [smem:$0x3F9F]  }
0x1a: {  	s8 =	sadd.s32 $0xFFFFE003, lr  }
0x1b: {  	s9 =	sadd.s32 $0xFFFFFEF7, lr;
	s5 =	simm.s32 $0xFFFFFFFF;
	p2 =	slt.u32 s8, $0xFFFFF086  }
0x1c: {  	p1 =	slt.u32 s9, $0xF7A;
	s5 =	simm.s32 @!p2 $0x0  }
0x1d: {  	s5 =	simm.s32 @p1 $0x1;
	p0 =	seq.s32 s7, s2  }
0x1e: {  	s7 =	smul.u32 @!p0 $0xF7A, s2;
	p2 =	seq.s32 @!p0 s5, $0x0  }
0x1f: {  	s9 =	smul.u32 $0xF7A, s1;
	s8 =	simm.s32 @!p0 $0x1BF5;
	p2 =	por !p2, p0  }
0x20: {  	[sflag:s8] =	ssyncset.s32 @!p0 $0xFFFFF086;
	s6 =	sadd.s32 @!p0 s3, s7;
	s7 =	simm.s32 @!p0 $0x108  }
0x21: {  	s3 =	sadd.s32 s3, s9;
	s6 =	sadd.s32 @!p0 $0x88, s6;
	s7 =	simm.s32 @p2 $0x1082  }
0x22: {  	[simem:s7], [sflag:s8] =	dma.local @!p0 [hbm:s6], $0xF7A  }
0x23: {  	s9 =	sor.u32 $0xD0000000, s2;
	s6 =	simm.s32 $0x108;
	_ =	swait.ge @!p0 [sflag:s8], $0x0  }
0x24: {  	s3 =	sadd.s32 $0x88, s3;
	s6 =	simm.s32 @!p1 $0x1082;
	[sflag:s4] =	ssyncset.s32 $0xFFFFF086  }
0x25: {  	[simem:s6], [sflag:s4] =	dma.local [hbm:s3], $0xF7A  }
0x26: {  	[smem:$0x3F9F] =	sst s1;
	(tag) =	ssettag s2;
	_ =	strace s9  }
0x27: {  	s1 =	sld [smem:$0x3FAF]  }
0x28: {  	s2 =	sld [smem:$0x3FB0]  }
0x29: {  	s4 =	sld [smem:$0x3FB2]  }
0x2a: {  	p0 =	seq.s32 s5, $0x0;
	s5 =	sld [smem:$0x3FB3]  }
0x2b: {  	s6 =	sld [smem:$0x3FB4]  }
0x2c: {  	s7 =	sld [smem:$0x3FB5]  }
0x2d: {  	s3 =	simm.s32 $0x108;
	s8 =	sld [smem:$0x3FB6]  }
0x2e: {  	s3 =	simm.s32 @!p0 $0x1082;
	s9 =	sld [smem:$0x3FB7]  }
0x2f: {  	lr =	sadd.s32 s0, s3;
	s0 =	sld [smem:$0x3FAE]  }
0x30: {  	s3 =	sld [smem:$0x3FB1]  }
0x31: {  	[smem:$0x3FBA] =	sst s10  }
0x32: {  	s10 =	sld [smem:$0x3FB8];
	_ =	sdelay $0x3  }
0x33: {  	p0 =	seq.s32 s10, $0x1;
	s10 =	sld [smem:$0x3FBA];
	_ =	sdelay $0x3  }
0x34: {  	[smem:$0x3FBA] =	sst s10  }
0x35: {  	s10 =	sld [smem:$0x3FB9];
	_ =	sdelay $0x3  }
0x36: {  	p1 =	seq.s32 s10, $0x1;
	s10 =	sld [smem:$0x3FBA];
	_ =	sdelay $0x3  }
0x37: {  	[smem:$0x3FBA] =	sst s10  }
0x38: {  	s10 =	sld [smem:$0x3FBB]  }
0x39: {  	_ = 	snop;
	(pc) =	sbr.ind lr, $3  }
0x3a: {  	_ = 	snop  }
0x3b: {  	_ = 	snop  }
0x3c: {  	p2 =	seq.s32 s10, $0x1;
	s10 =	sld [smem:$0x3FBA]  }
0x3d: {  	_ =	shalt  }
0x3e: {  	_ =	shalt  }
0x3f: {  	_ =	shalt  }
0x40: {  	_ =	shalt  }
0x41: {  	_ =	shalt  }
0x42: {  	_ =	shalt  }
0x43: {  	_ =	shalt  }
0x44: {  	_ =	shalt  }
0x45: {  	_ =	shalt  }
0x46: {  	_ =	shalt  }
0x47: {  	_ =	shalt  }
0x48: {  	_ =	shalt  }
0x49: {  	_ =	shalt  }
0x4a: {  	_ =	shalt  }
0x4b: {  	_ =	shalt  }
0x4c: {  	_ =	shalt  }
0x4d: {  	_ =	shalt  }
0x4e: {  	_ =	shalt  }
0x4f: {  	_ =	shalt  }
0x50: {  	_ =	shalt  }
0x51: {  	_ =	shalt  }
0x52: {  	_ =	shalt  }
0x53: {  	_ =	shalt  }
0x54: {  	_ =	shalt  }
0x55: {  	_ =	shalt  }
0x56: {  	_ =	shalt  }
0x57: {  	_ =	shalt  }
0x58: {  	_ =	shalt  }
0x59: {  	_ =	shalt  }
0x5a: {  	_ =	shalt  }
0x5b: {  	_ =	shalt  }
0x5c: {  	_ =	shalt  }
0x5d: {  	_ =	shalt  }
0x5e: {  	_ =	shalt  }
0x5f: {  	_ =	shalt  }
0x60: {  	_ =	shalt  }
0x61: {  	_ =	shalt  }
0x62: {  	_ =	shalt  }
0x63: {  	_ =	shalt  }
0x64: {  	_ =	shalt  }
0x65: {  	_ =	shalt  }
0x66: {  	_ =	shalt  }
0x67: {  	_ =	shalt  }
0x68: {  	_ =	shalt  }
0x69: {  	_ =	shalt  }
0x6a: {  	_ =	shalt  }
0x6b: {  	_ =	shalt  }
0x6c: {  	_ =	shalt  }
0x6d: {  	_ =	shalt  }
0x6e: {  	_ =	shalt  }
0x6f: {  	_ =	shalt  }
0x70: {  	_ =	shalt  }
0x71: {  	_ =	shalt  }
0x72: {  	_ =	shalt  }
0x73: {  	_ =	shalt  }
0x74: {  	_ =	shalt  }
0x75: {  	_ =	shalt  }
0x76: {  	_ =	shalt  }
0x77: {  	_ =	shalt  }
0x78: {  	_ =	shalt  }
0x79: {  	_ =	shalt  }
0x7a: {  	_ =	shalt  }
0x7b: {  	_ =	shalt  }
0x7c: {  	_ =	shalt  }
0x7d: {  	_ =	shalt  }
0x7e: {  	_ =	shalt  }
0x7f: {  	_ =	shalt  }
0x80: {  	_ =	shalt  }
0x81: {  	_ =	shalt  }
0x82: {  	_ =	shalt  }
0x83: {  	_ =	shalt  }
0x84: {  	_ =	shalt  }
0x85: {  	_ =	shalt  }
0x86: {  	_ =	shalt  }
0x87: {  	_ =	shalt  }
.Lfunc_end0:
.L_simem_size_0:
called_computation_lowered:
.L_overlay_start_0:
0x88: {  	s2 =	sld [smem:$0x3FD9]  }
0x89: {  	s3 =	sld [smem:$0x3FFE];
	_ =	sdelay $0x1  }
0x8a: {  	s1 =	srdreg.scid  }
0x8b: {  	s0 =	sand.u32 $0x1, s1  }
0x8c: {  	s17 =	sshll.u32 s0, $0xA;
	s2 =	sadd.s32 s3, s2  }
0x8d: {  	s2 =	sadd.s32 s2, s17  }
0x8e: {  	[smem:$0x3FC6] =	sst s2  }
0x8f: {  	_ = 	snop  }
0x90: {  	s2 =	sld [smem:$0x3FD0];
	(tm) =	ssettm $0x1  }
0x91: {  	s18 =	sld [smem:$0x3FFB];
	_ =	sdelay $0x3  }
0x92: {  	_ =	strace s18  }
0x93: {  	s3 =	sld [smem:$0x3FFC];
	_ =	sdelay $0x3  }
0x94: {  	_ =	strace s3  }
0x95: {  	s3 =	sld [smem:$0x3FFD];
	_ =	sdelay $0x3  }
0x96: {  	_ =	strace s3  }
0x97: {  	_ =	strace $0x8FFFFFFF  }
0x98: {  	s19 =	sld [smem:$0x3FDB];
	_ =	sdelay $0x1  }
0x99: {  	s4 =	simm.s32 $_scs_section_size  }
0x9a: {  	s5 =	simm.s32 $_size__tile_overlayer_lowered;
	s6 =	simm.s32 $_tile_overlayer_lowered  }
0x9b: {  	s22 =	simm.s32 $0x1BFF;
	s21 =	sshll.u32 s6, $0x1;
	s3 =	sadd.s32 s4, s19  }
0x9c: {  	s7 =	simm.s32 $0x0;
	s20 =	sshll.u32 s5, $0x1;
	s5 =	sadd.s32 s21, s3  }
0x9d: {  	[timem:s7], [sflag:s22] =	dma.local [hbm:s5], s20  }
0x9e: {  	_ =	swait.ge [sflag:s22], s20  }
0x9f: {  	s4 =	ssub.s32 $0x0, s20;
	[sflag:s22] =	ssyncset.done $0x0  }
0xa0: {  	[sflag:s22] =	ssyncadd.s32 s4;
	_ =	sdelay $0x1  }
0xa1: {  	s23 =	simm.s32 $0x1B8B  }
0xa2: {  	_ =	swait.ge [sflag:s23], $0x1  }
0xa3: {  	[sflag:s23] =	ssyncset.done $0x0  }
0xa4: {  	s25 =	simm.s32 $0x1B8E;
	s24 =	sld [smem:$0x3FFE];
	[sflag:s23] =	ssyncadd.s32 $0xFFFFFFFF  }
0xa5: {  	s26 =	simm.s32 $execute0_lowered;
	[smem:$0x3FD2] =	sst s25  }
0xa6: {  	s5 =	sshll.u32 s26, $0x1;
	_ =	strace $0x80000046;
	[dreg:$0x1] =	wrdreg $0xFFFFFFFF  }
0xa7: {  	s28 =	simm.s32 $_size_execute0_lowered;
	s3 =	sadd.s32 s3, s5;
	[dreg:$0x0] =	wrdreg $0x0  }
0xa8: {  	s5 =	sshll.u32 s28, $0x1;
	[dreg:$0x2] =	wrdreg s3  }
0xa9: {  	[dreg:$0x3] =	wrdreg s5  }
0xaa: {  	[dreg:$0x4] =	wrdreg $0xC0  }
0xab: {  	_ =	task [dreg:s7], $0x5FFFF  }
0xac: {  	[dreg:$0x1] =	wrdreg $0xFFFFFFFF  }
0xad: {  	[dreg:$0x0] =	wrdreg $0x60  }
0xae: {  	[dreg:$0x2] =	wrdreg s24  }
0xaf: {  	[dreg:$0x3] =	wrdreg s2  }
0xb0: {  	[dreg:$0x4] =	wrdreg $0x9  }
0xb1: {  	_ =	task.clear_ibuf [dreg:s7], $0x5FFFF;
	_ =	strace $0x90000046  }
0xb2: {  	s29 =	simm.s32 $0x9;
	_ =	strace $0x80000048  }
0xb3: {  	_ =	swait.ge [sflag:s29], $0x1  }
0xb4: {  	[sflag:s29] =	ssyncadd.s32 $0xFFFFFFFF  }
0xb5: {  	_ =	strace $0x90000048  }
0xb6: {  	_ =	sfence  }
0xb7: {  	s30 =	sld [smem:$0x0];
	_ =	sdelay $0x2  }
0xb8: {  	s31 =	sshll.u32 s1, $0xD;
	s1 =	sshrl.u32 s1, $0x2  }
0xb9: {  	s3 =	sand.u32 $0x4000, s31;
	s1 =	sadd.s32 s1, s30  }
0xba: {  	s0 =	sor.u32 s3, s0;
	s1 =	sshll.u32 s1, $0x11  }
0xbb: {  	s0 =	sor.u32 s1, s0  }
0xbc: {  	s0 =	sadd.s32 $0x8F2B, s0  }
0xbd: {  	[sflag:s0] =	ssyncadd.remote.s32 $0x1  }
0xbe: {  	_ =	sfence.sel $0xFFFF  }
0xbf: {  	[dreg:$0x0] =	wrdreg $0xFFFFFFFF;
	(pc) =	sbr.abs _section_cstart, $3  }
0xc0: {  	[dreg:$0x1] =	wrdreg $0xFFFFFFFF  }
0xc1: {  	_ =	task.clear_ibuf [dreg:s7], $0x2FFFF;
	_ =	strace $0x9FFFFFFF  }
0xc2: {  	(tm) =	ssettm $0x7FFFFFFF  }
0xc3: {  	_ =	shalt  }
tec
execute0_lowered:
.L_overlay_start_1:
0x0: {  	(tag) =	ssettag $0x1  }
0x1: {  	s6 =	rddreg [dreg:$0x0]  }
0x2: {  	s1 =	rddreg [dreg:$0x1]  }
0x3: {  	s0 =	rddreg [dreg:$0x2]  }
0x4: {  	v0 =	vlaneseq.u32;
	s2 =	simm.s32 $0x0;
	s4 =	srdreg.scid;
	vm0 =	vmmov $0xff;
	s11 =	simm.s32 $0x1608  }
0x5: {  	v2 =	vimm.s32 $0x1;
	v3 =	vimm.s32 $0x2;
	v4 =	vimm.s32 $0x3;
	s12 =	simm.s32 $0x200;
	s13 =	simm.s32 $0x0;
	[smem:$0x7FF] =	sst s2  }
0x6: {  	v5 =	vimm.s32 $0x4;
	v6 =	vimm.s32 $0x5;
	v7 =	vimm.s32 $0x6;
	s3 =	sadd.s32 $0xA00, s6;
	s7 =	sand.u32 $0x1, s4;
	s5 =	sadd.s32 $0x600, s6  }
0x7: {  	v8 =	vimm.s32 $0x7;
	v9 =	vimm.s32 $0x8;
	v10 =	vimm.s32 $0x9;
	s4 =	stileid.u32;
	s6 =	sadd.s32 $0x800, s6;
	s8 =	ssub.s32 $0x2, s7  }
0x8: {  	v11 =	vimm.s32 $0xA;
	v12 =	vimm.s32 $0xB;
	v1 =	vmul.u32 $0xFFFFFFFF, v0;
	s10 =	sshll.u32 s4, $0x3;
	s7 =	sshll.u32 s7, $0x2;
	s9 =	sshrl.u32 s8, $0x1  }
0x9: {  	v13 =	vimm.s32 $0xC;
	v14 =	vimm.s32 $0xD;
	v15 =	vimm.s32 $0xE;
	_ =	strace $0x80000047;
	s7 =	sor.u32 s7, s10;
	s8 =	ssub.s32 s8, s9  }
0xa: {  	v16 =	vimm.s32 $0xF;
	v0 =	vimm.s32 $0x0;
	v1 =	vadd.s32 $0xF, v1;
	s10 =	simm.s32 $0x1;
	s9 =	simm.s32 $0x1208;
	s8 =	smax.u32 s8, $0x1  }
.LBB2_1:
0xb: {  	[tilespmem:s9], [sflag:$0x1] =	stream.linear.gather [hbm4b:s5+s2], $0x400, $0x38;
	[tilespmem:$0x1A08] =	vst v63  }
0xc: {  	_ =	swait.ge [sflag:s10], $0x400  }
0xd: {  	[sflag:s10] =	ssyncset.done $0x0  }
0xe: {  	[sflag:s10] =	ssyncadd.s32 $0xFFFFFC00  }
0xf: {  	[tilespmem:s11], [sflag:$0x1] =	stream.linear.gather [hbm4b:s6+s2], $0x400, $0x38;
	[tilespmem:$0x1A08] =	vst v63  }
0x10: {  	_ =	swait.ge [sflag:s10], $0x400  }
0x11: {  	[sflag:s10] =	ssyncset.done $0x0  }
0x12: {  	s14 =	simm.s32 $0x0;
	[sflag:s10] =	ssyncadd.s32 $0xFFFFFC00  }
.LBB2_2:
0x13: {  	s15 =	sadd.s32 s7, s14  }
0x14: {  	s16 =	sshll.u32 s15, $0x6  }
0x15: {  	s18 =	simm.s32 $0x0;
	s17 =	sadd.s32 s3, s16  }
0x16: {  	[tilespmem:s18], [sflag:$0x1] =	stream.linear.gather [hbm4b:s17+s18], $0x200, $0x38;
	[tilespmem:$0x1A08] =	vst v63  }
0x17: {  	_ =	swait.ge [sflag:s10], $0x200  }
0x18: {  	[sflag:s10] =	ssyncset.done $0x0  }
0x19: {  	s31 =	simm.s32 $0x0;
	[sflag:s10] =	ssyncadd.s32 $0xFFFFFE00  }
0x1a: {  	s16 =	sand.u32 $0x3C0, s16;
	v25 =	vld [tilespmem:s31+$0x0]  }
0x1b: {  	v24 =	vld [tilespmem:s16+$0x1238]  }
0x1c: {  	v23 =	vld [tilespmem:s16+$0x1218]  }
0x1d: {  	v22 =	vld [tilespmem:s16+$0x1228]  }
0x1e: {  	v18 =	vld [tilespmem:s16+$0x1208]  }
0x1f: {  	v26 =	vperm.xlane v25, v0;
	v27 =	vperm.xlane v25, v2  }
0x20: {  	v21 =	vld [tilespmem:s16+$0x1638];
	v28 =	vperm.xlane v25, v3  }
0x21: {  	v20 =	vld [tilespmem:s16+$0x1618];
	v29 =	vperm.xlane v25, v4;
	v17 =	vsub.f32 v26, v24;
	v30 =	vsub.f32 v27, v24  }
0x22: {  	v19 =	vld [tilespmem:s16+$0x1628];
	v31 =	vperm.xlane v25, v5;
	v32 =	vsub.f32 v26, v23;
	v34 =	vsub.f32 v26, v22  }
0x23: {  	v36 =	vsub.f32 v27, v23;
	v26 =	vsub.f32 v26, v18;
	v35 =	vmul.f32 v17, v17  }
0x24: {  	v37 =	vsub.f32 v27, v22;
	v17 =	vld [tilespmem:s16+$0x1608];
	v30 =	vmul.f32 v30, v30;
	v32 =	vmul.f32 v32, v32  }
0x25: {  	v27 =	vsub.f32 v27, v18;
	v34 =	vmul.f32 v34, v34;
	v35 =	vmul.f32 v35, v21  }
0x26: {  	v46 =	vsub.f32 v28, v24;
	v36 =	vmul.f32 v36, v36;
	v32 =	vmul.f32 v32, v20  }
0x27: {  	v26 =	vmul.f32 v26, v26;
	v34 =	vmul.f32 v34, v19;
	(xrf1) =	vsort.ascd.msk.f32 $0xffff, v35, v35  }
0x28: {  	v43 =	vmul.f32 v37, v37;
	v30 =	vmul.f32 v30, v21;
	(xrf1) =	vsort.ascd.msk.f32 $0xffff, v32, v32  }
0x29: {  	v27 =	vmul.f32 v27, v27;
	v26 =	vmul.f32 v26, v17;
	(xrf1) =	vsort.ascd.msk.f32 $0xffff, v34, v34  }
0x2a: {  	v44 =	vmul.f32 v36, v20;
	v45 =	vmul.f32 v43, v19;
	(xrf1) =	vsort.ascd.msk.f32 $0xffff, v30, v30  }
0x2b: {  	(xrf1) =	vsort.ascd.msk.f32 $0xffff, v26, v26;
	v26 =	vmul.f32 v27, v17;
	v27 =	vsub.f32 v28, v23  }
0x2c: {  	v47 =	vsub.f32 v28, v22;
	v32 =	vmul.f32 v46, v46;
	(xrf1) =	vsort.ascd.msk.f32 $0xffff, v44, v44  }
0x2d: {  	v28 =	vsub.f32 v28, v18;
	v27 =	vmul.f32 v27, v27;
	(xrf1) =	vsort.ascd.msk.f32 $0xffff, v45, v45  }
0x2e: {  	v48 =	vmul.f32 v47, v47;
	v32 =	vmul.f32 v32, v21;
	(xrf1) =	vsort.ascd.msk.f32 $0xffff, v26, v26  }
0x2f: {  	v49 =	vsub.f32 v29, v24;
	v26 =	vmul.f32 v28, v28;
	v27 =	vmul.f32 v27, v20  }
0x30: {  	v50 =	vsub.f32 v29, v23;
	v30 =	vmul.f32 v48, v19;
	(xrf1) =	vsort.ascd.msk.f32 $0xffff, v32, v32  }
0x31: {  	v28 =	vmul.f32 v49, v49;
	v26 =	vmul.f32 v26, v17;
	(xrf1) =	vsort.ascd.msk.f32 $0xffff, v27, v27  }
0x32: {  	v51 =	vmul.f32 v50, v50;
	v27 =	vsub.f32 v29, v22;
	(xrf1) =	vsort.ascd.msk.f32 $0xffff, v30, v30  }
0x33: {  	v28 =	vmul.f32 v28, v21;
	v29 =	vsub.f32 v29, v18;
	(xrf1) =	vsort.ascd.msk.f32 $0xffff, v26, v26  }
0x34: {  	v27 =	vmul.f32 v27, v27;
	v26 =	vmul.f32 v51, v20  }
0x35: {  	v55 =	vsub.f32 v31, v24;
	v29 =	vmul.f32 v29, v29;
	v52, _, _ =	vpop (xrf1);
	(xrf1) =	vsort.ascd.msk.f32 $0xffff, v28, v28  }
0x36: {  	v27 =	vmul.f32 v27, v19;
	v53 =	vperm.xlane v52, v1;
	v54, _, _ =	vpop (xrf1);
	(xrf1) =	vsort.ascd.msk.f32 $0xffff, v26, v26  }
0x37: {  	v59 =	vsub.f32 v31, v22;
	v32 =	vmul.f32 v55, v55;
	v26 =	vmul.f32 v29, v17;
	v56, _, _ =	vpop (xrf1)  }
0x38: {  	v30 =	vperm.xlane v54, v1;
	(xrf1) =	vsort.ascd.msk.f32 $0xffff, v27, v27;
	v28 =	vsel vm0, v56, v53;
	v57, _, _ =	vpop (xrf1)  }
0x39: {  	v60 =	vmul.f32 v32, v21;
	v27 =	vsub.f32 v31, v23;
	v58, _, _ =	vpop (xrf1);
	(xrf1) =	vsort.ascd.msk.f32 $0xffff, v28, v28  }
0x3a: {  	v30 =	vsel vm0, v58, v30;
	(xrf1) =	vsort.ascd.msk.f32 $0xffff, v26, v26;
	v26 =	vperm.xlane v57, v1;
	v61, _, _ =	vpop (xrf1)  }
0x3b: {  	v27 =	vmul.f32 v27, v27;
	(xrf1) =	vsort.ascd.msk.f32 $0xffff, v30, v30;
	v62 =	vperm.xlane v61, v1;
	v63, _, _ =	vpop (xrf1)  }
0x3c: {  	v28 =	vmul.f32 v59, v59;
	v26 =	vsel vm0, v63, v26;
	v36, _, _ =	vpop (xrf1);
	(xrf1) =	vsort.ascd.msk.f32 $0xffff, v60, v60  }
0x3d: {  	v27 =	vmul.f32 v27, v20;
	v37 =	vsel vm0, v36, v62;
	(xrf1) =	vsort.ascd.msk.f32 $0xffff, v26, v26  }
0x3e: {  	v28 =	vmul.f32 v28, v19;
	v26 =	vsub.f32 v31, v18;
	v38, _, _ =	vpop (xrf1);
	(xrf1) =	vsort.ascd.msk.f32 $0xffff, v37, v37  }
0x3f: {  	v33 =	vperm.xlane v25, v6;
	v29 =	vperm.xlane v38, v1;
	v40, _, _ =	vpop (xrf1);
	(xrf1) =	vsort.ascd.msk.f32 $0xffff, v27, v27  }
0x40: {  	v26 =	vmul.f32 v26, v26;
	v27 =	vperm.xlane v40, v1;
	v41, _, _ =	vpop (xrf1);
	(xrf1) =	vsort.ascd.msk.f32 $0xffff, v28, v28  }
0x41: {  	v39 =	vsub.f32 v33, v24;
	v43 =	vsub.f32 v33, v23;
	v42 =	vsel vm0, v41, v29;
	v44, _, _ =	vpop (xrf1)  }
0x42: {  	v26 =	vmul.f32 v26, v17;
	(xrf1) =	vsort.ascd.msk.f32 $0xffff, v42, v42;
	v27 =	vsel vm0, v44, v27  }
0x43: {  	v46 =	vmul.f32 v43, v43;
	v30 =	vmul.f32 v39, v39;
	v48, _, _ =	vpop (xrf1);
	(xrf1) =	vsort.ascd.msk.f32 $0xffff, v27, v27  }
0x44: {  	v45 =	vsub.f32 v33, v22;
	v51 =	vsub.f32 v33, v18;
	v50, _, _ =	vpop (xrf1);
	(xrf1) =	vsort.ascd.msk.f32 $0xffff, v26, v26  }
0x45: {  	v47 =	vmul.f32 v30, v21;
	v27 =	vperm.xlane v48, v1  }
0x46: {  	v49 =	vmul.f32 v45, v45;
	v56 =	vmul.f32 v51, v51;
	v52, _, _ =	vpop (xrf1)  }
0x47: {  	v28 =	vmul.f32 v46, v20;
	(xrf1) =	vsort.ascd.msk.f32 $0xffff, v47, v47;
	v27 =	vsel vm0, v52, v27;
	v53, _, _ =	vpop (xrf1)  }
0x48: {  	v26 =	vperm.xlane v50, v1;
	(xrf1) =	vsort.ascd.msk.f32 $0xffff, v27, v27;
	v27 =	vperm.xlane v25, v7;
	v54, _, _ =	vpop (xrf1)  }
0x49: {  	v30 =	vmul.f32 v49, v19;
	v29 =	vperm.xlane v53, v1;
	(xrf1) =	vsort.ascd.msk.f32 $0xffff, v28, v28;
	v55, _, _ =	vpop (xrf1)  }
0x4a: {  	v28 =	vmul.f32 v56, v17;
	v26 =	vsel vm0, v54, v26;
	v60 =	vsub.f32 v27, v23;
	v57, _, _ =	vpop (xrf1)  }
0x4b: {  	v29 =	vsel vm0, v55, v29;
	(xrf1) =	vsort.ascd.msk.f32 $0xffff, v26, v26;
	v26 =	vsub.f32 v27, v24;
	v59, _, _ =	vpop (xrf1)  }
0x4c: {  	v62 =	vsub.f32 v27, v22;
	(xrf1) =	vsort.ascd.msk.f32 $0xffff, v29, v29;
	v32 =	vperm.xlane v59, v1;
	v61, _, _ =	vpop (xrf1)  }
0x4d: {  	v31 =	vperm.xlane v57, v1;
	(xrf1) =	vsort.ascd.msk.f32 $0xffff, v30, v30;
	v26 =	vmul.f32 v26, v26;
	v63, _, _ =	vpop (xrf1)  }
0x4e: {  	v36 =	vmul.f32 v60, v60;
	(xrf1) =	vsort.ascd.msk.f32 $0xffff, v28, v28;
	v37 =	vsel vm0, v61, v32;
	v38, _, _ =	vpop (xrf1)  }
0x4f: {  	v26 =	vmul.f32 v26, v21;
	v31 =	vsel vm0, v38, v31;
	(xrf1) =	vsort.ascd.msk.f32 $0xffff, v37, v37  }
0x50: {  	v27 =	vsub.f32 v27, v18;
	v39 =	vmul.f32 v62, v62;
	v40, _, _ =	vpop (xrf1);
	(xrf1) =	vsort.ascd.msk.f32 $0xffff, v31, v31  }
0x51: {  	v28 =	vmul.f32 v36, v20;
	(xrf1) =	vsort.ascd.msk.f32 $0xffff, v26, v26;
	v26 =	vperm.xlane v63, v1;
	v42, _, _ =	vpop (xrf1)  }
0x52: {  	v41 =	vmul.f32 v39, v19;
	v30 =	vperm.xlane v40, v1;
	v44, _, _ =	vpop (xrf1)  }
0x53: {  	v27 =	vmul.f32 v27, v27;
	(xrf1) =	vsort.ascd.msk.f32 $0xffff, v28, v28;
	v26 =	vsel vm0, v44, v26  }
0x54: {  	v30 =	vsel vm0, v42, v30;
	(xrf1) =	vsort.ascd.msk.f32 $0xffff, v41, v41  }
0x55: {  	v58 =	vperm.xlane v25, v8;
	v27 =	vmul.f32 v27, v17;
	v45, _, _ =	vpop (xrf1);
	(xrf1) =	vsort.ascd.msk.f32 $0xffff, v30, v30  }
0x56: {  	(xrf1) =	vsort.ascd.msk.f32 $0xffff, v26, v26;
	v26, _, _ =	vpop (xrf1)  }
0x57: {  	v43 =	vsub.f32 v58, v24;
	v26 =	vperm.xlane v26, v1;
	_ =	sdelay $0x1  }
0x58: {  	v28 =	vmul.f32 v43, v43;
	(xrf1) =	vsort.ascd.msk.f32 $0xffff, v27, v27;
	v27, _, _ =	vpop (xrf1)  }
0x59: {  	v49 =	vsub.f32 v58, v18;
	v47 =	vsub.f32 v58, v23;
	v48, _, _ =	vpop (xrf1)  }
0x5a: {  	v46 =	vperm.xlane v45, v1;
	v28 =	vmul.f32 v28, v21;
	v32 =	vsel vm0, v48, v26;
	v26, _, _ =	vpop (xrf1)  }
0x5b: {  	v29 =	vsub.f32 v58, v22;
	v27 =	vperm.xlane v27, v1;
	(xrf1) =	vsort.ascd.msk.f32 $0xffff, v32, v32;
	v50, _, _ =	vpop (xrf1)  }
0x5c: {  	v31 =	vmul.f32 v47, v47;
	(xrf1) =	vsort.ascd.msk.f32 $0xffff, v28, v28;
	v30 =	vsel vm0, v50, v46  }
0x5d: {  	v51 =	vmul.f32 v29, v29;
	v52, _, _ =	vpop (xrf1);
	(xrf1) =	vsort.ascd.msk.f32 $0xffff, v30, v30  }
0x5e: {  	v53 =	vmul.f32 v49, v49;
	v31 =	vmul.f32 v31, v20;
	v29 =	vsel vm0, v52, v27  }
0x5f: {  	v54 =	vperm.xlane v25, v9;
	v28 =	vmul.f32 v51, v19;
	v27, _, _ =	vpop (xrf1);
	(xrf1) =	vsort.ascd.msk.f32 $0xffff, v29, v29  }
0x60: {  	v55, _, _ =	vpop (xrf1);
	(xrf1) =	vsort.ascd.msk.f32 $0xffff, v31, v31  }
0x61: {  	v56 =	vsub.f32 v54, v24;
	v30 =	vmul.f32 v53, v17;
	v57, _, _ =	vpop (xrf1);
	(xrf1) =	vsort.ascd.msk.f32 $0xffff, v28, v28  }
0x62: {  	v58 =	vsub.f32 v54, v23;
	v59 =	vperm.xlane v25, v10;
	v60, _, _ =	vpop (xrf1)  }
0x63: {  	v31 =	vmul.f32 v56, v56;
	v33 =	vperm.xlane v57, v1;
	v61, _, _ =	vpop (xrf1);
	(xrf1) =	vsort.ascd.msk.f32 $0xffff, v30, v30  }
0x64: {  	v62 =	vsub.f32 v54, v22;
	v34 =	vmul.f32 v58, v58;
	v29 =	vperm.xlane v55, v1;
	v28, _, _ =	vpop (xrf1)  }
0x65: {  	v32 =	vsub.f32 v54, v18;
	v31 =	vmul.f32 v31, v21;
	v33 =	vsel vm0, v61, v33;
	v40, _, _ =	vpop (xrf1)  }
0x66: {  	v63 =	vperm.xlane v60, v1;
	(xrf1) =	vsort.ascd.msk.f32 $0xffff, v33, v33;
	v29 =	vsel vm0, v40, v29  }
0x67: {  	v43 =	vmul.f32 v34, v20;
	v30 =	vmul.f32 v62, v62;
	v41, _, _ =	vpop (xrf1);
	(xrf1) =	vsort.ascd.msk.f32 $0xffff, v31, v31  }
0x68: {  	v32 =	vmul.f32 v32, v32;
	v42 =	vsel vm0, v41, v63;
	(xrf1) =	vsort.ascd.msk.f32 $0xffff, v29, v29  }
0x69: {  	v30 =	vmul.f32 v30, v19;
	(xrf1) =	vsort.ascd.msk.f32 $0xffff, v42, v42;
	v29, _, _ =	vpop (xrf1)  }
0x6a: {  	v44 =	vsub.f32 v59, v24;
	v32 =	vmul.f32 v32, v17;
	(xrf1) =	vsort.ascd.msk.f32 $0xffff, v43, v43;
	v45, _, _ =	vpop (xrf1)  }
0x6b: {  	v49 =	vsub.f32 v59, v22;
	(xrf1) =	vsort.ascd.msk.f32 $0xffff, v30, v30;
	v46, _, _ =	vpop (xrf1)  }
0x6c: {  	v31 =	vmul.f32 v44, v44;
	(xrf1) =	vsort.ascd.msk.f32 $0xffff, v32, v32;
	v30 =	vperm.xlane v46, v1  }
0x6d: {  	v35 =	vsub.f32 v59, v18;
	v47 =	vsub.f32 v59, v23;
	v48, _, _ =	vpop (xrf1)  }
0x6e: {  	v31 =	vmul.f32 v31, v21;
	v33 =	vperm.xlane v45, v1;
	v50, _, _ =	vpop (xrf1);
	v30 =	vsel vm0, v48, v30  }
0x6f: {  	v52 =	vmul.f32 v49, v49;
	v32 =	vmul.f32 v47, v47;
	v51, _, _ =	vpop (xrf1);
	(xrf1) =	vsort.ascd.msk.f32 $0xffff, v30, v30  }
0x70: {  	v34 =	vperm.xlane v50, v1;
	v30 =	vsel vm0, v51, v33;
	(xrf1) =	vsort.ascd.msk.f32 $0xffff, v31, v31  }
0x71: {  	v56 =	vmul.f32 v35, v35;
	v57 =	vperm.xlane v25, v11;
	v53, _, _ =	vpop (xrf1);
	(xrf1) =	vsort.ascd.msk.f32 $0xffff, v30, v30  }
0x72: {  	v54 =	vmul.f32 v32, v20;
	v55 =	vsel vm0, v53, v34;
	v31 =	vmul.f32 v52, v19  }
0x73: {  	(xrf1) =	vsort.ascd.msk.f32 $0xffff, v55, v55  }
0x74: {  	v59 =	vmul.f32 v56, v17;
	v61 =	vsub.f32 v57, v24;
	v58, _, _ =	vpop (xrf1);
	(xrf1) =	vsort.ascd.msk.f32 $0xffff, v54, v54  }
0x75: {  	v60, _, _ =	vpop (xrf1);
	(xrf1) =	vsort.ascd.msk.f32 $0xffff, v31, v31  }
0x76: {  	v35 =	vmul.f32 v61, v61;
	v31, _, _ =	vpop (xrf1);
	(xrf1) =	vsort.ascd.msk.f32 $0xffff, v59, v59  }
0x77: {  	v43 =	vsub.f32 v57, v23;
	v62 =	vperm.xlane v58, v1;
	v44, _, _ =	vpop (xrf1)  }
0x78: {  	v39 =	vsub.f32 v57, v22;
	v35 =	vmul.f32 v35, v21;
	v33 =	vperm.xlane v60, v1;
	v38, _, _ =	vpop (xrf1)  }
0x79: {  	v36 =	vmul.f32 v43, v43;
	v30 =	vsel vm0, v44, v62;
	v45 =	vperm.xlane v38, v1;
	v46, _, _ =	vpop (xrf1)  }
0x7a: {  	v47 =	vmul.f32 v39, v39;
	(xrf1) =	vsort.ascd.msk.f32 $0xffff, v30, v30;
	v33 =	vsel vm0, v46, v33;
	v48, _, _ =	vpop (xrf1)  }
0x7b: {  	v32 =	vsub.f32 v57, v18;
	(xrf1) =	vsort.ascd.msk.f32 $0xffff, v33, v33;
	v37 =	vsel vm0, v48, v45  }
0x7c: {  	v63 =	vperm.xlane v25, v12;
	v49 =	vmul.f32 v36, v20;
	(xrf1) =	vsort.ascd.msk.f32 $0xffff, v37, v37  }
0x7d: {  	v50 =	vmul.f32 v47, v19;
	v32 =	vmul.f32 v32, v32;
	v30, _, _ =	vpop (xrf1);
	(xrf1) =	vsort.ascd.msk.f32 $0xffff, v35, v35  }
0x7e: {  	v51 =	vsub.f32 v63, v24;
	v54, _, _ =	vpop (xrf1);
	(xrf1) =	vsort.ascd.msk.f32 $0xffff, v49, v49  }
0x7f: {  	v52 =	vsub.f32 v63, v23;
	v32 =	vmul.f32 v32, v17;
	v55, _, _ =	vpop (xrf1);
	(xrf1) =	vsort.ascd.msk.f32 $0xffff, v50, v50  }
0x80: {  	v53 =	vsub.f32 v63, v22;
	v37 =	vmul.f32 v51, v51;
	v33 =	vperm.xlane v55, v1  }
0x81: {  	v34 =	vsub.f32 v63, v18;
	v58 =	vmul.f32 v52, v52;
	v57, _, _ =	vpop (xrf1);
	(xrf1) =	vsort.ascd.msk.f32 $0xffff, v32, v32  }
0x82: {  	v59 =	vmul.f32 v37, v21;
	v56 =	vperm.xlane v54, v1;
	v60, _, _ =	vpop (xrf1);
	v33 =	vsel vm0, v57, v33  }
0x83: {  	v38 =	vmul.f32 v53, v53;
	v37 =	vperm.xlane v60, v1;
	v62, _, _ =	vpop (xrf1);
	(xrf1) =	vsort.ascd.msk.f32 $0xffff, v33, v33  }
0x84: {  	v32 =	vmul.f32 v58, v20;
	v33 =	vsel vm0, v62, v56;
	v63, _, _ =	vpop (xrf1);
	(xrf1) =	vsort.ascd.msk.f32 $0xffff, v59, v59  }
0x85: {  	v40 =	vperm.xlane v25, v13;
	v36 =	vsel vm0, v63, v37;
	(xrf1) =	vsort.ascd.msk.f32 $0xffff, v33, v33  }
0x86: {  	v38 =	vmul.f32 v38, v19;
	v37 =	vmul.f32 v34, v34;
	(xrf1) =	vsort.ascd.msk.f32 $0xffff, v36, v36  }
0x87: {  	v61 =	vsub.f32 v40, v24;
	(xrf1) =	vsort.ascd.msk.f32 $0xffff, v32, v32  }
0x88: {  	v42 =	vsub.f32 v40, v23;
	v33 =	vmul.f32 v37, v17;
	v32, _, _ =	vpop (xrf1);
	(xrf1) =	vsort.ascd.msk.f32 $0xffff, v38, v38  }
0x89: {  	v41 =	vmul.f32 v61, v61;
	v43, _, _ =	vpop (xrf1)  }
0x8a: {  	v52 =	vperm.xlane v25, v14;
	v34 =	vmul.f32 v42, v42;
	(xrf1) =	vsort.ascd.msk.f32 $0xffff, v33, v33;
	v45, _, _ =	vpop (xrf1)  }
0x8b: {  	v46 =	vsub.f32 v40, v22;
	v35 =	vmul.f32 v41, v21;
	v44 =	vperm.xlane v43, v1;
	v48, _, _ =	vpop (xrf1)  }
0x8c: {  	v47 =	vsub.f32 v40, v18;
	v34 =	vmul.f32 v34, v20;
	v49 =	vperm.xlane v48, v1;
	v50, _, _ =	vpop (xrf1)  }
0x8d: {  	v37 =	vmul.f32 v46, v46;
	(xrf1) =	vsort.ascd.msk.f32 $0xffff, v35, v35;
	v33 =	vsel vm0, v45, v44;
	v51, _, _ =	vpop (xrf1)  }
0x8e: {  	(xrf1) =	vsort.ascd.msk.f32 $0xffff, v33, v33;
	v36 =	vperm.xlane v50, v1;
	v33 =	vsel vm0, v51, v49  }
0x8f: {  	v53 =	vmul.f32 v47, v47;
	v55 =	vsub.f32 v52, v24;
	(xrf1) =	vsort.ascd.msk.f32 $0xffff, v34, v34;
	v54, _, _ =	vpop (xrf1)  }
0x90: {  	v37 =	vmul.f32 v37, v19;
	(xrf1) =	vsort.ascd.msk.f32 $0xffff, v33, v33;
	v35 =	vsel vm0, v54, v36  }
0x91: {  	v34 =	vmul.f32 v53, v17;
	v33, _, _ =	vpop (xrf1);
	(xrf1) =	vsort.ascd.msk.f32 $0xffff, v35, v35  }
0x92: {  	v56 =	vmul.f32 v55, v55;
	v57, _, _ =	vpop (xrf1);
	(xrf1) =	vsort.ascd.msk.f32 $0xffff, v37, v37  }
0x93: {  	v39 =	vsub.f32 v52, v22;
	v60, _, _ =	vpop (xrf1);
	(xrf1) =	vsort.ascd.msk.f32 $0xffff, v34, v34  }
0x94: {  	v58 =	vsub.f32 v52, v23;
	v61 =	vmul.f32 v56, v21;
	v62 =	vperm.xlane v60, v1;
	v63, _, _ =	vpop (xrf1)  }
0x95: {  	v47 =	vmul.f32 v39, v39;
	v59 =	vsub.f32 v52, v18;
	v36 =	vperm.xlane v57, v1;
	v42, _, _ =	vpop (xrf1)  }
0x96: {  	v38 =	vmul.f32 v58, v58;
	(xrf1) =	vsort.ascd.msk.f32 $0xffff, v61, v61;
	v44 =	vsel vm0, v63, v62;
	v45, _, _ =	vpop (xrf1)  }
0x97: {  	v46 =	vperm.xlane v42, v1;
	v35 =	vsel vm0, v45, v36;
	(xrf1) =	vsort.ascd.msk.f32 $0xffff, v44, v44  }
0x98: {  	v41 =	vperm.xlane v25, v15;
	v52 =	vmul.f32 v47, v19;
	v49, _, _ =	vpop (xrf1);
	(xrf1) =	vsort.ascd.msk.f32 $0xffff, v35, v35  }
0x99: {  	v50 =	vmul.f32 v38, v20;
	v53 =	vmul.f32 v59, v59;
	v37 =	vsel vm0, v49, v46  }
0x9a: {  	v48 =	vsub.f32 v41, v24;
	v51 =	vsub.f32 v41, v23;
	(xrf1) =	vsort.ascd.msk.f32 $0xffff, v37, v37  }
0x9b: {  	v56 =	vmul.f32 v53, v17;
	v54, _, _ =	vpop (xrf1);
	(xrf1) =	vsort.ascd.msk.f32 $0xffff, v50, v50  }
0x9c: {  	v38 =	vmul.f32 v51, v51;
	v36 =	vmul.f32 v48, v48;
	v34, _, _ =	vpop (xrf1);
	(xrf1) =	vsort.ascd.msk.f32 $0xffff, v52, v52  }
0x9d: {  	v43 =	vperm.xlane v25, v16;
	v57 =	vsub.f32 v41, v22;
	v58, _, _ =	vpop (xrf1)  }
0x9e: {  	v38 =	vmul.f32 v38, v20;
	v36 =	vmul.f32 v36, v21;
	(xrf1) =	vsort.ascd.msk.f32 $0xffff, v56, v56;
	v59, _, _ =	vpop (xrf1)  }
0x9f: {  	v60 =	vsub.f32 v41, v18;
	v40 =	vmul.f32 v57, v57;
	v61 =	vperm.xlane v59, v1;
	v62, _, _ =	vpop (xrf1)  }
0xa0: {  	v42 =	vsub.f32 v43, v24;
	v39 =	vperm.xlane v58, v1;
	(xrf1) =	vsort.ascd.msk.f32 $0xffff, v36, v36;
	v63, _, _ =	vpop (xrf1)  }
0xa1: {  	v55 =	vperm.xlane v54, v1;
	v25 =	vsel vm0, v62, v61;
	(xrf1) =	vsort.ascd.msk.f32 $0xffff, v38, v38;
	v41, _, _ =	vpop (xrf1)  }
0xa2: {  	v44 =	vsub.f32 v43, v23;
	(xrf1) =	vsort.ascd.msk.f32 $0xffff, v25, v25;
	v25 =	vsel vm0, v41, v39  }
0xa3: {  	v40 =	vmul.f32 v40, v19;
	v35 =	vmul.f32 v60, v60;
	v36 =	vsel vm0, v63, v55  }
0xa4: {  	v37 =	vmul.f32 v44, v44;
	v38 =	vmul.f32 v42, v42;
	(xrf1) =	vsort.ascd.msk.f32 $0xffff, v36, v36;
	v46, _, _ =	vpop (xrf1)  }
0xa5: {  	v45 =	vsub.f32 v43, v22;
	v35 =	vmul.f32 v35, v17;
	(xrf1) =	vsort.ascd.msk.f32 $0xffff, v25, v25;
	v25, _, _ =	vpop (xrf1)  }
0xa6: {  	v37 =	vmul.f32 v37, v20;
	v38 =	vmul.f32 v38, v21;
	(xrf1) =	vsort.ascd.msk.f32 $0xffff, v40, v40;
	v47, _, _ =	vpop (xrf1)  }
0xa7: {  	v36 =	vmul.f32 v45, v45;
	(xrf1) =	vsort.ascd.msk.f32 $0xffff, v35, v35;
	v48 =	vperm.xlane v47, v1  }
0xa8: {  	v49 =	vsub.f32 v43, v18;
	v39 =	vperm.xlane v46, v1;
	v50, _, _ =	vpop (xrf1);
	(xrf1) =	vsort.ascd.msk.f32 $0xffff, v38, v38  }
0xa9: {  	v36 =	vmul.f32 v36, v19;
	v51, _, _ =	vpop (xrf1);
	(xrf1) =	vsort.ascd.msk.f32 $0xffff, v37, v37;
	v35 =	vsel vm0, v50, v48  }
0xaa: {  	v52 =	vmul.f32 v49, v49;
	v53, _, _ =	vpop (xrf1);
	(xrf1) =	vsort.ascd.msk.f32 $0xffff, v35, v35  }
0xab: {  	v38 =	vperm.xlane v51, v1;
	v35 =	vsel vm0, v53, v39;
	(xrf1) =	vsort.ascd.msk.f32 $0xffff, v36, v36  }
0xac: {  	v54, _, _ =	vpop (xrf1);
	(xrf1) =	vsort.ascd.msk.f32 $0xffff, v35, v35  }
0xad: {  	v55 =	vmul.f32 v52, v17;
	v36 =	vsel vm0, v54, v38  }
0xae: {  	(xrf1) =	vsort.ascd.msk.f32 $0xffff, v36, v36  }
0xaf: {  	v56, _, _ =	vpop (xrf1);
	(xrf1) =	vsort.ascd.msk.f32 $0xffff, v55, v55  }
0xb0: {  	v57, _, _ =	vpop (xrf1)  }
0xb1: {  	v35, _, _ =	vpop (xrf1)  }
0xb2: {  	v58, _, _ =	vpop (xrf1)  }
0xb3: {  	v59, _, _ =	vpop (xrf1)  }
0xb4: {  	v60, _, _ =	vpop (xrf1)  }
0xb5: {  	v61, _, _ =	vpop (xrf1)  }
0xb6: {  	v38 =	vperm.xlane v58, v1;
	v62, _, _ =	vpop (xrf1)  }
0xb7: {  	v36 =	vperm.xlane v56, v1;
	v63, _, _ =	vpop (xrf1)  }
0xb8: {  	v38 =	vsel vm0, v59, v38;
	v44, _, _ =	vpop (xrf1)  }
0xb9: {  	v37 =	vperm.xlane v57, v1;
	v36 =	vsel vm0, v60, v36;
	(xrf1) =	vsort.ascd.msk.f32 $0xffff, v38, v38;
	v48, _, _ =	vpop (xrf1)  }
0xba: {  	v49 =	vperm.xlane v62, v1;
	v50, _, _ =	vpop (xrf1);
	(xrf1) =	vsort.ascd.msk.f32 $0xffff, v36, v36  }
0xbb: {  	v37 =	vsel vm0, v61, v37;
	v51 =	vperm.xlane v50, v1  }
0xbc: {  	v52 =	vperm.xlane v63, v1;
	v38 =	vsel vm0, v48, v49;
	(xrf1) =	vsort.ascd.msk.f32 $0xffff, v37, v37;
	v53, _, _ =	vpop (xrf1)  }
0xbd: {  	(xrf1) =	vsort.ascd.msk.f32 $0xffff, v38, v38;
	v54, _, _ =	vpop (xrf1);
	v36 =	vsel vm0, v53, v51  }
0xbe: {  	v37 =	vsel vm0, v54, v52;
	(xrf1) =	vsort.ascd.msk.f32 $0xffff, v36, v36  }
0xbf: {  	(xrf1) =	vsort.ascd.msk.f32 $0xffff, v37, v37;
	_ =	sdelay $0x5  }
0xc0: {  	v55 =	vsub.f32 $0.0e+00, v26  }
0xc1: {  	v56 =	vsub.f32 $0.0e+00, v27  }
0xc2: {  	v36 =	vmul.f32 $1.442695020e+00, v55;
	v38, _, _ =	vpop (xrf1)  }
0xc3: {  	v37 =	vmul.f32 $1.442695020e+00, v56;
	v57, _, _ =	vpop (xrf1)  }
0xc4: {  	(erf) = vpow2.f32 v36;
	v36 =	vperm.xlane v57, v1  }
0xc5: {  	(erf) = vpow2.f32 v37;
	v58, _, _ =	vpop (xrf1)  }
0xc6: {  	v59, _, _ =	vpop (xrf1);
	v36 =	vsel vm0, v58, v36  }
0xc7: {  	v39 =	vperm.xlane v59, v1;
	v40, _, _ =	vpop (xrf1);
	(xrf1) =	vsort.ascd.msk.f32 $0xffff, v36, v36  }
0xc8: {  	v60, _, _ =	vpop (xrf1)  }
0xc9: {  	v61 =	vsub.f32 $0.0e+00, v28;
	v37 =	vsel vm0, v60, v39  }
0xca: {  	vm3 =	vle.f32 v27, $2.302585120e+00;
	v27 =	vsub.f32 $0.0e+00, v29;
	(xrf1) =	vsort.ascd.msk.f32 $0xffff, v37, v37  }
0xcb: {  	v36 =	vmul.f32 $1.442695020e+00, v61  }
0xcc: {  	vm2 =	vle.f32 v26, $2.302585120e+00;
	v27 =	vmul.f32 $1.442695020e+00, v27;
	v63 =	vsub.f32 $0.0e+00, v31  }
0xcd: {  	v43 =	vsub.f32 $0.0e+00, v33;
	v41 =	vsub.f32 $0.0e+00, v30;
	v26 =	vpop (erf);
	(erf) = vpow2.f32 v36  }
0xce: {  	v42 =	vsub.f32 $0.0e+00, v32;
	v62 =	vpop (erf);
	(erf) = vpow2.f32 v27;
	v27 =	vmul.f32 $1.442695020e+00, v63  }
0xcf: {  	v26 =	vnsel vm2, $0x0, v26;
	vm2 =	vle.f32 v29, $2.302585120e+00;
	v29 =	vmul.f32 $1.442695020e+00, v41  }
0xd0: {  	v45 =	vsub.f32 $0.0e+00, v34;
	(erf) = vpow2.f32 v27;
	v27 =	vmul.f32 $1.442695020e+00, v42  }
0xd1: {  	v46 =	vmul.f32 $1.442695020e+00, v43;
	v47 =	vsub.f32 $0.0e+00, v25;
	(erf) = vpow2.f32 v29  }
0xd2: {  	v48 =	vsub.f32 $0.0e+00, v35;
	(erf) = vpow2.f32 v27;
	v27 =	vmul.f32 $1.442695020e+00, v45  }
0xd3: {  	v49 =	vmul.f32 $1.442695020e+00, v47;
	v50 =	vsub.f32 $0.0e+00, v44;
	(erf) = vpow2.f32 v46  }
0xd4: {  	v51 =	vsub.f32 $0.0e+00, v38;
	(erf) = vpow2.f32 v27;
	v27 =	vmul.f32 $1.442695020e+00, v48  }
0xd5: {  	s16 =	simm.s32 $0x240;
	vm1 =	vle.f32 v28, $2.302585120e+00;
	v52 =	vmul.f32 $1.442695020e+00, v50;
	(erf) = vpow2.f32 v49;
	v54, _, _ =	vpop (xrf1)  }
0xd6: {  	[tilespmem:s16+$0xFFFFFFC0] =	vst.msk $0xff, v26;
	(erf) = vpow2.f32 v27;
	v27 =	vmul.f32 $1.442695020e+00, v51;
	v26 =	vpop (erf);
	v55 =	vsub.f32 $0.0e+00, v54  }
0xd7: {  	v53 =	vsub.f32 $0.0e+00, v40;
	(erf) = vpow2.f32 v52;
	v59 =	vpop (erf);
	v26 =	vnsel vm1, $0x0, v26  }
0xd8: {  	v28 =	vnsel vm3, $0x0, v62;
	(erf) = vpow2.f32 v27;
	v56, _, _ =	vpop (xrf1);
	v27 =	vmul.f32 $1.442695020e+00, v55  }
0xd9: {  	[tilespmem:s16+$0xFFFFFFC8] =	vst.msk $0xff, v28;
	v57 =	vmul.f32 $1.442695020e+00, v53;
	v58 =	vsub.f32 $0.0e+00, v56  }
0xda: {  	vm3 =	vle.f32 v31, $2.302585120e+00;
	vm1 =	vle.f32 v30, $2.302585120e+00;
	[tilespmem:s16+$0xFFFFFFD0] =	vst.msk $0xff, v26;
	v28 =	vnsel vm2, $0x0, v59;
	v26 =	vpop (erf)  }
0xdb: {  	(erf) = vpow2.f32 v57;
	v61 =	vpop (erf);
	v26 =	vnsel vm3, $0x0, v26;
	v60 =	vmul.f32 $1.442695020e+00, v58  }
0xdc: {  	vm2 =	vle.f32 v32, $2.302585120e+00;
	[tilespmem:s16+$0xFFFFFFE0] =	vst.msk $0xff, v26;
	v26 =	vnsel vm1, $0x0, v61;
	(erf) = vpow2.f32 v27;
	v27 =	vpop (erf)  }
0xdd: {  	vm1 =	vle.f32 v33, $2.302585120e+00;
	[tilespmem:s16+$0xFFFFFFE8] =	vst.msk $0xff, v26;
	(erf) = vpow2.f32 v60;
	v62 =	vpop (erf);
	v26 =	vnsel vm2, $0x0, v27  }
0xde: {  	[tilespmem:s16+$0xFFFFFFF0] =	vst.msk $0xff, v26;
	v26 =	vnsel vm1, $0x0, v62  }
0xdf: {  	[tilespmem:s16+$0xFFFFFFD8] =	vst.msk $0xff, v28;
	vm2 =	vle.f32 v34, $2.302585120e+00;
	v27 =	vpop (erf)  }
0xe0: {  	vm1 =	vle.f32 v25, $2.302585120e+00;
	v63 =	vpop (erf);
	[tilespmem:s16+$0xFFFFFFF8] =	vst.msk $0xff, v26;
	v25 =	vnsel vm2, $0x0, v27  }
0xe1: {  	vm2 =	vle.f32 v35, $2.302585120e+00;
	[tilespmem:s16+$0x0] =	vst.msk $0xff, v25;
	v25 =	vnsel vm1, $0x0, v63;
	v26 =	vpop (erf)  }
0xe2: {  	vm1 =	vle.f32 v44, $2.302585120e+00;
	[tilespmem:s16+$0x8] =	vst.msk $0xff, v25;
	v27 =	vpop (erf);
	v25 =	vnsel vm2, $0x0, v26  }
0xe3: {  	vm2 =	vle.f32 v38, $2.302585120e+00;
	v26 =	vpop (erf);
	[tilespmem:s16+$0x10] =	vst.msk $0xff, v25;
	v25 =	vnsel vm1, $0x0, v27  }
0xe4: {  	vm1 =	vle.f32 v40, $2.302585120e+00;
	v27 =	vpop (erf);
	[tilespmem:s16+$0x18] =	vst.msk $0xff, v25;
	v25 =	vnsel vm2, $0x0, v26  }
0xe5: {  	vm2 =	vle.f32 v54, $2.302585120e+00;
	[tilespmem:s16+$0x20] =	vst.msk $0xff, v25;
	v25 =	vnsel vm1, $0x0, v27;
	v26 =	vpop (erf)  }
0xe6: {  	vm1 =	vle.f32 v56, $2.302585120e+00;
	[tilespmem:s16+$0x28] =	vst.msk $0xff, v25;
	v25 =	vnsel vm2, $0x0, v26;
	v26 =	vpop (erf)  }
0xe7: {  	[tilespmem:s16+$0x30] =	vst.msk $0xff, v25;
	v25 =	vnsel vm1, $0x0, v26  }
0xe8: {  	s18 =	simm.s32 $0x10;
	s17 =	simm.s32 $0x80;
	[tilespmem:s16+$0x38] =	vst.msk $0xff, v25  }
.LBB2_3:
0xe9: {  	p0 =	sne.s32 s17, $0x7C0;
	v25 =	vld [tilespmem:s18+$0x0];
	_ =	sdelay $0x4  }
0xea: {  	v27 =	vperm.xlane v25, v0;
	v28 =	vperm.xlane v25, v2  }
0xeb: {  	v29 =	vperm.xlane v25, v3;
	v30 =	vperm.xlane v25, v4  }
0xec: {  	v33 =	vperm.xlane v25, v5;
	v31 =	vsub.f32 v27, v24;
	v32 =	vsub.f32 v28, v24  }
0xed: {  	v26 =	vperm.xlane v25, v6;
	v34 =	vsub.f32 v27, v23;
	v35 =	vsub.f32 v28, v23  }
0xee: {  	v36 =	vsub.f32 v27, v22;
	v31 =	vmul.f32 v31, v31;
	v32 =	vmul.f32 v32, v32  }
0xef: {  	v37 =	vsub.f32 v28, v22;
	v34 =	vmul.f32 v34, v34;
	v35 =	vmul.f32 v35, v35  }
0xf0: {  	v27 =	vsub.f32 v27, v18;
	v36 =	vmul.f32 v36, v36;
	v31 =	vmul.f32 v31, v21  }
0xf1: {  	v28 =	vsub.f32 v28, v18;
	v34 =	vmul.f32 v34, v20;
	v32 =	vmul.f32 v32, v21  }
0xf2: {  	v27 =	vmul.f32 v27, v27;
	v36 =	vmul.f32 v36, v19;
	(xrf1) =	vsort.ascd.msk.f32 $0xffff, v31, v31  }
0xf3: {  	v31 =	vmul.f32 v35, v20;
	v35 =	vmul.f32 v37, v37;
	(xrf1) =	vsort.ascd.msk.f32 $0xffff, v34, v34  }
0xf4: {  	v28 =	vmul.f32 v28, v28;
	v27 =	vmul.f32 v27, v17;
	(xrf1) =	vsort.ascd.msk.f32 $0xffff, v36, v36  }
0xf5: {  	v34 =	vmul.f32 v35, v19;
	v35 =	vsub.f32 v29, v24;
	(xrf1) =	vsort.ascd.msk.f32 $0xffff, v32, v32  }
0xf6: {  	v28 =	vmul.f32 v28, v17;
	v32 =	vsub.f32 v29, v23;
	(xrf1) =	vsort.ascd.msk.f32 $0xffff, v27, v27  }
0xf7: {  	v27 =	vsub.f32 v29, v22;
	v35 =	vmul.f32 v35, v35;
	(xrf1) =	vsort.ascd.msk.f32 $0xffff, v31, v31  }
0xf8: {  	v29 =	vsub.f32 v29, v18;
	v31 =	vmul.f32 v32, v32;
	(xrf1) =	vsort.ascd.msk.f32 $0xffff, v34, v34  }
0xf9: {  	v27 =	vmul.f32 v27, v27;
	v32 =	vmul.f32 v35, v21;
	(xrf1) =	vsort.ascd.msk.f32 $0xffff, v28, v28  }
0xfa: {  	v28 =	vmul.f32 v29, v29;
	v29 =	vmul.f32 v31, v20;
	v31 =	vsub.f32 v30, v24  }
0xfb: {  	v34 =	vsub.f32 v30, v23;
	v27 =	vmul.f32 v27, v19;
	(xrf1) =	vsort.ascd.msk.f32 $0xffff, v32, v32  }
0xfc: {  	v28 =	vmul.f32 v28, v17;
	v31 =	vmul.f32 v31, v31;
	(xrf1) =	vsort.ascd.msk.f32 $0xffff, v29, v29  }
0xfd: {  	v32 =	vsub.f32 v30, v22;
	v29 =	vmul.f32 v34, v34;
	(xrf1) =	vsort.ascd.msk.f32 $0xffff, v27, v27  }
0xfe: {  	v27 =	vsub.f32 v30, v18;
	v30 =	vmul.f32 v31, v21;
	(xrf1) =	vsort.ascd.msk.f32 $0xffff, v28, v28  }
0xff: {  	v31 =	vsub.f32 v33, v24;
	v28 =	vmul.f32 v29, v20;
	v29 =	vmul.f32 v32, v32  }
0x100: {  	v32 =	vsub.f32 v33, v23;
	v27 =	vmul.f32 v27, v27;
	v34, _, _ =	vpop (xrf1);
	(xrf1) =	vsort.ascd.msk.f32 $0xffff, v30, v30  }
0x101: {  	v29 =	vmul.f32 v29, v19;
	v30 =	vperm.xlane v34, v1;
	v34, _, _ =	vpop (xrf1);
	(xrf1) =	vsort.ascd.msk.f32 $0xffff, v28, v28  }
0x102: {  	v31 =	vmul.f32 v31, v31;
	v27 =	vmul.f32 v27, v17;
	v28 =	vsub.f32 v33, v22;
	v35, _, _ =	vpop (xrf1)  }
0x103: {  	v36 =	vperm.xlane v34, v1;
	v30 =	vsel vm0, v35, v30;
	v35, _, _ =	vpop (xrf1);
	(xrf1) =	vsort.ascd.msk.f32 $0xffff, v29, v29  }
0x104: {  	v31 =	vmul.f32 v31, v21;
	v29 =	vperm.xlane v35, v1;
	v35, _, _ =	vpop (xrf1);
	(xrf1) =	vsort.ascd.msk.f32 $0xffff, v30, v30  }
0x105: {  	v32 =	vmul.f32 v32, v32;
	v35 =	vsel vm0, v35, v36;
	v34, _, _ =	vpop (xrf1);
	(xrf1) =	vsort.ascd.msk.f32 $0xffff, v27, v27  }
0x106: {  	v28 =	vmul.f32 v28, v28;
	v34 =	vperm.xlane v34, v1;
	(xrf1) =	vsort.ascd.msk.f32 $0xffff, v35, v35;
	v30, _, _ =	vpop (xrf1)  }
0x107: {  	v29 =	vsel vm0, v30, v29;
	v30 =	vsub.f32 v33, v18;
	v33, _, _ =	vpop (xrf1);
	(xrf1) =	vsort.ascd.msk.f32 $0xffff, v31, v31  }
0x108: {  	v31 =	vmul.f32 v32, v20;
	v33 =	vsel vm0, v33, v34;
	(xrf1) =	vsort.ascd.msk.f32 $0xffff, v29, v29  }
0x109: {  	v28 =	vmul.f32 v28, v19;
	v29 =	vmul.f32 v30, v30;
	(xrf1) =	vsort.ascd.msk.f32 $0xffff, v33, v33;
	v27, _, _ =	vpop (xrf1)  }
0x10a: {  	v30 =	vsub.f32 v26, v24;
	v27 =	vperm.xlane v27, v1;
	v32, _, _ =	vpop (xrf1);
	(xrf1) =	vsort.ascd.msk.f32 $0xffff, v31, v31  }
0x10b: {  	v31 =	vperm.xlane v32, v1;
	v29 =	vmul.f32 v29, v17;
	v32, _, _ =	vpop (xrf1);
	(xrf1) =	vsort.ascd.msk.f32 $0xffff, v28, v28  }
0x10c: {  	v28 =	vsub.f32 v26, v23;
	v33 =	vmul.f32 v30, v30;
	v27 =	vsel vm0, v32, v27;
	v32, _, _ =	vpop (xrf1)  }
0x10d: {  	v34 =	vsub.f32 v26, v22;
	v31 =	vsel vm0, v32, v31;
	(xrf1) =	vsort.ascd.msk.f32 $0xffff, v27, v27  }
0x10e: {  	v27 =	vmul.f32 v28, v28;
	v28 =	vmul.f32 v33, v21;
	(xrf1) =	vsort.ascd.msk.f32 $0xffff, v31, v31;
	v30, _, _ =	vpop (xrf1)  }
0x10f: {  	v33 =	vmul.f32 v34, v34;
	v30 =	vperm.xlane v30, v1;
	v32, _, _ =	vpop (xrf1);
	(xrf1) =	vsort.ascd.msk.f32 $0xffff, v29, v29  }
0x110: {  	v26 =	vsub.f32 v26, v18;
	v29 =	vperm.xlane v32, v1;
	(xrf1) =	vsort.ascd.msk.f32 $0xffff, v28, v28  }
0x111: {  	v27 =	vmul.f32 v27, v20;
	v28 =	vmul.f32 v33, v19;
	v31, _, _ =	vpop (xrf1)  }
0x112: {  	v26 =	vmul.f32 v26, v26;
	v35 =	vsel vm0, v31, v30;
	v31 =	vperm.xlane v25, v7;
	v32, _, _ =	vpop (xrf1)  }
0x113: {  	v33 =	vperm.xlane v25, v8;
	v32 =	vperm.xlane v32, v1;
	v34, _, _ =	vpop (xrf1);
	(xrf1) =	vsort.ascd.msk.f32 $0xffff, v35, v35  }
0x114: {  	v26 =	vmul.f32 v26, v17;
	v34 =	vsel vm0, v34, v29;
	v30, _, _ =	vpop (xrf1);
	(xrf1) =	vsort.ascd.msk.f32 $0xffff, v27, v27  }
0x115: {  	v35 =	vsel vm0, v30, v32;
	v30 =	vsub.f32 v31, v24;
	(xrf1) =	vsort.ascd.msk.f32 $0xffff, v34, v34;
	v29, _, _ =	vpop (xrf1)  }
0x116: {  	v32 =	vsub.f32 v31, v23;
	v29 =	vperm.xlane v29, v1;
	(xrf1) =	vsort.ascd.msk.f32 $0xffff, v35, v35;
	v27, _, _ =	vpop (xrf1)  }
0x117: {  	v27 =	vperm.xlane v27, v1;
	v30 =	vmul.f32 v30, v30;
	v34, _, _ =	vpop (xrf1);
	(xrf1) =	vsort.ascd.msk.f32 $0xffff, v28, v28  }
0x118: {  	v28 =	vmul.f32 v32, v32;
	v32 =	vsub.f32 v31, v22;
	v35, _, _ =	vpop (xrf1);
	(xrf1) =	vsort.ascd.msk.f32 $0xffff, v26, v26  }
0x119: {  	v26 =	vsel vm0, v34, v27;
	v27 =	vperm.xlane v35, v1;
	v30 =	vmul.f32 v30, v21;
	v34, _, _ =	vpop (xrf1)  }
0x11a: {  	v36 =	vmul.f32 v32, v32;
	v29 =	vsel vm0, v34, v29;
	(xrf1) =	vsort.ascd.msk.f32 $0xffff, v26, v26  }
0x11b: {  	v28 =	vmul.f32 v28, v20;
	v26 =	vsub.f32 v31, v18;
	v31, _, _ =	vpop (xrf1);
	(xrf1) =	vsort.ascd.msk.f32 $0xffff, v29, v29  }
0x11c: {  	v35 =	vperm.xlane v31, v1;
	v31 =	vmul.f32 v36, v19;
	v32, _, _ =	vpop (xrf1);
	(xrf1) =	vsort.ascd.msk.f32 $0xffff, v30, v30  }
0x11d: {  	v26 =	vmul.f32 v26, v26;
	v30 =	vsub.f32 v33, v24;
	v34, _, _ =	vpop (xrf1);
	(xrf1) =	vsort.ascd.msk.f32 $0xffff, v28, v28  }
0x11e: {  	v28 =	vsel vm0, v32, v35;
	v27 =	vsel vm0, v34, v27;
	v29, _, _ =	vpop (xrf1);
	(xrf1) =	vsort.ascd.msk.f32 $0xffff, v31, v31  }
0x11f: {  	v26 =	vmul.f32 v26, v17;
	v29 =	vperm.xlane v29, v1;
	(xrf1) =	vsort.ascd.msk.f32 $0xffff, v28, v28  }
0x120: {  	v30 =	vmul.f32 v30, v30;
	v28 =	vsub.f32 v33, v23;
	(xrf1) =	vsort.ascd.msk.f32 $0xffff, v27, v27  }
0x121: {  	v31 =	vsub.f32 v33, v22;
	v27 =	vsub.f32 v33, v18;
	v32, _, _ =	vpop (xrf1);
	(xrf1) =	vsort.ascd.msk.f32 $0xffff, v26, v26  }
0x122: {  	v30 =	vmul.f32 v30, v21;
	v38 =	vperm.xlane v32, v1;
	v32, _, _ =	vpop (xrf1)  }
0x123: {  	v28 =	vmul.f32 v28, v28;
	v32 =	vperm.xlane v32, v1;
	v33, _, _ =	vpop (xrf1)  }
0x124: {  	v37 =	vmul.f32 v31, v31;
	v27 =	vmul.f32 v27, v27;
	v36 =	vsel vm0, v33, v38;
	v33, _, _ =	vpop (xrf1)  }
0x125: {  	v35 =	vperm.xlane v25, v9;
	v28 =	vmul.f32 v28, v20;
	v34 =	vsub.f32 $0.0e+00, v33;
	(xrf1) =	vsort.ascd.msk.f32 $0xffff, v36, v36;
	v26, _, _ =	vpop (xrf1)  }
0x126: {  	v26 =	vsel vm0, v26, v29;
	v29 =	vmul.f32 v37, v19;
	v31, _, _ =	vpop (xrf1);
	(xrf1) =	vsort.ascd.msk.f32 $0xffff, v30, v30  }
0x127: {  	v27 =	vmul.f32 v27, v17;
	v37 =	vmul.f32 $1.442695020e+00, v34;
	v31 =	vsel vm0, v31, v32;
	(xrf1) =	vsort.ascd.msk.f32 $0xffff, v26, v26  }
0x128: {  	v38 =	vsub.f32 v35, v24;
	v26 =	vsub.f32 v35, v23;
	v34 =	vperm.xlane v25, v10;
	v36, _, _ =	vpop (xrf1)  }
0x129: {  	vm1 =	vle.f32 v36, $2.302585120e+00;
	v36 =	vsub.f32 $0.0e+00, v36;
	(erf) = vpow2.f32 v37;
	v30, _, _ =	vpop (xrf1);
	(xrf1) =	vsort.ascd.msk.f32 $0xffff, v31, v31  }
0x12a: {  	v31 =	vmul.f32 v38, v38;
	v30 =	vperm.xlane v30, v1;
	v32, _, _ =	vpop (xrf1);
	(xrf1) =	vsort.ascd.msk.f32 $0xffff, v28, v28  }
0x12b: {  	v39 =	vsub.f32 v35, v22;
	v38 =	vmul.f32 $1.442695020e+00, v36;
	v32 =	vperm.xlane v32, v1;
	v37, _, _ =	vpop (xrf1);
	(xrf1) =	vsort.ascd.msk.f32 $0xffff, v29, v29  }
0x12c: {  	v31 =	vmul.f32 v31, v21;
	v29 =	vperm.xlane v37, v1;
	v37, _, _ =	vpop (xrf1);
	(xrf1) =	vsort.ascd.msk.f32 $0xffff, v27, v27  }
0x12d: {  	v26 =	vmul.f32 v26, v26;
	v27 =	vsel vm0, v37, v32;
	(erf) = vpow2.f32 v38;
	v28, _, _ =	vpop (xrf1)  }
0x12e: {  	v32 =	vmul.f32 v39, v39;
	vm3 =	vle.f32 v28, $2.302585120e+00;
	v28 =	vsub.f32 $0.0e+00, v28;
	v36, _, _ =	vpop (xrf1);
	(xrf1) =	vsort.ascd.msk.f32 $0xffff, v27, v27  }
0x12f: {  	v27 =	vsel vm0, v36, v30;
	v30 =	vsub.f32 v35, v18;
	v35, _, _ =	vpop (xrf1);
	(xrf1) =	vsort.ascd.msk.f32 $0xffff, v31, v31  }
0x130: {  	v26 =	vmul.f32 v26, v20;
	v28 =	vmul.f32 $1.442695020e+00, v28;
	v29 =	vsel vm0, v35, v29;
	(xrf1) =	vsort.ascd.msk.f32 $0xffff, v27, v27  }
0x131: {  	v27 =	vmul.f32 v30, v30;
	v30 =	vmul.f32 v32, v19;
	(xrf1) =	vsort.ascd.msk.f32 $0xffff, v29, v29  }
0x132: {  	vm2 =	vle.f32 v33, $2.302585120e+00;
	v29 =	vsub.f32 v34, v24;
	v31 =	vpop (erf);
	(erf) = vpow2.f32 v28;
	(xrf1) =	vsort.ascd.msk.f32 $0xffff, v26, v26  }
0x133: {  	s16 =	sadd.s32 $0x80, s16;
	v28 =	vsub.f32 v34, v23;
	v26 =	vnsel vm2, $0x0, v31;
	v27 =	vmul.f32 v27, v17;
	v31, _, _ =	vpop (xrf1)  }
0x134: {  	[tilespmem:s16+$0xFFFFFFC0] =	vst.msk $0xff, v26;
	vm2 =	vle.f32 v31, $2.302585120e+00;
	v26 =	vsub.f32 $0.0e+00, v31;
	v31, _, _ =	vpop (xrf1);
	(xrf1) =	vsort.ascd.msk.f32 $0xffff, v30, v30  }
0x135: {  	v29 =	vmul.f32 v29, v29;
	v30 =	vperm.xlane v31, v1;
	v31, _, _ =	vpop (xrf1);
	(xrf1) =	vsort.ascd.msk.f32 $0xffff, v27, v27  }
0x136: {  	v35 =	vmul.f32 $1.442695020e+00, v26;
	v36 =	vperm.xlane v31, v1;
	v31 =	vsub.f32 v34, v22;
	v32 =	vpop (erf)  }
0x137: {  	v28 =	vmul.f32 v28, v28;
	v29 =	vmul.f32 v29, v21;
	v32 =	vnsel vm1, $0x0, v32;
	v33, _, _ =	vpop (xrf1)  }
0x138: {  	[tilespmem:s16+$0xFFFFFFC8] =	vst.msk $0xff, v32;
	v33 =	vsel vm0, v33, v36;
	v31 =	vmul.f32 v31, v31;
	(erf) = vpow2.f32 v35;
	v26, _, _ =	vpop (xrf1)  }
0x139: {  	v34 =	vsub.f32 v34, v18;
	v26 =	vperm.xlane v26, v1;
	(xrf1) =	vsort.ascd.msk.f32 $0xffff, v33, v33;
	v27, _, _ =	vpop (xrf1)  }
0x13a: {  	v28 =	vmul.f32 v28, v20;
	v27 =	vsel vm0, v27, v30;
	v30, _, _ =	vpop (xrf1);
	(xrf1) =	vsort.ascd.msk.f32 $0xffff, v29, v29  }
0x13b: {  	v29 =	vmul.f32 v31, v19;
	v26 =	vsel vm0, v30, v26;
	v30 =	vpop (erf);
	(xrf1) =	vsort.ascd.msk.f32 $0xffff, v27, v27  }
0x13c: {  	v31 =	vperm.xlane v25, v11;
	v27 =	vnsel vm3, $0x0, v30;
	v30 =	vmul.f32 v34, v34;
	v32, _, _ =	vpop (xrf1);
	(xrf1) =	vsort.ascd.msk.f32 $0xffff, v26, v26  }
0x13d: {  	[tilespmem:s16+$0xFFFFFFD0] =	vst.msk $0xff, v27;
	v26 =	vperm.xlane v32, v1;
	v27 =	vperm.xlane v25, v12;
	v32, _, _ =	vpop (xrf1);
	(xrf1) =	vsort.ascd.msk.f32 $0xffff, v28, v28  }
0x13e: {  	v36 =	vsub.f32 v31, v24;
	v28 =	vperm.xlane v32, v1;
	v30 =	vmul.f32 v30, v17;
	v33, _, _ =	vpop (xrf1)  }
0x13f: {  	v34 =	vsub.f32 v31, v23;
	vm3 =	vle.f32 v33, $2.302585120e+00;
	v33 =	vsub.f32 $0.0e+00, v33;
	v35, _, _ =	vpop (xrf1);
	(xrf1) =	vsort.ascd.msk.f32 $0xffff, v29, v29  }
0x140: {  	v29 =	vmul.f32 v36, v36;
	v26 =	vsel vm0, v35, v26;
	v32, _, _ =	vpop (xrf1);
	(xrf1) =	vsort.ascd.msk.f32 $0xffff, v30, v30  }
0x141: {  	v36 =	vmul.f32 $1.442695020e+00, v33;
	v32 =	vperm.xlane v32, v1;
	v33 =	vsub.f32 v31, v22;
	v35 =	vpop (erf);
	(xrf1) =	vsort.ascd.msk.f32 $0xffff, v26, v26  }
0x142: {  	v34 =	vmul.f32 v34, v34;
	v29 =	vmul.f32 v29, v21;
	v26 =	vnsel vm2, $0x0, v35;
	v35, _, _ =	vpop (xrf1)  }
0x143: {  	[tilespmem:s16+$0xFFFFFFD8] =	vst.msk $0xff, v26;
	v26 =	vsel vm0, v35, v28;
	v28 =	vmul.f32 v33, v33;
	(erf) = vpow2.f32 v36;
	v30, _, _ =	vpop (xrf1)  }
0x144: {  	v31 =	vsub.f32 v31, v18;
	v30 =	vsel vm0, v30, v32;
	(xrf1) =	vsort.ascd.msk.f32 $0xffff, v26, v26  }
0x145: {  	v26 =	vmul.f32 v34, v20;
	v28 =	vmul.f32 v28, v19;
	(xrf1) =	vsort.ascd.msk.f32 $0xffff, v30, v30  }
0x146: {  	v30 =	vmul.f32 v31, v31;
	v31 =	vsub.f32 v27, v24;
	(xrf1) =	vsort.ascd.msk.f32 $0xffff, v29, v29  }
0x147: {  	v33 =	vperm.xlane v25, v13;
	v32 =	vsub.f32 v27, v22;
	v29 =	vsub.f32 v27, v23;
	v34, _, _ =	vpop (xrf1)  }
0x148: {  	v30 =	vmul.f32 v30, v17;
	vm1 =	vle.f32 v34, $2.302585120e+00;
	v34 =	vsub.f32 $0.0e+00, v34;
	v35, _, _ =	vpop (xrf1);
	(xrf1) =	vsort.ascd.msk.f32 $0xffff, v26, v26  }
0x149: {  	v31 =	vmul.f32 v31, v31;
	v26 =	vperm.xlane v35, v1;
	v35, _, _ =	vpop (xrf1);
	(xrf1) =	vsort.ascd.msk.f32 $0xffff, v28, v28  }
0x14a: {  	v27 =	vsub.f32 v27, v18;
	v28 =	vmul.f32 $1.442695020e+00, v34;
	v39 =	vperm.xlane v35, v1;
	v35, _, _ =	vpop (xrf1);
	(xrf1) =	vsort.ascd.msk.f32 $0xffff, v30, v30  }
0x14b: {  	v29 =	vmul.f32 v29, v29;
	v30 =	vmul.f32 v31, v21;
	v31 =	vsub.f32 v33, v24;
	v36, _, _ =	vpop (xrf1)  }
0x14c: {  	v37 =	vsel vm0, v35, v39;
	v35 =	vperm.xlane v36, v1;
	v36 =	vpop (erf);
	(erf) = vpow2.f32 v28  }
0x14d: {  	v38 =	vmul.f32 v32, v32;
	v29 =	vmul.f32 v29, v20;
	v36 =	vnsel vm3, $0x0, v36;
	(xrf1) =	vsort.ascd.msk.f32 $0xffff, v37, v37;
	v34, _, _ =	vpop (xrf1)  }
0x14e: {  	v27 =	vmul.f32 v27, v27;
	[tilespmem:s16+$0xFFFFFFE0] =	vst.msk $0xff, v36;
	v26 =	vsel vm0, v34, v26;
	v28, _, _ =	vpop (xrf1);
	(xrf1) =	vsort.ascd.msk.f32 $0xffff, v30, v30  }
0x14f: {  	v31 =	vmul.f32 v31, v31;
	v30 =	vmul.f32 v38, v19;
	v28 =	vsel vm0, v28, v35;
	v32, _, _ =	vpop (xrf1)  }
0x150: {  	v27 =	vmul.f32 v27, v17;
	vm2 =	vle.f32 v32, $2.302585120e+00;
	v32 =	vsub.f32 $0.0e+00, v32;
	(xrf1) =	vsort.ascd.msk.f32 $0xffff, v26, v26  }
0x151: {  	v34 =	vsub.f32 v33, v22;
	v26 =	vsub.f32 v33, v23;
	(xrf1) =	vsort.ascd.msk.f32 $0xffff, v28, v28  }
0x152: {  	v31 =	vmul.f32 v31, v21;
	v35 =	vmul.f32 $1.442695020e+00, v32;
	v32 =	vsub.f32 v33, v18;
	v33, _, _ =	vpop (xrf1);
	(xrf1) =	vsort.ascd.msk.f32 $0xffff, v29, v29  }
0x153: {  	v26 =	vmul.f32 v26, v26;
	v36 =	vperm.xlane v33, v1;
	v33, _, _ =	vpop (xrf1);
	(xrf1) =	vsort.ascd.msk.f32 $0xffff, v30, v30  }
0x154: {  	v30 =	vmul.f32 v34, v34;
	(erf) = vpow2.f32 v35;
	v28, _, _ =	vpop (xrf1);
	(xrf1) =	vsort.ascd.msk.f32 $0xffff, v27, v27  }
0x155: {  	v33 =	vsel vm0, v33, v36;
	v28 =	vperm.xlane v28, v1;
	v29 =	vpop (erf);
	(xrf1) =	vsort.ascd.msk.f32 $0xffff, v31, v31  }
0x156: {  	v26 =	vmul.f32 v26, v20;
	v30 =	vmul.f32 v30, v19;
	v29 =	vnsel vm1, $0x0, v29;
	(xrf1) =	vsort.ascd.msk.f32 $0xffff, v33, v33;
	v27, _, _ =	vpop (xrf1)  }
0x157: {  	[tilespmem:s16+$0xFFFFFFE8] =	vst.msk $0xff, v29;
	v27 =	vperm.xlane v27, v1;
	v29 =	vmul.f32 v32, v32;
	v31, _, _ =	vpop (xrf1)  }
0x158: {  	v28 =	vsel vm0, v31, v28;
	v31 =	vperm.xlane v25, v14;
	v32, _, _ =	vpop (xrf1);
	(xrf1) =	vsort.ascd.msk.f32 $0xffff, v26, v26  }
0x159: {  	v26 =	vsel vm0, v32, v27;
	v27 =	vmul.f32 v29, v17;
	(xrf1) =	vsort.ascd.msk.f32 $0xffff, v28, v28  }
0x15a: {  	v28 =	vsub.f32 v31, v23;
	v29 =	vsub.f32 v31, v24;
	(xrf1) =	vsort.ascd.msk.f32 $0xffff, v26, v26  }
0x15b: {  	v32 =	vperm.xlane v25, v15;
	v26 =	vsub.f32 v31, v18;
	v31 =	vsub.f32 v31, v22;
	v33, _, _ =	vpop (xrf1)  }
0x15c: {  	vm1 =	vle.f32 v33, $2.302585120e+00;
	v33 =	vsub.f32 $0.0e+00, v33;
	v29 =	vmul.f32 v29, v29;
	v34, _, _ =	vpop (xrf1);
	(xrf1) =	vsort.ascd.msk.f32 $0xffff, v30, v30  }
0x15d: {  	v28 =	vmul.f32 v28, v28;
	v30 =	vperm.xlane v34, v1;
	v34 =	vpop (erf);
	(xrf1) =	vsort.ascd.msk.f32 $0xffff, v27, v27  }
0x15e: {  	v27 =	vnsel vm2, $0x0, v34;
	v37 =	vmul.f32 $1.442695020e+00, v33;
	v29 =	vmul.f32 v29, v21;
	v34, _, _ =	vpop (xrf1)  }
0x15f: {  	v31 =	vmul.f32 v31, v31;
	[tilespmem:s16+$0xFFFFFFF0] =	vst.msk $0xff, v27;
	v38 =	vperm.xlane v34, v1;
	v34 =	vsub.f32 v32, v24;
	v35, _, _ =	vpop (xrf1)  }
0x160: {  	v36 =	vsub.f32 v32, v23;
	v28 =	vmul.f32 v28, v20;
	(erf) = vpow2.f32 v37;
	v33, _, _ =	vpop (xrf1);
	(xrf1) =	vsort.ascd.msk.f32 $0xffff, v29, v29  }
0x161: {  	v31 =	vmul.f32 v31, v19;
	v35 =	vsel vm0, v35, v38;
	v29 =	vperm.xlane v33, v1;
	v33, _, _ =	vpop (xrf1)  }
0x162: {  	v26 =	vmul.f32 v26, v26;
	v33 =	vsel vm0, v33, v30;
	(xrf1) =	vsort.ascd.msk.f32 $0xffff, v35, v35;
	v27, _, _ =	vpop (xrf1)  }
0x163: {  	v27 =	vsel vm0, v27, v29;
	v29 =	vmul.f32 v34, v34;
	(xrf1) =	vsort.ascd.msk.f32 $0xffff, v33, v33;
	v30, _, _ =	vpop (xrf1)  }
0x164: {  	v26 =	vmul.f32 v26, v17;
	v33 =	vsub.f32 v32, v22;
	v30 =	vperm.xlane v30, v1;
	v34, _, _ =	vpop (xrf1)  }
0x165: {  	vm2 =	vle.f32 v34, $2.302585120e+00;
	v34 =	vsub.f32 $0.0e+00, v34;
	v29 =	vmul.f32 v29, v21;
	(xrf1) =	vsort.ascd.msk.f32 $0xffff, v27, v27  }
0x166: {  	v27 =	vmul.f32 v36, v36;
	v36 =	vmul.f32 v33, v33;
	v35, _, _ =	vpop (xrf1);
	(xrf1) =	vsort.ascd.msk.f32 $0xffff, v28, v28  }
0x167: {  	v37 =	vsub.f32 v32, v18;
	v28 =	vmul.f32 $1.442695020e+00, v34;
	v34 =	vperm.xlane v35, v1;
	v35, _, _ =	vpop (xrf1);
	(xrf1) =	vsort.ascd.msk.f32 $0xffff, v31, v31  }
0x168: {  	v27 =	vmul.f32 v27, v20;
	v31 =	vperm.xlane v35, v1;
	v35, _, _ =	vpop (xrf1);
	(xrf1) =	vsort.ascd.msk.f32 $0xffff, v26, v26  }
0x169: {  	v26 =	vmul.f32 v36, v19;
	v33 =	vpop (erf);
	(erf) = vpow2.f32 v28;
	(xrf1) =	vsort.ascd.msk.f32 $0xffff, v29, v29  }
0x16a: {  	v33 =	vnsel vm1, $0x0, v33;
	v29 =	vsel vm0, v35, v31;
	v31 =	vmul.f32 v37, v37;
	v32, _, _ =	vpop (xrf1);
	(xrf1) =	vsort.ascd.msk.f32 $0xffff, v27, v27  }
0x16b: {  	v25 =	vperm.xlane v25, v16;
	[tilespmem:s16+$0xFFFFFFF8] =	vst.msk $0xff, v33;
	v27 =	vsel vm0, v32, v30;
	(xrf1) =	vsort.ascd.msk.f32 $0xffff, v29, v29;
	v28, _, _ =	vpop (xrf1)  }
0x16c: {  	v28 =	vsel vm0, v28, v34;
	v29 =	vmul.f32 v31, v17;
	(xrf1) =	vsort.ascd.msk.f32 $0xffff, v27, v27  }
0x16d: {  	v30 =	vsub.f32 v25, v24;
	v27 =	vsub.f32 v25, v23;
	(xrf1) =	vsort.ascd.msk.f32 $0xffff, v28, v28  }
0x16e: {  	v28 =	vsub.f32 v25, v18;
	v25 =	vsub.f32 v25, v22;
	v31, _, _ =	vpop (xrf1);
	(xrf1) =	vsort.ascd.msk.f32 $0xffff, v26, v26  }
0x16f: {  	v30 =	vmul.f32 v30, v30;
	v26 =	vperm.xlane v31, v1;
	(xrf1) =	vsort.ascd.msk.f32 $0xffff, v29, v29  }
0x170: {  	v27 =	vmul.f32 v27, v27;
	v25 =	vmul.f32 v25, v25;
	v29, _, _ =	vpop (xrf1)  }
0x171: {  	v30 =	vmul.f32 v30, v21;
	vm1 =	vle.f32 v29, $2.302585120e+00;
	v29 =	vsub.f32 $0.0e+00, v29;
	v31, _, _ =	vpop (xrf1)  }
0x172: {  	v27 =	vmul.f32 v27, v20;
	v34 =	vperm.xlane v31, v1;
	v32 =	vpop (erf)  }
0x173: {  	v25 =	vmul.f32 v25, v19;
	v32 =	vnsel vm2, $0x0, v32;
	v35 =	vmul.f32 $1.442695020e+00, v29;
	v33, _, _ =	vpop (xrf1);
	(xrf1) =	vsort.ascd.msk.f32 $0xffff, v30, v30  }
0x174: {  	v28 =	vmul.f32 v28, v28;
	[tilespmem:s16+$0x0] =	vst.msk $0xff, v32;
	v30 =	vsel vm0, v33, v34;
	v31, _, _ =	vpop (xrf1);
	(xrf1) =	vsort.ascd.msk.f32 $0xffff, v27, v27  }
0x175: {  	v27 =	vperm.xlane v31, v1;
	(erf) = vpow2.f32 v35;
	(xrf1) =	vsort.ascd.msk.f32 $0xffff, v30, v30;
	v29, _, _ =	vpop (xrf1)  }
0x176: {  	v28 =	vmul.f32 v28, v17;
	v30 =	vsel vm0, v29, v26;
	v29, _, _ =	vpop (xrf1);
	(xrf1) =	vsort.ascd.msk.f32 $0xffff, v25, v25  }
0x177: {  	v29 =	vsel vm0, v29, v27;
	(xrf1) =	vsort.ascd.msk.f32 $0xffff, v30, v30;
	v26, _, _ =	vpop (xrf1)  }
0x178: {  	v26 =	vperm.xlane v26, v1;
	(xrf1) =	vsort.ascd.msk.f32 $0xffff, v29, v29;
	v25, _, _ =	vpop (xrf1)  }
0x179: {  	v25 =	vperm.xlane v25, v1;
	v27, _, _ =	vpop (xrf1)  }
0x17a: {  	vm2 =	vle.f32 v27, $2.302585120e+00;
	v27 =	vsub.f32 $0.0e+00, v27;
	v29, _, _ =	vpop (xrf1);
	(xrf1) =	vsort.ascd.msk.f32 $0xffff, v28, v28  }
0x17b: {  	v28 =	vperm.xlane v29, v1;
	v29, _, _ =	vpop (xrf1)  }
0x17c: {  	v27 =	vmul.f32 $1.442695020e+00, v27;
	v30, _, _ =	vpop (xrf1)  }
0x17d: {  	v28 =	vsel vm0, v29, v28;
	v26 =	vsel vm0, v30, v26;
	v29, _, _ =	vpop (xrf1)  }
0x17e: {  	v25 =	vsel vm0, v29, v25;
	v29 =	vpop (erf);
	(erf) = vpow2.f32 v27;
	(xrf1) =	vsort.ascd.msk.f32 $0xffff, v28, v28  }
0x17f: {  	v27 =	vnsel vm1, $0x0, v29;
	(xrf1) =	vsort.ascd.msk.f32 $0xffff, v26, v26  }
0x180: {  	[tilespmem:s16+$0x8] =	vst.msk $0xff, v27;
	(xrf1) =	vsort.ascd.msk.f32 $0xffff, v25, v25  }
0x181: {  	v25, _, _ =	vpop (xrf1)  }
0x182: {  	v25 =	vperm.xlane v25, v1;
	v26, _, _ =	vpop (xrf1)  }
0x183: {  	v26 =	vperm.xlane v26, v1;
	v27, _, _ =	vpop (xrf1)  }
0x184: {  	vm1 =	vle.f32 v27, $2.302585120e+00;
	v27 =	vsub.f32 $0.0e+00, v27;
	v28, _, _ =	vpop (xrf1)  }
0x185: {  	v30 =	vsel vm0, v28, v25;
	v28, _, _ =	vpop (xrf1)  }
0x186: {  	v31 =	vmul.f32 $1.442695020e+00, v27;
	v28 =	vperm.xlane v28, v1;
	v29, _, _ =	vpop (xrf1);
	(xrf1) =	vsort.ascd.msk.f32 $0xffff, v30, v30  }
0x187: {  	v25 =	vpop (erf)  }
0x188: {  	v25 =	vnsel vm2, $0x0, v25;
	v28 =	vsel vm0, v29, v28;
	(erf) = vpow2.f32 v31;
	v27, _, _ =	vpop (xrf1)  }
0x189: {  	[tilespmem:s16+$0x10] =	vst.msk $0xff, v25;
	v25 =	vsel vm0, v27, v26;
	(xrf1) =	vsort.ascd.msk.f32 $0xffff, v28, v28  }
0x18a: {  	(xrf1) =	vsort.ascd.msk.f32 $0xffff, v25, v25;
	_ =	sdelay $0x1  }
0x18b: {  	v25, _, _ =	vpop (xrf1)  }
0x18c: {  	vm2 =	vle.f32 v25, $2.302585120e+00;
	v25 =	vsub.f32 $0.0e+00, v25;
	v26, _, _ =	vpop (xrf1)  }
0x18d: {  	v26 =	vperm.xlane v26, v1;
	v27, _, _ =	vpop (xrf1)  }
0x18e: {  	v25 =	vmul.f32 $1.442695020e+00, v25  }
0x18f: {  	v26 =	vsel vm0, v27, v26  }
0x190: {  	v27 =	vpop (erf);
	(erf) = vpow2.f32 v25;
	(xrf1) =	vsort.ascd.msk.f32 $0xffff, v26, v26  }
0x191: {  	v26 =	vnsel vm1, $0x0, v27  }
0x192: {  	[tilespmem:s16+$0x18] =	vst.msk $0xff, v26  }
0x193: {  	v25, _, _ =	vpop (xrf1)  }
0x194: {  	v25 =	vperm.xlane v25, v1;
	_ =	sdelay $0x1  }
0x195: {  	v26, _, _ =	vpop (xrf1)  }
0x196: {  	vm1 =	vle.f32 v26, $2.302585120e+00;
	v26 =	vsub.f32 $0.0e+00, v26;
	v27, _, _ =	vpop (xrf1)  }
0x197: {  	v25 =	vsel vm0, v27, v25  }
0x198: {  	v26 =	vmul.f32 $1.442695020e+00, v26;
	v27 =	vpop (erf);
	(xrf1) =	vsort.ascd.msk.f32 $0xffff, v25, v25  }
0x199: {  	v25 =	vnsel vm2, $0x0, v27  }
0x19a: {  	[tilespmem:s16+$0x20] =	vst.msk $0xff, v25;
	(erf) = vpow2.f32 v26;
	_ =	sdelay $0x2  }
0x19b: {  	v25, _, _ =	vpop (xrf1)  }
0x19c: {  	vm2 =	vle.f32 v25, $2.302585120e+00;
	v25 =	vsub.f32 $0.0e+00, v25;
	_ =	sdelay $0x1  }
0x19d: {  	v26 =	vmul.f32 $1.442695020e+00, v25;
	_ =	sdelay $0x1  }
0x19e: {  	(erf) = vpow2.f32 v26  }
0x19f: {  	v25 =	vpop (erf)  }
0x1a0: {  	v26 =	vnsel vm1, $0x0, v25  }
0x1a1: {  	[tilespmem:s16+$0x28] =	vst.msk $0xff, v26  }
0x1a2: {  	v25, _, _ =	vpop (xrf1)  }
0x1a3: {  	vm1 =	vle.f32 v25, $2.302585120e+00;
	v25 =	vsub.f32 $0.0e+00, v25;
	_ =	sdelay $0x1  }
0x1a4: {  	v25 =	vmul.f32 $1.442695020e+00, v25;
	_ =	sdelay $0x1  }
0x1a5: {  	v26 =	vpop (erf);
	(erf) = vpow2.f32 v25  }
0x1a6: {  	v25 =	vnsel vm2, $0x0, v26  }
0x1a7: {  	[tilespmem:s16+$0x30] =	vst.msk $0xff, v25;
	_ =	sdelay $0x4  }
.Ltmp0:
0x1a8: {  	(pc) =	sbr.rel @p0 .LBB2_3-.Ltmp0, $4  }
0x1a9: {  	_ = 	snop  }
0x1aa: {  	v25 =	vpop (erf)  }
0x1ab: {  	v25 =	vnsel vm1, $0x0, v25  }
0x1ac: {  	s18 =	sshra.s32 s17, $0x2;
	s17 =	sadd.s32 $0x40, s17;
	[tilespmem:s16+$0x38] =	vst.msk $0xff, v25  }
0x1ad: {  	v25 =	vld [tilespmem:s18+$0x0];
	_ =	sdelay $0x4  }
0x1ae: {  	v26 =	vperm.xlane v25, v0  }
0x1af: {  	v27 =	vperm.xlane v25, v2  }
0x1b0: {  	v28 =	vperm.xlane v25, v3;
	v31 =	vperm.xlane v25, v4;
	v29 =	vsub.f32 v26, v24  }
0x1b1: {  	v63 =	vperm.xlane v25, v5;
	v30 =	vsub.f32 v27, v24;
	v32 =	vsub.f32 v26, v23  }
0x1b2: {  	v33 =	vsub.f32 v27, v23;
	v34 =	vsub.f32 v26, v22;
	v29 =	vmul.f32 v29, v29  }
0x1b3: {  	v35 =	vsub.f32 v27, v22;
	v26 =	vsub.f32 v26, v18;
	v32 =	vmul.f32 v32, v32  }
0x1b4: {  	v27 =	vsub.f32 v27, v18;
	v34 =	vmul.f32 v34, v34;
	v29 =	vmul.f32 v29, v21  }
0x1b5: {  	v52 =	vsub.f32 v28, v24;
	v30 =	vmul.f32 v30, v30;
	v32 =	vmul.f32 v32, v20  }
0x1b6: {  	v26 =	vmul.f32 v26, v26;
	v34 =	vmul.f32 v34, v19;
	(xrf1) =	vsort.ascd.msk.f32 $0xffff, v29, v29  }
0x1b7: {  	v53 =	vsub.f32 v28, v23;
	v30 =	vmul.f32 v30, v21;
	(xrf1) =	vsort.ascd.msk.f32 $0xffff, v32, v32  }
0x1b8: {  	v33 =	vmul.f32 v33, v33;
	v26 =	vmul.f32 v26, v17;
	(xrf1) =	vsort.ascd.msk.f32 $0xffff, v34, v34  }
0x1b9: {  	v54 =	vsub.f32 v28, v22;
	v50 =	vmul.f32 v35, v35;
	(xrf1) =	vsort.ascd.msk.f32 $0xffff, v30, v30  }
0x1ba: {  	v27 =	vmul.f32 v27, v27;
	v49 =	vmul.f32 v33, v20;
	(xrf1) =	vsort.ascd.msk.f32 $0xffff, v26, v26  }
0x1bb: {  	v28 =	vsub.f32 v28, v18;
	v59 =	vsub.f32 v31, v24;
	v51 =	vmul.f32 v50, v19  }
0x1bc: {  	v27 =	vmul.f32 v27, v17;
	v33 =	vmul.f32 v52, v52;
	(xrf1) =	vsort.ascd.msk.f32 $0xffff, v49, v49  }
0x1bd: {  	v60 =	vsub.f32 v31, v23;
	v55 =	vmul.f32 v53, v53;
	(xrf1) =	vsort.ascd.msk.f32 $0xffff, v51, v51  }
0x1be: {  	v56 =	vmul.f32 v33, v21;
	v26 =	vmul.f32 v54, v54;
	(xrf1) =	vsort.ascd.msk.f32 $0xffff, v27, v27  }
0x1bf: {  	v62 =	vsub.f32 v31, v22;
	v31 =	vsub.f32 v31, v18;
	v58 =	vmul.f32 v55, v20  }
0x1c0: {  	v57 =	vmul.f32 v28, v28;
	v26 =	vmul.f32 v26, v19;
	(xrf1) =	vsort.ascd.msk.f32 $0xffff, v56, v56  }
0x1c1: {  	v38 =	vsub.f32 v63, v24;
	v29 =	vmul.f32 v59, v59;
	(xrf1) =	vsort.ascd.msk.f32 $0xffff, v58, v58  }
0x1c2: {  	v61 =	vmul.f32 v60, v60;
	v27 =	vmul.f32 v57, v17;
	(xrf1) =	vsort.ascd.msk.f32 $0xffff, v26, v26  }
0x1c3: {  	v39 =	vsub.f32 v63, v23;
	v37 =	vmul.f32 v62, v62;
	v29 =	vmul.f32 v29, v21  }
0x1c4: {  	v31 =	vmul.f32 v31, v31;
	v36 =	vmul.f32 v61, v20;
	(xrf1) =	vsort.ascd.msk.f32 $0xffff, v27, v27;
	v40, _, _ =	vpop (xrf1)  }
0x1c5: {  	v28 =	vmul.f32 v37, v19;
	(xrf1) =	vsort.ascd.msk.f32 $0xffff, v29, v29;
	v41 =	vperm.xlane v40, v1;
	v42, _, _ =	vpop (xrf1)  }
0x1c6: {  	v43 =	vmul.f32 v31, v17;
	v30 =	vmul.f32 v38, v38;
	(xrf1) =	vsort.ascd.msk.f32 $0xffff, v36, v36;
	v44, _, _ =	vpop (xrf1)  }
0x1c7: {  	v33 =	vperm.xlane v42, v1;
	(xrf1) =	vsort.ascd.msk.f32 $0xffff, v28, v28;
	v29 =	vsel vm0, v44, v41;
	v45, _, _ =	vpop (xrf1)  }
0x1c8: {  	v46 =	vsub.f32 v63, v22;
	v48 =	vmul.f32 v30, v21;
	v47, _, _ =	vpop (xrf1);
	(xrf1) =	vsort.ascd.msk.f32 $0xffff, v29, v29  }
0x1c9: {  	v56 =	vperm.xlane v25, v6;
	v49 =	vsel vm0, v47, v33;
	(xrf1) =	vsort.ascd.msk.f32 $0xffff, v43, v43  }
0x1ca: {  	v51 =	vmul.f32 v39, v39;
	v31 =	vperm.xlane v45, v1;
	v50, _, _ =	vpop (xrf1);
	(xrf1) =	vsort.ascd.msk.f32 $0xffff, v49, v49  }
0x1cb: {  	v26 =	vsub.f32 v63, v18;
	v59 =	vsub.f32 v56, v24;
	v52 =	vperm.xlane v50, v1;
	v53, _, _ =	vpop (xrf1)  }
0x1cc: {  	v28 =	vmul.f32 v46, v46;
	v30 =	vsel vm0, v53, v31;
	v54, _, _ =	vpop (xrf1);
	(xrf1) =	vsort.ascd.msk.f32 $0xffff, v48, v48  }
0x1cd: {  	v27 =	vmul.f32 v51, v20;
	v55 =	vsel vm0, v54, v52;
	(xrf1) =	vsort.ascd.msk.f32 $0xffff, v30, v30  }
0x1ce: {  	v62 =	vsub.f32 v56, v23;
	v28 =	vmul.f32 v28, v19;
	v57, _, _ =	vpop (xrf1);
	(xrf1) =	vsort.ascd.msk.f32 $0xffff, v55, v55  }
0x1cf: {  	v26 =	vmul.f32 v26, v26;
	v29 =	vperm.xlane v57, v1;
	v58, _, _ =	vpop (xrf1);
	(xrf1) =	vsort.ascd.msk.f32 $0xffff, v27, v27  }
0x1d0: {  	v35 =	vsub.f32 v56, v22;
	v41 =	vperm.xlane v25, v7;
	v60, _, _ =	vpop (xrf1);
	(xrf1) =	vsort.ascd.msk.f32 $0xffff, v28, v28  }
0x1d1: {  	v26 =	vmul.f32 v26, v17;
	v61 =	vperm.xlane v58, v1;
	v29 =	vsel vm0, v60, v29  }
0x1d2: {  	v45 =	vsub.f32 v41, v24;
	v27 =	vmul.f32 v59, v59;
	v63, _, _ =	vpop (xrf1);
	(xrf1) =	vsort.ascd.msk.f32 $0xffff, v29, v29  }
0x1d3: {  	v47 =	vsub.f32 v41, v23;
	v31 =	vmul.f32 v62, v62;
	v28 =	vsel vm0, v63, v61;
	v36, _, _ =	vpop (xrf1)  }
0x1d4: {  	v27 =	vmul.f32 v27, v21;
	(xrf1) =	vsort.ascd.msk.f32 $0xffff, v28, v28;
	v28 =	vperm.xlane v36, v1;
	v37, _, _ =	vpop (xrf1)  }
0x1d5: {  	v51 =	vsub.f32 v41, v22;
	v31 =	vmul.f32 v31, v20;
	(xrf1) =	vsort.ascd.msk.f32 $0xffff, v26, v26;
	v39, _, _ =	vpop (xrf1)  }
0x1d6: {  	(xrf1) =	vsort.ascd.msk.f32 $0xffff, v27, v27;
	v38 =	vperm.xlane v37, v1;
	v27 =	vsel vm0, v39, v28;
	v40, _, _ =	vpop (xrf1)  }
0x1d7: {  	v29 =	vmul.f32 v35, v35;
	(xrf1) =	vsort.ascd.msk.f32 $0xffff, v27, v27;
	v28 =	vperm.xlane v40, v1;
	v42, _, _ =	vpop (xrf1)  }
0x1d8: {  	v30 =	vsub.f32 v56, v18;
	(xrf1) =	vsort.ascd.msk.f32 $0xffff, v31, v31;
	v26 =	vsel vm0, v42, v38;
	v44, _, _ =	vpop (xrf1)  }
0x1d9: {  	v29 =	vmul.f32 v29, v19;
	v28 =	vsel vm0, v44, v28;
	(xrf1) =	vsort.ascd.msk.f32 $0xffff, v26, v26  }
0x1da: {  	v50 =	vmul.f32 v47, v47;
	v43 =	vmul.f32 v30, v30;
	v46, _, _ =	vpop (xrf1);
	(xrf1) =	vsort.ascd.msk.f32 $0xffff, v28, v28  }
0x1db: {  	v62 =	vperm.xlane v25, v8;
	v56 =	vmul.f32 v51, v51;
	v48, _, _ =	vpop (xrf1);
	(xrf1) =	vsort.ascd.msk.f32 $0xffff, v29, v29  }
0x1dc: {  	v27 =	vmul.f32 v43, v17;
	v28 =	vperm.xlane v48, v1;
	v49, _, _ =	vpop (xrf1)  }
0x1dd: {  	v30 =	vmul.f32 v45, v45;
	v26 =	vperm.xlane v46, v1;
	v52, _, _ =	vpop (xrf1)  }
0x1de: {  	v57 =	vsub.f32 v41, v18;
	(xrf1) =	vsort.ascd.msk.f32 $0xffff, v27, v27;
	v53 =	vsel vm0, v49, v28;
	v55, _, _ =	vpop (xrf1)  }
0x1df: {  	v54 =	vmul.f32 v30, v21;
	v26 =	vsel vm0, v55, v26;
	(xrf1) =	vsort.ascd.msk.f32 $0xffff, v53, v53  }
0x1e0: {  	v30 =	vmul.f32 v56, v19;
	v29 =	vmul.f32 v50, v20;
	v58, _, _ =	vpop (xrf1);
	(xrf1) =	vsort.ascd.msk.f32 $0xffff, v26, v26  }
0x1e1: {  	v27 =	vmul.f32 v57, v57;
	v59 =	vperm.xlane v58, v1;
	(xrf1) =	vsort.ascd.msk.f32 $0xffff, v54, v54  }
0x1e2: {  	v35 =	vsub.f32 v62, v24;
	v60 =	vperm.xlane v52, v1;
	v61, _, _ =	vpop (xrf1);
	(xrf1) =	vsort.ascd.msk.f32 $0xffff, v29, v29  }
0x1e3: {  	v27 =	vmul.f32 v27, v17;
	v63, _, _ =	vpop (xrf1);
	v26 =	vsel vm0, v61, v59;
	(xrf1) =	vsort.ascd.msk.f32 $0xffff, v30, v30  }
0x1e4: {  	v28 =	vsel vm0, v63, v60;
	v36, _, _ =	vpop (xrf1);
	(xrf1) =	vsort.ascd.msk.f32 $0xffff, v26, v26;
	v26 =	vmul.f32 v35, v35  }
0x1e5: {  	(xrf1) =	vsort.ascd.msk.f32 $0xffff, v28, v28;
	v37, _, _ =	vpop (xrf1)  }
0x1e6: {  	(xrf1) =	vsort.ascd.msk.f32 $0xffff, v27, v27;
	v39, _, _ =	vpop (xrf1)  }
0x1e7: {  	v38 =	vperm.xlane v37, v1;
	v41, _, _ =	vpop (xrf1)  }
0x1e8: {  	v30 =	vperm.xlane v36, v1;
	v43 =	vmul.f32 v26, v21;
	v26, _, _ =	vpop (xrf1)  }
0x1e9: {  	v45 =	vperm.xlane v25, v9;
	v40 =	vsub.f32 v62, v23;
	v27 =	vsel vm0, v41, v38;
	v44, _, _ =	vpop (xrf1)  }
0x1ea: {  	v29 =	vsub.f32 v62, v22;
	(xrf1) =	vsort.ascd.msk.f32 $0xffff, v27, v27;
	v27 =	vsel vm0, v44, v30  }
0x1eb: {  	v31 =	vmul.f32 v40, v40;
	v28 =	vperm.xlane v39, v1;
	(xrf1) =	vsort.ascd.msk.f32 $0xffff, v43, v43  }
0x1ec: {  	v42 =	vsub.f32 v62, v18;
	v29 =	vmul.f32 v29, v29;
	v46, _, _ =	vpop (xrf1);
	(xrf1) =	vsort.ascd.msk.f32 $0xffff, v27, v27  }
0x1ed: {  	v47 =	vsub.f32 v45, v24;
	v31 =	vmul.f32 v31, v20;
	v28 =	vsel vm0, v46, v28;
	v27, _, _ =	vpop (xrf1)  }
0x1ee: {  	v33 =	vmul.f32 v42, v42;
	v29 =	vmul.f32 v29, v19;
	(xrf1) =	vsort.ascd.msk.f32 $0xffff, v28, v28;
	v48, _, _ =	vpop (xrf1)  }
0x1ef: {  	v56 =	vsub.f32 v45, v22;
	v52 =	vmul.f32 v47, v47;
	(xrf1) =	vsort.ascd.msk.f32 $0xffff, v31, v31;
	v51, _, _ =	vpop (xrf1)  }
0x1f0: {  	v49 =	vmul.f32 v33, v17;
	(xrf1) =	vsort.ascd.msk.f32 $0xffff, v29, v29;
	v53 =	vperm.xlane v51, v1;
	v54, _, _ =	vpop (xrf1)  }
0x1f1: {  	v34 =	vmul.f32 v56, v56;
	v50 =	vsub.f32 v45, v23;
	v31 =	vmul.f32 v52, v21;
	v36, _, _ =	vpop (xrf1)  }
0x1f2: {  	v55 =	vperm.xlane v48, v1;
	(xrf1) =	vsort.ascd.msk.f32 $0xffff, v49, v49;
	v32 =	vsel vm0, v36, v53;
	v28, _, _ =	vpop (xrf1)  }
0x1f3: {  	v33 =	vmul.f32 v50, v50;
	v35 =	vperm.xlane v54, v1;
	v57, _, _ =	vpop (xrf1);
	(xrf1) =	vsort.ascd.msk.f32 $0xffff, v32, v32  }
0x1f4: {  	v30 =	vsub.f32 v45, v18;
	v29 =	vsel vm0, v57, v55;
	v58, _, _ =	vpop (xrf1);
	(xrf1) =	vsort.ascd.msk.f32 $0xffff, v31, v31  }
0x1f5: {  	v60 =	vmul.f32 v33, v20;
	v59 =	vsel vm0, v58, v35;
	(xrf1) =	vsort.ascd.msk.f32 $0xffff, v29, v29  }
0x1f6: {  	v62 =	vmul.f32 v34, v19;
	v61 =	vmul.f32 v30, v30;
	(xrf1) =	vsort.ascd.msk.f32 $0xffff, v59, v59  }
0x1f7: {  	v63 =	vperm.xlane v25, v10;
	(xrf1) =	vsort.ascd.msk.f32 $0xffff, v60, v60  }
0x1f8: {  	v29 =	vmul.f32 v61, v17;
	v30, _, _ =	vpop (xrf1);
	(xrf1) =	vsort.ascd.msk.f32 $0xffff, v62, v62  }
0x1f9: {  	v37 =	vsub.f32 v63, v24;
	v38, _, _ =	vpop (xrf1)  }
0x1fa: {  	v42 =	vsub.f32 v63, v23;
	v39, _, _ =	vpop (xrf1);
	(xrf1) =	vsort.ascd.msk.f32 $0xffff, v29, v29  }
0x1fb: {  	v40 =	vmul.f32 v37, v37;
	v41 =	vperm.xlane v39, v1  }
0x1fc: {  	v34 =	vmul.f32 v42, v42;
	v43, _, _ =	vpop (xrf1)  }
0x1fd: {  	v33 =	vperm.xlane v38, v1;
	v29 =	vmul.f32 v40, v21;
	v45, _, _ =	vpop (xrf1);
	v32 =	vsel vm0, v43, v41  }
0x1fe: {  	v44 =	vsub.f32 v63, v22;
	v31 =	vsub.f32 v63, v18;
	v46, _, _ =	vpop (xrf1);
	(xrf1) =	vsort.ascd.msk.f32 $0xffff, v32, v32  }
0x1ff: {  	v35 =	vperm.xlane v45, v1;
	v32 =	vsel vm0, v46, v33;
	(xrf1) =	vsort.ascd.msk.f32 $0xffff, v29, v29  }
0x200: {  	v47 =	vmul.f32 v44, v44;
	v48, _, _ =	vpop (xrf1);
	(xrf1) =	vsort.ascd.msk.f32 $0xffff, v32, v32  }
0x201: {  	v49 =	vmul.f32 v34, v20;
	v31 =	vmul.f32 v31, v31;
	v33 =	vsel vm0, v48, v35;
	v50, _, _ =	vpop (xrf1)  }
0x202: {  	v51 =	vmul.f32 v47, v19;
	(xrf1) =	vsort.ascd.msk.f32 $0xffff, v33, v33;
	v53, _, _ =	vpop (xrf1)  }
0x203: {  	v52 =	vperm.xlane v25, v11;
	v31 =	vmul.f32 v31, v17;
	(xrf1) =	vsort.ascd.msk.f32 $0xffff, v49, v49;
	v29, _, _ =	vpop (xrf1)  }
0x204: {  	v54 =	vperm.xlane v50, v1;
	(xrf1) =	vsort.ascd.msk.f32 $0xffff, v51, v51;
	v37, _, _ =	vpop (xrf1)  }
0x205: {  	v56 =	vsub.f32 v52, v23;
	v33 =	vperm.xlane v53, v1;
	(xrf1) =	vsort.ascd.msk.f32 $0xffff, v31, v31;
	v38, _, _ =	vpop (xrf1)  }
0x206: {  	v55 =	vsub.f32 v52, v24;
	v61 =	vsub.f32 v52, v22;
	v57 =	vsel vm0, v37, v54;
	v60, _, _ =	vpop (xrf1)  }
0x207: {  	v59 =	vperm.xlane v38, v1;
	(xrf1) =	vsort.ascd.msk.f32 $0xffff, v57, v57;
	v62 =	vsel vm0, v60, v33  }
0x208: {  	v42 =	vperm.xlane v25, v12;
	v58 =	vmul.f32 v55, v55;
	v39, _, _ =	vpop (xrf1);
	(xrf1) =	vsort.ascd.msk.f32 $0xffff, v62, v62  }
0x209: {  	v63 =	vmul.f32 v56, v56;
	v40 =	vmul.f32 v61, v61;
	v34 =	vsel vm0, v39, v59  }
0x20a: {  	v41 =	vsub.f32 v52, v18;
	v32 =	vmul.f32 v58, v21;
	(xrf1) =	vsort.ascd.msk.f32 $0xffff, v34, v34  }
0x20b: {  	v44 =	vsub.f32 v42, v24;
	v33 =	vmul.f32 v63, v20  }
0x20c: {  	v43 =	vmul.f32 v40, v19;
	v35 =	vmul.f32 v41, v41;
	(xrf1) =	vsort.ascd.msk.f32 $0xffff, v32, v32;
	v31, _, _ =	vpop (xrf1)  }
0x20d: {  	v48 =	vsub.f32 v42, v22;
	(xrf1) =	vsort.ascd.msk.f32 $0xffff, v33, v33;
	v46, _, _ =	vpop (xrf1)  }
0x20e: {  	v45 =	vmul.f32 v35, v17;
	v32 =	vmul.f32 v44, v44;
	(xrf1) =	vsort.ascd.msk.f32 $0xffff, v43, v43;
	v49, _, _ =	vpop (xrf1)  }
0x20f: {  	v47 =	vsub.f32 v42, v23;
	v50 =	vperm.xlane v25, v13;
	v38 =	vperm.xlane v49, v1  }
0x210: {  	v36 =	vsub.f32 v42, v18;
	v37 =	vmul.f32 v48, v48;
	v32 =	vmul.f32 v32, v21;
	v39, _, _ =	vpop (xrf1)  }
0x211: {  	(xrf1) =	vsort.ascd.msk.f32 $0xffff, v45, v45;
	v35 =	vperm.xlane v46, v1;
	v40, _, _ =	vpop (xrf1);
	v38 =	vsel vm0, v39, v38  }
0x212: {  	v34 =	vmul.f32 v47, v47;
	v40 =	vperm.xlane v40, v1;
	(xrf1) =	vsort.ascd.msk.f32 $0xffff, v38, v38;
	v52, _, _ =	vpop (xrf1)  }
0x213: {  	v54 =	vmul.f32 v36, v36;
	v35 =	vsel vm0, v52, v35;
	v53, _, _ =	vpop (xrf1);
	(xrf1) =	vsort.ascd.msk.f32 $0xffff, v32, v32  }
0x214: {  	v34 =	vmul.f32 v34, v20;
	v38 =	vsel vm0, v53, v40;
	(xrf1) =	vsort.ascd.msk.f32 $0xffff, v35, v35  }
0x215: {  	v51 =	vsub.f32 v50, v24;
	v55 =	vmul.f32 v37, v19;
	v32, _, _ =	vpop (xrf1);
	(xrf1) =	vsort.ascd.msk.f32 $0xffff, v38, v38  }
0x216: {  	v57 =	vsub.f32 v50, v23;
	v59 =	vmul.f32 v54, v17;
	v58, _, _ =	vpop (xrf1);
	(xrf1) =	vsort.ascd.msk.f32 $0xffff, v34, v34  }
0x217: {  	v56 =	vmul.f32 v51, v51;
	(xrf1) =	vsort.ascd.msk.f32 $0xffff, v55, v55  }
0x218: {  	v62 =	vmul.f32 v57, v57;
	v63, _, _ =	vpop (xrf1);
	(xrf1) =	vsort.ascd.msk.f32 $0xffff, v59, v59  }
0x219: {  	v61 =	vmul.f32 v56, v21;
	v60 =	vperm.xlane v58, v1  }
0x21a: {  	v48 =	vmul.f32 v62, v20;
	v33 =	vsub.f32 v50, v18;
	v45, _, _ =	vpop (xrf1)  }
0x21b: {  	v46 =	vsel vm0, v63, v60;
	v47 =	vperm.xlane v45, v1;
	(xrf1) =	vsort.ascd.msk.f32 $0xffff, v61, v61;
	v49, _, _ =	vpop (xrf1)  }
0x21c: {  	v44 =	vsub.f32 v50, v22;
	v33 =	vmul.f32 v33, v33;
	(xrf1) =	vsort.ascd.msk.f32 $0xffff, v46, v46;
	v51, _, _ =	vpop (xrf1)  }
0x21d: {  	v52 =	vperm.xlane v25, v14;
	v35 =	vsel vm0, v51, v47;
	(xrf1) =	vsort.ascd.msk.f32 $0xffff, v48, v48  }
0x21e: {  	v41 =	vperm.xlane v25, v15;
	(xrf1) =	vsort.ascd.msk.f32 $0xffff, v35, v35  }
0x21f: {  	v53 =	vmul.f32 v44, v44;
	v55 =	vsub.f32 v52, v24;
	v50 =	vperm.xlane v49, v1;
	v54, _, _ =	vpop (xrf1)  }
0x220: {  	v56 =	vmul.f32 v33, v17;
	v25 =	vperm.xlane v25, v16;
	v37 =	vsub.f32 v52, v22;
	v33, _, _ =	vpop (xrf1)  }
0x221: {  	v36 =	vmul.f32 v53, v19;
	v34 =	vsel vm0, v54, v50;
	v35 =	vmul.f32 v55, v55;
	v57, _, _ =	vpop (xrf1)  }
0x222: {  	v37 =	vmul.f32 v37, v37;
	v58 =	vsub.f32 v52, v23;
	(xrf1) =	vsort.ascd.msk.f32 $0xffff, v34, v34;
	v60, _, _ =	vpop (xrf1)  }
0x223: {  	v59 =	vmul.f32 v35, v21;
	(xrf1) =	vsort.ascd.msk.f32 $0xffff, v36, v36;
	v35 =	vperm.xlane v60, v1;
	v62, _, _ =	vpop (xrf1)  }
0x224: {  	v61 =	vsub.f32 v52, v18;
	(xrf1) =	vsort.ascd.msk.f32 $0xffff, v56, v56;
	v38 =	vperm.xlane v57, v1;
	v63, _, _ =	vpop (xrf1)  }
0x225: {  	(xrf1) =	vsort.ascd.msk.f32 $0xffff, v59, v59;
	v35 =	vsel vm0, v62, v35;
	v44, _, _ =	vpop (xrf1);
	v34 =	vperm.xlane v63, v1  }
0x226: {  	v36 =	vmul.f32 v58, v58;
	(xrf1) =	vsort.ascd.msk.f32 $0xffff, v35, v35;
	v38 =	vsel vm0, v44, v38;
	v46, _, _ =	vpop (xrf1)  }
0x227: {  	v37 =	vmul.f32 v37, v19;
	(xrf1) =	vsort.ascd.msk.f32 $0xffff, v38, v38;
	v34 =	vsel vm0, v46, v34  }
0x228: {  	v39 =	vmul.f32 v61, v61;
	v36 =	vmul.f32 v36, v20  }
0x229: {  	v45 =	vsub.f32 v41, v24;
	v47 =	vsub.f32 v41, v23;
	v48, _, _ =	vpop (xrf1);
	(xrf1) =	vsort.ascd.msk.f32 $0xffff, v34, v34  }
0x22a: {  	v61 =	vsub.f32 v25, v23;
	v39 =	vmul.f32 v39, v17;
	v34, _, _ =	vpop (xrf1);
	(xrf1) =	vsort.ascd.msk.f32 $0xffff, v36, v36  }
0x22b: {  	v55 =	vsub.f32 v41, v18;
	v58 =	vsub.f32 v25, v24;
	v49, _, _ =	vpop (xrf1);
	(xrf1) =	vsort.ascd.msk.f32 $0xffff, v37, v37  }
0x22c: {  	v23 =	vmul.f32 v61, v61;
	v35 =	vmul.f32 v45, v45;
	v50, _, _ =	vpop (xrf1);
	(xrf1) =	vsort.ascd.msk.f32 $0xffff, v39, v39  }
0x22d: {  	v24 =	vmul.f32 v58, v58;
	v38 =	vmul.f32 v47, v47  }
0x22e: {  	v60 =	vmul.f32 v55, v55;
	v35 =	vmul.f32 v35, v21  }
0x22f: {  	v53 =	vsub.f32 v41, v22;
	v38 =	vmul.f32 v38, v20;
	v37 =	vperm.xlane v50, v1  }
0x230: {  	v52 =	vperm.xlane v48, v1;
	v36 =	vperm.xlane v49, v1;
	(xrf1) =	vsort.ascd.msk.f32 $0xffff, v35, v35;
	v51, _, _ =	vpop (xrf1)  }
0x231: {  	(xrf1) =	vsort.ascd.msk.f32 $0xffff, v38, v38;
	v54, _, _ =	vpop (xrf1);
	v35 =	vsel vm0, v51, v37;
	v37 =	vmul.f32 v53, v53  }
0x232: {  	v62 =	vsub.f32 v25, v22;
	v38 =	vsel vm0, v54, v52;
	v56, _, _ =	vpop (xrf1);
	(xrf1) =	vsort.ascd.msk.f32 $0xffff, v35, v35  }
0x233: {  	v57 =	vsel vm0, v56, v36;
	v63, _, _ =	vpop (xrf1);
	v59 =	vmul.f32 v37, v19;
	(xrf1) =	vsort.ascd.msk.f32 $0xffff, v38, v38  }
0x234: {  	v41 =	vmul.f32 v62, v62;
	v37 =	vmul.f32 v60, v17;
	(xrf1) =	vsort.ascd.msk.f32 $0xffff, v57, v57;
	v22, _, _ =	vpop (xrf1)  }
0x235: {  	v42 =	vmul.f32 v24, v21;
	v44 =	vmul.f32 v23, v20;
	(xrf1) =	vsort.ascd.msk.f32 $0xffff, v59, v59;
	v43, _, _ =	vpop (xrf1)  }
0x236: {  	v19 =	vmul.f32 v41, v19;
	(xrf1) =	vsort.ascd.msk.f32 $0xffff, v37, v37;
	v24 =	vperm.xlane v43, v1  }
0x237: {  	v18 =	vsub.f32 v25, v18;
	v46, _, _ =	vpop (xrf1);
	(xrf1) =	vsort.ascd.msk.f32 $0xffff, v42, v42  }
0x238: {  	v45 =	vperm.xlane v63, v1;
	v47 =	vsel vm0, v46, v24;
	v48, _, _ =	vpop (xrf1);
	(xrf1) =	vsort.ascd.msk.f32 $0xffff, v44, v44  }
0x239: {  	v18 =	vmul.f32 v18, v18;
	(xrf1) =	vsort.ascd.msk.f32 $0xffff, v47, v47;
	v49, _, _ =	vpop (xrf1);
	v50 =	vperm.xlane v48, v1  }
0x23a: {  	v20 =	vsel vm0, v49, v45;
	(xrf1) =	vsort.ascd.msk.f32 $0xffff, v19, v19;
	v19, _, _ =	vpop (xrf1)  }
0x23b: {  	v17 =	vmul.f32 v18, v17;
	(xrf1) =	vsort.ascd.msk.f32 $0xffff, v20, v20;
	v18 =	vsel vm0, v19, v50;
	_ =	sdelay $0x1  }
0x23c: {  	(xrf1) =	vsort.ascd.msk.f32 $0xffff, v18, v18  }
0x23d: {  	v18, _, _ =	vpop (xrf1);
	(xrf1) =	vsort.ascd.msk.f32 $0xffff, v17, v17  }
0x23e: {  	v19, _, _ =	vpop (xrf1)  }
0x23f: {  	v17, _, _ =	vpop (xrf1)  }
0x240: {  	v51, _, _ =	vpop (xrf1)  }
0x241: {  	v52, _, _ =	vpop (xrf1)  }
0x242: {  	v53, _, _ =	vpop (xrf1)  }
0x243: {  	v54, _, _ =	vpop (xrf1)  }
0x244: {  	v55, _, _ =	vpop (xrf1)  }
0x245: {  	v20 =	vperm.xlane v51, v1;
	v56, _, _ =	vpop (xrf1)  }
0x246: {  	v18 =	vperm.xlane v18, v1;
	v36, _, _ =	vpop (xrf1)  }
0x247: {  	v19 =	vperm.xlane v19, v1;
	v20 =	vsel vm0, v52, v20;
	v57, _, _ =	vpop (xrf1)  }
0x248: {  	v18 =	vsel vm0, v53, v18;
	(xrf1) =	vsort.ascd.msk.f32 $0xffff, v20, v20;
	v58 =	vperm.xlane v55, v1;
	v59, _, _ =	vpop (xrf1)  }
0x249: {  	v19 =	vsel vm0, v54, v19;
	(xrf1) =	vsort.ascd.msk.f32 $0xffff, v18, v18;
	v18 =	vperm.xlane v59, v1  }
0x24a: {  	v20 =	vsel vm0, v57, v58;
	(xrf1) =	vsort.ascd.msk.f32 $0xffff, v19, v19;
	v19 =	vperm.xlane v56, v1;
	v60, _, _ =	vpop (xrf1)  }
0x24b: {  	(xrf1) =	vsort.ascd.msk.f32 $0xffff, v20, v20;
	v18 =	vsel vm0, v60, v18;
	v61, _, _ =	vpop (xrf1)  }
0x24c: {  	v19 =	vsel vm0, v61, v19;
	(xrf1) =	vsort.ascd.msk.f32 $0xffff, v18, v18  }
0x24d: {  	(xrf1) =	vsort.ascd.msk.f32 $0xffff, v19, v19;
	_ =	sdelay $0x3  }
0x24e: {  	v18 =	vsub.f32 $0.0e+00, v26;
	_ =	sdelay $0x1  }
0x24f: {  	v18 =	vmul.f32 $1.442695020e+00, v18  }
0x250: {  	v19 =	vsub.f32 $0.0e+00, v27;
	_ =	sdelay $0x1  }
0x251: {  	v62 =	vsub.f32 $0.0e+00, v28;
	v19 =	vmul.f32 $1.442695020e+00, v19;
	v21, _, _ =	vpop (xrf1)  }
0x252: {  	(erf) = vpow2.f32 v18;
	v18, _, _ =	vpop (xrf1)  }
0x253: {  	(erf) = vpow2.f32 v19;
	v19 =	vmul.f32 $1.442695020e+00, v62;
	v63, _, _ =	vpop (xrf1)  }
0x254: {  	v18 =	vperm.xlane v18, v1;
	v24, _, _ =	vpop (xrf1)  }
0x255: {  	(erf) = vpow2.f32 v19;
	v19 =	vperm.xlane v24, v1;
	v23, _, _ =	vpop (xrf1)  }
0x256: {  	v18 =	vsel vm0, v63, v18;
	v25, _, _ =	vpop (xrf1)  }
0x257: {  	(xrf1) =	vsort.ascd.msk.f32 $0xffff, v18, v18;
	v18 =	vsel vm0, v25, v19  }
0x258: {  	(xrf1) =	vsort.ascd.msk.f32 $0xffff, v18, v18;
	_ =	sdelay $0x2  }
0x259: {  	v18 =	vsub.f32 $0.0e+00, v30  }
0x25a: {  	vm1 =	vle.f32 v26, $2.302585120e+00;
	v35 =	vsub.f32 $0.0e+00, v29;
	v38 =	vsub.f32 $0.0e+00, v32  }
0x25b: {  	vm3 =	vle.f32 v28, $2.302585120e+00;
	v37 =	vsub.f32 $0.0e+00, v31;
	v18 =	vmul.f32 $1.442695020e+00, v18  }
0x25c: {  	v39 =	vsub.f32 $0.0e+00, v33;
	v40 =	vmul.f32 $1.442695020e+00, v38;
	v24 =	vmul.f32 $1.442695020e+00, v35  }
0x25d: {  	v41 =	vsub.f32 $0.0e+00, v34;
	v25 =	vmul.f32 $1.442695020e+00, v37;
	v19 =	vpop (erf);
	(erf) = vpow2.f32 v18  }
0x25e: {  	v42 =	vmul.f32 $1.442695020e+00, v39;
	v43 =	vsub.f32 $0.0e+00, v22;
	v28 =	vpop (erf);
	(erf) = vpow2.f32 v24  }
0x25f: {  	v44 =	vmul.f32 $1.442695020e+00, v41;
	v45 =	vsub.f32 $0.0e+00, v17;
	v18 =	vpop (erf);
	(erf) = vpow2.f32 v25  }
0x260: {  	v46 =	vmul.f32 $1.442695020e+00, v43;
	v47 =	vsub.f32 $0.0e+00, v36;
	(erf) = vpow2.f32 v40  }
0x261: {  	v48 =	vmul.f32 $1.442695020e+00, v45;
	v49 =	vsub.f32 $0.0e+00, v21;
	(erf) = vpow2.f32 v42  }
0x262: {  	vm2 =	vle.f32 v27, $2.302585120e+00;
	v50 =	vmul.f32 $1.442695020e+00, v47;
	(erf) = vpow2.f32 v44  }
0x263: {  	v53 =	vmul.f32 $1.442695020e+00, v49;
	v51 =	vsub.f32 $0.0e+00, v23;
	(erf) = vpow2.f32 v46;
	v52, _, _ =	vpop (xrf1)  }
0x264: {  	s16 =	sadd.s32 $0x80, s16;
	v19 =	vnsel vm1, $0x0, v19;
	vm1 =	vle.f32 v30, $2.302585120e+00;
	(erf) = vpow2.f32 v48;
	v55, _, _ =	vpop (xrf1)  }
0x265: {  	[tilespmem:s16+$0xFFFFFFC0] =	vst.msk $0xff, v19;
	v19 =	vmul.f32 $1.442695020e+00, v51;
	(erf) = vpow2.f32 v50;
	v56 =	vsub.f32 $0.0e+00, v55  }
0x266: {  	v20 =	vnsel vm2, $0x0, v28;
	v54 =	vsub.f32 $0.0e+00, v52;
	v57 =	vpop (erf);
	(erf) = vpow2.f32 v53  }
0x267: {  	v18 =	vnsel vm3, $0x0, v18;
	v59 =	vpop (erf);
	(erf) = vpow2.f32 v19;
	v19 =	vmul.f32 $1.442695020e+00, v56  }
0x268: {  	vm2 =	vle.f32 v29, $2.302585120e+00;
	[tilespmem:s16+$0xFFFFFFD0] =	vst.msk $0xff, v18;
	v58 =	vmul.f32 $1.442695020e+00, v54;
	v18 =	vnsel vm1, $0x0, v57  }
0x269: {  	vm1 =	vle.f32 v31, $2.302585120e+00;
	[tilespmem:s16+$0xFFFFFFD8] =	vst.msk $0xff, v18;
	v18 =	vnsel vm2, $0x0, v59;
	v60 =	vpop (erf)  }
0x26a: {  	vm2 =	vle.f32 v32, $2.302585120e+00;
	(erf) = vpow2.f32 v58;
	[tilespmem:s16+$0xFFFFFFE0] =	vst.msk $0xff, v18;
	v18 =	vnsel vm1, $0x0, v60;
	v61 =	vpop (erf)  }
0x26b: {  	vm1 =	vle.f32 v33, $2.302585120e+00;
	[tilespmem:s16+$0xFFFFFFE8] =	vst.msk $0xff, v18;
	v18 =	vnsel vm2, $0x0, v61;
	(erf) = vpow2.f32 v19;
	v19 =	vpop (erf)  }
0x26c: {  	vm2 =	vle.f32 v34, $2.302585120e+00;
	[tilespmem:s16+$0xFFFFFFF0] =	vst.msk $0xff, v18;
	v62 =	vpop (erf);
	v18 =	vnsel vm1, $0x0, v19  }
0x26d: {  	[tilespmem:s16+$0xFFFFFFF8] =	vst.msk $0xff, v18;
	v18 =	vnsel vm2, $0x0, v62  }
0x26e: {  	[tilespmem:s16+$0xFFFFFFC8] =	vst.msk $0xff, v20;
	vm1 =	vle.f32 v22, $2.302585120e+00;
	v19 =	vpop (erf)  }
0x26f: {  	vm2 =	vle.f32 v17, $2.302585120e+00;
	v63 =	vpop (erf);
	[tilespmem:s16+$0x0] =	vst.msk $0xff, v18;
	v17 =	vnsel vm1, $0x0, v19  }
0x270: {  	vm1 =	vle.f32 v36, $2.302585120e+00;
	[tilespmem:s16+$0x8] =	vst.msk $0xff, v17;
	v17 =	vnsel vm2, $0x0, v63;
	v18 =	vpop (erf)  }
0x271: {  	vm2 =	vle.f32 v21, $2.302585120e+00;
	[tilespmem:s16+$0x10] =	vst.msk $0xff, v17;
	v19 =	vpop (erf);
	v17 =	vnsel vm1, $0x0, v18  }
0x272: {  	vm1 =	vle.f32 v23, $2.302585120e+00;
	v18 =	vpop (erf);
	[tilespmem:s16+$0x18] =	vst.msk $0xff, v17;
	v17 =	vnsel vm2, $0x0, v19  }
0x273: {  	vm2 =	vle.f32 v52, $2.302585120e+00;
	[tilespmem:s16+$0x20] =	vst.msk $0xff, v17;
	v17 =	vnsel vm1, $0x0, v18;
	v18 =	vpop (erf)  }
0x274: {  	s14 =	sadd.s32 $0x1, s14;
	vm1 =	vle.f32 v55, $2.302585120e+00;
	[tilespmem:s16+$0x28] =	vst.msk $0xff, v17;
	v17 =	vnsel vm2, $0x0, v18;
	v18 =	vpop (erf)  }
0x275: {  	s15 =	sshll.u32 s15, $0x9;
	p0 =	sne.s32 s14, $0x4;
	[tilespmem:s16+$0x30] =	vst.msk $0xff, v17;
	v17 =	vnsel vm1, $0x0, v18  }
.Ltmp1:
0x276: {  	s15 =	sadd.s32 s1, s15;
	[tilespmem:s16+$0x38] =	vst.msk $0xff, v17;
	(pc) =	sbr.rel @p0 .LBB2_2-.Ltmp1, $4  }
0x277: {  	[hbm4b:s15+s2] =	stream.linear.scatter [tilespmem:s12], [sflag:$0x1], $0x1000, $0x38;
	[tilespmem:$0x1A08] =	vst v63  }
0x278: {  	_ =	swait.ge [sflag:s10], $0x1000  }
0x279: {  	[sflag:s10] =	ssyncset.done $0x0  }
0x27a: {  	[sflag:s10] =	ssyncadd.s32 $0xFFFFF000  }
0x27b: {  	s13 =	sadd.s32 $0x1, s13  }
0x27c: {  	p0 =	sne.s32 s13, s8  }
.Ltmp2:
0x27d: {  	_ = 	snop;
	(pc) =	sbr.rel @p0 .LBB2_1-.Ltmp2, $1  }
0x27e: {  	_ =	sdelay $0x3  }
0x27f: {  	_ =	sfence.sel $0x180000  }
0x280: {  	[bflag:$0x0] =	sbarrier.arrive $0xFFFF  }
0x281: {  	p0 =	sne.s32 s4, $0x0;
	_ =	strace $0x90000047  }
0x282: {  	s0 =	sadd.s32 @!p0 $0x100000, s0;
	[bflag:$0x2] =	sbarrier.arrive $0xFFFF  }
0x283: {  	[sflag:s0] =	ssyncadd.tile.s32 @!p0 $0x1;
	_ =	shalt  }
.Lfunc_end2:
_tile_overlayer_lowered:
.L_overlay_start_2:
0x284: {  	(tag) =	ssettag $0x2  }
0x285: {  	s0 =	rddreg [dreg:$0x0];
	s2 =	stileid.u32  }
0x286: {  	s1 =	rddreg [dreg:$0x1];
	p0 =	sne.s32 s2, $0x0  }
0x287: {  	s3 =	rddreg [dreg:$0x2];
	[bflag:$0x3] =	sbarrier.arrive $0xFFFF;
	s2 =	simm.s32 @!p0 $0x1C01  }
0x288: {  	[timem:s3], [sflag:s2] =	dma.local @!p0 [hbm:s0], s1  }
0x289: {  	s0 =	simm.s32 @!p0 $0x1  }
0x28a: {  	_ =	swait.ge @!p0 [sflag:s0], s1  }
0x28b: {  	s1 =	ssub.s32 @!p0 $0x0, s1;
	[sflag:s0] =	ssyncset.done @!p0 $0x0  }
0x28c: {  	[sflag:s0] =	ssyncadd.s32 @!p0 s1  }
0x28d: {  	[bflag:$0x3] =	sbarrier.arrive $0xFFFF  }
0x28e: {  	_ =	shalt  }

</sc_bundles>
